<compile_context>
chip_gen: v7x
topology: tpu7x:2x2x1
jax: 0.10.2.dev20260603
libtpu: 0.0.44.dev20260713+nightly
codegen_flags: <defaults>
</compile_context>

<pallas_src>
import functools

import jax
import jax.numpy as jnp
from jax import lax
from jax.experimental import pallas as pl
from jax.experimental.pallas import tpu as pltpu
from jax.experimental.pallas import tpu_sc as plsc

_D = 1024
_B = 4
_S = 2048
_NW = 32
_SPW = _S // _NW
_ROWS = 8
_CPB = _SPW // _ROWS
_NCH = _B * _CPB
_NVEC = _D // 16


def _sc_body(x_hbm, codes_hbm, w_hbm, abs_hbm, out_hbm,
             abs_v, in0, in1, ou0, ou1, w_v, codes_v,
             isem0, isem1, osem0, osem1):
    wid = lax.axis_index("s") * 2 + lax.axis_index("c")
    s_base = wid * _SPW
    ins = (in0, in1)
    ous = (ou0, ou1)
    isems = (isem0, isem1)
    osems = (osem0, osem1)

    pltpu.sync_copy(w_hbm, w_v)
    pltpu.sync_copy(abs_hbm.at[pl.ds(s_base, _SPW)], abs_v)
    for bb in range(_B):
        pltpu.sync_copy(codes_hbm.at[pl.ds(bb * _S + s_base, _SPW)],
                        codes_v.at[pl.ds(bb * _SPW, _SPW)])

    def x_base(m):
        return (m // _CPB) * _S + s_base + (m % _CPB) * _ROWS

    for b in range(2):
        pltpu.async_copy(x_hbm.at[pl.ds(x_base(b), _ROWS)], ins[b], isems[b])

    def step(k, _):
        for b in range(2):
            m = 2 * k + b
            pltpu.make_async_copy(
                x_hbm.at[pl.ds(0, _ROWS)], ins[b], isems[b]).wait()
            @pl.when(k > 0)
            def _():
                pltpu.make_async_copy(
                    ous[b], out_hbm.at[pl.ds(0, _ROWS)], osems[b]).wait()

            coff = (m // _CPB) * _SPW + (m % _CPB) * _ROWS
            aoff = (m % _CPB) * _ROWS

            @plsc.parallel_loop(0, _ROWS, 1, unroll=2)
            def _(t, b=b, coff=coff, aoff=aoff):
                cvec = codes_v[pl.ds(coff + t, 16)]
                c = cvec[0]
                for g in range(_NVEC // 8):
                    sls = [pl.ds((8 * g + q) * 16, 16) for q in range(8)]
                    xs = [ins[b][t, sl] for sl in sls]
                    avs = [abs_v[aoff + t, sl] for sl in sls]
                    wvs = [w_v[c, sl] for sl in sls]
                    tmps = [xv + av for xv, av in zip(xs, avs)]
                    for sl, tmp, wv in zip(sls, tmps, wvs):
                        ous[b][t, sl] = tmp + wv
            pltpu.async_copy(ous[b], out_hbm.at[pl.ds(x_base(m), _ROWS)],
                             osems[b])

            @pl.when(k < (_NCH // 2 - 1))
            def _():
                pltpu.async_copy(x_hbm.at[pl.ds(x_base(m + 2), _ROWS)],
                                 ins[b], isems[b])
        return 0

    lax.fori_loop(0, _NCH // 2, step, 0)
    for b in range(2):
        pltpu.make_async_copy(
            ous[b], out_hbm.at[pl.ds(0, _ROWS)], osems[b]).wait()


def kernel(x, pos_codes, struct_w, abs_emb):
    b, s, d = x.shape
    x2 = x.reshape(b * s, d)
    codes = pos_codes.astype(jnp.int32).reshape(b * s)
    mesh = plsc.VectorSubcoreMesh(core_axis_name="c", subcore_axis_name="s")
    run = functools.partial(
        pl.kernel,
        mesh=mesh,
        out_type=jax.ShapeDtypeStruct((b * s, d), jnp.float32),
        scratch_types=[
            pltpu.VMEM((_SPW, _D), jnp.float32),
            pltpu.VMEM((_ROWS, _D), jnp.float32),
            pltpu.VMEM((_ROWS, _D), jnp.float32),
            pltpu.VMEM((_ROWS, _D), jnp.float32),
            pltpu.VMEM((_ROWS, _D), jnp.float32),
            pltpu.VMEM((5, _D), jnp.float32),
            pltpu.VMEM((_B * _SPW + 16,), jnp.int32),
            pltpu.SemaphoreType.DMA,
            pltpu.SemaphoreType.DMA,
            pltpu.SemaphoreType.DMA,
            pltpu.SemaphoreType.DMA,
        ],
    )(_sc_body)
    out = run(x2, codes, struct_w, abs_emb)
    return out.reshape(b, s, d)

# --- scband reference (transcript-rebuilt; emitter-appended) ---
"""Pipeline reference for scband-pos-emb-code-sep-64510408786365 (READ-ONLY COPY).

The authoritative reference and input builder live on the scoring server;
editing this copy changes nothing except your own understanding.
"""

import jax, jax.numpy as jnp
import numpy as np

EMB_DIM = 1024
MAX_LEN = 2048
BATCH = 4
SEQ_LEN = 2048


def setup_inputs(seed: int = 0) -> dict:
    key = jax.random.key(seed)
    k1, k2, k3, k4 = jax.random.split(key, 4)
    x = jax.random.normal(k1, (BATCH, SEQ_LEN, EMB_DIM), dtype=jnp.float32)
    pos_codes = jax.random.randint(k2, (BATCH, SEQ_LEN), 0, 5, dtype=jnp.int64)
    # structural embedding: 5 x emb_dim, trunc_normal(std=0.02), padding_idx=0 row zeroed
    struct_w = (jnp.clip(jax.random.normal(k3, (5, EMB_DIM), dtype=jnp.float32), -2.0, 2.0) * 0.02)
    struct_w = struct_w.at[0].set(0.0)
    # absolute embedding: max_len x emb_dim, trunc_normal(std=0.02)
    abs_emb = (jnp.clip(jax.random.normal(k4, (MAX_LEN, EMB_DIM), dtype=jnp.float32), -2.0, 2.0) * 0.02)
    return {"x": x, "pos_codes": pos_codes, "struct_w": struct_w, "abs_emb": abs_emb}


def reference(x, pos_codes, struct_w, abs_emb):
    seq_len = x.shape[1]
    # structural embedding lookup (gather on 5-row table)
    code_emb = jnp.take(struct_w, pos_codes, axis=0)  # [B, S, D]
    x = x + code_emb[:, :seq_len, :]
    # absolute positional embedding (broadcast add)
    x = x + abs_emb[:seq_len, :]
    return x

if __name__ == "__main__":
    import jax
    _d = setup_inputs()
    print(jax.jit(kernel)(*tuple(_d.values())))

</pallas_src>

<mosaic_0001>
#map = affine_map<(d0, d1) -> (0, 0)>
#map1 = affine_map<(d0, d1) -> (0)>
module attributes {stable_mosaic.version = 14 : i64} {
  func.func @_sc_body(%arg0: i32, %arg1: i32, %arg2: memref<8192x1024xf32, #tpu.memory_space<hbm>>, %arg3: memref<8192xi32, #tpu.memory_space<hbm>>, %arg4: memref<5x1024xf32, #tpu.memory_space<hbm>>, %arg5: memref<2048x1024xf32, #tpu.memory_space<hbm>>, %arg6: memref<8192x1024xf32, #tpu.memory_space<hbm>>, %arg7: memref<64x1024xf32, #tpu.memory_space<vmem>>, %arg8: memref<8x1024xf32, #tpu.memory_space<vmem>>, %arg9: memref<8x1024xf32, #tpu.memory_space<vmem>>, %arg10: memref<8x1024xf32, #tpu.memory_space<vmem>>, %arg11: memref<8x1024xf32, #tpu.memory_space<vmem>>, %arg12: memref<5x1024xf32, #tpu.memory_space<vmem>>, %arg13: memref<272xi32, #tpu.memory_space<vmem>>, %arg14: memref<!tpu.dma_semaphore, #tpu.memory_space<semaphore_mem>>, %arg15: memref<!tpu.dma_semaphore, #tpu.memory_space<semaphore_mem>>, %arg16: memref<!tpu.dma_semaphore, #tpu.memory_space<semaphore_mem>>, %arg17: memref<!tpu.dma_semaphore, #tpu.memory_space<semaphore_mem>>) attributes {dimension_semantics = [#tpu.dimension_semantics<core_parallel>, #tpu.dimension_semantics<subcore_parallel>], iteration_bounds = array<i64: 2, 16>, scalar_prefetch = 0 : i64, scratch_operands = 11 : i64, tpu.core_type = #tpu.core_type<sc_vector_subcore>, window_params = [{transform_indices = #map}, {transform_indices = #map1}, {transform_indices = #map}, {transform_indices = #map}, {transform_indices = #map}]} {
    %mul3A = arith.constant 2 : i32
    %mul3A_0 = arith.muli %arg1, %mul3A : i32
    %add3A = arith.addi %mul3A_0, %arg0 : i32
    %mul3A_1 = arith.constant 64 : i32
    %mul3A_2 = arith.muli %add3A, %mul3A_1 : i32
    "tpu.region"() ({
      %run_scoped3A = tpu.sem_alloc : memref<!tpu.dma_semaphore, #tpu.memory_space<semaphore_mem>>
      tpu.enqueue_dma source(%arg4 : memref<5x1024xf32, #tpu.memory_space<hbm>>) target(%arg12 : memref<5x1024xf32, #tpu.memory_space<vmem>>) target_semaphore(%run_scoped3A : memref<!tpu.dma_semaphore, #tpu.memory_space<semaphore_mem>>)
      tpu.wait_dma2 semaphore(%run_scoped3A : memref<!tpu.dma_semaphore, #tpu.memory_space<semaphore_mem>>) src(%arg4 : memref<5x1024xf32, #tpu.memory_space<hbm>>) dst(%arg12 : memref<5x1024xf32, #tpu.memory_space<vmem>>)
      tpu.yield
    }) : () -> ()
    "tpu.region"() ({
      %run_scoped3A = tpu.sem_alloc : memref<!tpu.dma_semaphore, #tpu.memory_space<semaphore_mem>>
      %dma_start3A_43 = arith.constant 0 : i32
      %dma_start3A_44 = tpu.memref_slice %arg5[%mul3A_2, %dma_start3A_43] : memref<2048x1024xf32, #tpu.memory_space<hbm>> -> memref<64x1024xf32, #tpu.memory_space<hbm>>
      %dma_start3A_45 = arith.constant 0 : i32
      %dma_start3A_46 = tpu.memref_slice %arg5[%mul3A_2, %dma_start3A_45] : memref<2048x1024xf32, #tpu.memory_space<hbm>> -> memref<64x1024xf32, #tpu.memory_space<hbm>>
      tpu.enqueue_dma source(%dma_start3A_46 : memref<64x1024xf32, #tpu.memory_space<hbm>>) target(%arg7 : memref<64x1024xf32, #tpu.memory_space<vmem>>) target_semaphore(%run_scoped3A : memref<!tpu.dma_semaphore, #tpu.memory_space<semaphore_mem>>)
      %dma_wait3A_47 = arith.constant 0 : i32
      %dma_wait3A_48 = tpu.memref_slice %arg5[%mul3A_2, %dma_wait3A_47] : memref<2048x1024xf32, #tpu.memory_space<hbm>> -> memref<64x1024xf32, #tpu.memory_space<hbm>>
      %dma_wait3A_49 = arith.constant 0 : i32
      %dma_wait3A_50 = tpu.memref_slice %arg5[%mul3A_2, %dma_wait3A_49] : memref<2048x1024xf32, #tpu.memory_space<hbm>> -> memref<64x1024xf32, #tpu.memory_space<hbm>>
      tpu.wait_dma2 semaphore(%run_scoped3A : memref<!tpu.dma_semaphore, #tpu.memory_space<semaphore_mem>>) src(%dma_wait3A_50 : memref<64x1024xf32, #tpu.memory_space<hbm>>) dst(%arg7 : memref<64x1024xf32, #tpu.memory_space<vmem>>)
      tpu.yield
    }) : () -> ()
    %add3A_3 = arith.constant 0 : i32
    %add3A_4 = arith.addi %add3A_3, %mul3A_2 : i32
    "tpu.region"() ({
      %run_scoped3A = tpu.sem_alloc : memref<!tpu.dma_semaphore, #tpu.memory_space<semaphore_mem>>
      %dma_start3A_43 = arith.constant 0 : i32
      %dma_start3A_44 = tpu.memref_slice %arg13[%dma_start3A_43] : memref<272xi32, #tpu.memory_space<vmem>> -> memref<64xi32, #tpu.memory_space<vmem>>
      %dma_start3A_45 = tpu.memref_slice %arg3[%add3A_4] : memref<8192xi32, #tpu.memory_space<hbm>> -> memref<64xi32, #tpu.memory_space<hbm>>
      %dma_start3A_46 = arith.constant 0 : i32
      %dma_start3A_47 = tpu.memref_slice %arg13[%dma_start3A_46] : memref<272xi32, #tpu.memory_space<vmem>> -> memref<64xi32, #tpu.memory_space<vmem>>
      %dma_start3A_48 = tpu.memref_slice %arg3[%add3A_4] : memref<8192xi32, #tpu.memory_space<hbm>> -> memref<64xi32, #tpu.memory_space<hbm>>
      tpu.enqueue_dma source(%dma_start3A_48 : memref<64xi32, #tpu.memory_space<hbm>>) target(%dma_start3A_47 : memref<64xi32, #tpu.memory_space<vmem>>) target_semaphore(%run_scoped3A : memref<!tpu.dma_semaphore, #tpu.memory_space<semaphore_mem>>)
      %dma_wait3A_49 = arith.constant 0 : i32
      %dma_wait3A_50 = tpu.memref_slice %arg13[%dma_wait3A_49] : memref<272xi32, #tpu.memory_space<vmem>> -> memref<64xi32, #tpu.memory_space<vmem>>
      %dma_wait3A_51 = tpu.memref_slice %arg3[%add3A_4] : memref<8192xi32, #tpu.memory_space<hbm>> -> memref<64xi32, #tpu.memory_space<hbm>>
      %dma_wait3A_52 = arith.constant 0 : i32
      %dma_wait3A_53 = tpu.memref_slice %arg13[%dma_wait3A_52] : memref<272xi32, #tpu.memory_space<vmem>> -> memref<64xi32, #tpu.memory_space<vmem>>
      %dma_wait3A_54 = tpu.memref_slice %arg3[%add3A_4] : memref<8192xi32, #tpu.memory_space<hbm>> -> memref<64xi32, #tpu.memory_space<hbm>>
      tpu.wait_dma2 semaphore(%run_scoped3A : memref<!tpu.dma_semaphore, #tpu.memory_space<semaphore_mem>>) src(%dma_wait3A_54 : memref<64xi32, #tpu.memory_space<hbm>>) dst(%dma_wait3A_53 : memref<64xi32, #tpu.memory_space<vmem>>)
      tpu.yield
    }) : () -> ()
    %add3A_5 = arith.constant 2048 : i32
    %add3A_6 = arith.addi %add3A_5, %mul3A_2 : i32
    "tpu.region"() ({
      %run_scoped3A = tpu.sem_alloc : memref<!tpu.dma_semaphore, #tpu.memory_space<semaphore_mem>>
      %dma_start3A_43 = arith.constant 64 : i32
      %dma_start3A_44 = tpu.memref_slice %arg13[%dma_start3A_43] : memref<272xi32, #tpu.memory_space<vmem>> -> memref<64xi32, #tpu.memory_space<vmem>>
      %dma_start3A_45 = tpu.memref_slice %arg3[%add3A_6] : memref<8192xi32, #tpu.memory_space<hbm>> -> memref<64xi32, #tpu.memory_space<hbm>>
      %dma_start3A_46 = arith.constant 64 : i32
      %dma_start3A_47 = tpu.memref_slice %arg13[%dma_start3A_46] : memref<272xi32, #tpu.memory_space<vmem>> -> memref<64xi32, #tpu.memory_space<vmem>>
      %dma_start3A_48 = tpu.memref_slice %arg3[%add3A_6] : memref<8192xi32, #tpu.memory_space<hbm>> -> memref<64xi32, #tpu.memory_space<hbm>>
      tpu.enqueue_dma source(%dma_start3A_48 : memref<64xi32, #tpu.memory_space<hbm>>) target(%dma_start3A_47 : memref<64xi32, #tpu.memory_space<vmem>>) target_semaphore(%run_scoped3A : memref<!tpu.dma_semaphore, #tpu.memory_space<semaphore_mem>>)
      %dma_wait3A_49 = arith.constant 64 : i32
      %dma_wait3A_50 = tpu.memref_slice %arg13[%dma_wait3A_49] : memref<272xi32, #tpu.memory_space<vmem>> -> memref<64xi32, #tpu.memory_space<vmem>>
      %dma_wait3A_51 = tpu.memref_slice %arg3[%add3A_6] : memref<8192xi32, #tpu.memory_space<hbm>> -> memref<64xi32, #tpu.memory_space<hbm>>
      %dma_wait3A_52 = arith.constant 64 : i32
      %dma_wait3A_53 = tpu.memref_slice %arg13[%dma_wait3A_52] : memref<272xi32, #tpu.memory_space<vmem>> -> memref<64xi32, #tpu.memory_space<vmem>>
      %dma_wait3A_54 = tpu.memref_slice %arg3[%add3A_6] : memref<8192xi32, #tpu.memory_space<hbm>> -> memref<64xi32, #tpu.memory_space<hbm>>
      tpu.wait_dma2 semaphore(%run_scoped3A : memref<!tpu.dma_semaphore, #tpu.memory_space<semaphore_mem>>) src(%dma_wait3A_54 : memref<64xi32, #tpu.memory_space<hbm>>) dst(%dma_wait3A_53 : memref<64xi32, #tpu.memory_space<vmem>>)
      tpu.yield
    }) : () -> ()
    %add3A_7 = arith.constant 4096 : i32
    %add3A_8 = arith.addi %add3A_7, %mul3A_2 : i32
    "tpu.region"() ({
      %run_scoped3A = tpu.sem_alloc : memref<!tpu.dma_semaphore, #tpu.memory_space<semaphore_mem>>
      %dma_start3A_43 = arith.constant 128 : i32
      %dma_start3A_44 = tpu.memref_slice %arg13[%dma_start3A_43] : memref<272xi32, #tpu.memory_space<vmem>> -> memref<64xi32, #tpu.memory_space<vmem>>
      %dma_start3A_45 = tpu.memref_slice %arg3[%add3A_8] : memref<8192xi32, #tpu.memory_space<hbm>> -> memref<64xi32, #tpu.memory_space<hbm>>
      %dma_start3A_46 = arith.constant 128 : i32
      %dma_start3A_47 = tpu.memref_slice %arg13[%dma_start3A_46] : memref<272xi32, #tpu.memory_space<vmem>> -> memref<64xi32, #tpu.memory_space<vmem>>
      %dma_start3A_48 = tpu.memref_slice %arg3[%add3A_8] : memref<8192xi32, #tpu.memory_space<hbm>> -> memref<64xi32, #tpu.memory_space<hbm>>
      tpu.enqueue_dma source(%dma_start3A_48 : memref<64xi32, #tpu.memory_space<hbm>>) target(%dma_start3A_47 : memref<64xi32, #tpu.memory_space<vmem>>) target_semaphore(%run_scoped3A : memref<!tpu.dma_semaphore, #tpu.memory_space<semaphore_mem>>)
      %dma_wait3A_49 = arith.constant 128 : i32
      %dma_wait3A_50 = tpu.memref_slice %arg13[%dma_wait3A_49] : memref<272xi32, #tpu.memory_space<vmem>> -> memref<64xi32, #tpu.memory_space<vmem>>
      %dma_wait3A_51 = tpu.memref_slice %arg3[%add3A_8] : memref<8192xi32, #tpu.memory_space<hbm>> -> memref<64xi32, #tpu.memory_space<hbm>>
      %dma_wait3A_52 = arith.constant 128 : i32
      %dma_wait3A_53 = tpu.memref_slice %arg13[%dma_wait3A_52] : memref<272xi32, #tpu.memory_space<vmem>> -> memref<64xi32, #tpu.memory_space<vmem>>
      %dma_wait3A_54 = tpu.memref_slice %arg3[%add3A_8] : memref<8192xi32, #tpu.memory_space<hbm>> -> memref<64xi32, #tpu.memory_space<hbm>>
      tpu.wait_dma2 semaphore(%run_scoped3A : memref<!tpu.dma_semaphore, #tpu.memory_space<semaphore_mem>>) src(%dma_wait3A_54 : memref<64xi32, #tpu.memory_space<hbm>>) dst(%dma_wait3A_53 : memref<64xi32, #tpu.memory_space<vmem>>)
      tpu.yield
    }) : () -> ()
    %add3A_9 = arith.constant 6144 : i32
    %add3A_10 = arith.addi %add3A_9, %mul3A_2 : i32
    "tpu.region"() ({
      %run_scoped3A = tpu.sem_alloc : memref<!tpu.dma_semaphore, #tpu.memory_space<semaphore_mem>>
      %dma_start3A_43 = arith.constant 192 : i32
      %dma_start3A_44 = tpu.memref_slice %arg13[%dma_start3A_43] : memref<272xi32, #tpu.memory_space<vmem>> -> memref<64xi32, #tpu.memory_space<vmem>>
      %dma_start3A_45 = tpu.memref_slice %arg3[%add3A_10] : memref<8192xi32, #tpu.memory_space<hbm>> -> memref<64xi32, #tpu.memory_space<hbm>>
      %dma_start3A_46 = arith.constant 192 : i32
      %dma_start3A_47 = tpu.memref_slice %arg13[%dma_start3A_46] : memref<272xi32, #tpu.memory_space<vmem>> -> memref<64xi32, #tpu.memory_space<vmem>>
      %dma_start3A_48 = tpu.memref_slice %arg3[%add3A_10] : memref<8192xi32, #tpu.memory_space<hbm>> -> memref<64xi32, #tpu.memory_space<hbm>>
      tpu.enqueue_dma source(%dma_start3A_48 : memref<64xi32, #tpu.memory_space<hbm>>) target(%dma_start3A_47 : memref<64xi32, #tpu.memory_space<vmem>>) target_semaphore(%run_scoped3A : memref<!tpu.dma_semaphore, #tpu.memory_space<semaphore_mem>>)
      %dma_wait3A_49 = arith.constant 192 : i32
      %dma_wait3A_50 = tpu.memref_slice %arg13[%dma_wait3A_49] : memref<272xi32, #tpu.memory_space<vmem>> -> memref<64xi32, #tpu.memory_space<vmem>>
      %dma_wait3A_51 = tpu.memref_slice %arg3[%add3A_10] : memref<8192xi32, #tpu.memory_space<hbm>> -> memref<64xi32, #tpu.memory_space<hbm>>
      %dma_wait3A_52 = arith.constant 192 : i32
      %dma_wait3A_53 = tpu.memref_slice %arg13[%dma_wait3A_52] : memref<272xi32, #tpu.memory_space<vmem>> -> memref<64xi32, #tpu.memory_space<vmem>>
      %dma_wait3A_54 = tpu.memref_slice %arg3[%add3A_10] : memref<8192xi32, #tpu.memory_space<hbm>> -> memref<64xi32, #tpu.memory_space<hbm>>
      tpu.wait_dma2 semaphore(%run_scoped3A : memref<!tpu.dma_semaphore, #tpu.memory_space<semaphore_mem>>) src(%dma_wait3A_54 : memref<64xi32, #tpu.memory_space<hbm>>) dst(%dma_wait3A_53 : memref<64xi32, #tpu.memory_space<vmem>>)
      tpu.yield
    }) : () -> ()
    %add3A_11 = arith.constant 0 : i32
    %add3A_12 = arith.addi %add3A_11, %mul3A_2 : i32
    %add3A_13 = arith.constant 0 : i32
    %add3A_14 = arith.addi %add3A_12, %add3A_13 : i32
    %dma_start3A = arith.constant 0 : i32
    %dma_start3A_15 = tpu.memref_slice %arg2[%add3A_14, %dma_start3A] : memref<8192x1024xf32, #tpu.memory_space<hbm>> -> memref<8x1024xf32, #tpu.memory_space<hbm>>
    %dma_start3A_16 = arith.constant 0 : i32
    %dma_start3A_17 = tpu.memref_slice %arg2[%add3A_14, %dma_start3A_16] : memref<8192x1024xf32, #tpu.memory_space<hbm>> -> memref<8x1024xf32, #tpu.memory_space<hbm>>
    tpu.enqueue_dma source(%dma_start3A_17 : memref<8x1024xf32, #tpu.memory_space<hbm>>) target(%arg8 : memref<8x1024xf32, #tpu.memory_space<vmem>>) target_semaphore(%arg14 : memref<!tpu.dma_semaphore, #tpu.memory_space<semaphore_mem>>)
    %add3A_18 = arith.constant 0 : i32
    %add3A_19 = arith.addi %add3A_18, %mul3A_2 : i32
    %add3A_20 = arith.constant 8 : i32
    %add3A_21 = arith.addi %add3A_19, %add3A_20 : i32
    %dma_start3A_22 = arith.constant 0 : i32
    %dma_start3A_23 = tpu.memref_slice %arg2[%add3A_21, %dma_start3A_22] : memref<8192x1024xf32, #tpu.memory_space<hbm>> -> memref<8x1024xf32, #tpu.memory_space<hbm>>
    %dma_start3A_24 = arith.constant 0 : i32
    %dma_start3A_25 = tpu.memref_slice %arg2[%add3A_21, %dma_start3A_24] : memref<8192x1024xf32, #tpu.memory_space<hbm>> -> memref<8x1024xf32, #tpu.memory_space<hbm>>
    tpu.enqueue_dma source(%dma_start3A_25 : memref<8x1024xf32, #tpu.memory_space<hbm>>) target(%arg9 : memref<8x1024xf32, #tpu.memory_space<vmem>>) target_semaphore(%arg15 : memref<!tpu.dma_semaphore, #tpu.memory_space<semaphore_mem>>)
    %scan3A = arith.constant 0 : i32
    %scan3A_26 = arith.constant 0 : i32
    %scan3A_27 = arith.constant 16 : i32
    %scan3A_28 = arith.addi %scan3A_26, %scan3A_27 : i32
    %scan3A_29 = arith.constant 1 : i32
    %scan3A_30 = scf.for %scan3A_43 = %scan3A_26 to %scan3A_28 step %scan3A_29 iter_args(%scan3A_44 = %scan3A) -> (i32)  : i32 {
      %mul3A_45 = arith.constant 2 : i32
      %mul3A_46 = arith.muli %mul3A_45, %scan3A_43 : i32
      %add3A_47 = arith.constant 0 : i32
      %add3A_48 = arith.addi %mul3A_46, %add3A_47 : i32
      %dma_wait3A_49 = arith.constant 0 : i32
      %dma_wait3A_50 = arith.constant 0 : i32
      %dma_wait3A_51 = tpu.memref_slice %arg2[%dma_wait3A_49, %dma_wait3A_50] : memref<8192x1024xf32, #tpu.memory_space<hbm>> -> memref<8x1024xf32, #tpu.memory_space<hbm>>
      %dma_wait3A_52 = arith.constant 0 : i32
      %dma_wait3A_53 = arith.constant 0 : i32
      %dma_wait3A_54 = tpu.memref_slice %arg2[%dma_wait3A_52, %dma_wait3A_53] : memref<8192x1024xf32, #tpu.memory_space<hbm>> -> memref<8x1024xf32, #tpu.memory_space<hbm>>
      tpu.wait_dma2 semaphore(%arg14 : memref<!tpu.dma_semaphore, #tpu.memory_space<semaphore_mem>>) src(%dma_wait3A_54 : memref<8x1024xf32, #tpu.memory_space<hbm>>) dst(%arg8 : memref<8x1024xf32, #tpu.memory_space<vmem>>)
      %gt3A = arith.constant 0 : i32
      %gt3A_55 = arith.cmpi sgt, %scan3A_43, %gt3A : i32
      %convert_element_type3A = arith.extui %gt3A_55 : i1 to i32
      %cond3A = arith.constant 0 : i32
      %cond3A_56 = arith.cmpi ne, %convert_element_type3A, %cond3A : i32
      scf.if %cond3A_56 {
        %dma_wait3A_304 = arith.constant 0 : i32
        %dma_wait3A_305 = arith.constant 0 : i32
        %dma_wait3A_306 = tpu.memref_slice %arg6[%dma_wait3A_304, %dma_wait3A_305] : memref<8192x1024xf32, #tpu.memory_space<hbm>> -> memref<8x1024xf32, #tpu.memory_space<hbm>>
        %dma_wait3A_307 = arith.constant 0 : i32
        %dma_wait3A_308 = arith.constant 0 : i32
        %dma_wait3A_309 = tpu.memref_slice %arg6[%dma_wait3A_307, %dma_wait3A_308] : memref<8192x1024xf32, #tpu.memory_space<hbm>> -> memref<8x1024xf32, #tpu.memory_space<hbm>>
        tpu.wait_dma2 semaphore(%arg16 : memref<!tpu.dma_semaphore, #tpu.memory_space<semaphore_mem>>) src(%arg10 : memref<8x1024xf32, #tpu.memory_space<vmem>>) dst(%dma_wait3A_309 : memref<8x1024xf32, #tpu.memory_space<hbm>>)
      } else {
      }
      %jit3A = arith.constant 8 : i32
      %div3A = arith.divsi %add3A_48, %jit3A : i32
      %sign3A = arith.constant 0 : i32
      %sign3A_57 = arith.cmpi sgt, %add3A_48, %sign3A : i32
      %sign3A_58 = arith.extui %sign3A_57 : i1 to i32
      %sign3A_59 = arith.constant 0 : i32
      %sign3A_60 = arith.cmpi slt, %add3A_48, %sign3A_59 : i32
      %sign3A_61 = arith.extui %sign3A_60 : i1 to i32
      %sign3A_62 = arith.subi %sign3A_58, %sign3A_61 : i32
      %sign3A_63 = arith.constant 0 : i32
      %sign3A_64 = arith.cmpi sgt, %jit3A, %sign3A_63 : i32
      %sign3A_65 = arith.extui %sign3A_64 : i1 to i32
      %sign3A_66 = arith.constant 0 : i32
      %sign3A_67 = arith.cmpi slt, %jit3A, %sign3A_66 : i32
      %sign3A_68 = arith.extui %sign3A_67 : i1 to i32
      %sign3A_69 = arith.subi %sign3A_65, %sign3A_68 : i32
      %ne3A = arith.cmpi ne, %sign3A_62, %sign3A_69 : i32
      %rem3A = arith.remsi %add3A_48, %jit3A : i32
      %ne3A_70 = arith.constant 0 : i32
      %ne3A_71 = arith.cmpi ne, %rem3A, %ne3A_70 : i32
      %and3A = arith.andi %ne3A, %ne3A_71 : i1
      %sub3A = arith.constant 1 : i32
      %sub3A_72 = arith.subi %div3A, %sub3A : i32
      %select_n3A = arith.select %and3A, %sub3A_72, %div3A : i32
      %mul3A_73 = arith.constant 64 : i32
      %mul3A_74 = arith.muli %select_n3A, %mul3A_73 : i32
      %jit3A_75 = arith.constant 8 : i32
      %eq3A = arith.constant 0 : i32
      %eq3A_76 = arith.cmpi eq, %jit3A_75, %eq3A : i32
      %jit3A_77 = arith.constant 1 : i32
      %select_n3A_78 = arith.select %eq3A_76, %jit3A_77, %jit3A_75 : i32
      %rem3A_79 = arith.remsi %add3A_48, %select_n3A_78 : i32
      %ne3A_80 = arith.constant 0 : i32
      %ne3A_81 = arith.cmpi ne, %rem3A_79, %ne3A_80 : i32
      %lt3A = arith.constant 0 : i32
      %lt3A_82 = arith.cmpi slt, %rem3A_79, %lt3A : i32
      %lt3A_83 = arith.constant 0 : i32
      %lt3A_84 = arith.cmpi slt, %select_n3A_78, %lt3A_83 : i32
      %ne3A_85 = arith.xori %lt3A_82, %lt3A_84 : i1
      %and3A_86 = arith.andi %ne3A_85, %ne3A_81 : i1
      %add3A_87 = arith.addi %rem3A_79, %select_n3A_78 : i32
      %select_n3A_88 = arith.select %and3A_86, %add3A_87, %rem3A_79 : i32
      %mul3A_89 = arith.constant 8 : i32
      %mul3A_90 = arith.muli %select_n3A_88, %mul3A_89 : i32
      %add3A_91 = arith.addi %mul3A_74, %mul3A_90 : i32
      %jit3A_92 = arith.constant 8 : i32
      %eq3A_93 = arith.constant 0 : i32
      %eq3A_94 = arith.cmpi eq, %jit3A_92, %eq3A_93 : i32
      %jit3A_95 = arith.constant 1 : i32
      %select_n3A_96 = arith.select %eq3A_94, %jit3A_95, %jit3A_92 : i32
      %rem3A_97 = arith.remsi %add3A_48, %select_n3A_96 : i32
      %ne3A_98 = arith.constant 0 : i32
      %ne3A_99 = arith.cmpi ne, %rem3A_97, %ne3A_98 : i32
      %lt3A_100 = arith.constant 0 : i32
      %lt3A_101 = arith.cmpi slt, %rem3A_97, %lt3A_100 : i32
      %lt3A_102 = arith.constant 0 : i32
      %lt3A_103 = arith.cmpi slt, %select_n3A_96, %lt3A_102 : i32
      %ne3A_104 = arith.xori %lt3A_101, %lt3A_103 : i1
      %and3A_105 = arith.andi %ne3A_104, %ne3A_99 : i1
      %add3A_106 = arith.addi %rem3A_97, %select_n3A_96 : i32
      %select_n3A_107 = arith.select %and3A_105, %add3A_106, %rem3A_97 : i32
      %mul3A_108 = arith.constant 8 : i32
      %mul3A_109 = arith.muli %select_n3A_107, %mul3A_108 : i32
      %parallel_loop3A = arith.constant 0 : i32
      %parallel_loop3A_110 = arith.constant 8 : i32
      %parallel_loop3A_111 = arith.constant 1 : i32
      scf.for %parallel_loop3A_304 = %parallel_loop3A to %parallel_loop3A_110 step %parallel_loop3A_111  : i32 {
        %parallel_loop3A_305 = arith.addi %add3A_91, %parallel_loop3A_304 : i32
        %parallel_loop3A_306 = arith.index_cast %parallel_loop3A_305 : i32 to index
        %parallel_loop3A_307 = tpu.vector_load %arg13[%parallel_loop3A_306] {strides = array<i32>} : memref<272xi32, #tpu.memory_space<vmem>>, vector<16xi32>,
        %parallel_loop3A_308 = vector.shape_cast %parallel_loop3A_307 : vector<16xi32> to vector<16xi32>
        %parallel_loop3A_309 = vector.extract_strided_slice %parallel_loop3A_308 {offsets = [0], sizes = [1], strides = [1]} : vector<16xi32> to vector<1xi32>
        %parallel_loop3A_310 = vector.extract %parallel_loop3A_309[0] : i32 from vector<1xi32>
        %parallel_loop3A_311 = arith.index_cast %parallel_loop3A_304 : i32 to index
        %parallel_loop3A_312 = arith.constant 0 : index
        %parallel_loop3A_313 = tpu.vector_load %arg8[%parallel_loop3A_311, %parallel_loop3A_312] {strides = array<i32>} : memref<8x1024xf32, #tpu.memory_space<vmem>>, vector<1x16xf32>,
        %parallel_loop3A_314 = vector.shape_cast %parallel_loop3A_313 : vector<1x16xf32> to vector<16xf32>
        %parallel_loop3A_315 = arith.index_cast %parallel_loop3A_304 : i32 to index
        %parallel_loop3A_316 = arith.constant 16 : index
        %parallel_loop3A_317 = tpu.vector_load %arg8[%parallel_loop3A_315, %parallel_loop3A_316] {strides = array<i32>} : memref<8x1024xf32, #tpu.memory_space<vmem>>, vector<1x16xf32>,
        %parallel_loop3A_318 = vector.shape_cast %parallel_loop3A_317 : vector<1x16xf32> to vector<16xf32>
        %parallel_loop3A_319 = arith.index_cast %parallel_loop3A_304 : i32 to index
        %parallel_loop3A_320 = arith.constant 32 : index
        %parallel_loop3A_321 = tpu.vector_load %arg8[%parallel_loop3A_319, %parallel_loop3A_320] {strides = array<i32>} : memref<8x1024xf32, #tpu.memory_space<vmem>>, vector<1x16xf32>,
        %parallel_loop3A_322 = vector.shape_cast %parallel_loop3A_321 : vector<1x16xf32> to vector<16xf32>
        %parallel_loop3A_323 = arith.index_cast %parallel_loop3A_304 : i32 to index
        %parallel_loop3A_324 = arith.constant 48 : index
        %parallel_loop3A_325 = tpu.vector_load %arg8[%parallel_loop3A_323, %parallel_loop3A_324] {strides = array<i32>} : memref<8x1024xf32, #tpu.memory_space<vmem>>, vector<1x16xf32>,
        %parallel_loop3A_326 = vector.shape_cast %parallel_loop3A_325 : vector<1x16xf32> to vector<16xf32>
        %parallel_loop3A_327 = arith.index_cast %parallel_loop3A_304 : i32 to index
        %parallel_loop3A_328 = arith.constant 64 : index
        %parallel_loop3A_329 = tpu.vector_load %arg8[%parallel_loop3A_327, %parallel_loop3A_328] {strides = array<i32>} : memref<8x1024xf32, #tpu.memory_space<vmem>>, vector<1x16xf32>,
        %parallel_loop3A_330 = vector.shape_cast %parallel_loop3A_329 : vector<1x16xf32> to vector<16xf32>
        %parallel_loop3A_331 = arith.index_cast %parallel_loop3A_304 : i32 to index
        %parallel_loop3A_332 = arith.constant 80 : index
        %parallel_loop3A_333 = tpu.vector_load %arg8[%parallel_loop3A_331, %parallel_loop3A_332] {strides = array<i32>} : memref<8x1024xf32, #tpu.memory_space<vmem>>, vector<1x16xf32>,
        %parallel_loop3A_334 = vector.shape_cast %parallel_loop3A_333 : vector<1x16xf32> to vector<16xf32>
        %parallel_loop3A_335 = arith.index_cast %parallel_loop3A_304 : i32 to index
        %parallel_loop3A_336 = arith.constant 96 : index
        %parallel_loop3A_337 = tpu.vector_load %arg8[%parallel_loop3A_335, %parallel_loop3A_336] {strides = array<i32>} : memref<8x1024xf32, #tpu.memory_space<vmem>>, vector<1x16xf32>,
        %parallel_loop3A_338 = vector.shape_cast %parallel_loop3A_337 : vector<1x16xf32> to vector<16xf32>
        %parallel_loop3A_339 = arith.index_cast %parallel_loop3A_304 : i32 to index
        %parallel_loop3A_340 = arith.constant 112 : index
        %parallel_loop3A_341 = tpu.vector_load %arg8[%parallel_loop3A_339, %parallel_loop3A_340] {strides = array<i32>} : memref<8x1024xf32, #tpu.memory_space<vmem>>, vector<1x16xf32>,
        %parallel_loop3A_342 = vector.shape_cast %parallel_loop3A_341 : vector<1x16xf32> to vector<16xf32>
        %parallel_loop3A_343 = arith.addi %mul3A_109, %parallel_loop3A_304 : i32
        %parallel_loop3A_344 = arith.index_cast %parallel_loop3A_343 : i32 to index
        %parallel_loop3A_345 = arith.constant 0 : index
        %parallel_loop3A_346 = tpu.vector_load %arg7[%parallel_loop3A_344, %parallel_loop3A_345] {strides = array<i32>} : memref<64x1024xf32, #tpu.memory_space<vmem>>, vector<1x16xf32>,
        %parallel_loop3A_347 = vector.shape_cast %parallel_loop3A_346 : vector<1x16xf32> to vector<16xf32>
        %parallel_loop3A_348 = arith.addi %mul3A_109, %parallel_loop3A_304 : i32
        %parallel_loop3A_349 = arith.index_cast %parallel_loop3A_348 : i32 to index
        %parallel_loop3A_350 = arith.constant 16 : index
        %parallel_loop3A_351 = tpu.vector_load %arg7[%parallel_loop3A_349, %parallel_loop3A_350] {strides = array<i32>} : memref<64x1024xf32, #tpu.memory_space<vmem>>, vector<1x16xf32>,
        %parallel_loop3A_352 = vector.shape_cast %parallel_loop3A_351 : vector<1x16xf32> to vector<16xf32>
        %parallel_loop3A_353 = arith.addi %mul3A_109, %parallel_loop3A_304 : i32
        %parallel_loop3A_354 = arith.index_cast %parallel_loop3A_353 : i32 to index
        %parallel_loop3A_355 = arith.constant 32 : index
        %parallel_loop3A_356 = tpu.vector_load %arg7[%parallel_loop3A_354, %parallel_loop3A_355] {strides = array<i32>} : memref<64x1024xf32, #tpu.memory_space<vmem>>, vector<1x16xf32>,
        %parallel_loop3A_357 = vector.shape_cast %parallel_loop3A_356 : vector<1x16xf32> to vector<16xf32>
        %parallel_loop3A_358 = arith.addi %mul3A_109, %parallel_loop3A_304 : i32
        %parallel_loop3A_359 = arith.index_cast %parallel_loop3A_358 : i32 to index
        %parallel_loop3A_360 = arith.constant 48 : index
        %parallel_loop3A_361 = tpu.vector_load %arg7[%parallel_loop3A_359, %parallel_loop3A_360] {strides = array<i32>} : memref<64x1024xf32, #tpu.memory_space<vmem>>, vector<1x16xf32>,
        %parallel_loop3A_362 = vector.shape_cast %parallel_loop3A_361 : vector<1x16xf32> to vector<16xf32>
        %parallel_loop3A_363 = arith.addi %mul3A_109, %parallel_loop3A_304 : i32
        %parallel_loop3A_364 = arith.index_cast %parallel_loop3A_363 : i32 to index
        %parallel_loop3A_365 = arith.constant 64 : index
        %parallel_loop3A_366 = tpu.vector_load %arg7[%parallel_loop3A_364, %parallel_loop3A_365] {strides = array<i32>} : memref<64x1024xf32, #tpu.memory_space<vmem>>, vector<1x16xf32>,
        %parallel_loop3A_367 = vector.shape_cast %parallel_loop3A_366 : vector<1x16xf32> to vector<16xf32>
        %parallel_loop3A_368 = arith.addi %mul3A_109, %parallel_loop3A_304 : i32
        %parallel_loop3A_369 = arith.index_cast %parallel_loop3A_368 : i32 to index
        %parallel_loop3A_370 = arith.constant 80 : index
        %parallel_loop3A_371 = tpu.vector_load %arg7[%parallel_loop3A_369, %parallel_loop3A_370] {strides = array<i32>} : memref<64x1024xf32, #tpu.memory_space<vmem>>, vector<1x16xf32>,
        %parallel_loop3A_372 = vector.shape_cast %parallel_loop3A_371 : vector<1x16xf32> to vector<16xf32>
        %parallel_loop3A_373 = arith.addi %mul3A_109, %parallel_loop3A_304 : i32
        %parallel_loop3A_374 = arith.index_cast %parallel_loop3A_373 : i32 to index
        %parallel_loop3A_375 = arith.constant 96 : index
        %parallel_loop3A_376 = tpu.vector_load %arg7[%parallel_loop3A_374, %parallel_loop3A_375] {strides = array<i32>} : memref<64x1024xf32, #tpu.memory_space<vmem>>, vector<1x16xf32>,
        %parallel_loop3A_377 = vector.shape_cast %parallel_loop3A_376 : vector<1x16xf32> to vector<16xf32>
        %parallel_loop3A_378 = arith.addi %mul3A_109, %parallel_loop3A_304 : i32
        %parallel_loop3A_379 = arith.index_cast %parallel_loop3A_378 : i32 to index
        %parallel_loop3A_380 = arith.constant 112 : index
        %parallel_loop3A_381 = tpu.vector_load %arg7[%parallel_loop3A_379, %parallel_loop3A_380] {strides = array<i32>} : memref<64x1024xf32, #tpu.memory_space<vmem>>, vector<1x16xf32>,
        %parallel_loop3A_382 = vector.shape_cast %parallel_loop3A_381 : vector<1x16xf32> to vector<16xf32>
        %parallel_loop3A_383 = arith.index_cast %parallel_loop3A_310 : i32 to index
        %parallel_loop3A_384 = arith.constant 0 : index
        %parallel_loop3A_385 = tpu.vector_load %arg12[%parallel_loop3A_383, %parallel_loop3A_384] {strides = array<i32>} : memref<5x1024xf32, #tpu.memory_space<vmem>>, vector<1x16xf32>,
        %parallel_loop3A_386 = vector.shape_cast %parallel_loop3A_385 : vector<1x16xf32> to vector<16xf32>
        %parallel_loop3A_387 = arith.index_cast %parallel_loop3A_310 : i32 to index
        %parallel_loop3A_388 = arith.constant 16 : index
        %parallel_loop3A_389 = tpu.vector_load %arg12[%parallel_loop3A_387, %parallel_loop3A_388] {strides = array<i32>} : memref<5x1024xf32, #tpu.memory_space<vmem>>, vector<1x16xf32>,
        %parallel_loop3A_390 = vector.shape_cast %parallel_loop3A_389 : vector<1x16xf32> to vector<16xf32>
        %parallel_loop3A_391 = arith.index_cast %parallel_loop3A_310 : i32 to index
        %parallel_loop3A_392 = arith.constant 32 : index
        %parallel_loop3A_393 = tpu.vector_load %arg12[%parallel_loop3A_391, %parallel_loop3A_392] {strides = array<i32>} : memref<5x1024xf32, #tpu.memory_space<vmem>>, vector<1x16xf32>,
        %parallel_loop3A_394 = vector.shape_cast %parallel_loop3A_393 : vector<1x16xf32> to vector<16xf32>
        %parallel_loop3A_395 = arith.index_cast %parallel_loop3A_310 : i32 to index
        %parallel_loop3A_396 = arith.constant 48 : index
        %parallel_loop3A_397 = tpu.vector_load %arg12[%parallel_loop3A_395, %parallel_loop3A_396] {strides = array<i32>} : memref<5x1024xf32, #tpu.memory_space<vmem>>, vector<1x16xf32>,
        %parallel_loop3A_398 = vector.shape_cast %parallel_loop3A_397 : vector<1x16xf32> to vector<16xf32>
        %parallel_loop3A_399 = arith.index_cast %parallel_loop3A_310 : i32 to index
        %parallel_loop3A_400 = arith.constant 64 : index
        %parallel_loop3A_401 = tpu.vector_load %arg12[%parallel_loop3A_399, %parallel_loop3A_400] {strides = array<i32>} : memref<5x1024xf32, #tpu.memory_space<vmem>>, vector<1x16xf32>,
        %parallel_loop3A_402 = vector.shape_cast %parallel_loop3A_401 : vector<1x16xf32> to vector<16xf32>
        %parallel_loop3A_403 = arith.index_cast %parallel_loop3A_310 : i32 to index
        %parallel_loop3A_404 = arith.constant 80 : index
        %parallel_loop3A_405 = tpu.vector_load %arg12[%parallel_loop3A_403, %parallel_loop3A_404] {strides = array<i32>} : memref<5x1024xf32, #tpu.memory_space<vmem>>, vector<1x16xf32>,
        %parallel_loop3A_406 = vector.shape_cast %parallel_loop3A_405 : vector<1x16xf32> to vector<16xf32>
        %parallel_loop3A_407 = arith.index_cast %parallel_loop3A_310 : i32 to index
        %parallel_loop3A_408 = arith.constant 96 : index
        %parallel_loop3A_409 = tpu.vector_load %arg12[%parallel_loop3A_407, %parallel_loop3A_408] {strides = array<i32>} : memref<5x1024xf32, #tpu.memory_space<vmem>>, vector<1x16xf32>,
        %parallel_loop3A_410 = vector.shape_cast %parallel_loop3A_409 : vector<1x16xf32> to vector<16xf32>
        %parallel_loop3A_411 = arith.index_cast %parallel_loop3A_310 : i32 to index
        %parallel_loop3A_412 = arith.constant 112 : index
        %parallel_loop3A_413 = tpu.vector_load %arg12[%parallel_loop3A_411, %parallel_loop3A_412] {strides = array<i32>} : memref<5x1024xf32, #tpu.memory_space<vmem>>, vector<1x16xf32>,
        %parallel_loop3A_414 = vector.shape_cast %parallel_loop3A_413 : vector<1x16xf32> to vector<16xf32>
        %parallel_loop3A_415 = arith.addf %parallel_loop3A_314, %parallel_loop3A_347 : vector<16xf32>
        %parallel_loop3A_416 = arith.addf %parallel_loop3A_318, %parallel_loop3A_352 : vector<16xf32>
        %parallel_loop3A_417 = arith.addf %parallel_loop3A_322, %parallel_loop3A_357 : vector<16xf32>
        %parallel_loop3A_418 = arith.addf %parallel_loop3A_326, %parallel_loop3A_362 : vector<16xf32>
        %parallel_loop3A_419 = arith.addf %parallel_loop3A_330, %parallel_loop3A_367 : vector<16xf32>
        %parallel_loop3A_420 = arith.addf %parallel_loop3A_334, %parallel_loop3A_372 : vector<16xf32>
        %parallel_loop3A_421 = arith.addf %parallel_loop3A_338, %parallel_loop3A_377 : vector<16xf32>
        %parallel_loop3A_422 = arith.addf %parallel_loop3A_342, %parallel_loop3A_382 : vector<16xf32>
        %parallel_loop3A_423 = arith.addf %parallel_loop3A_415, %parallel_loop3A_386 : vector<16xf32>
        %parallel_loop3A_424 = arith.index_cast %parallel_loop3A_304 : i32 to index
        %parallel_loop3A_425 = arith.constant 0 : index
        %parallel_loop3A_426 = tpu.vector_load %arg10[%parallel_loop3A_424, %parallel_loop3A_425] {strides = array<i32>} : memref<8x1024xf32, #tpu.memory_space<vmem>>, vector<1x16xf32>,
        %parallel_loop3A_427 = vector.shape_cast %parallel_loop3A_426 : vector<1x16xf32> to vector<16xf32>
        %parallel_loop3A_428 = vector.shape_cast %parallel_loop3A_423 : vector<16xf32> to vector<1x16xf32>
        tpu.vector_store %arg10[%parallel_loop3A_424, %parallel_loop3A_425], %parallel_loop3A_428 {strides = array<i32>} : memref<8x1024xf32, #tpu.memory_space<vmem>>, vector<1x16xf32>,
        %parallel_loop3A_429 = arith.addf %parallel_loop3A_416, %parallel_loop3A_390 : vector<16xf32>
        %parallel_loop3A_430 = arith.index_cast %parallel_loop3A_304 : i32 to index
        %parallel_loop3A_431 = arith.constant 16 : index
        %parallel_loop3A_432 = tpu.vector_load %arg10[%parallel_loop3A_430, %parallel_loop3A_431] {strides = array<i32>} : memref<8x1024xf32, #tpu.memory_space<vmem>>, vector<1x16xf32>,
        %parallel_loop3A_433 = vector.shape_cast %parallel_loop3A_432 : vector<1x16xf32> to vector<16xf32>
        %parallel_loop3A_434 = vector.shape_cast %parallel_loop3A_429 : vector<16xf32> to vector<1x16xf32>
        tpu.vector_store %arg10[%parallel_loop3A_430, %parallel_loop3A_431], %parallel_loop3A_434 {strides = array<i32>} : memref<8x1024xf32, #tpu.memory_space<vmem>>, vector<1x16xf32>,
        %parallel_loop3A_435 = arith.addf %parallel_loop3A_417, %parallel_loop3A_394 : vector<16xf32>
        %parallel_loop3A_436 = arith.index_cast %parallel_loop3A_304 : i32 to index
        %parallel_loop3A_437 = arith.constant 32 : index
        %parallel_loop3A_438 = tpu.vector_load %arg10[%parallel_loop3A_436, %parallel_loop3A_437] {strides = array<i32>} : memref<8x1024xf32, #tpu.memory_space<vmem>>, vector<1x16xf32>,
        %parallel_loop3A_439 = vector.shape_cast %parallel_loop3A_438 : vector<1x16xf32> to vector<16xf32>
        %parallel_loop3A_440 = vector.shape_cast %parallel_loop3A_435 : vector<16xf32> to vector<1x16xf32>
        tpu.vector_store %arg10[%parallel_loop3A_436, %parallel_loop3A_437], %parallel_loop3A_440 {strides = array<i32>} : memref<8x1024xf32, #tpu.memory_space<vmem>>, vector<1x16xf32>,
        %parallel_loop3A_441 = arith.addf %parallel_loop3A_418, %parallel_loop3A_398 : vector<16xf32>
        %parallel_loop3A_442 = arith.index_cast %parallel_loop3A_304 : i32 to index
        %parallel_loop3A_443 = arith.constant 48 : index
        %parallel_loop3A_444 = tpu.vector_load %arg10[%parallel_loop3A_442, %parallel_loop3A_443] {strides = array<i32>} : memref<8x1024xf32, #tpu.memory_space<vmem>>, vector<1x16xf32>,
        %parallel_loop3A_445 = vector.shape_cast %parallel_loop3A_444 : vector<1x16xf32> to vector<16xf32>
        %parallel_loop3A_446 = vector.shape_cast %parallel_loop3A_441 : vector<16xf32> to vector<1x16xf32>
        tpu.vector_store %arg10[%parallel_loop3A_442, %parallel_loop3A_443], %parallel_loop3A_446 {strides = array<i32>} : memref<8x1024xf32, #tpu.memory_space<vmem>>, vector<1x16xf32>,
        %parallel_loop3A_447 = arith.addf %parallel_loop3A_419, %parallel_loop3A_402 : vector<16xf32>
        %parallel_loop3A_448 = arith.index_cast %parallel_loop3A_304 : i32 to index
        %parallel_loop3A_449 = arith.constant 64 : index
        %parallel_loop3A_450 = tpu.vector_load %arg10[%parallel_loop3A_448, %parallel_loop3A_449] {strides = array<i32>} : memref<8x1024xf32, #tpu.memory_space<vmem>>, vector<1x16xf32>,
        %parallel_loop3A_451 = vector.shape_cast %parallel_loop3A_450 : vector<1x16xf32> to vector<16xf32>
        %parallel_loop3A_452 = vector.shape_cast %parallel_loop3A_447 : vector<16xf32> to vector<1x16xf32>
        tpu.vector_store %arg10[%parallel_loop3A_448, %parallel_loop3A_449], %parallel_loop3A_452 {strides = array<i32>} : memref<8x1024xf32, #tpu.memory_space<vmem>>, vector<1x16xf32>,
        %parallel_loop3A_453 = arith.addf %parallel_loop3A_420, %parallel_loop3A_406 : vector<16xf32>
        %parallel_loop3A_454 = arith.index_cast %parallel_loop3A_304 : i32 to index
        %parallel_loop3A_455 = arith.constant 80 : index
        %parallel_loop3A_456 = tpu.vector_load %arg10[%parallel_loop3A_454, %parallel_loop3A_455] {strides = array<i32>} : memref<8x1024xf32, #tpu.memory_space<vmem>>, vector<1x16xf32>,
        %parallel_loop3A_457 = vector.shape_cast %parallel_loop3A_456 : vector<1x16xf32> to vector<16xf32>
        %parallel_loop3A_458 = vector.shape_cast %parallel_loop3A_453 : vector<16xf32> to vector<1x16xf32>
        tpu.vector_store %arg10[%parallel_loop3A_454, %parallel_loop3A_455], %parallel_loop3A_458 {strides = array<i32>} : memref<8x1024xf32, #tpu.memory_space<vmem>>, vector<1x16xf32>,
        %parallel_loop3A_459 = arith.addf %parallel_loop3A_421, %parallel_loop3A_410 : vector<16xf32>
        %parallel_loop3A_460 = arith.index_cast %parallel_loop3A_304 : i32 to index
        %parallel_loop3A_461 = arith.constant 96 : index
        %parallel_loop3A_462 = tpu.vector_load %arg10[%parallel_loop3A_460, %parallel_loop3A_461] {strides = array<i32>} : memref<8x1024xf32, #tpu.memory_space<vmem>>, vector<1x16xf32>,
        %parallel_loop3A_463 = vector.shape_cast %parallel_loop3A_462 : vector<1x16xf32> to vector<16xf32>
        %parallel_loop3A_464 = vector.shape_cast %parallel_loop3A_459 : vector<16xf32> to vector<1x16xf32>
        tpu.vector_store %arg10[%parallel_loop3A_460, %parallel_loop3A_461], %parallel_loop3A_464 {strides = array<i32>} : memref<8x1024xf32, #tpu.memory_space<vmem>>, vector<1x16xf32>,
        %parallel_loop3A_465 = arith.addf %parallel_loop3A_422, %parallel_loop3A_414 : vector<16xf32>
        %parallel_loop3A_466 = arith.index_cast %parallel_loop3A_304 : i32 to index
        %parallel_loop3A_467 = arith.constant 112 : index
        %parallel_loop3A_468 = tpu.vector_load %arg10[%parallel_loop3A_466, %parallel_loop3A_467] {strides = array<i32>} : memref<8x1024xf32, #tpu.memory_space<vmem>>, vector<1x16xf32>,
        %parallel_loop3A_469 = vector.shape_cast %parallel_loop3A_468 : vector<1x16xf32> to vector<16xf32>
        %parallel_loop3A_470 = vector.shape_cast %parallel_loop3A_465 : vector<16xf32> to vector<1x16xf32>
        tpu.vector_store %arg10[%parallel_loop3A_466, %parallel_loop3A_467], %parallel_loop3A_470 {strides = array<i32>} : memref<8x1024xf32, #tpu.memory_space<vmem>>, vector<1x16xf32>,
        %parallel_loop3A_471 = arith.index_cast %parallel_loop3A_304 : i32 to index
        %parallel_loop3A_472 = arith.constant 128 : index
        %parallel_loop3A_473 = tpu.vector_load %arg8[%parallel_loop3A_471, %parallel_loop3A_472] {strides = array<i32>} : memref<8x1024xf32, #tpu.memory_space<vmem>>, vector<1x16xf32>,
        %parallel_loop3A_474 = vector.shape_cast %parallel_loop3A_473 : vector<1x16xf32> to vector<16xf32>
        %parallel_loop3A_475 = arith.index_cast %parallel_loop3A_304 : i32 to index
        %parallel_loop3A_476 = arith.constant 144 : index
        %parallel_loop3A_477 = tpu.vector_load %arg8[%parallel_loop3A_475, %parallel_loop3A_476] {strides = array<i32>} : memref<8x1024xf32, #tpu.memory_space<vmem>>, vector<1x16xf32>,
        %parallel_loop3A_478 = vector.shape_cast %parallel_loop3A_477 : vector<1x16xf32> to vector<16xf32>
        %parallel_loop3A_479 = arith.index_cast %parallel_loop3A_304 : i32 to index
        %parallel_loop3A_480 = arith.constant 160 : index
        %parallel_loop3A_481 = tpu.vector_load %arg8[%parallel_loop3A_479, %parallel_loop3A_480] {strides = array<i32>} : memref<8x1024xf32, #tpu.memory_space<vmem>>, vector<1x16xf32>,
        %parallel_loop3A_482 = vector.shape_cast %parallel_loop3A_481 : vector<1x16xf32> to vector<16xf32>
        %parallel_loop3A_483 = arith.index_cast %parallel_loop3A_304 : i32 to index
        %parallel_loop3A_484 = arith.constant 176 : index
        %parallel_loop3A_485 = tpu.vector_load %arg8[%parallel_loop3A_483, %parallel_loop3A_484] {strides = array<i32>} : memref<8x1024xf32, #tpu.memory_space<vmem>>, vector<1x16xf32>,
        %parallel_loop3A_486 = vector.shape_cast %parallel_loop3A_485 : vector<1x16xf32> to vector<16xf32>
        %parallel_loop3A_487 = arith.index_cast %parallel_loop3A_304 : i32 to index
        %parallel_loop3A_488 = arith.constant 192 : index
        %parallel_loop3A_489 = tpu.vector_load %arg8[%parallel_loop3A_487, %parallel_loop3A_488] {strides = array<i32>} : memref<8x1024xf32, #tpu.memory_space<vmem>>, vector<1x16xf32>,
        %parallel_loop3A_490 = vector.shape_cast %parallel_loop3A_489 : vector<1x16xf32> to vector<16xf32>
        %parallel_loop3A_491 = arith.index_cast %parallel_loop3A_304 : i32 to index
        %parallel_loop3A_492 = arith.constant 208 : index
        %parallel_loop3A_493 = tpu.vector_load %arg8[%parallel_loop3A_491, %parallel_loop3A_492] {strides = array<i32>} : memref<8x1024xf32, #tpu.memory_space<vmem>>, vector<1x16xf32>,
        %parallel_loop3A_494 = vector.shape_cast %parallel_loop3A_493 : vector<1x16xf32> to vector<16xf32>
        %parallel_loop3A_495 = arith.index_cast %parallel_loop3A_304 : i32 to index
        %parallel_loop3A_496 = arith.constant 224 : index
        %parallel_loop3A_497 = tpu.vector_load %arg8[%parallel_loop3A_495, %parallel_loop3A_496] {strides = array<i32>} : memref<8x1024xf32, #tpu.memory_space<vmem>>, vector<1x16xf32>,
        %parallel_loop3A_498 = vector.shape_cast %parallel_loop3A_497 : vector<1x16xf32> to vector<16xf32>
        %parallel_loop3A_499 = arith.index_cast %parallel_loop3A_304 : i32 to index
        %parallel_loop3A_500 = arith.constant 240 : index
        %parallel_loop3A_501 = tpu.vector_load %arg8[%parallel_loop3A_499, %parallel_loop3A_500] {strides = array<i32>} : memref<8x1024xf32, #tpu.memory_space<vmem>>, vector<1x16xf32>,
        %parallel_loop3A_502 = vector.shape_cast %parallel_loop3A_501 : vector<1x16xf32> to vector<16xf32>
        %parallel_loop3A_503 = arith.addi %mul3A_109, %parallel_loop3A_304 : i32
        %parallel_loop3A_504 = arith.index_cast %parallel_loop3A_503 : i32 to index
        %parallel_loop3A_505 = arith.constant 128 : index
        %parallel_loop3A_506 = tpu.vector_load %arg7[%parallel_loop3A_504, %parallel_loop3A_505] {strides = array<i32>} : memref<64x1024xf32, #tpu.memory_space<vmem>>, vector<1x16xf32>,
        %parallel_loop3A_507 = vector.shape_cast %parallel_loop3A_506 : vector<1x16xf32> to vector<16xf32>
        %parallel_loop3A_508 = arith.addi %mul3A_109, %parallel_loop3A_304 : i32
        %parallel_loop3A_509 = arith.index_cast %parallel_loop3A_508 : i32 to index
        %parallel_loop3A_510 = arith.constant 144 : index
        %parallel_loop3A_511 = tpu.vector_load %arg7[%parallel_loop3A_509, %parallel_loop3A_510] {strides = array<i32>} : memref<64x1024xf32, #tpu.memory_space<vmem>>, vector<1x16xf32>,
        %parallel_loop3A_512 = vector.shape_cast %parallel_loop3A_511 : vector<1x16xf32> to vector<16xf32>
        %parallel_loop3A_513 = arith.addi %mul3A_109, %parallel_loop3A_304 : i32
        %parallel_loop3A_514 = arith.index_cast %parallel_loop3A_513 : i32 to index
        %parallel_loop3A_515 = arith.constant 160 : index
        %parallel_loop3A_516 = tpu.vector_load %arg7[%parallel_loop3A_514, %parallel_loop3A_515] {strides = array<i32>} : memref<64x1024xf32, #tpu.memory_space<vmem>>, vector<1x16xf32>,
        %parallel_loop3A_517 = vector.shape_cast %parallel_loop3A_516 : vector<1x16xf32> to vector<16xf32>
        %parallel_loop3A_518 = arith.addi %mul3A_109, %parallel_loop3A_304 : i32
        %parallel_loop3A_519 = arith.index_cast %parallel_loop3A_518 : i32 to index
        %parallel_loop3A_520 = arith.constant 176 : index
        %parallel_loop3A_521 = tpu.vector_load %arg7[%parallel_loop3A_519, %parallel_loop3A_520] {strides = array<i32>} : memref<64x1024xf32, #tpu.memory_space<vmem>>, vector<1x16xf32>,
        %parallel_loop3A_522 = vector.shape_cast %parallel_loop3A_521 : vector<1x16xf32> to vector<16xf32>
        %parallel_loop3A_523 = arith.addi %mul3A_109, %parallel_loop3A_304 : i32
        %parallel_loop3A_524 = arith.index_cast %parallel_loop3A_523 : i32 to index
        %parallel_loop3A_525 = arith.constant 192 : index
        %parallel_loop3A_526 = tpu.vector_load %arg7[%parallel_loop3A_524, %parallel_loop3A_525] {strides = array<i32>} : memref<64x1024xf32, #tpu.memory_space<vmem>>, vector<1x16xf32>,
        %parallel_loop3A_527 = vector.shape_cast %parallel_loop3A_526 : vector<1x16xf32> to vector<16xf32>
        %parallel_loop3A_528 = arith.addi %mul3A_109, %parallel_loop3A_304 : i32
        %parallel_loop3A_529 = arith.index_cast %parallel_loop3A_528 : i32 to index
        %parallel_loop3A_530 = arith.constant 208 : index
        %parallel_loop3A_531 = tpu.vector_load %arg7[%parallel_loop3A_529, %parallel_loop3A_530] {strides = array<i32>} : memref<64x1024xf32, #tpu.memory_space<vmem>>, vector<1x16xf32>,
        %parallel_loop3A_532 = vector.shape_cast %parallel_loop3A_531 : vector<1x16xf32> to vector<16xf32>
        %parallel_loop3A_533 = arith.addi %mul3A_109, %parallel_loop3A_304 : i32
        %parallel_loop3A_534 = arith.index_cast %parallel_loop3A_533 : i32 to index
        %parallel_loop3A_535 = arith.constant 224 : index
        %parallel_loop3A_536 = tpu.vector_load %arg7[%parallel_loop3A_534, %parallel_loop3A_535] {strides = array<i32>} : memref<64x1024xf32, #tpu.memory_space<vmem>>, vector<1x16xf32>,
        %parallel_loop3A_537 = vector.shape_cast %parallel_loop3A_536 : vector<1x16xf32> to vector<16xf32>
        %parallel_loop3A_538 = arith.addi %mul3A_109, %parallel_loop3A_304 : i32
        %parallel_loop3A_539 = arith.index_cast %parallel_loop3A_538 : i32 to index
        %parallel_loop3A_540 = arith.constant 240 : index
        %parallel_loop3A_541 = tpu.vector_load %arg7[%parallel_loop3A_539, %parallel_loop3A_540] {strides = array<i32>} : memref<64x1024xf32, #tpu.memory_space<vmem>>, vector<1x16xf32>,
        %parallel_loop3A_542 = vector.shape_cast %parallel_loop3A_541 : vector<1x16xf32> to vector<16xf32>
        %parallel_loop3A_543 = arith.index_cast %parallel_loop3A_310 : i32 to index
        %parallel_loop3A_544 = arith.constant 128 : index
        %parallel_loop3A_545 = tpu.vector_load %arg12[%parallel_loop3A_543, %parallel_loop3A_544] {strides = array<i32>} : memref<5x1024xf32, #tpu.memory_space<vmem>>, vector<1x16xf32>,
        %parallel_loop3A_546 = vector.shape_cast %parallel_loop3A_545 : vector<1x16xf32> to vector<16xf32>
        %parallel_loop3A_547 = arith.index_cast %parallel_loop3A_310 : i32 to index
        %parallel_loop3A_548 = arith.constant 144 : index
        %parallel_loop3A_549 = tpu.vector_load %arg12[%parallel_loop3A_547, %parallel_loop3A_548] {strides = array<i32>} : memref<5x1024xf32, #tpu.memory_space<vmem>>, vector<1x16xf32>,
        %parallel_loop3A_550 = vector.shape_cast %parallel_loop3A_549 : vector<1x16xf32> to vector<16xf32>
        %parallel_loop3A_551 = arith.index_cast %parallel_loop3A_310 : i32 to index
        %parallel_loop3A_552 = arith.constant 160 : index
        %parallel_loop3A_553 = tpu.vector_load %arg12[%parallel_loop3A_551, %parallel_loop3A_552] {strides = array<i32>} : memref<5x1024xf32, #tpu.memory_space<vmem>>, vector<1x16xf32>,
        %parallel_loop3A_554 = vector.shape_cast %parallel_loop3A_553 : vector<1x16xf32> to vector<16xf32>
        %parallel_loop3A_555 = arith.index_cast %parallel_loop3A_310 : i32 to index
        %parallel_loop3A_556 = arith.constant 176 : index
        %parallel_loop3A_557 = tpu.vector_load %arg12[%parallel_loop3A_555, %parallel_loop3A_556] {strides = array<i32>} : memref<5x1024xf32, #tpu.memory_space<vmem>>, vector<1x16xf32>,
        %parallel_loop3A_558 = vector.shape_cast %parallel_loop3A_557 : vector<1x16xf32> to vector<16xf32>
        %parallel_loop3A_559 = arith.index_cast %parallel_loop3A_310 : i32 to index
        %parallel_loop3A_560 = arith.constant 192 : index
        %parallel_loop3A_561 = tpu.vector_load %arg12[%parallel_loop3A_559, %parallel_loop3A_560] {strides = array<i32>} : memref<5x1024xf32, #tpu.memory_space<vmem>>, vector<1x16xf32>,
        %parallel_loop3A_562 = vector.shape_cast %parallel_loop3A_561 : vector<1x16xf32> to vector<16xf32>
        %parallel_loop3A_563 = arith.index_cast %parallel_loop3A_310 : i32 to index
        %parallel_loop3A_564 = arith.constant 208 : index
        %parallel_loop3A_565 = tpu.vector_load %arg12[%parallel_loop3A_563, %parallel_loop3A_564] {strides = array<i32>} : memref<5x1024xf32, #tpu.memory_space<vmem>>, vector<1x16xf32>,
        %parallel_loop3A_566 = vector.shape_cast %parallel_loop3A_565 : vector<1x16xf32> to vector<16xf32>
        %parallel_loop3A_567 = arith.index_cast %parallel_loop3A_310 : i32 to index
        %parallel_loop3A_568 = arith.constant 224 : index
        %parallel_loop3A_569 = tpu.vector_load %arg12[%parallel_loop3A_567, %parallel_loop3A_568] {strides = array<i32>} : memref<5x1024xf32, #tpu.memory_space<vmem>>, vector<1x16xf32>,
        %parallel_loop3A_570 = vector.shape_cast %parallel_loop3A_569 : vector<1x16xf32> to vector<16xf32>
        %parallel_loop3A_571 = arith.index_cast %parallel_loop3A_310 : i32 to index
        %parallel_loop3A_572 = arith.constant 240 : index
        %parallel_loop3A_573 = tpu.vector_load %arg12[%parallel_loop3A_571, %parallel_loop3A_572] {strides = array<i32>} : memref<5x1024xf32, #tpu.memory_space<vmem>>, vector<1x16xf32>,
        %parallel_loop3A_574 = vector.shape_cast %parallel_loop3A_573 : vector<1x16xf32> to vector<16xf32>
        %parallel_loop3A_575 = arith.addf %parallel_loop3A_474, %parallel_loop3A_507 : vector<16xf32>
        %parallel_loop3A_576 = arith.addf %parallel_loop3A_478, %parallel_loop3A_512 : vector<16xf32>
        %parallel_loop3A_577 = arith.addf %parallel_loop3A_482, %parallel_loop3A_517 : vector<16xf32>
        %parallel_loop3A_578 = arith.addf %parallel_loop3A_486, %parallel_loop3A_522 : vector<16xf32>
        %parallel_loop3A_579 = arith.addf %parallel_loop3A_490, %parallel_loop3A_527 : vector<16xf32>
        %parallel_loop3A_580 = arith.addf %parallel_loop3A_494, %parallel_loop3A_532 : vector<16xf32>
        %parallel_loop3A_581 = arith.addf %parallel_loop3A_498, %parallel_loop3A_537 : vector<16xf32>
        %parallel_loop3A_582 = arith.addf %parallel_loop3A_502, %parallel_loop3A_542 : vector<16xf32>
        %parallel_loop3A_583 = arith.addf %parallel_loop3A_575, %parallel_loop3A_546 : vector<16xf32>
        %parallel_loop3A_584 = arith.index_cast %parallel_loop3A_304 : i32 to index
        %parallel_loop3A_585 = arith.constant 128 : index
        %parallel_loop3A_586 = tpu.vector_load %arg10[%parallel_loop3A_584, %parallel_loop3A_585] {strides = array<i32>} : memref<8x1024xf32, #tpu.memory_space<vmem>>, vector<1x16xf32>,
        %parallel_loop3A_587 = vector.shape_cast %parallel_loop3A_586 : vector<1x16xf32> to vector<16xf32>
        %parallel_loop3A_588 = vector.shape_cast %parallel_loop3A_583 : vector<16xf32> to vector<1x16xf32>
        tpu.vector_store %arg10[%parallel_loop3A_584, %parallel_loop3A_585], %parallel_loop3A_588 {strides = array<i32>} : memref<8x1024xf32, #tpu.memory_space<vmem>>, vector<1x16xf32>,
        %parallel_loop3A_589 = arith.addf %parallel_loop3A_576, %parallel_loop3A_550 : vector<16xf32>
        %parallel_loop3A_590 = arith.index_cast %parallel_loop3A_304 : i32 to index
        %parallel_loop3A_591 = arith.constant 144 : index
        %parallel_loop3A_592 = tpu.vector_load %arg10[%parallel_loop3A_590, %parallel_loop3A_591] {strides = array<i32>} : memref<8x1024xf32, #tpu.memory_space<vmem>>, vector<1x16xf32>,
        %parallel_loop3A_593 = vector.shape_cast %parallel_loop3A_592 : vector<1x16xf32> to vector<16xf32>
        %parallel_loop3A_594 = vector.shape_cast %parallel_loop3A_589 : vector<16xf32> to vector<1x16xf32>
        tpu.vector_store %arg10[%parallel_loop3A_590, %parallel_loop3A_591], %parallel_loop3A_594 {strides = array<i32>} : memref<8x1024xf32, #tpu.memory_space<vmem>>, vector<1x16xf32>,
        %parallel_loop3A_595 = arith.addf %parallel_loop3A_577, %parallel_loop3A_554 : vector<16xf32>
        %parallel_loop3A_596 = arith.index_cast %parallel_loop3A_304 : i32 to index
        %parallel_loop3A_597 = arith.constant 160 : index
        %parallel_loop3A_598 = tpu.vector_load %arg10[%parallel_loop3A_596, %parallel_loop3A_597] {strides = array<i32>} : memref<8x1024xf32, #tpu.memory_space<vmem>>, vector<1x16xf32>,
        %parallel_loop3A_599 = vector.shape_cast %parallel_loop3A_598 : vector<1x16xf32> to vector<16xf32>
        %parallel_loop3A_600 = vector.shape_cast %parallel_loop3A_595 : vector<16xf32> to vector<1x16xf32>
        tpu.vector_store %arg10[%parallel_loop3A_596, %parallel_loop3A_597], %parallel_loop3A_600 {strides = array<i32>} : memref<8x1024xf32, #tpu.memory_space<vmem>>, vector<1x16xf32>,
        %parallel_loop3A_601 = arith.addf %parallel_loop3A_578, %parallel_loop3A_558 : vector<16xf32>
        %parallel_loop3A_602 = arith.index_cast %parallel_loop3A_304 : i32 to index
        %parallel_loop3A_603 = arith.constant 176 : index
        %parallel_loop3A_604 = tpu.vector_load %arg10[%parallel_loop3A_602, %parallel_loop3A_603] {strides = array<i32>} : memref<8x1024xf32, #tpu.memory_space<vmem>>, vector<1x16xf32>,
        %parallel_loop3A_605 = vector.shape_cast %parallel_loop3A_604 : vector<1x16xf32> to vector<16xf32>
        %parallel_loop3A_606 = vector.shape_cast %parallel_loop3A_601 : vector<16xf32> to vector<1x16xf32>
        tpu.vector_store %arg10[%parallel_loop3A_602, %parallel_loop3A_603], %parallel_loop3A_606 {strides = array<i32>} : memref<8x1024xf32, #tpu.memory_space<vmem>>, vector<1x16xf32>,
        %parallel_loop3A_607 = arith.addf %parallel_loop3A_579, %parallel_loop3A_562 : vector<16xf32>
        %parallel_loop3A_608 = arith.index_cast %parallel_loop3A_304 : i32 to index
        %parallel_loop3A_609 = arith.constant 192 : index
        %parallel_loop3A_610 = tpu.vector_load %arg10[%parallel_loop3A_608, %parallel_loop3A_609] {strides = array<i32>} : memref<8x1024xf32, #tpu.memory_space<vmem>>, vector<1x16xf32>,
        %parallel_loop3A_611 = vector.shape_cast %parallel_loop3A_610 : vector<1x16xf32> to vector<16xf32>
        %parallel_loop3A_612 = vector.shape_cast %parallel_loop3A_607 : vector<16xf32> to vector<1x16xf32>
        tpu.vector_store %arg10[%parallel_loop3A_608, %parallel_loop3A_609], %parallel_loop3A_612 {strides = array<i32>} : memref<8x1024xf32, #tpu.memory_space<vmem>>, vector<1x16xf32>,
        %parallel_loop3A_613 = arith.addf %parallel_loop3A_580, %parallel_loop3A_566 : vector<16xf32>
        %parallel_loop3A_614 = arith.index_cast %parallel_loop3A_304 : i32 to index
        %parallel_loop3A_615 = arith.constant 208 : index
        %parallel_loop3A_616 = tpu.vector_load %arg10[%parallel_loop3A_614, %parallel_loop3A_615] {strides = array<i32>} : memref<8x1024xf32, #tpu.memory_space<vmem>>, vector<1x16xf32>,
        %parallel_loop3A_617 = vector.shape_cast %parallel_loop3A_616 : vector<1x16xf32> to vector<16xf32>
        %parallel_loop3A_618 = vector.shape_cast %parallel_loop3A_613 : vector<16xf32> to vector<1x16xf32>
        tpu.vector_store %arg10[%parallel_loop3A_614, %parallel_loop3A_615], %parallel_loop3A_618 {strides = array<i32>} : memref<8x1024xf32, #tpu.memory_space<vmem>>, vector<1x16xf32>,
        %parallel_loop3A_619 = arith.addf %parallel_loop3A_581, %parallel_loop3A_570 : vector<16xf32>
        %parallel_loop3A_620 = arith.index_cast %parallel_loop3A_304 : i32 to index
        %parallel_loop3A_621 = arith.constant 224 : index
        %parallel_loop3A_622 = tpu.vector_load %arg10[%parallel_loop3A_620, %parallel_loop3A_621] {strides = array<i32>} : memref<8x1024xf32, #tpu.memory_space<vmem>>, vector<1x16xf32>,
        %parallel_loop3A_623 = vector.shape_cast %parallel_loop3A_622 : vector<1x16xf32> to vector<16xf32>
        %parallel_loop3A_624 = vector.shape_cast %parallel_loop3A_619 : vector<16xf32> to vector<1x16xf32>
        tpu.vector_store %arg10[%parallel_loop3A_620, %parallel_loop3A_621], %parallel_loop3A_624 {strides = array<i32>} : memref<8x1024xf32, #tpu.memory_space<vmem>>, vector<1x16xf32>,
        %parallel_loop3A_625 = arith.addf %parallel_loop3A_582, %parallel_loop3A_574 : vector<16xf32>
        %parallel_loop3A_626 = arith.index_cast %parallel_loop3A_304 : i32 to index
        %parallel_loop3A_627 = arith.constant 240 : index
        %parallel_loop3A_628 = tpu.vector_load %arg10[%parallel_loop3A_626, %parallel_loop3A_627] {strides = array<i32>} : memref<8x1024xf32, #tpu.memory_space<vmem>>, vector<1x16xf32>,
        %parallel_loop3A_629 = vector.shape_cast %parallel_loop3A_628 : vector<1x16xf32> to vector<16xf32>
        %parallel_loop3A_630 = vector.shape_cast %parallel_loop3A_625 : vector<16xf32> to vector<1x16xf32>
        tpu.vector_store %arg10[%parallel_loop3A_626, %parallel_loop3A_627], %parallel_loop3A_630 {strides = array<i32>} : memref<8x1024xf32, #tpu.memory_space<vmem>>, vector<1x16xf32>,
        %parallel_loop3A_631 = arith.index_cast %parallel_loop3A_304 : i32 to index
        %parallel_loop3A_632 = arith.constant 256 : index
        %parallel_loop3A_633 = tpu.vector_load %arg8[%parallel_loop3A_631, %parallel_loop3A_632] {strides = array<i32>} : memref<8x1024xf32, #tpu.memory_space<vmem>>, vector<1x16xf32>,
        %parallel_loop3A_634 = vector.shape_cast %parallel_loop3A_633 : vector<1x16xf32> to vector<16xf32>
        %parallel_loop3A_635 = arith.index_cast %parallel_loop3A_304 : i32 to index
        %parallel_loop3A_636 = arith.constant 272 : index
        %parallel_loop3A_637 = tpu.vector_load %arg8[%parallel_loop3A_635, %parallel_loop3A_636] {strides = array<i32>} : memref<8x1024xf32, #tpu.memory_space<vmem>>, vector<1x16xf32>,
        %parallel_loop3A_638 = vector.shape_cast %parallel_loop3A_637 : vector<1x16xf32> to vector<16xf32>
        %parallel_loop3A_639 = arith.index_cast %parallel_loop3A_304 : i32 to index
        %parallel_loop3A_640 = arith.constant 288 : index
        %parallel_loop3A_641 = tpu.vector_load %arg8[%parallel_loop3A_639, %parallel_loop3A_640] {strides = array<i32>} : memref<8x1024xf32, #tpu.memory_space<vmem>>, vector<1x16xf32>,
        %parallel_loop3A_642 = vector.shape_cast %parallel_loop3A_641 : vector<1x16xf32> to vector<16xf32>
        %parallel_loop3A_643 = arith.index_cast %parallel_loop3A_304 : i32 to index
        %parallel_loop3A_644 = arith.constant 304 : index
        %parallel_loop3A_645 = tpu.vector_load %arg8[%parallel_loop3A_643, %parallel_loop3A_644] {strides = array<i32>} : memref<8x1024xf32, #tpu.memory_space<vmem>>, vector<1x16xf32>,
        %parallel_loop3A_646 = vector.shape_cast %parallel_loop3A_645 : vector<1x16xf32> to vector<16xf32>
        %parallel_loop3A_647 = arith.index_cast %parallel_loop3A_304 : i32 to index
        %parallel_loop3A_648 = arith.constant 320 : index
        %parallel_loop3A_649 = tpu.vector_load %arg8[%parallel_loop3A_647, %parallel_loop3A_648] {strides = array<i32>} : memref<8x1024xf32, #tpu.memory_space<vmem>>, vector<1x16xf32>,
        %parallel_loop3A_650 = vector.shape_cast %parallel_loop3A_649 : vector<1x16xf32> to vector<16xf32>
        %parallel_loop3A_651 = arith.index_cast %parallel_loop3A_304 : i32 to index
        %parallel_loop3A_652 = arith.constant 336 : index
        %parallel_loop3A_653 = tpu.vector_load %arg8[%parallel_loop3A_651, %parallel_loop3A_652] {strides = array<i32>} : memref<8x1024xf32, #tpu.memory_space<vmem>>, vector<1x16xf32>,
        %parallel_loop3A_654 = vector.shape_cast %parallel_loop3A_653 : vector<1x16xf32> to vector<16xf32>
        %parallel_loop3A_655 = arith.index_cast %parallel_loop3A_304 : i32 to index
        %parallel_loop3A_656 = arith.constant 352 : index
        %parallel_loop3A_657 = tpu.vector_load %arg8[%parallel_loop3A_655, %parallel_loop3A_656] {strides = array<i32>} : memref<8x1024xf32, #tpu.memory_space<vmem>>, vector<1x16xf32>,
        %parallel_loop3A_658 = vector.shape_cast %parallel_loop3A_657 : vector<1x16xf32> to vector<16xf32>
        %parallel_loop3A_659 = arith.index_cast %parallel_loop3A_304 : i32 to index
        %parallel_loop3A_660 = arith.constant 368 : index
        %parallel_loop3A_661 = tpu.vector_load %arg8[%parallel_loop3A_659, %parallel_loop3A_660] {strides = array<i32>} : memref<8x1024xf32, #tpu.memory_space<vmem>>, vector<1x16xf32>,
        %parallel_loop3A_662 = vector.shape_cast %parallel_loop3A_661 : vector<1x16xf32> to vector<16xf32>
        %parallel_loop3A_663 = arith.addi %mul3A_109, %parallel_loop3A_304 : i32
        %parallel_loop3A_664 = arith.index_cast %parallel_loop3A_663 : i32 to index
        %parallel_loop3A_665 = arith.constant 256 : index
        %parallel_loop3A_666 = tpu.vector_load %arg7[%parallel_loop3A_664, %parallel_loop3A_665] {strides = array<i32>} : memref<64x1024xf32, #tpu.memory_space<vmem>>, vector<1x16xf32>,
        %parallel_loop3A_667 = vector.shape_cast %parallel_loop3A_666 : vector<1x16xf32> to vector<16xf32>
        %parallel_loop3A_668 = arith.addi %mul3A_109, %parallel_loop3A_304 : i32
        %parallel_loop3A_669 = arith.index_cast %parallel_loop3A_668 : i32 to index
        %parallel_loop3A_670 = arith.constant 272 : index
        %parallel_loop3A_671 = tpu.vector_load %arg7[%parallel_loop3A_669, %parallel_loop3A_670] {strides = array<i32>} : memref<64x1024xf32, #tpu.memory_space<vmem>>, vector<1x16xf32>,
        %parallel_loop3A_672 = vector.shape_cast %parallel_loop3A_671 : vector<1x16xf32> to vector<16xf32>
        %parallel_loop3A_673 = arith.addi %mul3A_109, %parallel_loop3A_304 : i32
        %parallel_loop3A_674 = arith.index_cast %parallel_loop3A_673 : i32 to index
        %parallel_loop3A_675 = arith.constant 288 : index
        %parallel_loop3A_676 = tpu.vector_load %arg7[%parallel_loop3A_674, %parallel_loop3A_675] {strides = array<i32>} : memref<64x1024xf32, #tpu.memory_space<vmem>>, vector<1x16xf32>,
        %parallel_loop3A_677 = vector.shape_cast %parallel_loop3A_676 : vector<1x16xf32> to vector<16xf32>
        %parallel_loop3A_678 = arith.addi %mul3A_109, %parallel_loop3A_304 : i32
        %parallel_loop3A_679 = arith.index_cast %parallel_loop3A_678 : i32 to index
        %parallel_loop3A_680 = arith.constant 304 : index
        %parallel_loop3A_681 = tpu.vector_load %arg7[%parallel_loop3A_679, %parallel_loop3A_680] {strides = array<i32>} : memref<64x1024xf32, #tpu.memory_space<vmem>>, vector<1x16xf32>,
        %parallel_loop3A_682 = vector.shape_cast %parallel_loop3A_681 : vector<1x16xf32> to vector<16xf32>
        %parallel_loop3A_683 = arith.addi %mul3A_109, %parallel_loop3A_304 : i32
        %parallel_loop3A_684 = arith.index_cast %parallel_loop3A_683 : i32 to index
        %parallel_loop3A_685 = arith.constant 320 : index
        %parallel_loop3A_686 = tpu.vector_load %arg7[%parallel_loop3A_684, %parallel_loop3A_685] {strides = array<i32>} : memref<64x1024xf32, #tpu.memory_space<vmem>>, vector<1x16xf32>,
        %parallel_loop3A_687 = vector.shape_cast %parallel_loop3A_686 : vector<1x16xf32> to vector<16xf32>
        %parallel_loop3A_688 = arith.addi %mul3A_109, %parallel_loop3A_304 : i32
        %parallel_loop3A_689 = arith.index_cast %parallel_loop3A_688 : i32 to index
        %parallel_loop3A_690 = arith.constant 336 : index
        %parallel_loop3A_691 = tpu.vector_load %arg7[%parallel_loop3A_689, %parallel_loop3A_690] {strides = array<i32>} : memref<64x1024xf32, #tpu.memory_space<vmem>>, vector<1x16xf32>,
        %parallel_loop3A_692 = vector.shape_cast %parallel_loop3A_691 : vector<1x16xf32> to vector<16xf32>
        %parallel_loop3A_693 = arith.addi %mul3A_109, %parallel_loop3A_304 : i32
        %parallel_loop3A_694 = arith.index_cast %parallel_loop3A_693 : i32 to index
        %parallel_loop3A_695 = arith.constant 352 : index
        %parallel_loop3A_696 = tpu.vector_load %arg7[%parallel_loop3A_694, %parallel_loop3A_695] {strides = array<i32>} : memref<64x1024xf32, #tpu.memory_space<vmem>>, vector<1x16xf32>,
        %parallel_loop3A_697 = vector.shape_cast %parallel_loop3A_696 : vector<1x16xf32> to vector<16xf32>
        %parallel_loop3A_698 = arith.addi %mul3A_109, %parallel_loop3A_304 : i32
        %parallel_loop3A_699 = arith.index_cast %parallel_loop3A_698 : i32 to index
        %parallel_loop3A_700 = arith.constant 368 : index
        %parallel_loop3A_701 = tpu.vector_load %arg7[%parallel_loop3A_699, %parallel_loop3A_700] {strides = array<i32>} : memref<64x1024xf32, #tpu.memory_space<vmem>>, vector<1x16xf32>,
        %parallel_loop3A_702 = vector.shape_cast %parallel_loop3A_701 : vector<1x16xf32> to vector<16xf32>
        %parallel_loop3A_703 = arith.index_cast %parallel_loop3A_310 : i32 to index
        %parallel_loop3A_704 = arith.constant 256 : index
        %parallel_loop3A_705 = tpu.vector_load %arg12[%parallel_loop3A_703, %parallel_loop3A_704] {strides = array<i32>} : memref<5x1024xf32, #tpu.memory_space<vmem>>, vector<1x16xf32>,
        %parallel_loop3A_706 = vector.shape_cast %parallel_loop3A_705 : vector<1x16xf32> to vector<16xf32>
        %parallel_loop3A_707 = arith.index_cast %parallel_loop3A_310 : i32 to index
        %parallel_loop3A_708 = arith.constant 272 : index
        %parallel_loop3A_709 = tpu.vector_load %arg12[%parallel_loop3A_707, %parallel_loop3A_708] {strides = array<i32>} : memref<5x1024xf32, #tpu.memory_space<vmem>>, vector<1x16xf32>,
        %parallel_loop3A_710 = vector.shape_cast %parallel_loop3A_709 : vector<1x16xf32> to vector<16xf32>
        %parallel_loop3A_711 = arith.index_cast %parallel_loop3A_310 : i32 to index
        %parallel_loop3A_712 = arith.constant 288 : index
        %parallel_loop3A_713 = tpu.vector_load %arg12[%parallel_loop3A_711, %parallel_loop3A_712] {strides = array<i32>} : memref<5x1024xf32, #tpu.memory_space<vmem>>, vector<1x16xf32>,
        %parallel_loop3A_714 = vector.shape_cast %parallel_loop3A_713 : vector<1x16xf32> to vector<16xf32>
        %parallel_loop3A_715 = arith.index_cast %parallel_loop3A_310 : i32 to index
        %parallel_loop3A_716 = arith.constant 304 : index
        %parallel_loop3A_717 = tpu.vector_load %arg12[%parallel_loop3A_715, %parallel_loop3A_716] {strides = array<i32>} : memref<5x1024xf32, #tpu.memory_space<vmem>>, vector<1x16xf32>,
        %parallel_loop3A_718 = vector.shape_cast %parallel_loop3A_717 : vector<1x16xf32> to vector<16xf32>
        %parallel_loop3A_719 = arith.index_cast %parallel_loop3A_310 : i32 to index
        %parallel_loop3A_720 = arith.constant 320 : index
        %parallel_loop3A_721 = tpu.vector_load %arg12[%parallel_loop3A_719, %parallel_loop3A_720] {strides = array<i32>} : memref<5x1024xf32, #tpu.memory_space<vmem>>, vector<1x16xf32>,
        %parallel_loop3A_722 = vector.shape_cast %parallel_loop3A_721 : vector<1x16xf32> to vector<16xf32>
        %parallel_loop3A_723 = arith.index_cast %parallel_loop3A_310 : i32 to index
        %parallel_loop3A_724 = arith.constant 336 : index
        %parallel_loop3A_725 = tpu.vector_load %arg12[%parallel_loop3A_723, %parallel_loop3A_724] {strides = array<i32>} : memref<5x1024xf32, #tpu.memory_space<vmem>>, vector<1x16xf32>,
        %parallel_loop3A_726 = vector.shape_cast %parallel_loop3A_725 : vector<1x16xf32> to vector<16xf32>
        %parallel_loop3A_727 = arith.index_cast %parallel_loop3A_310 : i32 to index
        %parallel_loop3A_728 = arith.constant 352 : index
        %parallel_loop3A_729 = tpu.vector_load %arg12[%parallel_loop3A_727, %parallel_loop3A_728] {strides = array<i32>} : memref<5x1024xf32, #tpu.memory_space<vmem>>, vector<1x16xf32>,
        %parallel_loop3A_730 = vector.shape_cast %parallel_loop3A_729 : vector<1x16xf32> to vector<16xf32>
        %parallel_loop3A_731 = arith.index_cast %parallel_loop3A_310 : i32 to index
        %parallel_loop3A_732 = arith.constant 368 : index
        %parallel_loop3A_733 = tpu.vector_load %arg12[%parallel_loop3A_731, %parallel_loop3A_732] {strides = array<i32>} : memref<5x1024xf32, #tpu.memory_space<vmem>>, vector<1x16xf32>,
        %parallel_loop3A_734 = vector.shape_cast %parallel_loop3A_733 : vector<1x16xf32> to vector<16xf32>
        %parallel_loop3A_735 = arith.addf %parallel_loop3A_634, %parallel_loop3A_667 : vector<16xf32>
        %parallel_loop3A_736 = arith.addf %parallel_loop3A_638, %parallel_loop3A_672 : vector<16xf32>
        %parallel_loop3A_737 = arith.addf %parallel_loop3A_642, %parallel_loop3A_677 : vector<16xf32>
        %parallel_loop3A_738 = arith.addf %parallel_loop3A_646, %parallel_loop3A_682 : vector<16xf32>
        %parallel_loop3A_739 = arith.addf %parallel_loop3A_650, %parallel_loop3A_687 : vector<16xf32>
        %parallel_loop3A_740 = arith.addf %parallel_loop3A_654, %parallel_loop3A_692 : vector<16xf32>
        %parallel_loop3A_741 = arith.addf %parallel_loop3A_658, %parallel_loop3A_697 : vector<16xf32>
        %parallel_loop3A_742 = arith.addf %parallel_loop3A_662, %parallel_loop3A_702 : vector<16xf32>
        %parallel_loop3A_743 = arith.addf %parallel_loop3A_735, %parallel_loop3A_706 : vector<16xf32>
        %parallel_loop3A_744 = arith.index_cast %parallel_loop3A_304 : i32 to index
        %parallel_loop3A_745 = arith.constant 256 : index
        %parallel_loop3A_746 = tpu.vector_load %arg10[%parallel_loop3A_744, %parallel_loop3A_745] {strides = array<i32>} : memref<8x1024xf32, #tpu.memory_space<vmem>>, vector<1x16xf32>,
        %parallel_loop3A_747 = vector.shape_cast %parallel_loop3A_746 : vector<1x16xf32> to vector<16xf32>
        %parallel_loop3A_748 = vector.shape_cast %parallel_loop3A_743 : vector<16xf32> to vector<1x16xf32>
        tpu.vector_store %arg10[%parallel_loop3A_744, %parallel_loop3A_745], %parallel_loop3A_748 {strides = array<i32>} : memref<8x1024xf32, #tpu.memory_space<vmem>>, vector<1x16xf32>,
        %parallel_loop3A_749 = arith.addf %parallel_loop3A_736, %parallel_loop3A_710 : vector<16xf32>
        %parallel_loop3A_750 = arith.index_cast %parallel_loop3A_304 : i32 to index
        %parallel_loop3A_751 = arith.constant 272 : index
        %parallel_loop3A_752 = tpu.vector_load %arg10[%parallel_loop3A_750, %parallel_loop3A_751] {strides = array<i32>} : memref<8x1024xf32, #tpu.memory_space<vmem>>, vector<1x16xf32>,
        %parallel_loop3A_753 = vector.shape_cast %parallel_loop3A_752 : vector<1x16xf32> to vector<16xf32>
        %parallel_loop3A_754 = vector.shape_cast %parallel_loop3A_749 : vector<16xf32> to vector<1x16xf32>
        tpu.vector_store %arg10[%parallel_loop3A_750, %parallel_loop3A_751], %parallel_loop3A_754 {strides = array<i32>} : memref<8x1024xf32, #tpu.memory_space<vmem>>, vector<1x16xf32>,
        %parallel_loop3A_755 = arith.addf %parallel_loop3A_737, %parallel_loop3A_714 : vector<16xf32>
        %parallel_loop3A_756 = arith.index_cast %parallel_loop3A_304 : i32 to index
        %parallel_loop3A_757 = arith.constant 288 : index
        %parallel_loop3A_758 = tpu.vector_load %arg10[%parallel_loop3A_756, %parallel_loop3A_757] {strides = array<i32>} : memref<8x1024xf32, #tpu.memory_space<vmem>>, vector<1x16xf32>,
        %parallel_loop3A_759 = vector.shape_cast %parallel_loop3A_758 : vector<1x16xf32> to vector<16xf32>
        %parallel_loop3A_760 = vector.shape_cast %parallel_loop3A_755 : vector<16xf32> to vector<1x16xf32>
        tpu.vector_store %arg10[%parallel_loop3A_756, %parallel_loop3A_757], %parallel_loop3A_760 {strides = array<i32>} : memref<8x1024xf32, #tpu.memory_space<vmem>>, vector<1x16xf32>,
        %parallel_loop3A_761 = arith.addf %parallel_loop3A_738, %parallel_loop3A_718 : vector<16xf32>
        %parallel_loop3A_762 = arith.index_cast %parallel_loop3A_304 : i32 to index
        %parallel_loop3A_763 = arith.constant 304 : index
        %parallel_loop3A_764 = tpu.vector_load %arg10[%parallel_loop3A_762, %parallel_loop3A_763] {strides = array<i32>} : memref<8x1024xf32, #tpu.memory_space<vmem>>, vector<1x16xf32>,
        %parallel_loop3A_765 = vector.shape_cast %parallel_loop3A_764 : vector<1x16xf32> to vector<16xf32>
        %parallel_loop3A_766 = vector.shape_cast %parallel_loop3A_761 : vector<16xf32> to vector<1x16xf32>
        tpu.vector_store %arg10[%parallel_loop3A_762, %parallel_loop3A_763], %parallel_loop3A_766 {strides = array<i32>} : memref<8x1024xf32, #tpu.memory_space<vmem>>, vector<1x16xf32>,
        %parallel_loop3A_767 = arith.addf %parallel_loop3A_739, %parallel_loop3A_722 : vector<16xf32>
        %parallel_loop3A_768 = arith.index_cast %parallel_loop3A_304 : i32 to index
        %parallel_loop3A_769 = arith.constant 320 : index
        %parallel_loop3A_770 = tpu.vector_load %arg10[%parallel_loop3A_768, %parallel_loop3A_769] {strides = array<i32>} : memref<8x1024xf32, #tpu.memory_space<vmem>>, vector<1x16xf32>,
        %parallel_loop3A_771 = vector.shape_cast %parallel_loop3A_770 : vector<1x16xf32> to vector<16xf32>
        %parallel_loop3A_772 = vector.shape_cast %parallel_loop3A_767 : vector<16xf32> to vector<1x16xf32>
        tpu.vector_store %arg10[%parallel_loop3A_768, %parallel_loop3A_769], %parallel_loop3A_772 {strides = array<i32>} : memref<8x1024xf32, #tpu.memory_space<vmem>>, vector<1x16xf32>,
        %parallel_loop3A_773 = arith.addf %parallel_loop3A_740, %parallel_loop3A_726 : vector<16xf32>
        %parallel_loop3A_774 = arith.index_cast %parallel_loop3A_304 : i32 to index
        %parallel_loop3A_775 = arith.constant 336 : index
        %parallel_loop3A_776 = tpu.vector_load %arg10[%parallel_loop3A_774, %parallel_loop3A_775] {strides = array<i32>} : memref<8x1024xf32, #tpu.memory_space<vmem>>, vector<1x16xf32>,
        %parallel_loop3A_777 = vector.shape_cast %parallel_loop3A_776 : vector<1x16xf32> to vector<16xf32>
        %parallel_loop3A_778 = vector.shape_cast %parallel_loop3A_773 : vector<16xf32> to vector<1x16xf32>
        tpu.vector_store %arg10[%parallel_loop3A_774, %parallel_loop3A_775], %parallel_loop3A_778 {strides = array<i32>} : memref<8x1024xf32, #tpu.memory_space<vmem>>, vector<1x16xf32>,
        %parallel_loop3A_779 = arith.addf %parallel_loop3A_741, %parallel_loop3A_730 : vector<16xf32>
        %parallel_loop3A_780 = arith.index_cast %parallel_loop3A_304 : i32 to index
        %parallel_loop3A_781 = arith.constant 352 : index
        %parallel_loop3A_782 = tpu.vector_load %arg10[%parallel_loop3A_780, %parallel_loop3A_781] {strides = array<i32>} : memref<8x1024xf32, #tpu.memory_space<vmem>>, vector<1x16xf32>,
        %parallel_loop3A_783 = vector.shape_cast %parallel_loop3A_782 : vector<1x16xf32> to vector<16xf32>
        %parallel_loop3A_784 = vector.shape_cast %parallel_loop3A_779 : vector<16xf32> to vector<1x16xf32>
        tpu.vector_store %arg10[%parallel_loop3A_780, %parallel_loop3A_781], %parallel_loop3A_784 {strides = array<i32>} : memref<8x1024xf32, #tpu.memory_space<vmem>>, vector<1x16xf32>,
        %parallel_loop3A_785 = arith.addf %parallel_loop3A_742, %parallel_loop3A_734 : vector<16xf32>
        %parallel_loop3A_786 = arith.index_cast %parallel_loop3A_304 : i32 to index
        %parallel_loop3A_787 = arith.constant 368 : index
        %parallel_loop3A_788 = tpu.vector_load %arg10[%parallel_loop3A_786, %parallel_loop3A_787] {strides = array<i32>} : memref<8x1024xf32, #tpu.memory_space<vmem>>, vector<1x16xf32>,
        %parallel_loop3A_789 = vector.shape_cast %parallel_loop3A_788 : vector<1x16xf32> to vector<16xf32>
        %parallel_loop3A_790 = vector.shape_cast %parallel_loop3A_785 : vector<16xf32> to vector<1x16xf32>
        tpu.vector_store %arg10[%parallel_loop3A_786, %parallel_loop3A_787], %parallel_loop3A_790 {strides = array<i32>} : memref<8x1024xf32, #tpu.memory_space<vmem>>, vector<1x16xf32>,
        %parallel_loop3A_791 = arith.index_cast %parallel_loop3A_304 : i32 to index
        %parallel_loop3A_792 = arith.constant 384 : index
        %parallel_loop3A_793 = tpu.vector_load %arg8[%parallel_loop3A_791, %parallel_loop3A_792] {strides = array<i32>} : memref<8x1024xf32, #tpu.memory_space<vmem>>, vector<1x16xf32>,
        %parallel_loop3A_794 = vector.shape_cast %parallel_loop3A_793 : vector<1x16xf32> to vector<16xf32>
        %parallel_loop3A_795 = arith.index_cast %parallel_loop3A_304 : i32 to index
        %parallel_loop3A_796 = arith.constant 400 : index
        %parallel_loop3A_797 = tpu.vector_load %arg8[%parallel_loop3A_795, %parallel_loop3A_796] {strides = array<i32>} : memref<8x1024xf32, #tpu.memory_space<vmem>>, vector<1x16xf32>,
        %parallel_loop3A_798 = vector.shape_cast %parallel_loop3A_797 : vector<1x16xf32> to vector<16xf32>
        %parallel_loop3A_799 = arith.index_cast %parallel_loop3A_304 : i32 to index
        %parallel_loop3A_800 = arith.constant 416 : index
        %parallel_loop3A_801 = tpu.vector_load %arg8[%parallel_loop3A_799, %parallel_loop3A_800] {strides = array<i32>} : memref<8x1024xf32, #tpu.memory_space<vmem>>, vector<1x16xf32>,
        %parallel_loop3A_802 = vector.shape_cast %parallel_loop3A_801 : vector<1x16xf32> to vector<16xf32>
        %parallel_loop3A_803 = arith.index_cast %parallel_loop3A_304 : i32 to index
        %parallel_loop3A_804 = arith.constant 432 : index
        %parallel_loop3A_805 = tpu.vector_load %arg8[%parallel_loop3A_803, %parallel_loop3A_804] {strides = array<i32>} : memref<8x1024xf32, #tpu.memory_space<vmem>>, vector<1x16xf32>,
        %parallel_loop3A_806 = vector.shape_cast %parallel_loop3A_805 : vector<1x16xf32> to vector<16xf32>
        %parallel_loop3A_807 = arith.index_cast %parallel_loop3A_304 : i32 to index
        %parallel_loop3A_808 = arith.constant 448 : index
        %parallel_loop3A_809 = tpu.vector_load %arg8[%parallel_loop3A_807, %parallel_loop3A_808] {strides = array<i32>} : memref<8x1024xf32, #tpu.memory_space<vmem>>, vector<1x16xf32>,
        %parallel_loop3A_810 = vector.shape_cast %parallel_loop3A_809 : vector<1x16xf32> to vector<16xf32>
        %parallel_loop3A_811 = arith.index_cast %parallel_loop3A_304 : i32 to index
        %parallel_loop3A_812 = arith.constant 464 : index
        %parallel_loop3A_813 = tpu.vector_load %arg8[%parallel_loop3A_811, %parallel_loop3A_812] {strides = array<i32>} : memref<8x1024xf32, #tpu.memory_space<vmem>>, vector<1x16xf32>,
        %parallel_loop3A_814 = vector.shape_cast %parallel_loop3A_813 : vector<1x16xf32> to vector<16xf32>
        %parallel_loop3A_815 = arith.index_cast %parallel_loop3A_304 : i32 to index
        %parallel_loop3A_816 = arith.constant 480 : index
        %parallel_loop3A_817 = tpu.vector_load %arg8[%parallel_loop3A_815, %parallel_loop3A_816] {strides = array<i32>} : memref<8x1024xf32, #tpu.memory_space<vmem>>, vector<1x16xf32>,
        %parallel_loop3A_818 = vector.shape_cast %parallel_loop3A_817 : vector<1x16xf32> to vector<16xf32>
        %parallel_loop3A_819 = arith.index_cast %parallel_loop3A_304 : i32 to index
        %parallel_loop3A_820 = arith.constant 496 : index
        %parallel_loop3A_821 = tpu.vector_load %arg8[%parallel_loop3A_819, %parallel_loop3A_820] {strides = array<i32>} : memref<8x1024xf32, #tpu.memory_space<vmem>>, vector<1x16xf32>,
        %parallel_loop3A_822 = vector.shape_cast %parallel_loop3A_821 : vector<1x16xf32> to vector<16xf32>
        %parallel_loop3A_823 = arith.addi %mul3A_109, %parallel_loop3A_304 : i32
        %parallel_loop3A_824 = arith.index_cast %parallel_loop3A_823 : i32 to index
        %parallel_loop3A_825 = arith.constant 384 : index
        %parallel_loop3A_826 = tpu.vector_load %arg7[%parallel_loop3A_824, %parallel_loop3A_825] {strides = array<i32>} : memref<64x1024xf32, #tpu.memory_space<vmem>>, vector<1x16xf32>,
        %parallel_loop3A_827 = vector.shape_cast %parallel_loop3A_826 : vector<1x16xf32> to vector<16xf32>
        %parallel_loop3A_828 = arith.addi %mul3A_109, %parallel_loop3A_304 : i32
        %parallel_loop3A_829 = arith.index_cast %parallel_loop3A_828 : i32 to index
        %parallel_loop3A_830 = arith.constant 400 : index
        %parallel_loop3A_831 = tpu.vector_load %arg7[%parallel_loop3A_829, %parallel_loop3A_830] {strides = array<i32>} : memref<64x1024xf32, #tpu.memory_space<vmem>>, vector<1x16xf32>,
        %parallel_loop3A_832 = vector.shape_cast %parallel_loop3A_831 : vector<1x16xf32> to vector<16xf32>
        %parallel_loop3A_833 = arith.addi %mul3A_109, %parallel_loop3A_304 : i32
        %parallel_loop3A_834 = arith.index_cast %parallel_loop3A_833 : i32 to index
        %parallel_loop3A_835 = arith.constant 416 : index
        %parallel_loop3A_836 = tpu.vector_load %arg7[%parallel_loop3A_834, %parallel_loop3A_835] {strides = array<i32>} : memref<64x1024xf32, #tpu.memory_space<vmem>>, vector<1x16xf32>,
        %parallel_loop3A_837 = vector.shape_cast %parallel_loop3A_836 : vector<1x16xf32> to vector<16xf32>
        %parallel_loop3A_838 = arith.addi %mul3A_109, %parallel_loop3A_304 : i32
        %parallel_loop3A_839 = arith.index_cast %parallel_loop3A_838 : i32 to index
        %parallel_loop3A_840 = arith.constant 432 : index
        %parallel_loop3A_841 = tpu.vector_load %arg7[%parallel_loop3A_839, %parallel_loop3A_840] {strides = array<i32>} : memref<64x1024xf32, #tpu.memory_space<vmem>>, vector<1x16xf32>,
        %parallel_loop3A_842 = vector.shape_cast %parallel_loop3A_841 : vector<1x16xf32> to vector<16xf32>
        %parallel_loop3A_843 = arith.addi %mul3A_109, %parallel_loop3A_304 : i32
        %parallel_loop3A_844 = arith.index_cast %parallel_loop3A_843 : i32 to index
        %parallel_loop3A_845 = arith.constant 448 : index
        %parallel_loop3A_846 = tpu.vector_load %arg7[%parallel_loop3A_844, %parallel_loop3A_845] {strides = array<i32>} : memref<64x1024xf32, #tpu.memory_space<vmem>>, vector<1x16xf32>,
        %parallel_loop3A_847 = vector.shape_cast %parallel_loop3A_846 : vector<1x16xf32> to vector<16xf32>
        %parallel_loop3A_848 = arith.addi %mul3A_109, %parallel_loop3A_304 : i32
        %parallel_loop3A_849 = arith.index_cast %parallel_loop3A_848 : i32 to index
        %parallel_loop3A_850 = arith.constant 464 : index
        %parallel_loop3A_851 = tpu.vector_load %arg7[%parallel_loop3A_849, %parallel_loop3A_850] {strides = array<i32>} : memref<64x1024xf32, #tpu.memory_space<vmem>>, vector<1x16xf32>,
        %parallel_loop3A_852 = vector.shape_cast %parallel_loop3A_851 : vector<1x16xf32> to vector<16xf32>
        %parallel_loop3A_853 = arith.addi %mul3A_109, %parallel_loop3A_304 : i32
        %parallel_loop3A_854 = arith.index_cast %parallel_loop3A_853 : i32 to index
        %parallel_loop3A_855 = arith.constant 480 : index
        %parallel_loop3A_856 = tpu.vector_load %arg7[%parallel_loop3A_854, %parallel_loop3A_855] {strides = array<i32>} : memref<64x1024xf32, #tpu.memory_space<vmem>>, vector<1x16xf32>,
        %parallel_loop3A_857 = vector.shape_cast %parallel_loop3A_856 : vector<1x16xf32> to vector<16xf32>
        %parallel_loop3A_858 = arith.addi %mul3A_109, %parallel_loop3A_304 : i32
        %parallel_loop3A_859 = arith.index_cast %parallel_loop3A_858 : i32 to index
        %parallel_loop3A_860 = arith.constant 496 : index
        %parallel_loop3A_861 = tpu.vector_load %arg7[%parallel_loop3A_859, %parallel_loop3A_860] {strides = array<i32>} : memref<64x1024xf32, #tpu.memory_space<vmem>>, vector<1x16xf32>,
        %parallel_loop3A_862 = vector.shape_cast %parallel_loop3A_861 : vector<1x16xf32> to vector<16xf32>
        %parallel_loop3A_863 = arith.index_cast %parallel_loop3A_310 : i32 to index
        %parallel_loop3A_864 = arith.constant 384 : index
        %parallel_loop3A_865 = tpu.vector_load %arg12[%parallel_loop3A_863, %parallel_loop3A_864] {strides = array<i32>} : memref<5x1024xf32, #tpu.memory_space<vmem>>, vector<1x16xf32>,
        %parallel_loop3A_866 = vector.shape_cast %parallel_loop3A_865 : vector<1x16xf32> to vector<16xf32>
        %parallel_loop3A_867 = arith.index_cast %parallel_loop3A_310 : i32 to index
        %parallel_loop3A_868 = arith.constant 400 : index
        %parallel_loop3A_869 = tpu.vector_load %arg12[%parallel_loop3A_867, %parallel_loop3A_868] {strides = array<i32>} : memref<5x1024xf32, #tpu.memory_space<vmem>>, vector<1x16xf32>,
        %parallel_loop3A_870 = vector.shape_cast %parallel_loop3A_869 : vector<1x16xf32> to vector<16xf32>
        %parallel_loop3A_871 = arith.index_cast %parallel_loop3A_310 : i32 to index
        %parallel_loop3A_872 = arith.constant 416 : index
        %parallel_loop3A_873 = tpu.vector_load %arg12[%parallel_loop3A_871, %parallel_loop3A_872] {strides = array<i32>} : memref<5x1024xf32, #tpu.memory_space<vmem>>, vector<1x16xf32>,
        %parallel_loop3A_874 = vector.shape_cast %parallel_loop3A_873 : vector<1x16xf32> to vector<16xf32>
        %parallel_loop3A_875 = arith.index_cast %parallel_loop3A_310 : i32 to index
        %parallel_loop3A_876 = arith.constant 432 : index
        %parallel_loop3A_877 = tpu.vector_load %arg12[%parallel_loop3A_875, %parallel_loop3A_876] {strides = array<i32>} : memref<5x1024xf32, #tpu.memory_space<vmem>>, vector<1x16xf32>,
        %parallel_loop3A_878 = vector.shape_cast %parallel_loop3A_877 : vector<1x16xf32> to vector<16xf32>
        %parallel_loop3A_879 = arith.index_cast %parallel_loop3A_310 : i32 to index
        %parallel_loop3A_880 = arith.constant 448 : index
        %parallel_loop3A_881 = tpu.vector_load %arg12[%parallel_loop3A_879, %parallel_loop3A_880] {strides = array<i32>} : memref<5x1024xf32, #tpu.memory_space<vmem>>, vector<1x16xf32>,
        %parallel_loop3A_882 = vector.shape_cast %parallel_loop3A_881 : vector<1x16xf32> to vector<16xf32>
        %parallel_loop3A_883 = arith.index_cast %parallel_loop3A_310 : i32 to index
        %parallel_loop3A_884 = arith.constant 464 : index
        %parallel_loop3A_885 = tpu.vector_load %arg12[%parallel_loop3A_883, %parallel_loop3A_884] {strides = array<i32>} : memref<5x1024xf32, #tpu.memory_space<vmem>>, vector<1x16xf32>,
        %parallel_loop3A_886 = vector.shape_cast %parallel_loop3A_885 : vector<1x16xf32> to vector<16xf32>
        %parallel_loop3A_887 = arith.index_cast %parallel_loop3A_310 : i32 to index
        %parallel_loop3A_888 = arith.constant 480 : index
        %parallel_loop3A_889 = tpu.vector_load %arg12[%parallel_loop3A_887, %parallel_loop3A_888] {strides = array<i32>} : memref<5x1024xf32, #tpu.memory_space<vmem>>, vector<1x16xf32>,
        %parallel_loop3A_890 = vector.shape_cast %parallel_loop3A_889 : vector<1x16xf32> to vector<16xf32>
        %parallel_loop3A_891 = arith.index_cast %parallel_loop3A_310 : i32 to index
        %parallel_loop3A_892 = arith.constant 496 : index
        %parallel_loop3A_893 = tpu.vector_load %arg12[%parallel_loop3A_891, %parallel_loop3A_892] {strides = array<i32>} : memref<5x1024xf32, #tpu.memory_space<vmem>>, vector<1x16xf32>,
        %parallel_loop3A_894 = vector.shape_cast %parallel_loop3A_893 : vector<1x16xf32> to vector<16xf32>
        %parallel_loop3A_895 = arith.addf %parallel_loop3A_794, %parallel_loop3A_827 : vector<16xf32>
        %parallel_loop3A_896 = arith.addf %parallel_loop3A_798, %parallel_loop3A_832 : vector<16xf32>
        %parallel_loop3A_897 = arith.addf %parallel_loop3A_802, %parallel_loop3A_837 : vector<16xf32>
        %parallel_loop3A_898 = arith.addf %parallel_loop3A_806, %parallel_loop3A_842 : vector<16xf32>
        %parallel_loop3A_899 = arith.addf %parallel_loop3A_810, %parallel_loop3A_847 : vector<16xf32>
        %parallel_loop3A_900 = arith.addf %parallel_loop3A_814, %parallel_loop3A_852 : vector<16xf32>
        %parallel_loop3A_901 = arith.addf %parallel_loop3A_818, %parallel_loop3A_857 : vector<16xf32>
        %parallel_loop3A_902 = arith.addf %parallel_loop3A_822, %parallel_loop3A_862 : vector<16xf32>
        %parallel_loop3A_903 = arith.addf %parallel_loop3A_895, %parallel_loop3A_866 : vector<16xf32>
        %parallel_loop3A_904 = arith.index_cast %parallel_loop3A_304 : i32 to index
        %parallel_loop3A_905 = arith.constant 384 : index
        %parallel_loop3A_906 = tpu.vector_load %arg10[%parallel_loop3A_904, %parallel_loop3A_905] {strides = array<i32>} : memref<8x1024xf32, #tpu.memory_space<vmem>>, vector<1x16xf32>,
        %parallel_loop3A_907 = vector.shape_cast %parallel_loop3A_906 : vector<1x16xf32> to vector<16xf32>
        %parallel_loop3A_908 = vector.shape_cast %parallel_loop3A_903 : vector<16xf32> to vector<1x16xf32>
        tpu.vector_store %arg10[%parallel_loop3A_904, %parallel_loop3A_905], %parallel_loop3A_908 {strides = array<i32>} : memref<8x1024xf32, #tpu.memory_space<vmem>>, vector<1x16xf32>,
        %parallel_loop3A_909 = arith.addf %parallel_loop3A_896, %parallel_loop3A_870 : vector<16xf32>
        %parallel_loop3A_910 = arith.index_cast %parallel_loop3A_304 : i32 to index
        %parallel_loop3A_911 = arith.constant 400 : index
        %parallel_loop3A_912 = tpu.vector_load %arg10[%parallel_loop3A_910, %parallel_loop3A_911] {strides = array<i32>} : memref<8x1024xf32, #tpu.memory_space<vmem>>, vector<1x16xf32>,
        %parallel_loop3A_913 = vector.shape_cast %parallel_loop3A_912 : vector<1x16xf32> to vector<16xf32>
        %parallel_loop3A_914 = vector.shape_cast %parallel_loop3A_909 : vector<16xf32> to vector<1x16xf32>
        tpu.vector_store %arg10[%parallel_loop3A_910, %parallel_loop3A_911], %parallel_loop3A_914 {strides = array<i32>} : memref<8x1024xf32, #tpu.memory_space<vmem>>, vector<1x16xf32>,
        %parallel_loop3A_915 = arith.addf %parallel_loop3A_897, %parallel_loop3A_874 : vector<16xf32>
        %parallel_loop3A_916 = arith.index_cast %parallel_loop3A_304 : i32 to index
        %parallel_loop3A_917 = arith.constant 416 : index
        %parallel_loop3A_918 = tpu.vector_load %arg10[%parallel_loop3A_916, %parallel_loop3A_917] {strides = array<i32>} : memref<8x1024xf32, #tpu.memory_space<vmem>>, vector<1x16xf32>,
        %parallel_loop3A_919 = vector.shape_cast %parallel_loop3A_918 : vector<1x16xf32> to vector<16xf32>
        %parallel_loop3A_920 = vector.shape_cast %parallel_loop3A_915 : vector<16xf32> to vector<1x16xf32>
        tpu.vector_store %arg10[%parallel_loop3A_916, %parallel_loop3A_917], %parallel_loop3A_920 {strides = array<i32>} : memref<8x1024xf32, #tpu.memory_space<vmem>>, vector<1x16xf32>,
        %parallel_loop3A_921 = arith.addf %parallel_loop3A_898, %parallel_loop3A_878 : vector<16xf32>
        %parallel_loop3A_922 = arith.index_cast %parallel_loop3A_304 : i32 to index
        %parallel_loop3A_923 = arith.constant 432 : index
        %parallel_loop3A_924 = tpu.vector_load %arg10[%parallel_loop3A_922, %parallel_loop3A_923] {strides = array<i32>} : memref<8x1024xf32, #tpu.memory_space<vmem>>, vector<1x16xf32>,
        %parallel_loop3A_925 = vector.shape_cast %parallel_loop3A_924 : vector<1x16xf32> to vector<16xf32>
        %parallel_loop3A_926 = vector.shape_cast %parallel_loop3A_921 : vector<16xf32> to vector<1x16xf32>
        tpu.vector_store %arg10[%parallel_loop3A_922, %parallel_loop3A_923], %parallel_loop3A_926 {strides = array<i32>} : memref<8x1024xf32, #tpu.memory_space<vmem>>, vector<1x16xf32>,
        %parallel_loop3A_927 = arith.addf %parallel_loop3A_899, %parallel_loop3A_882 : vector<16xf32>
        %parallel_loop3A_928 = arith.index_cast %parallel_loop3A_304 : i32 to index
        %parallel_loop3A_929 = arith.constant 448 : index
        %parallel_loop3A_930 = tpu.vector_load %arg10[%parallel_loop3A_928, %parallel_loop3A_929] {strides = array<i32>} : memref<8x1024xf32, #tpu.memory_space<vmem>>, vector<1x16xf32>,
        %parallel_loop3A_931 = vector.shape_cast %parallel_loop3A_930 : vector<1x16xf32> to vector<16xf32>
        %parallel_loop3A_932 = vector.shape_cast %parallel_loop3A_927 : vector<16xf32> to vector<1x16xf32>
        tpu.vector_store %arg10[%parallel_loop3A_928, %parallel_loop3A_929], %parallel_loop3A_932 {strides = array<i32>} : memref<8x1024xf32, #tpu.memory_space<vmem>>, vector<1x16xf32>,
        %parallel_loop3A_933 = arith.addf %parallel_loop3A_900, %parallel_loop3A_886 : vector<16xf32>
        %parallel_loop3A_934 = arith.index_cast %parallel_loop3A_304 : i32 to index
        %parallel_loop3A_935 = arith.constant 464 : index
        %parallel_loop3A_936 = tpu.vector_load %arg10[%parallel_loop3A_934, %parallel_loop3A_935] {strides = array<i32>} : memref<8x1024xf32, #tpu.memory_space<vmem>>, vector<1x16xf32>,
        %parallel_loop3A_937 = vector.shape_cast %parallel_loop3A_936 : vector<1x16xf32> to vector<16xf32>
        %parallel_loop3A_938 = vector.shape_cast %parallel_loop3A_933 : vector<16xf32> to vector<1x16xf32>
        tpu.vector_store %arg10[%parallel_loop3A_934, %parallel_loop3A_935], %parallel_loop3A_938 {strides = array<i32>} : memref<8x1024xf32, #tpu.memory_space<vmem>>, vector<1x16xf32>,
        %parallel_loop3A_939 = arith.addf %parallel_loop3A_901, %parallel_loop3A_890 : vector<16xf32>
        %parallel_loop3A_940 = arith.index_cast %parallel_loop3A_304 : i32 to index
        %parallel_loop3A_941 = arith.constant 480 : index
        %parallel_loop3A_942 = tpu.vector_load %arg10[%parallel_loop3A_940, %parallel_loop3A_941] {strides = array<i32>} : memref<8x1024xf32, #tpu.memory_space<vmem>>, vector<1x16xf32>,
        %parallel_loop3A_943 = vector.shape_cast %parallel_loop3A_942 : vector<1x16xf32> to vector<16xf32>
        %parallel_loop3A_944 = vector.shape_cast %parallel_loop3A_939 : vector<16xf32> to vector<1x16xf32>
        tpu.vector_store %arg10[%parallel_loop3A_940, %parallel_loop3A_941], %parallel_loop3A_944 {strides = array<i32>} : memref<8x1024xf32, #tpu.memory_space<vmem>>, vector<1x16xf32>,
        %parallel_loop3A_945 = arith.addf %parallel_loop3A_902, %parallel_loop3A_894 : vector<16xf32>
        %parallel_loop3A_946 = arith.index_cast %parallel_loop3A_304 : i32 to index
        %parallel_loop3A_947 = arith.constant 496 : index
        %parallel_loop3A_948 = tpu.vector_load %arg10[%parallel_loop3A_946, %parallel_loop3A_947] {strides = array<i32>} : memref<8x1024xf32, #tpu.memory_space<vmem>>, vector<1x16xf32>,
        %parallel_loop3A_949 = vector.shape_cast %parallel_loop3A_948 : vector<1x16xf32> to vector<16xf32>
        %parallel_loop3A_950 = vector.shape_cast %parallel_loop3A_945 : vector<16xf32> to vector<1x16xf32>
        tpu.vector_store %arg10[%parallel_loop3A_946, %parallel_loop3A_947], %parallel_loop3A_950 {strides = array<i32>} : memref<8x1024xf32, #tpu.memory_space<vmem>>, vector<1x16xf32>,
        %parallel_loop3A_951 = arith.index_cast %parallel_loop3A_304 : i32 to index
        %parallel_loop3A_952 = arith.constant 512 : index
        %parallel_loop3A_953 = tpu.vector_load %arg8[%parallel_loop3A_951, %parallel_loop3A_952] {strides = array<i32>} : memref<8x1024xf32, #tpu.memory_space<vmem>>, vector<1x16xf32>,
        %parallel_loop3A_954 = vector.shape_cast %parallel_loop3A_953 : vector<1x16xf32> to vector<16xf32>
        %parallel_loop3A_955 = arith.index_cast %parallel_loop3A_304 : i32 to index
        %parallel_loop3A_956 = arith.constant 528 : index
        %parallel_loop3A_957 = tpu.vector_load %arg8[%parallel_loop3A_955, %parallel_loop3A_956] {strides = array<i32>} : memref<8x1024xf32, #tpu.memory_space<vmem>>, vector<1x16xf32>,
        %parallel_loop3A_958 = vector.shape_cast %parallel_loop3A_957 : vector<1x16xf32> to vector<16xf32>
        %parallel_loop3A_959 = arith.index_cast %parallel_loop3A_304 : i32 to index
        %parallel_loop3A_960 = arith.constant 544 : index
        %parallel_loop3A_961 = tpu.vector_load %arg8[%parallel_loop3A_959, %parallel_loop3A_960] {strides = array<i32>} : memref<8x1024xf32, #tpu.memory_space<vmem>>, vector<1x16xf32>,
        %parallel_loop3A_962 = vector.shape_cast %parallel_loop3A_961 : vector<1x16xf32> to vector<16xf32>
        %parallel_loop3A_963 = arith.index_cast %parallel_loop3A_304 : i32 to index
        %parallel_loop3A_964 = arith.constant 560 : index
        %parallel_loop3A_965 = tpu.vector_load %arg8[%parallel_loop3A_963, %parallel_loop3A_964] {strides = array<i32>} : memref<8x1024xf32, #tpu.memory_space<vmem>>, vector<1x16xf32>,
        %parallel_loop3A_966 = vector.shape_cast %parallel_loop3A_965 : vector<1x16xf32> to vector<16xf32>
        %parallel_loop3A_967 = arith.index_cast %parallel_loop3A_304 : i32 to index
        %parallel_loop3A_968 = arith.constant 576 : index
        %parallel_loop3A_969 = tpu.vector_load %arg8[%parallel_loop3A_967, %parallel_loop3A_968] {strides = array<i32>} : memref<8x1024xf32, #tpu.memory_space<vmem>>, vector<1x16xf32>,
        %parallel_loop3A_970 = vector.shape_cast %parallel_loop3A_969 : vector<1x16xf32> to vector<16xf32>
        %parallel_loop3A_971 = arith.index_cast %parallel_loop3A_304 : i32 to index
        %parallel_loop3A_972 = arith.constant 592 : index
        %parallel_loop3A_973 = tpu.vector_load %arg8[%parallel_loop3A_971, %parallel_loop3A_972] {strides = array<i32>} : memref<8x1024xf32, #tpu.memory_space<vmem>>, vector<1x16xf32>,
        %parallel_loop3A_974 = vector.shape_cast %parallel_loop3A_973 : vector<1x16xf32> to vector<16xf32>
        %parallel_loop3A_975 = arith.index_cast %parallel_loop3A_304 : i32 to index
        %parallel_loop3A_976 = arith.constant 608 : index
        %parallel_loop3A_977 = tpu.vector_load %arg8[%parallel_loop3A_975, %parallel_loop3A_976] {strides = array<i32>} : memref<8x1024xf32, #tpu.memory_space<vmem>>, vector<1x16xf32>,
        %parallel_loop3A_978 = vector.shape_cast %parallel_loop3A_977 : vector<1x16xf32> to vector<16xf32>
        %parallel_loop3A_979 = arith.index_cast %parallel_loop3A_304 : i32 to index
        %parallel_loop3A_980 = arith.constant 624 : index
        %parallel_loop3A_981 = tpu.vector_load %arg8[%parallel_loop3A_979, %parallel_loop3A_980] {strides = array<i32>} : memref<8x1024xf32, #tpu.memory_space<vmem>>, vector<1x16xf32>,
        %parallel_loop3A_982 = vector.shape_cast %parallel_loop3A_981 : vector<1x16xf32> to vector<16xf32>
        %parallel_loop3A_983 = arith.addi %mul3A_109, %parallel_loop3A_304 : i32
        %parallel_loop3A_984 = arith.index_cast %parallel_loop3A_983 : i32 to index
        %parallel_loop3A_985 = arith.constant 512 : index
        %parallel_loop3A_986 = tpu.vector_load %arg7[%parallel_loop3A_984, %parallel_loop3A_985] {strides = array<i32>} : memref<64x1024xf32, #tpu.memory_space<vmem>>, vector<1x16xf32>,
        %parallel_loop3A_987 = vector.shape_cast %parallel_loop3A_986 : vector<1x16xf32> to vector<16xf32>
        %parallel_loop3A_988 = arith.addi %mul3A_109, %parallel_loop3A_304 : i32
        %parallel_loop3A_989 = arith.index_cast %parallel_loop3A_988 : i32 to index
        %parallel_loop3A_990 = arith.constant 528 : index
        %parallel_loop3A_991 = tpu.vector_load %arg7[%parallel_loop3A_989, %parallel_loop3A_990] {strides = array<i32>} : memref<64x1024xf32, #tpu.memory_space<vmem>>, vector<1x16xf32>,
        %parallel_loop3A_992 = vector.shape_cast %parallel_loop3A_991 : vector<1x16xf32> to vector<16xf32>
        %parallel_loop3A_993 = arith.addi %mul3A_109, %parallel_loop3A_304 : i32
        %parallel_loop3A_994 = arith.index_cast %parallel_loop3A_993 : i32 to index
        %parallel_loop3A_995 = arith.constant 544 : index
        %parallel_loop3A_996 = tpu.vector_load %arg7[%parallel_loop3A_994, %parallel_loop3A_995] {strides = array<i32>} : memref<64x1024xf32, #tpu.memory_space<vmem>>, vector<1x16xf32>,
        %parallel_loop3A_997 = vector.shape_cast %parallel_loop3A_996 : vector<1x16xf32> to vector<16xf32>
        %parallel_loop3A_998 = arith.addi %mul3A_109, %parallel_loop3A_304 : i32
        %parallel_loop3A_999 = arith.index_cast %parallel_loop3A_998 : i32 to index
        %parallel_loop3A_1000 = arith.constant 560 : index
        %parallel_loop3A_1001 = tpu.vector_load %arg7[%parallel_loop3A_999, %parallel_loop3A_1000] {strides = array<i32>} : memref<64x1024xf32, #tpu.memory_space<vmem>>, vector<1x16xf32>,
        %parallel_loop3A_1002 = vector.shape_cast %parallel_loop3A_1001 : vector<1x16xf32> to vector<16xf32>
        %parallel_loop3A_1003 = arith.addi %mul3A_109, %parallel_loop3A_304 : i32
        %parallel_loop3A_1004 = arith.index_cast %parallel_loop3A_1003 : i32 to index
        %parallel_loop3A_1005 = arith.constant 576 : index
        %parallel_loop3A_1006 = tpu.vector_load %arg7[%parallel_loop3A_1004, %parallel_loop3A_1005] {strides = array<i32>} : memref<64x1024xf32, #tpu.memory_space<vmem>>, vector<1x16xf32>,
        %parallel_loop3A_1007 = vector.shape_cast %parallel_loop3A_1006 : vector<1x16xf32> to vector<16xf32>
        %parallel_loop3A_1008 = arith.addi %mul3A_109, %parallel_loop3A_304 : i32
        %parallel_loop3A_1009 = arith.index_cast %parallel_loop3A_1008 : i32 to index
        %parallel_loop3A_1010 = arith.constant 592 : index
        %parallel_loop3A_1011 = tpu.vector_load %arg7[%parallel_loop3A_1009, %parallel_loop3A_1010] {strides = array<i32>} : memref<64x1024xf32, #tpu.memory_space<vmem>>, vector<1x16xf32>,
        %parallel_loop3A_1012 = vector.shape_cast %parallel_loop3A_1011 : vector<1x16xf32> to vector<16xf32>
        %parallel_loop3A_1013 = arith.addi %mul3A_109, %parallel_loop3A_304 : i32
        %parallel_loop3A_1014 = arith.index_cast %parallel_loop3A_1013 : i32 to index
        %parallel_loop3A_1015 = arith.constant 608 : index
        %parallel_loop3A_1016 = tpu.vector_load %arg7[%parallel_loop3A_1014, %parallel_loop3A_1015] {strides = array<i32>} : memref<64x1024xf32, #tpu.memory_space<vmem>>, vector<1x16xf32>,
        %parallel_loop3A_1017 = vector.shape_cast %parallel_loop3A_1016 : vector<1x16xf32> to vector<16xf32>
        %parallel_loop3A_1018 = arith.addi %mul3A_109, %parallel_loop3A_304 : i32
        %parallel_loop3A_1019 = arith.index_cast %parallel_loop3A_1018 : i32 to index
        %parallel_loop3A_1020 = arith.constant 624 : index
        %parallel_loop3A_1021 = tpu.vector_load %arg7[%parallel_loop3A_1019, %parallel_loop3A_1020] {strides = array<i32>} : memref<64x1024xf32, #tpu.memory_space<vmem>>, vector<1x16xf32>,
        %parallel_loop3A_1022 = vector.shape_cast %parallel_loop3A_1021 : vector<1x16xf32> to vector<16xf32>
        %parallel_loop3A_1023 = arith.index_cast %parallel_loop3A_310 : i32 to index
        %parallel_loop3A_1024 = arith.constant 512 : index
        %parallel_loop3A_1025 = tpu.vector_load %arg12[%parallel_loop3A_1023, %parallel_loop3A_1024] {strides = array<i32>} : memref<5x1024xf32, #tpu.memory_space<vmem>>, vector<1x16xf32>,
        %parallel_loop3A_1026 = vector.shape_cast %parallel_loop3A_1025 : vector<1x16xf32> to vector<16xf32>
        %parallel_loop3A_1027 = arith.index_cast %parallel_loop3A_310 : i32 to index
        %parallel_loop3A_1028 = arith.constant 528 : index
        %parallel_loop3A_1029 = tpu.vector_load %arg12[%parallel_loop3A_1027, %parallel_loop3A_1028] {strides = array<i32>} : memref<5x1024xf32, #tpu.memory_space<vmem>>, vector<1x16xf32>,
        %parallel_loop3A_1030 = vector.shape_cast %parallel_loop3A_1029 : vector<1x16xf32> to vector<16xf32>
        %parallel_loop3A_1031 = arith.index_cast %parallel_loop3A_310 : i32 to index
        %parallel_loop3A_1032 = arith.constant 544 : index
        %parallel_loop3A_1033 = tpu.vector_load %arg12[%parallel_loop3A_1031, %parallel_loop3A_1032] {strides = array<i32>} : memref<5x1024xf32, #tpu.memory_space<vmem>>, vector<1x16xf32>,
        %parallel_loop3A_1034 = vector.shape_cast %parallel_loop3A_1033 : vector<1x16xf32> to vector<16xf32>
        %parallel_loop3A_1035 = arith.index_cast %parallel_loop3A_310 : i32 to index
        %parallel_loop3A_1036 = arith.constant 560 : index
        %parallel_loop3A_1037 = tpu.vector_load %arg12[%parallel_loop3A_1035, %parallel_loop3A_1036] {strides = array<i32>} : memref<5x1024xf32, #tpu.memory_space<vmem>>, vector<1x16xf32>,
        %parallel_loop3A_1038 = vector.shape_cast %parallel_loop3A_1037 : vector<1x16xf32> to vector<16xf32>
        %parallel_loop3A_1039 = arith.index_cast %parallel_loop3A_310 : i32 to index
        %parallel_loop3A_1040 = arith.constant 576 : index
        %parallel_loop3A_1041 = tpu.vector_load %arg12[%parallel_loop3A_1039, %parallel_loop3A_1040] {strides = array<i32>} : memref<5x1024xf32, #tpu.memory_space<vmem>>, vector<1x16xf32>,
        %parallel_loop3A_1042 = vector.shape_cast %parallel_loop3A_1041 : vector<1x16xf32> to vector<16xf32>
        %parallel_loop3A_1043 = arith.index_cast %parallel_loop3A_310 : i32 to index
        %parallel_loop3A_1044 = arith.constant 592 : index
        %parallel_loop3A_1045 = tpu.vector_load %arg12[%parallel_loop3A_1043, %parallel_loop3A_1044] {strides = array<i32>} : memref<5x1024xf32, #tpu.memory_space<vmem>>, vector<1x16xf32>,
        %parallel_loop3A_1046 = vector.shape_cast %parallel_loop3A_1045 : vector<1x16xf32> to vector<16xf32>
        %parallel_loop3A_1047 = arith.index_cast %parallel_loop3A_310 : i32 to index
        %parallel_loop3A_1048 = arith.constant 608 : index
        %parallel_loop3A_1049 = tpu.vector_load %arg12[%parallel_loop3A_1047, %parallel_loop3A_1048] {strides = array<i32>} : memref<5x1024xf32, #tpu.memory_space<vmem>>, vector<1x16xf32>,
        %parallel_loop3A_1050 = vector.shape_cast %parallel_loop3A_1049 : vector<1x16xf32> to vector<16xf32>
        %parallel_loop3A_1051 = arith.index_cast %parallel_loop3A_310 : i32 to index
        %parallel_loop3A_1052 = arith.constant 624 : index
        %parallel_loop3A_1053 = tpu.vector_load %arg12[%parallel_loop3A_1051, %parallel_loop3A_1052] {strides = array<i32>} : memref<5x1024xf32, #tpu.memory_space<vmem>>, vector<1x16xf32>,
        %parallel_loop3A_1054 = vector.shape_cast %parallel_loop3A_1053 : vector<1x16xf32> to vector<16xf32>
        %parallel_loop3A_1055 = arith.addf %parallel_loop3A_954, %parallel_loop3A_987 : vector<16xf32>
        %parallel_loop3A_1056 = arith.addf %parallel_loop3A_958, %parallel_loop3A_992 : vector<16xf32>
        %parallel_loop3A_1057 = arith.addf %parallel_loop3A_962, %parallel_loop3A_997 : vector<16xf32>
        %parallel_loop3A_1058 = arith.addf %parallel_loop3A_966, %parallel_loop3A_1002 : vector<16xf32>
        %parallel_loop3A_1059 = arith.addf %parallel_loop3A_970, %parallel_loop3A_1007 : vector<16xf32>
        %parallel_loop3A_1060 = arith.addf %parallel_loop3A_974, %parallel_loop3A_1012 : vector<16xf32>
        %parallel_loop3A_1061 = arith.addf %parallel_loop3A_978, %parallel_loop3A_1017 : vector<16xf32>
        %parallel_loop3A_1062 = arith.addf %parallel_loop3A_982, %parallel_loop3A_1022 : vector<16xf32>
        %parallel_loop3A_1063 = arith.addf %parallel_loop3A_1055, %parallel_loop3A_1026 : vector<16xf32>
        %parallel_loop3A_1064 = arith.index_cast %parallel_loop3A_304 : i32 to index
        %parallel_loop3A_1065 = arith.constant 512 : index
        %parallel_loop3A_1066 = tpu.vector_load %arg10[%parallel_loop3A_1064, %parallel_loop3A_1065] {strides = array<i32>} : memref<8x1024xf32, #tpu.memory_space<vmem>>, vector<1x16xf32>,
        %parallel_loop3A_1067 = vector.shape_cast %parallel_loop3A_1066 : vector<1x16xf32> to vector<16xf32>
        %parallel_loop3A_1068 = vector.shape_cast %parallel_loop3A_1063 : vector<16xf32> to vector<1x16xf32>
        tpu.vector_store %arg10[%parallel_loop3A_1064, %parallel_loop3A_1065], %parallel_loop3A_1068 {strides = array<i32>} : memref<8x1024xf32, #tpu.memory_space<vmem>>, vector<1x16xf32>,
        %parallel_loop3A_1069 = arith.addf %parallel_loop3A_1056, %parallel_loop3A_1030 : vector<16xf32>
        %parallel_loop3A_1070 = arith.index_cast %parallel_loop3A_304 : i32 to index
        %parallel_loop3A_1071 = arith.constant 528 : index
        %parallel_loop3A_1072 = tpu.vector_load %arg10[%parallel_loop3A_1070, %parallel_loop3A_1071] {strides = array<i32>} : memref<8x1024xf32, #tpu.memory_space<vmem>>, vector<1x16xf32>,
        %parallel_loop3A_1073 = vector.shape_cast %parallel_loop3A_1072 : vector<1x16xf32> to vector<16xf32>
        %parallel_loop3A_1074 = vector.shape_cast %parallel_loop3A_1069 : vector<16xf32> to vector<1x16xf32>
        tpu.vector_store %arg10[%parallel_loop3A_1070, %parallel_loop3A_1071], %parallel_loop3A_1074 {strides = array<i32>} : memref<8x1024xf32, #tpu.memory_space<vmem>>, vector<1x16xf32>,
        %parallel_loop3A_1075 = arith.addf %parallel_loop3A_1057, %parallel_loop3A_1034 : vector<16xf32>
        %parallel_loop3A_1076 = arith.index_cast %parallel_loop3A_304 : i32 to index
        %parallel_loop3A_1077 = arith.constant 544 : index
        %parallel_loop3A_1078 = tpu.vector_load %arg10[%parallel_loop3A_1076, %parallel_loop3A_1077] {strides = array<i32>} : memref<8x1024xf32, #tpu.memory_space<vmem>>, vector<1x16xf32>,
        %parallel_loop3A_1079 = vector.shape_cast %parallel_loop3A_1078 : vector<1x16xf32> to vector<16xf32>
        %parallel_loop3A_1080 = vector.shape_cast %parallel_loop3A_1075 : vector<16xf32> to vector<1x16xf32>
        tpu.vector_store %arg10[%parallel_loop3A_1076, %parallel_loop3A_1077], %parallel_loop3A_1080 {strides = array<i32>} : memref<8x1024xf32, #tpu.memory_space<vmem>>, vector<1x16xf32>,
        %parallel_loop3A_1081 = arith.addf %parallel_loop3A_1058, %parallel_loop3A_1038 : vector<16xf32>
        %parallel_loop3A_1082 = arith.index_cast %parallel_loop3A_304 : i32 to index
        %parallel_loop3A_1083 = arith.constant 560 : index
        %parallel_loop3A_1084 = tpu.vector_load %arg10[%parallel_loop3A_1082, %parallel_loop3A_1083] {strides = array<i32>} : memref<8x1024xf32, #tpu.memory_space<vmem>>, vector<1x16xf32>,
        %parallel_loop3A_1085 = vector.shape_cast %parallel_loop3A_1084 : vector<1x16xf32> to vector<16xf32>
        %parallel_loop3A_1086 = vector.shape_cast %parallel_loop3A_1081 : vector<16xf32> to vector<1x16xf32>
        tpu.vector_store %arg10[%parallel_loop3A_1082, %parallel_loop3A_1083], %parallel_loop3A_1086 {strides = array<i32>} : memref<8x1024xf32, #tpu.memory_space<vmem>>, vector<1x16xf32>,
        %parallel_loop3A_1087 = arith.addf %parallel_loop3A_1059, %parallel_loop3A_1042 : vector<16xf32>
        %parallel_loop3A_1088 = arith.index_cast %parallel_loop3A_304 : i32 to index
        %parallel_loop3A_1089 = arith.constant 576 : index
        %parallel_loop3A_1090 = tpu.vector_load %arg10[%parallel_loop3A_1088, %parallel_loop3A_1089] {strides = array<i32>} : memref<8x1024xf32, #tpu.memory_space<vmem>>, vector<1x16xf32>,
        %parallel_loop3A_1091 = vector.shape_cast %parallel_loop3A_1090 : vector<1x16xf32> to vector<16xf32>
        %parallel_loop3A_1092 = vector.shape_cast %parallel_loop3A_1087 : vector<16xf32> to vector<1x16xf32>
        tpu.vector_store %arg10[%parallel_loop3A_1088, %parallel_loop3A_1089], %parallel_loop3A_1092 {strides = array<i32>} : memref<8x1024xf32, #tpu.memory_space<vmem>>, vector<1x16xf32>,
        %parallel_loop3A_1093 = arith.addf %parallel_loop3A_1060, %parallel_loop3A_1046 : vector<16xf32>
        %parallel_loop3A_1094 = arith.index_cast %parallel_loop3A_304 : i32 to index
        %parallel_loop3A_1095 = arith.constant 592 : index
        %parallel_loop3A_1096 = tpu.vector_load %arg10[%parallel_loop3A_1094, %parallel_loop3A_1095] {strides = array<i32>} : memref<8x1024xf32, #tpu.memory_space<vmem>>, vector<1x16xf32>,
        %parallel_loop3A_1097 = vector.shape_cast %parallel_loop3A_1096 : vector<1x16xf32> to vector<16xf32>
        %parallel_loop3A_1098 = vector.shape_cast %parallel_loop3A_1093 : vector<16xf32> to vector<1x16xf32>
        tpu.vector_store %arg10[%parallel_loop3A_1094, %parallel_loop3A_1095], %parallel_loop3A_1098 {strides = array<i32>} : memref<8x1024xf32, #tpu.memory_space<vmem>>, vector<1x16xf32>,
        %parallel_loop3A_1099 = arith.addf %parallel_loop3A_1061, %parallel_loop3A_1050 : vector<16xf32>
        %parallel_loop3A_1100 = arith.index_cast %parallel_loop3A_304 : i32 to index
        %parallel_loop3A_1101 = arith.constant 608 : index
        %parallel_loop3A_1102 = tpu.vector_load %arg10[%parallel_loop3A_1100, %parallel_loop3A_1101] {strides = array<i32>} : memref<8x1024xf32, #tpu.memory_space<vmem>>, vector<1x16xf32>,
        %parallel_loop3A_1103 = vector.shape_cast %parallel_loop3A_1102 : vector<1x16xf32> to vector<16xf32>
        %parallel_loop3A_1104 = vector.shape_cast %parallel_loop3A_1099 : vector<16xf32> to vector<1x16xf32>
        tpu.vector_store %arg10[%parallel_loop3A_1100, %parallel_loop3A_1101], %parallel_loop3A_1104 {strides = array<i32>} : memref<8x1024xf32, #tpu.memory_space<vmem>>, vector<1x16xf32>,
        %parallel_loop3A_1105 = arith.addf %parallel_loop3A_1062, %parallel_loop3A_1054 : vector<16xf32>
        %parallel_loop3A_1106 = arith.index_cast %parallel_loop3A_304 : i32 to index
        %parallel_loop3A_1107 = arith.constant 624 : index
        %parallel_loop3A_1108 = tpu.vector_load %arg10[%parallel_loop3A_1106, %parallel_loop3A_1107] {strides = array<i32>} : memref<8x1024xf32, #tpu.memory_space<vmem>>, vector<1x16xf32>,
        %parallel_loop3A_1109 = vector.shape_cast %parallel_loop3A_1108 : vector<1x16xf32> to vector<16xf32>
        %parallel_loop3A_1110 = vector.shape_cast %parallel_loop3A_1105 : vector<16xf32> to vector<1x16xf32>
        tpu.vector_store %arg10[%parallel_loop3A_1106, %parallel_loop3A_1107], %parallel_loop3A_1110 {strides = array<i32>} : memref<8x1024xf32, #tpu.memory_space<vmem>>, vector<1x16xf32>,
        %parallel_loop3A_1111 = arith.index_cast %parallel_loop3A_304 : i32 to index
        %parallel_loop3A_1112 = arith.constant 640 : index
        %parallel_loop3A_1113 = tpu.vector_load %arg8[%parallel_loop3A_1111, %parallel_loop3A_1112] {strides = array<i32>} : memref<8x1024xf32, #tpu.memory_space<vmem>>, vector<1x16xf32>,
        %parallel_loop3A_1114 = vector.shape_cast %parallel_loop3A_1113 : vector<1x16xf32> to vector<16xf32>
        %parallel_loop3A_1115 = arith.index_cast %parallel_loop3A_304 : i32 to index
        %parallel_loop3A_1116 = arith.constant 656 : index
        %parallel_loop3A_1117 = tpu.vector_load %arg8[%parallel_loop3A_1115, %parallel_loop3A_1116] {strides = array<i32>} : memref<8x1024xf32, #tpu.memory_space<vmem>>, vector<1x16xf32>,
        %parallel_loop3A_1118 = vector.shape_cast %parallel_loop3A_1117 : vector<1x16xf32> to vector<16xf32>
        %parallel_loop3A_1119 = arith.index_cast %parallel_loop3A_304 : i32 to index
        %parallel_loop3A_1120 = arith.constant 672 : index
        %parallel_loop3A_1121 = tpu.vector_load %arg8[%parallel_loop3A_1119, %parallel_loop3A_1120] {strides = array<i32>} : memref<8x1024xf32, #tpu.memory_space<vmem>>, vector<1x16xf32>,
        %parallel_loop3A_1122 = vector.shape_cast %parallel_loop3A_1121 : vector<1x16xf32> to vector<16xf32>
        %parallel_loop3A_1123 = arith.index_cast %parallel_loop3A_304 : i32 to index
        %parallel_loop3A_1124 = arith.constant 688 : index
        %parallel_loop3A_1125 = tpu.vector_load %arg8[%parallel_loop3A_1123, %parallel_loop3A_1124] {strides = array<i32>} : memref<8x1024xf32, #tpu.memory_space<vmem>>, vector<1x16xf32>,
        %parallel_loop3A_1126 = vector.shape_cast %parallel_loop3A_1125 : vector<1x16xf32> to vector<16xf32>
        %parallel_loop3A_1127 = arith.index_cast %parallel_loop3A_304 : i32 to index
        %parallel_loop3A_1128 = arith.constant 704 : index
        %parallel_loop3A_1129 = tpu.vector_load %arg8[%parallel_loop3A_1127, %parallel_loop3A_1128] {strides = array<i32>} : memref<8x1024xf32, #tpu.memory_space<vmem>>, vector<1x16xf32>,
        %parallel_loop3A_1130 = vector.shape_cast %parallel_loop3A_1129 : vector<1x16xf32> to vector<16xf32>
        %parallel_loop3A_1131 = arith.index_cast %parallel_loop3A_304 : i32 to index
        %parallel_loop3A_1132 = arith.constant 720 : index
        %parallel_loop3A_1133 = tpu.vector_load %arg8[%parallel_loop3A_1131, %parallel_loop3A_1132] {strides = array<i32>} : memref<8x1024xf32, #tpu.memory_space<vmem>>, vector<1x16xf32>,
        %parallel_loop3A_1134 = vector.shape_cast %parallel_loop3A_1133 : vector<1x16xf32> to vector<16xf32>
        %parallel_loop3A_1135 = arith.index_cast %parallel_loop3A_304 : i32 to index
        %parallel_loop3A_1136 = arith.constant 736 : index
        %parallel_loop3A_1137 = tpu.vector_load %arg8[%parallel_loop3A_1135, %parallel_loop3A_1136] {strides = array<i32>} : memref<8x1024xf32, #tpu.memory_space<vmem>>, vector<1x16xf32>,
        %parallel_loop3A_1138 = vector.shape_cast %parallel_loop3A_1137 : vector<1x16xf32> to vector<16xf32>
        %parallel_loop3A_1139 = arith.index_cast %parallel_loop3A_304 : i32 to index
        %parallel_loop3A_1140 = arith.constant 752 : index
        %parallel_loop3A_1141 = tpu.vector_load %arg8[%parallel_loop3A_1139, %parallel_loop3A_1140] {strides = array<i32>} : memref<8x1024xf32, #tpu.memory_space<vmem>>, vector<1x16xf32>,
        %parallel_loop3A_1142 = vector.shape_cast %parallel_loop3A_1141 : vector<1x16xf32> to vector<16xf32>
        %parallel_loop3A_1143 = arith.addi %mul3A_109, %parallel_loop3A_304 : i32
        %parallel_loop3A_1144 = arith.index_cast %parallel_loop3A_1143 : i32 to index
        %parallel_loop3A_1145 = arith.constant 640 : index
        %parallel_loop3A_1146 = tpu.vector_load %arg7[%parallel_loop3A_1144, %parallel_loop3A_1145] {strides = array<i32>} : memref<64x1024xf32, #tpu.memory_space<vmem>>, vector<1x16xf32>,
        %parallel_loop3A_1147 = vector.shape_cast %parallel_loop3A_1146 : vector<1x16xf32> to vector<16xf32>
        %parallel_loop3A_1148 = arith.addi %mul3A_109, %parallel_loop3A_304 : i32
        %parallel_loop3A_1149 = arith.index_cast %parallel_loop3A_1148 : i32 to index
        %parallel_loop3A_1150 = arith.constant 656 : index
        %parallel_loop3A_1151 = tpu.vector_load %arg7[%parallel_loop3A_1149, %parallel_loop3A_1150] {strides = array<i32>} : memref<64x1024xf32, #tpu.memory_space<vmem>>, vector<1x16xf32>,
        %parallel_loop3A_1152 = vector.shape_cast %parallel_loop3A_1151 : vector<1x16xf32> to vector<16xf32>
        %parallel_loop3A_1153 = arith.addi %mul3A_109, %parallel_loop3A_304 : i32
        %parallel_loop3A_1154 = arith.index_cast %parallel_loop3A_1153 : i32 to index
        %parallel_loop3A_1155 = arith.constant 672 : index
        %parallel_loop3A_1156 = tpu.vector_load %arg7[%parallel_loop3A_1154, %parallel_loop3A_1155] {strides = array<i32>} : memref<64x1024xf32, #tpu.memory_space<vmem>>, vector<1x16xf32>,
        %parallel_loop3A_1157 = vector.shape_cast %parallel_loop3A_1156 : vector<1x16xf32> to vector<16xf32>
        %parallel_loop3A_1158 = arith.addi %mul3A_109, %parallel_loop3A_304 : i32
        %parallel_loop3A_1159 = arith.index_cast %parallel_loop3A_1158 : i32 to index
        %parallel_loop3A_1160 = arith.constant 688 : index
        %parallel_loop3A_1161 = tpu.vector_load %arg7[%parallel_loop3A_1159, %parallel_loop3A_1160] {strides = array<i32>} : memref<64x1024xf32, #tpu.memory_space<vmem>>, vector<1x16xf32>,
        %parallel_loop3A_1162 = vector.shape_cast %parallel_loop3A_1161 : vector<1x16xf32> to vector<16xf32>
        %parallel_loop3A_1163 = arith.addi %mul3A_109, %parallel_loop3A_304 : i32
        %parallel_loop3A_1164 = arith.index_cast %parallel_loop3A_1163 : i32 to index
        %parallel_loop3A_1165 = arith.constant 704 : index
        %parallel_loop3A_1166 = tpu.vector_load %arg7[%parallel_loop3A_1164, %parallel_loop3A_1165] {strides = array<i32>} : memref<64x1024xf32, #tpu.memory_space<vmem>>, vector<1x16xf32>,
        %parallel_loop3A_1167 = vector.shape_cast %parallel_loop3A_1166 : vector<1x16xf32> to vector<16xf32>
        %parallel_loop3A_1168 = arith.addi %mul3A_109, %parallel_loop3A_304 : i32
        %parallel_loop3A_1169 = arith.index_cast %parallel_loop3A_1168 : i32 to index
        %parallel_loop3A_1170 = arith.constant 720 : index
        %parallel_loop3A_1171 = tpu.vector_load %arg7[%parallel_loop3A_1169, %parallel_loop3A_1170] {strides = array<i32>} : memref<64x1024xf32, #tpu.memory_space<vmem>>, vector<1x16xf32>,
        %parallel_loop3A_1172 = vector.shape_cast %parallel_loop3A_1171 : vector<1x16xf32> to vector<16xf32>
        %parallel_loop3A_1173 = arith.addi %mul3A_109, %parallel_loop3A_304 : i32
        %parallel_loop3A_1174 = arith.index_cast %parallel_loop3A_1173 : i32 to index
        %parallel_loop3A_1175 = arith.constant 736 : index
        %parallel_loop3A_1176 = tpu.vector_load %arg7[%parallel_loop3A_1174, %parallel_loop3A_1175] {strides = array<i32>} : memref<64x1024xf32, #tpu.memory_space<vmem>>, vector<1x16xf32>,
        %parallel_loop3A_1177 = vector.shape_cast %parallel_loop3A_1176 : vector<1x16xf32> to vector<16xf32>
        %parallel_loop3A_1178 = arith.addi %mul3A_109, %parallel_loop3A_304 : i32
        %parallel_loop3A_1179 = arith.index_cast %parallel_loop3A_1178 : i32 to index
        %parallel_loop3A_1180 = arith.constant 752 : index
        %parallel_loop3A_1181 = tpu.vector_load %arg7[%parallel_loop3A_1179, %parallel_loop3A_1180] {strides = array<i32>} : memref<64x1024xf32, #tpu.memory_space<vmem>>, vector<1x16xf32>,
        %parallel_loop3A_1182 = vector.shape_cast %parallel_loop3A_1181 : vector<1x16xf32> to vector<16xf32>
        %parallel_loop3A_1183 = arith.index_cast %parallel_loop3A_310 : i32 to index
        %parallel_loop3A_1184 = arith.constant 640 : index
        %parallel_loop3A_1185 = tpu.vector_load %arg12[%parallel_loop3A_1183, %parallel_loop3A_1184] {strides = array<i32>} : memref<5x1024xf32, #tpu.memory_space<vmem>>, vector<1x16xf32>,
        %parallel_loop3A_1186 = vector.shape_cast %parallel_loop3A_1185 : vector<1x16xf32> to vector<16xf32>
        %parallel_loop3A_1187 = arith.index_cast %parallel_loop3A_310 : i32 to index
        %parallel_loop3A_1188 = arith.constant 656 : index
        %parallel_loop3A_1189 = tpu.vector_load %arg12[%parallel_loop3A_1187, %parallel_loop3A_1188] {strides = array<i32>} : memref<5x1024xf32, #tpu.memory_space<vmem>>, vector<1x16xf32>,
        %parallel_loop3A_1190 = vector.shape_cast %parallel_loop3A_1189 : vector<1x16xf32> to vector<16xf32>
        %parallel_loop3A_1191 = arith.index_cast %parallel_loop3A_310 : i32 to index
        %parallel_loop3A_1192 = arith.constant 672 : index
        %parallel_loop3A_1193 = tpu.vector_load %arg12[%parallel_loop3A_1191, %parallel_loop3A_1192] {strides = array<i32>} : memref<5x1024xf32, #tpu.memory_space<vmem>>, vector<1x16xf32>,
        %parallel_loop3A_1194 = vector.shape_cast %parallel_loop3A_1193 : vector<1x16xf32> to vector<16xf32>
        %parallel_loop3A_1195 = arith.index_cast %parallel_loop3A_310 : i32 to index
        %parallel_loop3A_1196 = arith.constant 688 : index
        %parallel_loop3A_1197 = tpu.vector_load %arg12[%parallel_loop3A_1195, %parallel_loop3A_1196] {strides = array<i32>} : memref<5x1024xf32, #tpu.memory_space<vmem>>, vector<1x16xf32>,
        %parallel_loop3A_1198 = vector.shape_cast %parallel_loop3A_1197 : vector<1x16xf32> to vector<16xf32>
        %parallel_loop3A_1199 = arith.index_cast %parallel_loop3A_310 : i32 to index
        %parallel_loop3A_1200 = arith.constant 704 : index
        %parallel_loop3A_1201 = tpu.vector_load %arg12[%parallel_loop3A_1199, %parallel_loop3A_1200] {strides = array<i32>} : memref<5x1024xf32, #tpu.memory_space<vmem>>, vector<1x16xf32>,
        %parallel_loop3A_1202 = vector.shape_cast %parallel_loop3A_1201 : vector<1x16xf32> to vector<16xf32>
        %parallel_loop3A_1203 = arith.index_cast %parallel_loop3A_310 : i32 to index
        %parallel_loop3A_1204 = arith.constant 720 : index
        %parallel_loop3A_1205 = tpu.vector_load %arg12[%parallel_loop3A_1203, %parallel_loop3A_1204] {strides = array<i32>} : memref<5x1024xf32, #tpu.memory_space<vmem>>, vector<1x16xf32>,
        %parallel_loop3A_1206 = vector.shape_cast %parallel_loop3A_1205 : vector<1x16xf32> to vector<16xf32>
        %parallel_loop3A_1207 = arith.index_cast %parallel_loop3A_310 : i32 to index
        %parallel_loop3A_1208 = arith.constant 736 : index
        %parallel_loop3A_1209 = tpu.vector_load %arg12[%parallel_loop3A_1207, %parallel_loop3A_1208] {strides = array<i32>} : memref<5x1024xf32, #tpu.memory_space<vmem>>, vector<1x16xf32>,
        %parallel_loop3A_1210 = vector.shape_cast %parallel_loop3A_1209 : vector<1x16xf32> to vector<16xf32>
        %parallel_loop3A_1211 = arith.index_cast %parallel_loop3A_310 : i32 to index
        %parallel_loop3A_1212 = arith.constant 752 : index
        %parallel_loop3A_1213 = tpu.vector_load %arg12[%parallel_loop3A_1211, %parallel_loop3A_1212] {strides = array<i32>} : memref<5x1024xf32, #tpu.memory_space<vmem>>, vector<1x16xf32>,
        %parallel_loop3A_1214 = vector.shape_cast %parallel_loop3A_1213 : vector<1x16xf32> to vector<16xf32>
        %parallel_loop3A_1215 = arith.addf %parallel_loop3A_1114, %parallel_loop3A_1147 : vector<16xf32>
        %parallel_loop3A_1216 = arith.addf %parallel_loop3A_1118, %parallel_loop3A_1152 : vector<16xf32>
        %parallel_loop3A_1217 = arith.addf %parallel_loop3A_1122, %parallel_loop3A_1157 : vector<16xf32>
        %parallel_loop3A_1218 = arith.addf %parallel_loop3A_1126, %parallel_loop3A_1162 : vector<16xf32>
        %parallel_loop3A_1219 = arith.addf %parallel_loop3A_1130, %parallel_loop3A_1167 : vector<16xf32>
        %parallel_loop3A_1220 = arith.addf %parallel_loop3A_1134, %parallel_loop3A_1172 : vector<16xf32>
        %parallel_loop3A_1221 = arith.addf %parallel_loop3A_1138, %parallel_loop3A_1177 : vector<16xf32>
        %parallel_loop3A_1222 = arith.addf %parallel_loop3A_1142, %parallel_loop3A_1182 : vector<16xf32>
        %parallel_loop3A_1223 = arith.addf %parallel_loop3A_1215, %parallel_loop3A_1186 : vector<16xf32>
        %parallel_loop3A_1224 = arith.index_cast %parallel_loop3A_304 : i32 to index
        %parallel_loop3A_1225 = arith.constant 640 : index
        %parallel_loop3A_1226 = tpu.vector_load %arg10[%parallel_loop3A_1224, %parallel_loop3A_1225] {strides = array<i32>} : memref<8x1024xf32, #tpu.memory_space<vmem>>, vector<1x16xf32>,
        %parallel_loop3A_1227 = vector.shape_cast %parallel_loop3A_1226 : vector<1x16xf32> to vector<16xf32>
        %parallel_loop3A_1228 = vector.shape_cast %parallel_loop3A_1223 : vector<16xf32> to vector<1x16xf32>
        tpu.vector_store %arg10[%parallel_loop3A_1224, %parallel_loop3A_1225], %parallel_loop3A_1228 {strides = array<i32>} : memref<8x1024xf32, #tpu.memory_space<vmem>>, vector<1x16xf32>,
        %parallel_loop3A_1229 = arith.addf %parallel_loop3A_1216, %parallel_loop3A_1190 : vector<16xf32>
        %parallel_loop3A_1230 = arith.index_cast %parallel_loop3A_304 : i32 to index
        %parallel_loop3A_1231 = arith.constant 656 : index
        %parallel_loop3A_1232 = tpu.vector_load %arg10[%parallel_loop3A_1230, %parallel_loop3A_1231] {strides = array<i32>} : memref<8x1024xf32, #tpu.memory_space<vmem>>, vector<1x16xf32>,
        %parallel_loop3A_1233 = vector.shape_cast %parallel_loop3A_1232 : vector<1x16xf32> to vector<16xf32>
        %parallel_loop3A_1234 = vector.shape_cast %parallel_loop3A_1229 : vector<16xf32> to vector<1x16xf32>
        tpu.vector_store %arg10[%parallel_loop3A_1230, %parallel_loop3A_1231], %parallel_loop3A_1234 {strides = array<i32>} : memref<8x1024xf32, #tpu.memory_space<vmem>>, vector<1x16xf32>,
        %parallel_loop3A_1235 = arith.addf %parallel_loop3A_1217, %parallel_loop3A_1194 : vector<16xf32>
        %parallel_loop3A_1236 = arith.index_cast %parallel_loop3A_304 : i32 to index
        %parallel_loop3A_1237 = arith.constant 672 : index
        %parallel_loop3A_1238 = tpu.vector_load %arg10[%parallel_loop3A_1236, %parallel_loop3A_1237] {strides = array<i32>} : memref<8x1024xf32, #tpu.memory_space<vmem>>, vector<1x16xf32>,
        %parallel_loop3A_1239 = vector.shape_cast %parallel_loop3A_1238 : vector<1x16xf32> to vector<16xf32>
        %parallel_loop3A_1240 = vector.shape_cast %parallel_loop3A_1235 : vector<16xf32> to vector<1x16xf32>
        tpu.vector_store %arg10[%parallel_loop3A_1236, %parallel_loop3A_1237], %parallel_loop3A_1240 {strides = array<i32>} : memref<8x1024xf32, #tpu.memory_space<vmem>>, vector<1x16xf32>,
        %parallel_loop3A_1241 = arith.addf %parallel_loop3A_1218, %parallel_loop3A_1198 : vector<16xf32>
        %parallel_loop3A_1242 = arith.index_cast %parallel_loop3A_304 : i32 to index
        %parallel_loop3A_1243 = arith.constant 688 : index
        %parallel_loop3A_1244 = tpu.vector_load %arg10[%parallel_loop3A_1242, %parallel_loop3A_1243] {strides = array<i32>} : memref<8x1024xf32, #tpu.memory_space<vmem>>, vector<1x16xf32>,
        %parallel_loop3A_1245 = vector.shape_cast %parallel_loop3A_1244 : vector<1x16xf32> to vector<16xf32>
        %parallel_loop3A_1246 = vector.shape_cast %parallel_loop3A_1241 : vector<16xf32> to vector<1x16xf32>
        tpu.vector_store %arg10[%parallel_loop3A_1242, %parallel_loop3A_1243], %parallel_loop3A_1246 {strides = array<i32>} : memref<8x1024xf32, #tpu.memory_space<vmem>>, vector<1x16xf32>,
        %parallel_loop3A_1247 = arith.addf %parallel_loop3A_1219, %parallel_loop3A_1202 : vector<16xf32>
        %parallel_loop3A_1248 = arith.index_cast %parallel_loop3A_304 : i32 to index
        %parallel_loop3A_1249 = arith.constant 704 : index
        %parallel_loop3A_1250 = tpu.vector_load %arg10[%parallel_loop3A_1248, %parallel_loop3A_1249] {strides = array<i32>} : memref<8x1024xf32, #tpu.memory_space<vmem>>, vector<1x16xf32>,
        %parallel_loop3A_1251 = vector.shape_cast %parallel_loop3A_1250 : vector<1x16xf32> to vector<16xf32>
        %parallel_loop3A_1252 = vector.shape_cast %parallel_loop3A_1247 : vector<16xf32> to vector<1x16xf32>
        tpu.vector_store %arg10[%parallel_loop3A_1248, %parallel_loop3A_1249], %parallel_loop3A_1252 {strides = array<i32>} : memref<8x1024xf32, #tpu.memory_space<vmem>>, vector<1x16xf32>,
        %parallel_loop3A_1253 = arith.addf %parallel_loop3A_1220, %parallel_loop3A_1206 : vector<16xf32>
        %parallel_loop3A_1254 = arith.index_cast %parallel_loop3A_304 : i32 to index
        %parallel_loop3A_1255 = arith.constant 720 : index
        %parallel_loop3A_1256 = tpu.vector_load %arg10[%parallel_loop3A_1254, %parallel_loop3A_1255] {strides = array<i32>} : memref<8x1024xf32, #tpu.memory_space<vmem>>, vector<1x16xf32>,
        %parallel_loop3A_1257 = vector.shape_cast %parallel_loop3A_1256 : vector<1x16xf32> to vector<16xf32>
        %parallel_loop3A_1258 = vector.shape_cast %parallel_loop3A_1253 : vector<16xf32> to vector<1x16xf32>
        tpu.vector_store %arg10[%parallel_loop3A_1254, %parallel_loop3A_1255], %parallel_loop3A_1258 {strides = array<i32>} : memref<8x1024xf32, #tpu.memory_space<vmem>>, vector<1x16xf32>,
        %parallel_loop3A_1259 = arith.addf %parallel_loop3A_1221, %parallel_loop3A_1210 : vector<16xf32>
        %parallel_loop3A_1260 = arith.index_cast %parallel_loop3A_304 : i32 to index
        %parallel_loop3A_1261 = arith.constant 736 : index
        %parallel_loop3A_1262 = tpu.vector_load %arg10[%parallel_loop3A_1260, %parallel_loop3A_1261] {strides = array<i32>} : memref<8x1024xf32, #tpu.memory_space<vmem>>, vector<1x16xf32>,
        %parallel_loop3A_1263 = vector.shape_cast %parallel_loop3A_1262 : vector<1x16xf32> to vector<16xf32>
        %parallel_loop3A_1264 = vector.shape_cast %parallel_loop3A_1259 : vector<16xf32> to vector<1x16xf32>
        tpu.vector_store %arg10[%parallel_loop3A_1260, %parallel_loop3A_1261], %parallel_loop3A_1264 {strides = array<i32>} : memref<8x1024xf32, #tpu.memory_space<vmem>>, vector<1x16xf32>,
        %parallel_loop3A_1265 = arith.addf %parallel_loop3A_1222, %parallel_loop3A_1214 : vector<16xf32>
        %parallel_loop3A_1266 = arith.index_cast %parallel_loop3A_304 : i32 to index
        %parallel_loop3A_1267 = arith.constant 752 : index
        %parallel_loop3A_1268 = tpu.vector_load %arg10[%parallel_loop3A_1266, %parallel_loop3A_1267] {strides = array<i32>} : memref<8x1024xf32, #tpu.memory_space<vmem>>, vector<1x16xf32>,
        %parallel_loop3A_1269 = vector.shape_cast %parallel_loop3A_1268 : vector<1x16xf32> to vector<16xf32>
        %parallel_loop3A_1270 = vector.shape_cast %parallel_loop3A_1265 : vector<16xf32> to vector<1x16xf32>
        tpu.vector_store %arg10[%parallel_loop3A_1266, %parallel_loop3A_1267], %parallel_loop3A_1270 {strides = array<i32>} : memref<8x1024xf32, #tpu.memory_space<vmem>>, vector<1x16xf32>,
        %parallel_loop3A_1271 = arith.index_cast %parallel_loop3A_304 : i32 to index
        %parallel_loop3A_1272 = arith.constant 768 : index
        %parallel_loop3A_1273 = tpu.vector_load %arg8[%parallel_loop3A_1271, %parallel_loop3A_1272] {strides = array<i32>} : memref<8x1024xf32, #tpu.memory_space<vmem>>, vector<1x16xf32>,
        %parallel_loop3A_1274 = vector.shape_cast %parallel_loop3A_1273 : vector<1x16xf32> to vector<16xf32>
        %parallel_loop3A_1275 = arith.index_cast %parallel_loop3A_304 : i32 to index
        %parallel_loop3A_1276 = arith.constant 784 : index
        %parallel_loop3A_1277 = tpu.vector_load %arg8[%parallel_loop3A_1275, %parallel_loop3A_1276] {strides = array<i32>} : memref<8x1024xf32, #tpu.memory_space<vmem>>, vector<1x16xf32>,
        %parallel_loop3A_1278 = vector.shape_cast %parallel_loop3A_1277 : vector<1x16xf32> to vector<16xf32>
        %parallel_loop3A_1279 = arith.index_cast %parallel_loop3A_304 : i32 to index
        %parallel_loop3A_1280 = arith.constant 800 : index
        %parallel_loop3A_1281 = tpu.vector_load %arg8[%parallel_loop3A_1279, %parallel_loop3A_1280] {strides = array<i32>} : memref<8x1024xf32, #tpu.memory_space<vmem>>, vector<1x16xf32>,
        %parallel_loop3A_1282 = vector.shape_cast %parallel_loop3A_1281 : vector<1x16xf32> to vector<16xf32>
        %parallel_loop3A_1283 = arith.index_cast %parallel_loop3A_304 : i32 to index
        %parallel_loop3A_1284 = arith.constant 816 : index
        %parallel_loop3A_1285 = tpu.vector_load %arg8[%parallel_loop3A_1283, %parallel_loop3A_1284] {strides = array<i32>} : memref<8x1024xf32, #tpu.memory_space<vmem>>, vector<1x16xf32>,
        %parallel_loop3A_1286 = vector.shape_cast %parallel_loop3A_1285 : vector<1x16xf32> to vector<16xf32>
        %parallel_loop3A_1287 = arith.index_cast %parallel_loop3A_304 : i32 to index
        %parallel_loop3A_1288 = arith.constant 832 : index
        %parallel_loop3A_1289 = tpu.vector_load %arg8[%parallel_loop3A_1287, %parallel_loop3A_1288] {strides = array<i32>} : memref<8x1024xf32, #tpu.memory_space<vmem>>, vector<1x16xf32>,
        %parallel_loop3A_1290 = vector.shape_cast %parallel_loop3A_1289 : vector<1x16xf32> to vector<16xf32>
        %parallel_loop3A_1291 = arith.index_cast %parallel_loop3A_304 : i32 to index
        %parallel_loop3A_1292 = arith.constant 848 : index
        %parallel_loop3A_1293 = tpu.vector_load %arg8[%parallel_loop3A_1291, %parallel_loop3A_1292] {strides = array<i32>} : memref<8x1024xf32, #tpu.memory_space<vmem>>, vector<1x16xf32>,
        %parallel_loop3A_1294 = vector.shape_cast %parallel_loop3A_1293 : vector<1x16xf32> to vector<16xf32>
        %parallel_loop3A_1295 = arith.index_cast %parallel_loop3A_304 : i32 to index
        %parallel_loop3A_1296 = arith.constant 864 : index
        %parallel_loop3A_1297 = tpu.vector_load %arg8[%parallel_loop3A_1295, %parallel_loop3A_1296] {strides = array<i32>} : memref<8x1024xf32, #tpu.memory_space<vmem>>, vector<1x16xf32>,
        %parallel_loop3A_1298 = vector.shape_cast %parallel_loop3A_1297 : vector<1x16xf32> to vector<16xf32>
        %parallel_loop3A_1299 = arith.index_cast %parallel_loop3A_304 : i32 to index
        %parallel_loop3A_1300 = arith.constant 880 : index
        %parallel_loop3A_1301 = tpu.vector_load %arg8[%parallel_loop3A_1299, %parallel_loop3A_1300] {strides = array<i32>} : memref<8x1024xf32, #tpu.memory_space<vmem>>, vector<1x16xf32>,
        %parallel_loop3A_1302 = vector.shape_cast %parallel_loop3A_1301 : vector<1x16xf32> to vector<16xf32>
        %parallel_loop3A_1303 = arith.addi %mul3A_109, %parallel_loop3A_304 : i32
        %parallel_loop3A_1304 = arith.index_cast %parallel_loop3A_1303 : i32 to index
        %parallel_loop3A_1305 = arith.constant 768 : index
        %parallel_loop3A_1306 = tpu.vector_load %arg7[%parallel_loop3A_1304, %parallel_loop3A_1305] {strides = array<i32>} : memref<64x1024xf32, #tpu.memory_space<vmem>>, vector<1x16xf32>,
        %parallel_loop3A_1307 = vector.shape_cast %parallel_loop3A_1306 : vector<1x16xf32> to vector<16xf32>
        %parallel_loop3A_1308 = arith.addi %mul3A_109, %parallel_loop3A_304 : i32
        %parallel_loop3A_1309 = arith.index_cast %parallel_loop3A_1308 : i32 to index
        %parallel_loop3A_1310 = arith.constant 784 : index
        %parallel_loop3A_1311 = tpu.vector_load %arg7[%parallel_loop3A_1309, %parallel_loop3A_1310] {strides = array<i32>} : memref<64x1024xf32, #tpu.memory_space<vmem>>, vector<1x16xf32>,
        %parallel_loop3A_1312 = vector.shape_cast %parallel_loop3A_1311 : vector<1x16xf32> to vector<16xf32>
        %parallel_loop3A_1313 = arith.addi %mul3A_109, %parallel_loop3A_304 : i32
        %parallel_loop3A_1314 = arith.index_cast %parallel_loop3A_1313 : i32 to index
        %parallel_loop3A_1315 = arith.constant 800 : index
        %parallel_loop3A_1316 = tpu.vector_load %arg7[%parallel_loop3A_1314, %parallel_loop3A_1315] {strides = array<i32>} : memref<64x1024xf32, #tpu.memory_space<vmem>>, vector<1x16xf32>,
        %parallel_loop3A_1317 = vector.shape_cast %parallel_loop3A_1316 : vector<1x16xf32> to vector<16xf32>
        %parallel_loop3A_1318 = arith.addi %mul3A_109, %parallel_loop3A_304 : i32
        %parallel_loop3A_1319 = arith.index_cast %parallel_loop3A_1318 : i32 to index
        %parallel_loop3A_1320 = arith.constant 816 : index
        %parallel_loop3A_1321 = tpu.vector_load %arg7[%parallel_loop3A_1319, %parallel_loop3A_1320] {strides = array<i32>} : memref<64x1024xf32, #tpu.memory_space<vmem>>, vector<1x16xf32>,
        %parallel_loop3A_1322 = vector.shape_cast %parallel_loop3A_1321 : vector<1x16xf32> to vector<16xf32>
        %parallel_loop3A_1323 = arith.addi %mul3A_109, %parallel_loop3A_304 : i32
        %parallel_loop3A_1324 = arith.index_cast %parallel_loop3A_1323 : i32 to index
        %parallel_loop3A_1325 = arith.constant 832 : index
        %parallel_loop3A_1326 = tpu.vector_load %arg7[%parallel_loop3A_1324, %parallel_loop3A_1325] {strides = array<i32>} : memref<64x1024xf32, #tpu.memory_space<vmem>>, vector<1x16xf32>,
        %parallel_loop3A_1327 = vector.shape_cast %parallel_loop3A_1326 : vector<1x16xf32> to vector<16xf32>
        %parallel_loop3A_1328 = arith.addi %mul3A_109, %parallel_loop3A_304 : i32
        %parallel_loop3A_1329 = arith.index_cast %parallel_loop3A_1328 : i32 to index
        %parallel_loop3A_1330 = arith.constant 848 : index
        %parallel_loop3A_1331 = tpu.vector_load %arg7[%parallel_loop3A_1329, %parallel_loop3A_1330] {strides = array<i32>} : memref<64x1024xf32, #tpu.memory_space<vmem>>, vector<1x16xf32>,
        %parallel_loop3A_1332 = vector.shape_cast %parallel_loop3A_1331 : vector<1x16xf32> to vector<16xf32>
        %parallel_loop3A_1333 = arith.addi %mul3A_109, %parallel_loop3A_304 : i32
        %parallel_loop3A_1334 = arith.index_cast %parallel_loop3A_1333 : i32 to index
        %parallel_loop3A_1335 = arith.constant 864 : index
        %parallel_loop3A_1336 = tpu.vector_load %arg7[%parallel_loop3A_1334, %parallel_loop3A_1335] {strides = array<i32>} : memref<64x1024xf32, #tpu.memory_space<vmem>>, vector<1x16xf32>,
        %parallel_loop3A_1337 = vector.shape_cast %parallel_loop3A_1336 : vector<1x16xf32> to vector<16xf32>
        %parallel_loop3A_1338 = arith.addi %mul3A_109, %parallel_loop3A_304 : i32
        %parallel_loop3A_1339 = arith.index_cast %parallel_loop3A_1338 : i32 to index
        %parallel_loop3A_1340 = arith.constant 880 : index
        %parallel_loop3A_1341 = tpu.vector_load %arg7[%parallel_loop3A_1339, %parallel_loop3A_1340] {strides = array<i32>} : memref<64x1024xf32, #tpu.memory_space<vmem>>, vector<1x16xf32>,
        %parallel_loop3A_1342 = vector.shape_cast %parallel_loop3A_1341 : vector<1x16xf32> to vector<16xf32>
        %parallel_loop3A_1343 = arith.index_cast %parallel_loop3A_310 : i32 to index
        %parallel_loop3A_1344 = arith.constant 768 : index
        %parallel_loop3A_1345 = tpu.vector_load %arg12[%parallel_loop3A_1343, %parallel_loop3A_1344] {strides = array<i32>} : memref<5x1024xf32, #tpu.memory_space<vmem>>, vector<1x16xf32>,
        %parallel_loop3A_1346 = vector.shape_cast %parallel_loop3A_1345 : vector<1x16xf32> to vector<16xf32>
        %parallel_loop3A_1347 = arith.index_cast %parallel_loop3A_310 : i32 to index
        %parallel_loop3A_1348 = arith.constant 784 : index
        %parallel_loop3A_1349 = tpu.vector_load %arg12[%parallel_loop3A_1347, %parallel_loop3A_1348] {strides = array<i32>} : memref<5x1024xf32, #tpu.memory_space<vmem>>, vector<1x16xf32>,
        %parallel_loop3A_1350 = vector.shape_cast %parallel_loop3A_1349 : vector<1x16xf32> to vector<16xf32>
        %parallel_loop3A_1351 = arith.index_cast %parallel_loop3A_310 : i32 to index
        %parallel_loop3A_1352 = arith.constant 800 : index
        %parallel_loop3A_1353 = tpu.vector_load %arg12[%parallel_loop3A_1351, %parallel_loop3A_1352] {strides = array<i32>} : memref<5x1024xf32, #tpu.memory_space<vmem>>, vector<1x16xf32>,
        %parallel_loop3A_1354 = vector.shape_cast %parallel_loop3A_1353 : vector<1x16xf32> to vector<16xf32>
        %parallel_loop3A_1355 = arith.index_cast %parallel_loop3A_310 : i32 to index
        %parallel_loop3A_1356 = arith.constant 816 : index
        %parallel_loop3A_1357 = tpu.vector_load %arg12[%parallel_loop3A_1355, %parallel_loop3A_1356] {strides = array<i32>} : memref<5x1024xf32, #tpu.memory_space<vmem>>, vector<1x16xf32>,
        %parallel_loop3A_1358 = vector.shape_cast %parallel_loop3A_1357 : vector<1x16xf32> to vector<16xf32>
        %parallel_loop3A_1359 = arith.index_cast %parallel_loop3A_310 : i32 to index
        %parallel_loop3A_1360 = arith.constant 832 : index
        %parallel_loop3A_1361 = tpu.vector_load %arg12[%parallel_loop3A_1359, %parallel_loop3A_1360] {strides = array<i32>} : memref<5x1024xf32, #tpu.memory_space<vmem>>, vector<1x16xf32>,
        %parallel_loop3A_1362 = vector.shape_cast %parallel_loop3A_1361 : vector<1x16xf32> to vector<16xf32>
        %parallel_loop3A_1363 = arith.index_cast %parallel_loop3A_310 : i32 to index
        %parallel_loop3A_1364 = arith.constant 848 : index
        %parallel_loop3A_1365 = tpu.vector_load %arg12[%parallel_loop3A_1363, %parallel_loop3A_1364] {strides = array<i32>} : memref<5x1024xf32, #tpu.memory_space<vmem>>, vector<1x16xf32>,
        %parallel_loop3A_1366 = vector.shape_cast %parallel_loop3A_1365 : vector<1x16xf32> to vector<16xf32>
        %parallel_loop3A_1367 = arith.index_cast %parallel_loop3A_310 : i32 to index
        %parallel_loop3A_1368 = arith.constant 864 : index
        %parallel_loop3A_1369 = tpu.vector_load %arg12[%parallel_loop3A_1367, %parallel_loop3A_1368] {strides = array<i32>} : memref<5x1024xf32, #tpu.memory_space<vmem>>, vector<1x16xf32>,
        %parallel_loop3A_1370 = vector.shape_cast %parallel_loop3A_1369 : vector<1x16xf32> to vector<16xf32>
        %parallel_loop3A_1371 = arith.index_cast %parallel_loop3A_310 : i32 to index
        %parallel_loop3A_1372 = arith.constant 880 : index
        %parallel_loop3A_1373 = tpu.vector_load %arg12[%parallel_loop3A_1371, %parallel_loop3A_1372] {strides = array<i32>} : memref<5x1024xf32, #tpu.memory_space<vmem>>, vector<1x16xf32>,
        %parallel_loop3A_1374 = vector.shape_cast %parallel_loop3A_1373 : vector<1x16xf32> to vector<16xf32>
        %parallel_loop3A_1375 = arith.addf %parallel_loop3A_1274, %parallel_loop3A_1307 : vector<16xf32>
        %parallel_loop3A_1376 = arith.addf %parallel_loop3A_1278, %parallel_loop3A_1312 : vector<16xf32>
        %parallel_loop3A_1377 = arith.addf %parallel_loop3A_1282, %parallel_loop3A_1317 : vector<16xf32>
        %parallel_loop3A_1378 = arith.addf %parallel_loop3A_1286, %parallel_loop3A_1322 : vector<16xf32>
        %parallel_loop3A_1379 = arith.addf %parallel_loop3A_1290, %parallel_loop3A_1327 : vector<16xf32>
        %parallel_loop3A_1380 = arith.addf %parallel_loop3A_1294, %parallel_loop3A_1332 : vector<16xf32>
        %parallel_loop3A_1381 = arith.addf %parallel_loop3A_1298, %parallel_loop3A_1337 : vector<16xf32>
        %parallel_loop3A_1382 = arith.addf %parallel_loop3A_1302, %parallel_loop3A_1342 : vector<16xf32>
        %parallel_loop3A_1383 = arith.addf %parallel_loop3A_1375, %parallel_loop3A_1346 : vector<16xf32>
        %parallel_loop3A_1384 = arith.index_cast %parallel_loop3A_304 : i32 to index
        %parallel_loop3A_1385 = arith.constant 768 : index
        %parallel_loop3A_1386 = tpu.vector_load %arg10[%parallel_loop3A_1384, %parallel_loop3A_1385] {strides = array<i32>} : memref<8x1024xf32, #tpu.memory_space<vmem>>, vector<1x16xf32>,
        %parallel_loop3A_1387 = vector.shape_cast %parallel_loop3A_1386 : vector<1x16xf32> to vector<16xf32>
        %parallel_loop3A_1388 = vector.shape_cast %parallel_loop3A_1383 : vector<16xf32> to vector<1x16xf32>
        tpu.vector_store %arg10[%parallel_loop3A_1384, %parallel_loop3A_1385], %parallel_loop3A_1388 {strides = array<i32>} : memref<8x1024xf32, #tpu.memory_space<vmem>>, vector<1x16xf32>,
        %parallel_loop3A_1389 = arith.addf %parallel_loop3A_1376, %parallel_loop3A_1350 : vector<16xf32>
        %parallel_loop3A_1390 = arith.index_cast %parallel_loop3A_304 : i32 to index
        %parallel_loop3A_1391 = arith.constant 784 : index
        %parallel_loop3A_1392 = tpu.vector_load %arg10[%parallel_loop3A_1390, %parallel_loop3A_1391] {strides = array<i32>} : memref<8x1024xf32, #tpu.memory_space<vmem>>, vector<1x16xf32>,
        %parallel_loop3A_1393 = vector.shape_cast %parallel_loop3A_1392 : vector<1x16xf32> to vector<16xf32>
        %parallel_loop3A_1394 = vector.shape_cast %parallel_loop3A_1389 : vector<16xf32> to vector<1x16xf32>
        tpu.vector_store %arg10[%parallel_loop3A_1390, %parallel_loop3A_1391], %parallel_loop3A_1394 {strides = array<i32>} : memref<8x1024xf32, #tpu.memory_space<vmem>>, vector<1x16xf32>,
        %parallel_loop3A_1395 = arith.addf %parallel_loop3A_1377, %parallel_loop3A_1354 : vector<16xf32>
        %parallel_loop3A_1396 = arith.index_cast %parallel_loop3A_304 : i32 to index
        %parallel_loop3A_1397 = arith.constant 800 : index
        %parallel_loop3A_1398 = tpu.vector_load %arg10[%parallel_loop3A_1396, %parallel_loop3A_1397] {strides = array<i32>} : memref<8x1024xf32, #tpu.memory_space<vmem>>, vector<1x16xf32>,
        %parallel_loop3A_1399 = vector.shape_cast %parallel_loop3A_1398 : vector<1x16xf32> to vector<16xf32>
        %parallel_loop3A_1400 = vector.shape_cast %parallel_loop3A_1395 : vector<16xf32> to vector<1x16xf32>
        tpu.vector_store %arg10[%parallel_loop3A_1396, %parallel_loop3A_1397], %parallel_loop3A_1400 {strides = array<i32>} : memref<8x1024xf32, #tpu.memory_space<vmem>>, vector<1x16xf32>,
        %parallel_loop3A_1401 = arith.addf %parallel_loop3A_1378, %parallel_loop3A_1358 : vector<16xf32>
        %parallel_loop3A_1402 = arith.index_cast %parallel_loop3A_304 : i32 to index
        %parallel_loop3A_1403 = arith.constant 816 : index
        %parallel_loop3A_1404 = tpu.vector_load %arg10[%parallel_loop3A_1402, %parallel_loop3A_1403] {strides = array<i32>} : memref<8x1024xf32, #tpu.memory_space<vmem>>, vector<1x16xf32>,
        %parallel_loop3A_1405 = vector.shape_cast %parallel_loop3A_1404 : vector<1x16xf32> to vector<16xf32>
        %parallel_loop3A_1406 = vector.shape_cast %parallel_loop3A_1401 : vector<16xf32> to vector<1x16xf32>
        tpu.vector_store %arg10[%parallel_loop3A_1402, %parallel_loop3A_1403], %parallel_loop3A_1406 {strides = array<i32>} : memref<8x1024xf32, #tpu.memory_space<vmem>>, vector<1x16xf32>,
        %parallel_loop3A_1407 = arith.addf %parallel_loop3A_1379, %parallel_loop3A_1362 : vector<16xf32>
        %parallel_loop3A_1408 = arith.index_cast %parallel_loop3A_304 : i32 to index
        %parallel_loop3A_1409 = arith.constant 832 : index
        %parallel_loop3A_1410 = tpu.vector_load %arg10[%parallel_loop3A_1408, %parallel_loop3A_1409] {strides = array<i32>} : memref<8x1024xf32, #tpu.memory_space<vmem>>, vector<1x16xf32>,
        %parallel_loop3A_1411 = vector.shape_cast %parallel_loop3A_1410 : vector<1x16xf32> to vector<16xf32>
        %parallel_loop3A_1412 = vector.shape_cast %parallel_loop3A_1407 : vector<16xf32> to vector<1x16xf32>
        tpu.vector_store %arg10[%parallel_loop3A_1408, %parallel_loop3A_1409], %parallel_loop3A_1412 {strides = array<i32>} : memref<8x1024xf32, #tpu.memory_space<vmem>>, vector<1x16xf32>,
        %parallel_loop3A_1413 = arith.addf %parallel_loop3A_1380, %parallel_loop3A_1366 : vector<16xf32>
        %parallel_loop3A_1414 = arith.index_cast %parallel_loop3A_304 : i32 to index
        %parallel_loop3A_1415 = arith.constant 848 : index
        %parallel_loop3A_1416 = tpu.vector_load %arg10[%parallel_loop3A_1414, %parallel_loop3A_1415] {strides = array<i32>} : memref<8x1024xf32, #tpu.memory_space<vmem>>, vector<1x16xf32>,
        %parallel_loop3A_1417 = vector.shape_cast %parallel_loop3A_1416 : vector<1x16xf32> to vector<16xf32>
        %parallel_loop3A_1418 = vector.shape_cast %parallel_loop3A_1413 : vector<16xf32> to vector<1x16xf32>
        tpu.vector_store %arg10[%parallel_loop3A_1414, %parallel_loop3A_1415], %parallel_loop3A_1418 {strides = array<i32>} : memref<8x1024xf32, #tpu.memory_space<vmem>>, vector<1x16xf32>,
        %parallel_loop3A_1419 = arith.addf %parallel_loop3A_1381, %parallel_loop3A_1370 : vector<16xf32>
        %parallel_loop3A_1420 = arith.index_cast %parallel_loop3A_304 : i32 to index
        %parallel_loop3A_1421 = arith.constant 864 : index
        %parallel_loop3A_1422 = tpu.vector_load %arg10[%parallel_loop3A_1420, %parallel_loop3A_1421] {strides = array<i32>} : memref<8x1024xf32, #tpu.memory_space<vmem>>, vector<1x16xf32>,
        %parallel_loop3A_1423 = vector.shape_cast %parallel_loop3A_1422 : vector<1x16xf32> to vector<16xf32>
        %parallel_loop3A_1424 = vector.shape_cast %parallel_loop3A_1419 : vector<16xf32> to vector<1x16xf32>
        tpu.vector_store %arg10[%parallel_loop3A_1420, %parallel_loop3A_1421], %parallel_loop3A_1424 {strides = array<i32>} : memref<8x1024xf32, #tpu.memory_space<vmem>>, vector<1x16xf32>,
        %parallel_loop3A_1425 = arith.addf %parallel_loop3A_1382, %parallel_loop3A_1374 : vector<16xf32>
        %parallel_loop3A_1426 = arith.index_cast %parallel_loop3A_304 : i32 to index
        %parallel_loop3A_1427 = arith.constant 880 : index
        %parallel_loop3A_1428 = tpu.vector_load %arg10[%parallel_loop3A_1426, %parallel_loop3A_1427] {strides = array<i32>} : memref<8x1024xf32, #tpu.memory_space<vmem>>, vector<1x16xf32>,
        %parallel_loop3A_1429 = vector.shape_cast %parallel_loop3A_1428 : vector<1x16xf32> to vector<16xf32>
        %parallel_loop3A_1430 = vector.shape_cast %parallel_loop3A_1425 : vector<16xf32> to vector<1x16xf32>
        tpu.vector_store %arg10[%parallel_loop3A_1426, %parallel_loop3A_1427], %parallel_loop3A_1430 {strides = array<i32>} : memref<8x1024xf32, #tpu.memory_space<vmem>>, vector<1x16xf32>,
        %parallel_loop3A_1431 = arith.index_cast %parallel_loop3A_304 : i32 to index
        %parallel_loop3A_1432 = arith.constant 896 : index
        %parallel_loop3A_1433 = tpu.vector_load %arg8[%parallel_loop3A_1431, %parallel_loop3A_1432] {strides = array<i32>} : memref<8x1024xf32, #tpu.memory_space<vmem>>, vector<1x16xf32>,
        %parallel_loop3A_1434 = vector.shape_cast %parallel_loop3A_1433 : vector<1x16xf32> to vector<16xf32>
        %parallel_loop3A_1435 = arith.index_cast %parallel_loop3A_304 : i32 to index
        %parallel_loop3A_1436 = arith.constant 912 : index
        %parallel_loop3A_1437 = tpu.vector_load %arg8[%parallel_loop3A_1435, %parallel_loop3A_1436] {strides = array<i32>} : memref<8x1024xf32, #tpu.memory_space<vmem>>, vector<1x16xf32>,
        %parallel_loop3A_1438 = vector.shape_cast %parallel_loop3A_1437 : vector<1x16xf32> to vector<16xf32>
        %parallel_loop3A_1439 = arith.index_cast %parallel_loop3A_304 : i32 to index
        %parallel_loop3A_1440 = arith.constant 928 : index
        %parallel_loop3A_1441 = tpu.vector_load %arg8[%parallel_loop3A_1439, %parallel_loop3A_1440] {strides = array<i32>} : memref<8x1024xf32, #tpu.memory_space<vmem>>, vector<1x16xf32>,
        %parallel_loop3A_1442 = vector.shape_cast %parallel_loop3A_1441 : vector<1x16xf32> to vector<16xf32>
        %parallel_loop3A_1443 = arith.index_cast %parallel_loop3A_304 : i32 to index
        %parallel_loop3A_1444 = arith.constant 944 : index
        %parallel_loop3A_1445 = tpu.vector_load %arg8[%parallel_loop3A_1443, %parallel_loop3A_1444] {strides = array<i32>} : memref<8x1024xf32, #tpu.memory_space<vmem>>, vector<1x16xf32>,
        %parallel_loop3A_1446 = vector.shape_cast %parallel_loop3A_1445 : vector<1x16xf32> to vector<16xf32>
        %parallel_loop3A_1447 = arith.index_cast %parallel_loop3A_304 : i32 to index
        %parallel_loop3A_1448 = arith.constant 960 : index
        %parallel_loop3A_1449 = tpu.vector_load %arg8[%parallel_loop3A_1447, %parallel_loop3A_1448] {strides = array<i32>} : memref<8x1024xf32, #tpu.memory_space<vmem>>, vector<1x16xf32>,
        %parallel_loop3A_1450 = vector.shape_cast %parallel_loop3A_1449 : vector<1x16xf32> to vector<16xf32>
        %parallel_loop3A_1451 = arith.index_cast %parallel_loop3A_304 : i32 to index
        %parallel_loop3A_1452 = arith.constant 976 : index
        %parallel_loop3A_1453 = tpu.vector_load %arg8[%parallel_loop3A_1451, %parallel_loop3A_1452] {strides = array<i32>} : memref<8x1024xf32, #tpu.memory_space<vmem>>, vector<1x16xf32>,
        %parallel_loop3A_1454 = vector.shape_cast %parallel_loop3A_1453 : vector<1x16xf32> to vector<16xf32>
        %parallel_loop3A_1455 = arith.index_cast %parallel_loop3A_304 : i32 to index
        %parallel_loop3A_1456 = arith.constant 992 : index
        %parallel_loop3A_1457 = tpu.vector_load %arg8[%parallel_loop3A_1455, %parallel_loop3A_1456] {strides = array<i32>} : memref<8x1024xf32, #tpu.memory_space<vmem>>, vector<1x16xf32>,
        %parallel_loop3A_1458 = vector.shape_cast %parallel_loop3A_1457 : vector<1x16xf32> to vector<16xf32>
        %parallel_loop3A_1459 = arith.index_cast %parallel_loop3A_304 : i32 to index
        %parallel_loop3A_1460 = arith.constant 1008 : index
        %parallel_loop3A_1461 = tpu.vector_load %arg8[%parallel_loop3A_1459, %parallel_loop3A_1460] {strides = array<i32>} : memref<8x1024xf32, #tpu.memory_space<vmem>>, vector<1x16xf32>,
        %parallel_loop3A_1462 = vector.shape_cast %parallel_loop3A_1461 : vector<1x16xf32> to vector<16xf32>
        %parallel_loop3A_1463 = arith.addi %mul3A_109, %parallel_loop3A_304 : i32
        %parallel_loop3A_1464 = arith.index_cast %parallel_loop3A_1463 : i32 to index
        %parallel_loop3A_1465 = arith.constant 896 : index
        %parallel_loop3A_1466 = tpu.vector_load %arg7[%parallel_loop3A_1464, %parallel_loop3A_1465] {strides = array<i32>} : memref<64x1024xf32, #tpu.memory_space<vmem>>, vector<1x16xf32>,
        %parallel_loop3A_1467 = vector.shape_cast %parallel_loop3A_1466 : vector<1x16xf32> to vector<16xf32>
        %parallel_loop3A_1468 = arith.addi %mul3A_109, %parallel_loop3A_304 : i32
        %parallel_loop3A_1469 = arith.index_cast %parallel_loop3A_1468 : i32 to index
        %parallel_loop3A_1470 = arith.constant 912 : index
        %parallel_loop3A_1471 = tpu.vector_load %arg7[%parallel_loop3A_1469, %parallel_loop3A_1470] {strides = array<i32>} : memref<64x1024xf32, #tpu.memory_space<vmem>>, vector<1x16xf32>,
        %parallel_loop3A_1472 = vector.shape_cast %parallel_loop3A_1471 : vector<1x16xf32> to vector<16xf32>
        %parallel_loop3A_1473 = arith.addi %mul3A_109, %parallel_loop3A_304 : i32
        %parallel_loop3A_1474 = arith.index_cast %parallel_loop3A_1473 : i32 to index
        %parallel_loop3A_1475 = arith.constant 928 : index
        %parallel_loop3A_1476 = tpu.vector_load %arg7[%parallel_loop3A_1474, %parallel_loop3A_1475] {strides = array<i32>} : memref<64x1024xf32, #tpu.memory_space<vmem>>, vector<1x16xf32>,
        %parallel_loop3A_1477 = vector.shape_cast %parallel_loop3A_1476 : vector<1x16xf32> to vector<16xf32>
        %parallel_loop3A_1478 = arith.addi %mul3A_109, %parallel_loop3A_304 : i32
        %parallel_loop3A_1479 = arith.index_cast %parallel_loop3A_1478 : i32 to index
        %parallel_loop3A_1480 = arith.constant 944 : index
        %parallel_loop3A_1481 = tpu.vector_load %arg7[%parallel_loop3A_1479, %parallel_loop3A_1480] {strides = array<i32>} : memref<64x1024xf32, #tpu.memory_space<vmem>>, vector<1x16xf32>,
        %parallel_loop3A_1482 = vector.shape_cast %parallel_loop3A_1481 : vector<1x16xf32> to vector<16xf32>
        %parallel_loop3A_1483 = arith.addi %mul3A_109, %parallel_loop3A_304 : i32
        %parallel_loop3A_1484 = arith.index_cast %parallel_loop3A_1483 : i32 to index
        %parallel_loop3A_1485 = arith.constant 960 : index
        %parallel_loop3A_1486 = tpu.vector_load %arg7[%parallel_loop3A_1484, %parallel_loop3A_1485] {strides = array<i32>} : memref<64x1024xf32, #tpu.memory_space<vmem>>, vector<1x16xf32>,
        %parallel_loop3A_1487 = vector.shape_cast %parallel_loop3A_1486 : vector<1x16xf32> to vector<16xf32>
        %parallel_loop3A_1488 = arith.addi %mul3A_109, %parallel_loop3A_304 : i32
        %parallel_loop3A_1489 = arith.index_cast %parallel_loop3A_1488 : i32 to index
        %parallel_loop3A_1490 = arith.constant 976 : index
        %parallel_loop3A_1491 = tpu.vector_load %arg7[%parallel_loop3A_1489, %parallel_loop3A_1490] {strides = array<i32>} : memref<64x1024xf32, #tpu.memory_space<vmem>>, vector<1x16xf32>,
        %parallel_loop3A_1492 = vector.shape_cast %parallel_loop3A_1491 : vector<1x16xf32> to vector<16xf32>
        %parallel_loop3A_1493 = arith.addi %mul3A_109, %parallel_loop3A_304 : i32
        %parallel_loop3A_1494 = arith.index_cast %parallel_loop3A_1493 : i32 to index
        %parallel_loop3A_1495 = arith.constant 992 : index
        %parallel_loop3A_1496 = tpu.vector_load %arg7[%parallel_loop3A_1494, %parallel_loop3A_1495] {strides = array<i32>} : memref<64x1024xf32, #tpu.memory_space<vmem>>, vector<1x16xf32>,
        %parallel_loop3A_1497 = vector.shape_cast %parallel_loop3A_1496 : vector<1x16xf32> to vector<16xf32>
        %parallel_loop3A_1498 = arith.addi %mul3A_109, %parallel_loop3A_304 : i32
        %parallel_loop3A_1499 = arith.index_cast %parallel_loop3A_1498 : i32 to index
        %parallel_loop3A_1500 = arith.constant 1008 : index
        %parallel_loop3A_1501 = tpu.vector_load %arg7[%parallel_loop3A_1499, %parallel_loop3A_1500] {strides = array<i32>} : memref<64x1024xf32, #tpu.memory_space<vmem>>, vector<1x16xf32>,
        %parallel_loop3A_1502 = vector.shape_cast %parallel_loop3A_1501 : vector<1x16xf32> to vector<16xf32>
        %parallel_loop3A_1503 = arith.index_cast %parallel_loop3A_310 : i32 to index
        %parallel_loop3A_1504 = arith.constant 896 : index
        %parallel_loop3A_1505 = tpu.vector_load %arg12[%parallel_loop3A_1503, %parallel_loop3A_1504] {strides = array<i32>} : memref<5x1024xf32, #tpu.memory_space<vmem>>, vector<1x16xf32>,
        %parallel_loop3A_1506 = vector.shape_cast %parallel_loop3A_1505 : vector<1x16xf32> to vector<16xf32>
        %parallel_loop3A_1507 = arith.index_cast %parallel_loop3A_310 : i32 to index
        %parallel_loop3A_1508 = arith.constant 912 : index
        %parallel_loop3A_1509 = tpu.vector_load %arg12[%parallel_loop3A_1507, %parallel_loop3A_1508] {strides = array<i32>} : memref<5x1024xf32, #tpu.memory_space<vmem>>, vector<1x16xf32>,
        %parallel_loop3A_1510 = vector.shape_cast %parallel_loop3A_1509 : vector<1x16xf32> to vector<16xf32>
        %parallel_loop3A_1511 = arith.index_cast %parallel_loop3A_310 : i32 to index
        %parallel_loop3A_1512 = arith.constant 928 : index
        %parallel_loop3A_1513 = tpu.vector_load %arg12[%parallel_loop3A_1511, %parallel_loop3A_1512] {strides = array<i32>} : memref<5x1024xf32, #tpu.memory_space<vmem>>, vector<1x16xf32>,
        %parallel_loop3A_1514 = vector.shape_cast %parallel_loop3A_1513 : vector<1x16xf32> to vector<16xf32>
        %parallel_loop3A_1515 = arith.index_cast %parallel_loop3A_310 : i32 to index
        %parallel_loop3A_1516 = arith.constant 944 : index
        %parallel_loop3A_1517 = tpu.vector_load %arg12[%parallel_loop3A_1515, %parallel_loop3A_1516] {strides = array<i32>} : memref<5x1024xf32, #tpu.memory_space<vmem>>, vector<1x16xf32>,
        %parallel_loop3A_1518 = vector.shape_cast %parallel_loop3A_1517 : vector<1x16xf32> to vector<16xf32>
        %parallel_loop3A_1519 = arith.index_cast %parallel_loop3A_310 : i32 to index
        %parallel_loop3A_1520 = arith.constant 960 : index
        %parallel_loop3A_1521 = tpu.vector_load %arg12[%parallel_loop3A_1519, %parallel_loop3A_1520] {strides = array<i32>} : memref<5x1024xf32, #tpu.memory_space<vmem>>, vector<1x16xf32>,
        %parallel_loop3A_1522 = vector.shape_cast %parallel_loop3A_1521 : vector<1x16xf32> to vector<16xf32>
        %parallel_loop3A_1523 = arith.index_cast %parallel_loop3A_310 : i32 to index
        %parallel_loop3A_1524 = arith.constant 976 : index
        %parallel_loop3A_1525 = tpu.vector_load %arg12[%parallel_loop3A_1523, %parallel_loop3A_1524] {strides = array<i32>} : memref<5x1024xf32, #tpu.memory_space<vmem>>, vector<1x16xf32>,
        %parallel_loop3A_1526 = vector.shape_cast %parallel_loop3A_1525 : vector<1x16xf32> to vector<16xf32>
        %parallel_loop3A_1527 = arith.index_cast %parallel_loop3A_310 : i32 to index
        %parallel_loop3A_1528 = arith.constant 992 : index
        %parallel_loop3A_1529 = tpu.vector_load %arg12[%parallel_loop3A_1527, %parallel_loop3A_1528] {strides = array<i32>} : memref<5x1024xf32, #tpu.memory_space<vmem>>, vector<1x16xf32>,
        %parallel_loop3A_1530 = vector.shape_cast %parallel_loop3A_1529 : vector<1x16xf32> to vector<16xf32>
        %parallel_loop3A_1531 = arith.index_cast %parallel_loop3A_310 : i32 to index
        %parallel_loop3A_1532 = arith.constant 1008 : index
        %parallel_loop3A_1533 = tpu.vector_load %arg12[%parallel_loop3A_1531, %parallel_loop3A_1532] {strides = array<i32>} : memref<5x1024xf32, #tpu.memory_space<vmem>>, vector<1x16xf32>,
        %parallel_loop3A_1534 = vector.shape_cast %parallel_loop3A_1533 : vector<1x16xf32> to vector<16xf32>
        %parallel_loop3A_1535 = arith.addf %parallel_loop3A_1434, %parallel_loop3A_1467 : vector<16xf32>
        %parallel_loop3A_1536 = arith.addf %parallel_loop3A_1438, %parallel_loop3A_1472 : vector<16xf32>
        %parallel_loop3A_1537 = arith.addf %parallel_loop3A_1442, %parallel_loop3A_1477 : vector<16xf32>
        %parallel_loop3A_1538 = arith.addf %parallel_loop3A_1446, %parallel_loop3A_1482 : vector<16xf32>
        %parallel_loop3A_1539 = arith.addf %parallel_loop3A_1450, %parallel_loop3A_1487 : vector<16xf32>
        %parallel_loop3A_1540 = arith.addf %parallel_loop3A_1454, %parallel_loop3A_1492 : vector<16xf32>
        %parallel_loop3A_1541 = arith.addf %parallel_loop3A_1458, %parallel_loop3A_1497 : vector<16xf32>
        %parallel_loop3A_1542 = arith.addf %parallel_loop3A_1462, %parallel_loop3A_1502 : vector<16xf32>
        %parallel_loop3A_1543 = arith.addf %parallel_loop3A_1535, %parallel_loop3A_1506 : vector<16xf32>
        %parallel_loop3A_1544 = arith.index_cast %parallel_loop3A_304 : i32 to index
        %parallel_loop3A_1545 = arith.constant 896 : index
        %parallel_loop3A_1546 = tpu.vector_load %arg10[%parallel_loop3A_1544, %parallel_loop3A_1545] {strides = array<i32>} : memref<8x1024xf32, #tpu.memory_space<vmem>>, vector<1x16xf32>,
        %parallel_loop3A_1547 = vector.shape_cast %parallel_loop3A_1546 : vector<1x16xf32> to vector<16xf32>
        %parallel_loop3A_1548 = vector.shape_cast %parallel_loop3A_1543 : vector<16xf32> to vector<1x16xf32>
        tpu.vector_store %arg10[%parallel_loop3A_1544, %parallel_loop3A_1545], %parallel_loop3A_1548 {strides = array<i32>} : memref<8x1024xf32, #tpu.memory_space<vmem>>, vector<1x16xf32>,
        %parallel_loop3A_1549 = arith.addf %parallel_loop3A_1536, %parallel_loop3A_1510 : vector<16xf32>
        %parallel_loop3A_1550 = arith.index_cast %parallel_loop3A_304 : i32 to index
        %parallel_loop3A_1551 = arith.constant 912 : index
        %parallel_loop3A_1552 = tpu.vector_load %arg10[%parallel_loop3A_1550, %parallel_loop3A_1551] {strides = array<i32>} : memref<8x1024xf32, #tpu.memory_space<vmem>>, vector<1x16xf32>,
        %parallel_loop3A_1553 = vector.shape_cast %parallel_loop3A_1552 : vector<1x16xf32> to vector<16xf32>
        %parallel_loop3A_1554 = vector.shape_cast %parallel_loop3A_1549 : vector<16xf32> to vector<1x16xf32>
        tpu.vector_store %arg10[%parallel_loop3A_1550, %parallel_loop3A_1551], %parallel_loop3A_1554 {strides = array<i32>} : memref<8x1024xf32, #tpu.memory_space<vmem>>, vector<1x16xf32>,
        %parallel_loop3A_1555 = arith.addf %parallel_loop3A_1537, %parallel_loop3A_1514 : vector<16xf32>
        %parallel_loop3A_1556 = arith.index_cast %parallel_loop3A_304 : i32 to index
        %parallel_loop3A_1557 = arith.constant 928 : index
        %parallel_loop3A_1558 = tpu.vector_load %arg10[%parallel_loop3A_1556, %parallel_loop3A_1557] {strides = array<i32>} : memref<8x1024xf32, #tpu.memory_space<vmem>>, vector<1x16xf32>,
        %parallel_loop3A_1559 = vector.shape_cast %parallel_loop3A_1558 : vector<1x16xf32> to vector<16xf32>
        %parallel_loop3A_1560 = vector.shape_cast %parallel_loop3A_1555 : vector<16xf32> to vector<1x16xf32>
        tpu.vector_store %arg10[%parallel_loop3A_1556, %parallel_loop3A_1557], %parallel_loop3A_1560 {strides = array<i32>} : memref<8x1024xf32, #tpu.memory_space<vmem>>, vector<1x16xf32>,
        %parallel_loop3A_1561 = arith.addf %parallel_loop3A_1538, %parallel_loop3A_1518 : vector<16xf32>
        %parallel_loop3A_1562 = arith.index_cast %parallel_loop3A_304 : i32 to index
        %parallel_loop3A_1563 = arith.constant 944 : index
        %parallel_loop3A_1564 = tpu.vector_load %arg10[%parallel_loop3A_1562, %parallel_loop3A_1563] {strides = array<i32>} : memref<8x1024xf32, #tpu.memory_space<vmem>>, vector<1x16xf32>,
        %parallel_loop3A_1565 = vector.shape_cast %parallel_loop3A_1564 : vector<1x16xf32> to vector<16xf32>
        %parallel_loop3A_1566 = vector.shape_cast %parallel_loop3A_1561 : vector<16xf32> to vector<1x16xf32>
        tpu.vector_store %arg10[%parallel_loop3A_1562, %parallel_loop3A_1563], %parallel_loop3A_1566 {strides = array<i32>} : memref<8x1024xf32, #tpu.memory_space<vmem>>, vector<1x16xf32>,
        %parallel_loop3A_1567 = arith.addf %parallel_loop3A_1539, %parallel_loop3A_1522 : vector<16xf32>
        %parallel_loop3A_1568 = arith.index_cast %parallel_loop3A_304 : i32 to index
        %parallel_loop3A_1569 = arith.constant 960 : index
        %parallel_loop3A_1570 = tpu.vector_load %arg10[%parallel_loop3A_1568, %parallel_loop3A_1569] {strides = array<i32>} : memref<8x1024xf32, #tpu.memory_space<vmem>>, vector<1x16xf32>,
        %parallel_loop3A_1571 = vector.shape_cast %parallel_loop3A_1570 : vector<1x16xf32> to vector<16xf32>
        %parallel_loop3A_1572 = vector.shape_cast %parallel_loop3A_1567 : vector<16xf32> to vector<1x16xf32>
        tpu.vector_store %arg10[%parallel_loop3A_1568, %parallel_loop3A_1569], %parallel_loop3A_1572 {strides = array<i32>} : memref<8x1024xf32, #tpu.memory_space<vmem>>, vector<1x16xf32>,
        %parallel_loop3A_1573 = arith.addf %parallel_loop3A_1540, %parallel_loop3A_1526 : vector<16xf32>
        %parallel_loop3A_1574 = arith.index_cast %parallel_loop3A_304 : i32 to index
        %parallel_loop3A_1575 = arith.constant 976 : index
        %parallel_loop3A_1576 = tpu.vector_load %arg10[%parallel_loop3A_1574, %parallel_loop3A_1575] {strides = array<i32>} : memref<8x1024xf32, #tpu.memory_space<vmem>>, vector<1x16xf32>,
        %parallel_loop3A_1577 = vector.shape_cast %parallel_loop3A_1576 : vector<1x16xf32> to vector<16xf32>
        %parallel_loop3A_1578 = vector.shape_cast %parallel_loop3A_1573 : vector<16xf32> to vector<1x16xf32>
        tpu.vector_store %arg10[%parallel_loop3A_1574, %parallel_loop3A_1575], %parallel_loop3A_1578 {strides = array<i32>} : memref<8x1024xf32, #tpu.memory_space<vmem>>, vector<1x16xf32>,
        %parallel_loop3A_1579 = arith.addf %parallel_loop3A_1541, %parallel_loop3A_1530 : vector<16xf32>
        %parallel_loop3A_1580 = arith.index_cast %parallel_loop3A_304 : i32 to index
        %parallel_loop3A_1581 = arith.constant 992 : index
        %parallel_loop3A_1582 = tpu.vector_load %arg10[%parallel_loop3A_1580, %parallel_loop3A_1581] {strides = array<i32>} : memref<8x1024xf32, #tpu.memory_space<vmem>>, vector<1x16xf32>,
        %parallel_loop3A_1583 = vector.shape_cast %parallel_loop3A_1582 : vector<1x16xf32> to vector<16xf32>
        %parallel_loop3A_1584 = vector.shape_cast %parallel_loop3A_1579 : vector<16xf32> to vector<1x16xf32>
        tpu.vector_store %arg10[%parallel_loop3A_1580, %parallel_loop3A_1581], %parallel_loop3A_1584 {strides = array<i32>} : memref<8x1024xf32, #tpu.memory_space<vmem>>, vector<1x16xf32>,
        %parallel_loop3A_1585 = arith.addf %parallel_loop3A_1542, %parallel_loop3A_1534 : vector<16xf32>
        %parallel_loop3A_1586 = arith.index_cast %parallel_loop3A_304 : i32 to index
        %parallel_loop3A_1587 = arith.constant 1008 : index
        %parallel_loop3A_1588 = tpu.vector_load %arg10[%parallel_loop3A_1586, %parallel_loop3A_1587] {strides = array<i32>} : memref<8x1024xf32, #tpu.memory_space<vmem>>, vector<1x16xf32>,
        %parallel_loop3A_1589 = vector.shape_cast %parallel_loop3A_1588 : vector<1x16xf32> to vector<16xf32>
        %parallel_loop3A_1590 = vector.shape_cast %parallel_loop3A_1585 : vector<16xf32> to vector<1x16xf32>
        tpu.vector_store %arg10[%parallel_loop3A_1586, %parallel_loop3A_1587], %parallel_loop3A_1590 {strides = array<i32>} : memref<8x1024xf32, #tpu.memory_space<vmem>>, vector<1x16xf32>,
      } {sc.loop_unroll_factor = 2 : i64, sc.parallel_access}
      %jit3A_112 = arith.constant 8 : i32
      %div3A_113 = arith.divsi %add3A_48, %jit3A_112 : i32
      %sign3A_114 = arith.constant 0 : i32
      %sign3A_115 = arith.cmpi sgt, %add3A_48, %sign3A_114 : i32
      %sign3A_116 = arith.extui %sign3A_115 : i1 to i32
      %sign3A_117 = arith.constant 0 : i32
      %sign3A_118 = arith.cmpi slt, %add3A_48, %sign3A_117 : i32
      %sign3A_119 = arith.extui %sign3A_118 : i1 to i32
      %sign3A_120 = arith.subi %sign3A_116, %sign3A_119 : i32
      %sign3A_121 = arith.constant 0 : i32
      %sign3A_122 = arith.cmpi sgt, %jit3A_112, %sign3A_121 : i32
      %sign3A_123 = arith.extui %sign3A_122 : i1 to i32
      %sign3A_124 = arith.constant 0 : i32
      %sign3A_125 = arith.cmpi slt, %jit3A_112, %sign3A_124 : i32
      %sign3A_126 = arith.extui %sign3A_125 : i1 to i32
      %sign3A_127 = arith.subi %sign3A_123, %sign3A_126 : i32
      %ne3A_128 = arith.cmpi ne, %sign3A_120, %sign3A_127 : i32
      %rem3A_129 = arith.remsi %add3A_48, %jit3A_112 : i32
      %ne3A_130 = arith.constant 0 : i32
      %ne3A_131 = arith.cmpi ne, %rem3A_129, %ne3A_130 : i32
      %and3A_132 = arith.andi %ne3A_128, %ne3A_131 : i1
      %sub3A_133 = arith.constant 1 : i32
      %sub3A_134 = arith.subi %div3A_113, %sub3A_133 : i32
      %select_n3A_135 = arith.select %and3A_132, %sub3A_134, %div3A_113 : i32
      %mul3A_136 = arith.constant 2048 : i32
      %mul3A_137 = arith.muli %select_n3A_135, %mul3A_136 : i32
      %add3A_138 = arith.addi %mul3A_137, %mul3A_2 : i32
      %jit3A_139 = arith.constant 8 : i32
      %eq3A_140 = arith.constant 0 : i32
      %eq3A_141 = arith.cmpi eq, %jit3A_139, %eq3A_140 : i32
      %jit3A_142 = arith.constant 1 : i32
      %select_n3A_143 = arith.select %eq3A_141, %jit3A_142, %jit3A_139 : i32
      %rem3A_144 = arith.remsi %add3A_48, %select_n3A_143 : i32
      %ne3A_145 = arith.constant 0 : i32
      %ne3A_146 = arith.cmpi ne, %rem3A_144, %ne3A_145 : i32
      %lt3A_147 = arith.constant 0 : i32
      %lt3A_148 = arith.cmpi slt, %rem3A_144, %lt3A_147 : i32
      %lt3A_149 = arith.constant 0 : i32
      %lt3A_150 = arith.cmpi slt, %select_n3A_143, %lt3A_149 : i32
      %ne3A_151 = arith.xori %lt3A_148, %lt3A_150 : i1
      %and3A_152 = arith.andi %ne3A_151, %ne3A_146 : i1
      %add3A_153 = arith.addi %rem3A_144, %select_n3A_143 : i32
      %select_n3A_154 = arith.select %and3A_152, %add3A_153, %rem3A_144 : i32
      %mul3A_155 = arith.constant 8 : i32
      %mul3A_156 = arith.muli %select_n3A_154, %mul3A_155 : i32
      %add3A_157 = arith.addi %add3A_138, %mul3A_156 : i32
      %dma_start3A_158 = arith.constant 0 : i32
      %dma_start3A_159 = tpu.memref_slice %arg6[%add3A_157, %dma_start3A_158] : memref<8192x1024xf32, #tpu.memory_space<hbm>> -> memref<8x1024xf32, #tpu.memory_space<hbm>>
      %dma_start3A_160 = arith.constant 0 : i32
      %dma_start3A_161 = tpu.memref_slice %arg6[%add3A_157, %dma_start3A_160] : memref<8192x1024xf32, #tpu.memory_space<hbm>> -> memref<8x1024xf32, #tpu.memory_space<hbm>>
      tpu.enqueue_dma source(%arg10 : memref<8x1024xf32, #tpu.memory_space<vmem>>) target(%dma_start3A_161 : memref<8x1024xf32, #tpu.memory_space<hbm>>) target_semaphore(%arg16 : memref<!tpu.dma_semaphore, #tpu.memory_space<semaphore_mem>>)
      %lt3A_162 = arith.constant 15 : i32
      %lt3A_163 = arith.cmpi slt, %scan3A_43, %lt3A_162 : i32
      %convert_element_type3A_164 = arith.extui %lt3A_163 : i1 to i32
      %cond3A_165 = arith.constant 0 : i32
      %cond3A_166 = arith.cmpi ne, %convert_element_type3A_164, %cond3A_165 : i32
      scf.if %cond3A_166 {
        %add3A_304 = arith.constant 2 : i32
        %add3A_305 = arith.addi %add3A_48, %add3A_304 : i32
        %jit3A_306 = arith.constant 8 : i32
        %div3A_307 = arith.divsi %add3A_305, %jit3A_306 : i32
        %sign3A_308 = arith.constant 0 : i32
        %sign3A_309 = arith.cmpi sgt, %add3A_305, %sign3A_308 : i32
        %sign3A_310 = arith.extui %sign3A_309 : i1 to i32
        %sign3A_311 = arith.constant 0 : i32
        %sign3A_312 = arith.cmpi slt, %add3A_305, %sign3A_311 : i32
        %sign3A_313 = arith.extui %sign3A_312 : i1 to i32
        %sign3A_314 = arith.subi %sign3A_310, %sign3A_313 : i32
        %sign3A_315 = arith.constant 0 : i32
        %sign3A_316 = arith.cmpi sgt, %jit3A_306, %sign3A_315 : i32
        %sign3A_317 = arith.extui %sign3A_316 : i1 to i32
        %sign3A_318 = arith.constant 0 : i32
        %sign3A_319 = arith.cmpi slt, %jit3A_306, %sign3A_318 : i32
        %sign3A_320 = arith.extui %sign3A_319 : i1 to i32
        %sign3A_321 = arith.subi %sign3A_317, %sign3A_320 : i32
        %ne3A_322 = arith.cmpi ne, %sign3A_314, %sign3A_321 : i32
        %rem3A_323 = arith.remsi %add3A_305, %jit3A_306 : i32
        %ne3A_324 = arith.constant 0 : i32
        %ne3A_325 = arith.cmpi ne, %rem3A_323, %ne3A_324 : i32
        %and3A_326 = arith.andi %ne3A_322, %ne3A_325 : i1
        %sub3A_327 = arith.constant 1 : i32
        %sub3A_328 = arith.subi %div3A_307, %sub3A_327 : i32
        %select_n3A_329 = arith.select %and3A_326, %sub3A_328, %div3A_307 : i32
        %mul3A_330 = arith.constant 2048 : i32
        %mul3A_331 = arith.muli %select_n3A_329, %mul3A_330 : i32
        %add3A_332 = arith.addi %mul3A_331, %mul3A_2 : i32
        %jit3A_333 = arith.constant 8 : i32
        %eq3A_334 = arith.constant 0 : i32
        %eq3A_335 = arith.cmpi eq, %jit3A_333, %eq3A_334 : i32
        %jit3A_336 = arith.constant 1 : i32
        %select_n3A_337 = arith.select %eq3A_335, %jit3A_336, %jit3A_333 : i32
        %rem3A_338 = arith.remsi %add3A_305, %select_n3A_337 : i32
        %ne3A_339 = arith.constant 0 : i32
        %ne3A_340 = arith.cmpi ne, %rem3A_338, %ne3A_339 : i32
        %lt3A_341 = arith.constant 0 : i32
        %lt3A_342 = arith.cmpi slt, %rem3A_338, %lt3A_341 : i32
        %lt3A_343 = arith.constant 0 : i32
        %lt3A_344 = arith.cmpi slt, %select_n3A_337, %lt3A_343 : i32
        %ne3A_345 = arith.xori %lt3A_342, %lt3A_344 : i1
        %and3A_346 = arith.andi %ne3A_345, %ne3A_340 : i1
        %add3A_347 = arith.addi %rem3A_338, %select_n3A_337 : i32
        %select_n3A_348 = arith.select %and3A_346, %add3A_347, %rem3A_338 : i32
        %mul3A_349 = arith.constant 8 : i32
        %mul3A_350 = arith.muli %select_n3A_348, %mul3A_349 : i32
        %add3A_351 = arith.addi %add3A_332, %mul3A_350 : i32
        %dma_start3A_352 = arith.constant 0 : i32
        %dma_start3A_353 = tpu.memref_slice %arg2[%add3A_351, %dma_start3A_352] : memref<8192x1024xf32, #tpu.memory_space<hbm>> -> memref<8x1024xf32, #tpu.memory_space<hbm>>
        %dma_start3A_354 = arith.constant 0 : i32
        %dma_start3A_355 = tpu.memref_slice %arg2[%add3A_351, %dma_start3A_354] : memref<8192x1024xf32, #tpu.memory_space<hbm>> -> memref<8x1024xf32, #tpu.memory_space<hbm>>
        tpu.enqueue_dma source(%dma_start3A_355 : memref<8x1024xf32, #tpu.memory_space<hbm>>) target(%arg8 : memref<8x1024xf32, #tpu.memory_space<vmem>>) target_semaphore(%arg14 : memref<!tpu.dma_semaphore, #tpu.memory_space<semaphore_mem>>)
      } else {
      }
      %mul3A_167 = arith.constant 2 : i32
      %mul3A_168 = arith.muli %mul3A_167, %scan3A_43 : i32
      %add3A_169 = arith.constant 1 : i32
      %add3A_170 = arith.addi %mul3A_168, %add3A_169 : i32
      %dma_wait3A_171 = arith.constant 0 : i32
      %dma_wait3A_172 = arith.constant 0 : i32
      %dma_wait3A_173 = tpu.memref_slice %arg2[%dma_wait3A_171, %dma_wait3A_172] : memref<8192x1024xf32, #tpu.memory_space<hbm>> -> memref<8x1024xf32, #tpu.memory_space<hbm>>
      %dma_wait3A_174 = arith.constant 0 : i32
      %dma_wait3A_175 = arith.constant 0 : i32
      %dma_wait3A_176 = tpu.memref_slice %arg2[%dma_wait3A_174, %dma_wait3A_175] : memref<8192x1024xf32, #tpu.memory_space<hbm>> -> memref<8x1024xf32, #tpu.memory_space<hbm>>
      tpu.wait_dma2 semaphore(%arg15 : memref<!tpu.dma_semaphore, #tpu.memory_space<semaphore_mem>>) src(%dma_wait3A_176 : memref<8x1024xf32, #tpu.memory_space<hbm>>) dst(%arg9 : memref<8x1024xf32, #tpu.memory_space<vmem>>)
      %gt3A_177 = arith.constant 0 : i32
      %gt3A_178 = arith.cmpi sgt, %scan3A_43, %gt3A_177 : i32
      %convert_element_type3A_179 = arith.extui %gt3A_178 : i1 to i32
      %cond3A_180 = arith.constant 0 : i32
      %cond3A_181 = arith.cmpi ne, %convert_element_type3A_179, %cond3A_180 : i32
      scf.if %cond3A_181 {
        %dma_wait3A_304 = arith.constant 0 : i32
        %dma_wait3A_305 = arith.constant 0 : i32
        %dma_wait3A_306 = tpu.memref_slice %arg6[%dma_wait3A_304, %dma_wait3A_305] : memref<8192x1024xf32, #tpu.memory_space<hbm>> -> memref<8x1024xf32, #tpu.memory_space<hbm>>
        %dma_wait3A_307 = arith.constant 0 : i32
        %dma_wait3A_308 = arith.constant 0 : i32
        %dma_wait3A_309 = tpu.memref_slice %arg6[%dma_wait3A_307, %dma_wait3A_308] : memref<8192x1024xf32, #tpu.memory_space<hbm>> -> memref<8x1024xf32, #tpu.memory_space<hbm>>
        tpu.wait_dma2 semaphore(%arg17 : memref<!tpu.dma_semaphore, #tpu.memory_space<semaphore_mem>>) src(%arg11 : memref<8x1024xf32, #tpu.memory_space<vmem>>) dst(%dma_wait3A_309 : memref<8x1024xf32, #tpu.memory_space<hbm>>)
      } else {
      }
      %jit3A_182 = arith.constant 8 : i32
      %div3A_183 = arith.divsi %add3A_170, %jit3A_182 : i32
      %sign3A_184 = arith.constant 0 : i32
      %sign3A_185 = arith.cmpi sgt, %add3A_170, %sign3A_184 : i32
      %sign3A_186 = arith.extui %sign3A_185 : i1 to i32
      %sign3A_187 = arith.constant 0 : i32
      %sign3A_188 = arith.cmpi slt, %add3A_170, %sign3A_187 : i32
      %sign3A_189 = arith.extui %sign3A_188 : i1 to i32
      %sign3A_190 = arith.subi %sign3A_186, %sign3A_189 : i32
      %sign3A_191 = arith.constant 0 : i32
      %sign3A_192 = arith.cmpi sgt, %jit3A_182, %sign3A_191 : i32
      %sign3A_193 = arith.extui %sign3A_192 : i1 to i32
      %sign3A_194 = arith.constant 0 : i32
      %sign3A_195 = arith.cmpi slt, %jit3A_182, %sign3A_194 : i32
      %sign3A_196 = arith.extui %sign3A_195 : i1 to i32
      %sign3A_197 = arith.subi %sign3A_193, %sign3A_196 : i32
      %ne3A_198 = arith.cmpi ne, %sign3A_190, %sign3A_197 : i32
      %rem3A_199 = arith.remsi %add3A_170, %jit3A_182 : i32
      %ne3A_200 = arith.constant 0 : i32
      %ne3A_201 = arith.cmpi ne, %rem3A_199, %ne3A_200 : i32
      %and3A_202 = arith.andi %ne3A_198, %ne3A_201 : i1
      %sub3A_203 = arith.constant 1 : i32
      %sub3A_204 = arith.subi %div3A_183, %sub3A_203 : i32
      %select_n3A_205 = arith.select %and3A_202, %sub3A_204, %div3A_183 : i32
      %mul3A_206 = arith.constant 64 : i32
      %mul3A_207 = arith.muli %select_n3A_205, %mul3A_206 : i32
      %jit3A_208 = arith.constant 8 : i32
      %eq3A_209 = arith.constant 0 : i32
      %eq3A_210 = arith.cmpi eq, %jit3A_208, %eq3A_209 : i32
      %jit3A_211 = arith.constant 1 : i32
      %select_n3A_212 = arith.select %eq3A_210, %jit3A_211, %jit3A_208 : i32
      %rem3A_213 = arith.remsi %add3A_170, %select_n3A_212 : i32
      %ne3A_214 = arith.constant 0 : i32
      %ne3A_215 = arith.cmpi ne, %rem3A_213, %ne3A_214 : i32
      %lt3A_216 = arith.constant 0 : i32
      %lt3A_217 = arith.cmpi slt, %rem3A_213, %lt3A_216 : i32
      %lt3A_218 = arith.constant 0 : i32
      %lt3A_219 = arith.cmpi slt, %select_n3A_212, %lt3A_218 : i32
      %ne3A_220 = arith.xori %lt3A_217, %lt3A_219 : i1
      %and3A_221 = arith.andi %ne3A_220, %ne3A_215 : i1
      %add3A_222 = arith.addi %rem3A_213, %select_n3A_212 : i32
      %select_n3A_223 = arith.select %and3A_221, %add3A_222, %rem3A_213 : i32
      %mul3A_224 = arith.constant 8 : i32
      %mul3A_225 = arith.muli %select_n3A_223, %mul3A_224 : i32
      %add3A_226 = arith.addi %mul3A_207, %mul3A_225 : i32
      %jit3A_227 = arith.constant 8 : i32
      %eq3A_228 = arith.constant 0 : i32
      %eq3A_229 = arith.cmpi eq, %jit3A_227, %eq3A_228 : i32
      %jit3A_230 = arith.constant 1 : i32
      %select_n3A_231 = arith.select %eq3A_229, %jit3A_230, %jit3A_227 : i32
      %rem3A_232 = arith.remsi %add3A_170, %select_n3A_231 : i32
      %ne3A_233 = arith.constant 0 : i32
      %ne3A_234 = arith.cmpi ne, %rem3A_232, %ne3A_233 : i32
      %lt3A_235 = arith.constant 0 : i32
      %lt3A_236 = arith.cmpi slt, %rem3A_232, %lt3A_235 : i32
      %lt3A_237 = arith.constant 0 : i32
      %lt3A_238 = arith.cmpi slt, %select_n3A_231, %lt3A_237 : i32
      %ne3A_239 = arith.xori %lt3A_236, %lt3A_238 : i1
      %and3A_240 = arith.andi %ne3A_239, %ne3A_234 : i1
      %add3A_241 = arith.addi %rem3A_232, %select_n3A_231 : i32
      %select_n3A_242 = arith.select %and3A_240, %add3A_241, %rem3A_232 : i32
      %mul3A_243 = arith.constant 8 : i32
      %mul3A_244 = arith.muli %select_n3A_242, %mul3A_243 : i32
      %parallel_loop3A_245 = arith.constant 0 : i32
      %parallel_loop3A_246 = arith.constant 8 : i32
      %parallel_loop3A_247 = arith.constant 1 : i32
      scf.for %parallel_loop3A_304 = %parallel_loop3A_245 to %parallel_loop3A_246 step %parallel_loop3A_247  : i32 {
        %parallel_loop3A_305 = arith.addi %add3A_226, %parallel_loop3A_304 : i32
        %parallel_loop3A_306 = arith.index_cast %parallel_loop3A_305 : i32 to index
        %parallel_loop3A_307 = tpu.vector_load %arg13[%parallel_loop3A_306] {strides = array<i32>} : memref<272xi32, #tpu.memory_space<vmem>>, vector<16xi32>,
        %parallel_loop3A_308 = vector.shape_cast %parallel_loop3A_307 : vector<16xi32> to vector<16xi32>
        %parallel_loop3A_309 = vector.extract_strided_slice %parallel_loop3A_308 {offsets = [0], sizes = [1], strides = [1]} : vector<16xi32> to vector<1xi32>
        %parallel_loop3A_310 = vector.extract %parallel_loop3A_309[0] : i32 from vector<1xi32>
        %parallel_loop3A_311 = arith.index_cast %parallel_loop3A_304 : i32 to index
        %parallel_loop3A_312 = arith.constant 0 : index
        %parallel_loop3A_313 = tpu.vector_load %arg9[%parallel_loop3A_311, %parallel_loop3A_312] {strides = array<i32>} : memref<8x1024xf32, #tpu.memory_space<vmem>>, vector<1x16xf32>,
        %parallel_loop3A_314 = vector.shape_cast %parallel_loop3A_313 : vector<1x16xf32> to vector<16xf32>
        %parallel_loop3A_315 = arith.index_cast %parallel_loop3A_304 : i32 to index
        %parallel_loop3A_316 = arith.constant 16 : index
        %parallel_loop3A_317 = tpu.vector_load %arg9[%parallel_loop3A_315, %parallel_loop3A_316] {strides = array<i32>} : memref<8x1024xf32, #tpu.memory_space<vmem>>, vector<1x16xf32>,
        %parallel_loop3A_318 = vector.shape_cast %parallel_loop3A_317 : vector<1x16xf32> to vector<16xf32>
        %parallel_loop3A_319 = arith.index_cast %parallel_loop3A_304 : i32 to index
        %parallel_loop3A_320 = arith.constant 32 : index
        %parallel_loop3A_321 = tpu.vector_load %arg9[%parallel_loop3A_319, %parallel_loop3A_320] {strides = array<i32>} : memref<8x1024xf32, #tpu.memory_space<vmem>>, vector<1x16xf32>,
        %parallel_loop3A_322 = vector.shape_cast %parallel_loop3A_321 : vector<1x16xf32> to vector<16xf32>
        %parallel_loop3A_323 = arith.index_cast %parallel_loop3A_304 : i32 to index
        %parallel_loop3A_324 = arith.constant 48 : index
        %parallel_loop3A_325 = tpu.vector_load %arg9[%parallel_loop3A_323, %parallel_loop3A_324] {strides = array<i32>} : memref<8x1024xf32, #tpu.memory_space<vmem>>, vector<1x16xf32>,
        %parallel_loop3A_326 = vector.shape_cast %parallel_loop3A_325 : vector<1x16xf32> to vector<16xf32>
        %parallel_loop3A_327 = arith.index_cast %parallel_loop3A_304 : i32 to index
        %parallel_loop3A_328 = arith.constant 64 : index
        %parallel_loop3A_329 = tpu.vector_load %arg9[%parallel_loop3A_327, %parallel_loop3A_328] {strides = array<i32>} : memref<8x1024xf32, #tpu.memory_space<vmem>>, vector<1x16xf32>,
        %parallel_loop3A_330 = vector.shape_cast %parallel_loop3A_329 : vector<1x16xf32> to vector<16xf32>
        %parallel_loop3A_331 = arith.index_cast %parallel_loop3A_304 : i32 to index
        %parallel_loop3A_332 = arith.constant 80 : index
        %parallel_loop3A_333 = tpu.vector_load %arg9[%parallel_loop3A_331, %parallel_loop3A_332] {strides = array<i32>} : memref<8x1024xf32, #tpu.memory_space<vmem>>, vector<1x16xf32>,
        %parallel_loop3A_334 = vector.shape_cast %parallel_loop3A_333 : vector<1x16xf32> to vector<16xf32>
        %parallel_loop3A_335 = arith.index_cast %parallel_loop3A_304 : i32 to index
        %parallel_loop3A_336 = arith.constant 96 : index
        %parallel_loop3A_337 = tpu.vector_load %arg9[%parallel_loop3A_335, %parallel_loop3A_336] {strides = array<i32>} : memref<8x1024xf32, #tpu.memory_space<vmem>>, vector<1x16xf32>,
        %parallel_loop3A_338 = vector.shape_cast %parallel_loop3A_337 : vector<1x16xf32> to vector<16xf32>
        %parallel_loop3A_339 = arith.index_cast %parallel_loop3A_304 : i32 to index
        %parallel_loop3A_340 = arith.constant 112 : index
        %parallel_loop3A_341 = tpu.vector_load %arg9[%parallel_loop3A_339, %parallel_loop3A_340] {strides = array<i32>} : memref<8x1024xf32, #tpu.memory_space<vmem>>, vector<1x16xf32>,
        %parallel_loop3A_342 = vector.shape_cast %parallel_loop3A_341 : vector<1x16xf32> to vector<16xf32>
        %parallel_loop3A_343 = arith.addi %mul3A_244, %parallel_loop3A_304 : i32
        %parallel_loop3A_344 = arith.index_cast %parallel_loop3A_343 : i32 to index
        %parallel_loop3A_345 = arith.constant 0 : index
        %parallel_loop3A_346 = tpu.vector_load %arg7[%parallel_loop3A_344, %parallel_loop3A_345] {strides = array<i32>} : memref<64x1024xf32, #tpu.memory_space<vmem>>, vector<1x16xf32>,
        %parallel_loop3A_347 = vector.shape_cast %parallel_loop3A_346 : vector<1x16xf32> to vector<16xf32>
        %parallel_loop3A_348 = arith.addi %mul3A_244, %parallel_loop3A_304 : i32
        %parallel_loop3A_349 = arith.index_cast %parallel_loop3A_348 : i32 to index
        %parallel_loop3A_350 = arith.constant 16 : index
        %parallel_loop3A_351 = tpu.vector_load %arg7[%parallel_loop3A_349, %parallel_loop3A_350] {strides = array<i32>} : memref<64x1024xf32, #tpu.memory_space<vmem>>, vector<1x16xf32>,
        %parallel_loop3A_352 = vector.shape_cast %parallel_loop3A_351 : vector<1x16xf32> to vector<16xf32>
        %parallel_loop3A_353 = arith.addi %mul3A_244, %parallel_loop3A_304 : i32
        %parallel_loop3A_354 = arith.index_cast %parallel_loop3A_353 : i32 to index
        %parallel_loop3A_355 = arith.constant 32 : index
        %parallel_loop3A_356 = tpu.vector_load %arg7[%parallel_loop3A_354, %parallel_loop3A_355] {strides = array<i32>} : memref<64x1024xf32, #tpu.memory_space<vmem>>, vector<1x16xf32>,
        %parallel_loop3A_357 = vector.shape_cast %parallel_loop3A_356 : vector<1x16xf32> to vector<16xf32>
        %parallel_loop3A_358 = arith.addi %mul3A_244, %parallel_loop3A_304 : i32
        %parallel_loop3A_359 = arith.index_cast %parallel_loop3A_358 : i32 to index
        %parallel_loop3A_360 = arith.constant 48 : index
        %parallel_loop3A_361 = tpu.vector_load %arg7[%parallel_loop3A_359, %parallel_loop3A_360] {strides = array<i32>} : memref<64x1024xf32, #tpu.memory_space<vmem>>, vector<1x16xf32>,
        %parallel_loop3A_362 = vector.shape_cast %parallel_loop3A_361 : vector<1x16xf32> to vector<16xf32>
        %parallel_loop3A_363 = arith.addi %mul3A_244, %parallel_loop3A_304 : i32
        %parallel_loop3A_364 = arith.index_cast %parallel_loop3A_363 : i32 to index
        %parallel_loop3A_365 = arith.constant 64 : index
        %parallel_loop3A_366 = tpu.vector_load %arg7[%parallel_loop3A_364, %parallel_loop3A_365] {strides = array<i32>} : memref<64x1024xf32, #tpu.memory_space<vmem>>, vector<1x16xf32>,
        %parallel_loop3A_367 = vector.shape_cast %parallel_loop3A_366 : vector<1x16xf32> to vector<16xf32>
        %parallel_loop3A_368 = arith.addi %mul3A_244, %parallel_loop3A_304 : i32
        %parallel_loop3A_369 = arith.index_cast %parallel_loop3A_368 : i32 to index
        %parallel_loop3A_370 = arith.constant 80 : index
        %parallel_loop3A_371 = tpu.vector_load %arg7[%parallel_loop3A_369, %parallel_loop3A_370] {strides = array<i32>} : memref<64x1024xf32, #tpu.memory_space<vmem>>, vector<1x16xf32>,
        %parallel_loop3A_372 = vector.shape_cast %parallel_loop3A_371 : vector<1x16xf32> to vector<16xf32>
        %parallel_loop3A_373 = arith.addi %mul3A_244, %parallel_loop3A_304 : i32
        %parallel_loop3A_374 = arith.index_cast %parallel_loop3A_373 : i32 to index
        %parallel_loop3A_375 = arith.constant 96 : index
        %parallel_loop3A_376 = tpu.vector_load %arg7[%parallel_loop3A_374, %parallel_loop3A_375] {strides = array<i32>} : memref<64x1024xf32, #tpu.memory_space<vmem>>, vector<1x16xf32>,
        %parallel_loop3A_377 = vector.shape_cast %parallel_loop3A_376 : vector<1x16xf32> to vector<16xf32>
        %parallel_loop3A_378 = arith.addi %mul3A_244, %parallel_loop3A_304 : i32
        %parallel_loop3A_379 = arith.index_cast %parallel_loop3A_378 : i32 to index
        %parallel_loop3A_380 = arith.constant 112 : index
        %parallel_loop3A_381 = tpu.vector_load %arg7[%parallel_loop3A_379, %parallel_loop3A_380] {strides = array<i32>} : memref<64x1024xf32, #tpu.memory_space<vmem>>, vector<1x16xf32>,
        %parallel_loop3A_382 = vector.shape_cast %parallel_loop3A_381 : vector<1x16xf32> to vector<16xf32>
        %parallel_loop3A_383 = arith.index_cast %parallel_loop3A_310 : i32 to index
        %parallel_loop3A_384 = arith.constant 0 : index
        %parallel_loop3A_385 = tpu.vector_load %arg12[%parallel_loop3A_383, %parallel_loop3A_384] {strides = array<i32>} : memref<5x1024xf32, #tpu.memory_space<vmem>>, vector<1x16xf32>,
        %parallel_loop3A_386 = vector.shape_cast %parallel_loop3A_385 : vector<1x16xf32> to vector<16xf32>
        %parallel_loop3A_387 = arith.index_cast %parallel_loop3A_310 : i32 to index
        %parallel_loop3A_388 = arith.constant 16 : index
        %parallel_loop3A_389 = tpu.vector_load %arg12[%parallel_loop3A_387, %parallel_loop3A_388] {strides = array<i32>} : memref<5x1024xf32, #tpu.memory_space<vmem>>, vector<1x16xf32>,
        %parallel_loop3A_390 = vector.shape_cast %parallel_loop3A_389 : vector<1x16xf32> to vector<16xf32>
        %parallel_loop3A_391 = arith.index_cast %parallel_loop3A_310 : i32 to index
        %parallel_loop3A_392 = arith.constant 32 : index
        %parallel_loop3A_393 = tpu.vector_load %arg12[%parallel_loop3A_391, %parallel_loop3A_392] {strides = array<i32>} : memref<5x1024xf32, #tpu.memory_space<vmem>>, vector<1x16xf32>,
        %parallel_loop3A_394 = vector.shape_cast %parallel_loop3A_393 : vector<1x16xf32> to vector<16xf32>
        %parallel_loop3A_395 = arith.index_cast %parallel_loop3A_310 : i32 to index
        %parallel_loop3A_396 = arith.constant 48 : index
        %parallel_loop3A_397 = tpu.vector_load %arg12[%parallel_loop3A_395, %parallel_loop3A_396] {strides = array<i32>} : memref<5x1024xf32, #tpu.memory_space<vmem>>, vector<1x16xf32>,
        %parallel_loop3A_398 = vector.shape_cast %parallel_loop3A_397 : vector<1x16xf32> to vector<16xf32>
        %parallel_loop3A_399 = arith.index_cast %parallel_loop3A_310 : i32 to index
        %parallel_loop3A_400 = arith.constant 64 : index
        %parallel_loop3A_401 = tpu.vector_load %arg12[%parallel_loop3A_399, %parallel_loop3A_400] {strides = array<i32>} : memref<5x1024xf32, #tpu.memory_space<vmem>>, vector<1x16xf32>,
        %parallel_loop3A_402 = vector.shape_cast %parallel_loop3A_401 : vector<1x16xf32> to vector<16xf32>
        %parallel_loop3A_403 = arith.index_cast %parallel_loop3A_310 : i32 to index
        %parallel_loop3A_404 = arith.constant 80 : index
        %parallel_loop3A_405 = tpu.vector_load %arg12[%parallel_loop3A_403, %parallel_loop3A_404] {strides = array<i32>} : memref<5x1024xf32, #tpu.memory_space<vmem>>, vector<1x16xf32>,
        %parallel_loop3A_406 = vector.shape_cast %parallel_loop3A_405 : vector<1x16xf32> to vector<16xf32>
        %parallel_loop3A_407 = arith.index_cast %parallel_loop3A_310 : i32 to index
        %parallel_loop3A_408 = arith.constant 96 : index
        %parallel_loop3A_409 = tpu.vector_load %arg12[%parallel_loop3A_407, %parallel_loop3A_408] {strides = array<i32>} : memref<5x1024xf32, #tpu.memory_space<vmem>>, vector<1x16xf32>,
        %parallel_loop3A_410 = vector.shape_cast %parallel_loop3A_409 : vector<1x16xf32> to vector<16xf32>
        %parallel_loop3A_411 = arith.index_cast %parallel_loop3A_310 : i32 to index
        %parallel_loop3A_412 = arith.constant 112 : index
        %parallel_loop3A_413 = tpu.vector_load %arg12[%parallel_loop3A_411, %parallel_loop3A_412] {strides = array<i32>} : memref<5x1024xf32, #tpu.memory_space<vmem>>, vector<1x16xf32>,
        %parallel_loop3A_414 = vector.shape_cast %parallel_loop3A_413 : vector<1x16xf32> to vector<16xf32>
        %parallel_loop3A_415 = arith.addf %parallel_loop3A_314, %parallel_loop3A_347 : vector<16xf32>
        %parallel_loop3A_416 = arith.addf %parallel_loop3A_318, %parallel_loop3A_352 : vector<16xf32>
        %parallel_loop3A_417 = arith.addf %parallel_loop3A_322, %parallel_loop3A_357 : vector<16xf32>
        %parallel_loop3A_418 = arith.addf %parallel_loop3A_326, %parallel_loop3A_362 : vector<16xf32>
        %parallel_loop3A_419 = arith.addf %parallel_loop3A_330, %parallel_loop3A_367 : vector<16xf32>
        %parallel_loop3A_420 = arith.addf %parallel_loop3A_334, %parallel_loop3A_372 : vector<16xf32>
        %parallel_loop3A_421 = arith.addf %parallel_loop3A_338, %parallel_loop3A_377 : vector<16xf32>
        %parallel_loop3A_422 = arith.addf %parallel_loop3A_342, %parallel_loop3A_382 : vector<16xf32>
        %parallel_loop3A_423 = arith.addf %parallel_loop3A_415, %parallel_loop3A_386 : vector<16xf32>
        %parallel_loop3A_424 = arith.index_cast %parallel_loop3A_304 : i32 to index
        %parallel_loop3A_425 = arith.constant 0 : index
        %parallel_loop3A_426 = tpu.vector_load %arg11[%parallel_loop3A_424, %parallel_loop3A_425] {strides = array<i32>} : memref<8x1024xf32, #tpu.memory_space<vmem>>, vector<1x16xf32>,
        %parallel_loop3A_427 = vector.shape_cast %parallel_loop3A_426 : vector<1x16xf32> to vector<16xf32>
        %parallel_loop3A_428 = vector.shape_cast %parallel_loop3A_423 : vector<16xf32> to vector<1x16xf32>
        tpu.vector_store %arg11[%parallel_loop3A_424, %parallel_loop3A_425], %parallel_loop3A_428 {strides = array<i32>} : memref<8x1024xf32, #tpu.memory_space<vmem>>, vector<1x16xf32>,
        %parallel_loop3A_429 = arith.addf %parallel_loop3A_416, %parallel_loop3A_390 : vector<16xf32>
        %parallel_loop3A_430 = arith.index_cast %parallel_loop3A_304 : i32 to index
        %parallel_loop3A_431 = arith.constant 16 : index
        %parallel_loop3A_432 = tpu.vector_load %arg11[%parallel_loop3A_430, %parallel_loop3A_431] {strides = array<i32>} : memref<8x1024xf32, #tpu.memory_space<vmem>>, vector<1x16xf32>,
        %parallel_loop3A_433 = vector.shape_cast %parallel_loop3A_432 : vector<1x16xf32> to vector<16xf32>
        %parallel_loop3A_434 = vector.shape_cast %parallel_loop3A_429 : vector<16xf32> to vector<1x16xf32>
        tpu.vector_store %arg11[%parallel_loop3A_430, %parallel_loop3A_431], %parallel_loop3A_434 {strides = array<i32>} : memref<8x1024xf32, #tpu.memory_space<vmem>>, vector<1x16xf32>,
        %parallel_loop3A_435 = arith.addf %parallel_loop3A_417, %parallel_loop3A_394 : vector<16xf32>
        %parallel_loop3A_436 = arith.index_cast %parallel_loop3A_304 : i32 to index
        %parallel_loop3A_437 = arith.constant 32 : index
        %parallel_loop3A_438 = tpu.vector_load %arg11[%parallel_loop3A_436, %parallel_loop3A_437] {strides = array<i32>} : memref<8x1024xf32, #tpu.memory_space<vmem>>, vector<1x16xf32>,
        %parallel_loop3A_439 = vector.shape_cast %parallel_loop3A_438 : vector<1x16xf32> to vector<16xf32>
        %parallel_loop3A_440 = vector.shape_cast %parallel_loop3A_435 : vector<16xf32> to vector<1x16xf32>
        tpu.vector_store %arg11[%parallel_loop3A_436, %parallel_loop3A_437], %parallel_loop3A_440 {strides = array<i32>} : memref<8x1024xf32, #tpu.memory_space<vmem>>, vector<1x16xf32>,
        %parallel_loop3A_441 = arith.addf %parallel_loop3A_418, %parallel_loop3A_398 : vector<16xf32>
        %parallel_loop3A_442 = arith.index_cast %parallel_loop3A_304 : i32 to index
        %parallel_loop3A_443 = arith.constant 48 : index
        %parallel_loop3A_444 = tpu.vector_load %arg11[%parallel_loop3A_442, %parallel_loop3A_443] {strides = array<i32>} : memref<8x1024xf32, #tpu.memory_space<vmem>>, vector<1x16xf32>,
        %parallel_loop3A_445 = vector.shape_cast %parallel_loop3A_444 : vector<1x16xf32> to vector<16xf32>
        %parallel_loop3A_446 = vector.shape_cast %parallel_loop3A_441 : vector<16xf32> to vector<1x16xf32>
        tpu.vector_store %arg11[%parallel_loop3A_442, %parallel_loop3A_443], %parallel_loop3A_446 {strides = array<i32>} : memref<8x1024xf32, #tpu.memory_space<vmem>>, vector<1x16xf32>,
        %parallel_loop3A_447 = arith.addf %parallel_loop3A_419, %parallel_loop3A_402 : vector<16xf32>
        %parallel_loop3A_448 = arith.index_cast %parallel_loop3A_304 : i32 to index
        %parallel_loop3A_449 = arith.constant 64 : index
        %parallel_loop3A_450 = tpu.vector_load %arg11[%parallel_loop3A_448, %parallel_loop3A_449] {strides = array<i32>} : memref<8x1024xf32, #tpu.memory_space<vmem>>, vector<1x16xf32>,
        %parallel_loop3A_451 = vector.shape_cast %parallel_loop3A_450 : vector<1x16xf32> to vector<16xf32>
        %parallel_loop3A_452 = vector.shape_cast %parallel_loop3A_447 : vector<16xf32> to vector<1x16xf32>
        tpu.vector_store %arg11[%parallel_loop3A_448, %parallel_loop3A_449], %parallel_loop3A_452 {strides = array<i32>} : memref<8x1024xf32, #tpu.memory_space<vmem>>, vector<1x16xf32>,
        %parallel_loop3A_453 = arith.addf %parallel_loop3A_420, %parallel_loop3A_406 : vector<16xf32>
        %parallel_loop3A_454 = arith.index_cast %parallel_loop3A_304 : i32 to index
        %parallel_loop3A_455 = arith.constant 80 : index
        %parallel_loop3A_456 = tpu.vector_load %arg11[%parallel_loop3A_454, %parallel_loop3A_455] {strides = array<i32>} : memref<8x1024xf32, #tpu.memory_space<vmem>>, vector<1x16xf32>,
        %parallel_loop3A_457 = vector.shape_cast %parallel_loop3A_456 : vector<1x16xf32> to vector<16xf32>
        %parallel_loop3A_458 = vector.shape_cast %parallel_loop3A_453 : vector<16xf32> to vector<1x16xf32>
        tpu.vector_store %arg11[%parallel_loop3A_454, %parallel_loop3A_455], %parallel_loop3A_458 {strides = array<i32>} : memref<8x1024xf32, #tpu.memory_space<vmem>>, vector<1x16xf32>,
        %parallel_loop3A_459 = arith.addf %parallel_loop3A_421, %parallel_loop3A_410 : vector<16xf32>
        %parallel_loop3A_460 = arith.index_cast %parallel_loop3A_304 : i32 to index
        %parallel_loop3A_461 = arith.constant 96 : index
        %parallel_loop3A_462 = tpu.vector_load %arg11[%parallel_loop3A_460, %parallel_loop3A_461] {strides = array<i32>} : memref<8x1024xf32, #tpu.memory_space<vmem>>, vector<1x16xf32>,
        %parallel_loop3A_463 = vector.shape_cast %parallel_loop3A_462 : vector<1x16xf32> to vector<16xf32>
        %parallel_loop3A_464 = vector.shape_cast %parallel_loop3A_459 : vector<16xf32> to vector<1x16xf32>
        tpu.vector_store %arg11[%parallel_loop3A_460, %parallel_loop3A_461], %parallel_loop3A_464 {strides = array<i32>} : memref<8x1024xf32, #tpu.memory_space<vmem>>, vector<1x16xf32>,
        %parallel_loop3A_465 = arith.addf %parallel_loop3A_422, %parallel_loop3A_414 : vector<16xf32>
        %parallel_loop3A_466 = arith.index_cast %parallel_loop3A_304 : i32 to index
        %parallel_loop3A_467 = arith.constant 112 : index
        %parallel_loop3A_468 = tpu.vector_load %arg11[%parallel_loop3A_466, %parallel_loop3A_467] {strides = array<i32>} : memref<8x1024xf32, #tpu.memory_space<vmem>>, vector<1x16xf32>,
        %parallel_loop3A_469 = vector.shape_cast %parallel_loop3A_468 : vector<1x16xf32> to vector<16xf32>
        %parallel_loop3A_470 = vector.shape_cast %parallel_loop3A_465 : vector<16xf32> to vector<1x16xf32>
        tpu.vector_store %arg11[%parallel_loop3A_466, %parallel_loop3A_467], %parallel_loop3A_470 {strides = array<i32>} : memref<8x1024xf32, #tpu.memory_space<vmem>>, vector<1x16xf32>,
        %parallel_loop3A_471 = arith.index_cast %parallel_loop3A_304 : i32 to index
        %parallel_loop3A_472 = arith.constant 128 : index
        %parallel_loop3A_473 = tpu.vector_load %arg9[%parallel_loop3A_471, %parallel_loop3A_472] {strides = array<i32>} : memref<8x1024xf32, #tpu.memory_space<vmem>>, vector<1x16xf32>,
        %parallel_loop3A_474 = vector.shape_cast %parallel_loop3A_473 : vector<1x16xf32> to vector<16xf32>
        %parallel_loop3A_475 = arith.index_cast %parallel_loop3A_304 : i32 to index
        %parallel_loop3A_476 = arith.constant 144 : index
        %parallel_loop3A_477 = tpu.vector_load %arg9[%parallel_loop3A_475, %parallel_loop3A_476] {strides = array<i32>} : memref<8x1024xf32, #tpu.memory_space<vmem>>, vector<1x16xf32>,
        %parallel_loop3A_478 = vector.shape_cast %parallel_loop3A_477 : vector<1x16xf32> to vector<16xf32>
        %parallel_loop3A_479 = arith.index_cast %parallel_loop3A_304 : i32 to index
        %parallel_loop3A_480 = arith.constant 160 : index
        %parallel_loop3A_481 = tpu.vector_load %arg9[%parallel_loop3A_479, %parallel_loop3A_480] {strides = array<i32>} : memref<8x1024xf32, #tpu.memory_space<vmem>>, vector<1x16xf32>,
        %parallel_loop3A_482 = vector.shape_cast %parallel_loop3A_481 : vector<1x16xf32> to vector<16xf32>
        %parallel_loop3A_483 = arith.index_cast %parallel_loop3A_304 : i32 to index
        %parallel_loop3A_484 = arith.constant 176 : index
        %parallel_loop3A_485 = tpu.vector_load %arg9[%parallel_loop3A_483, %parallel_loop3A_484] {strides = array<i32>} : memref<8x1024xf32, #tpu.memory_space<vmem>>, vector<1x16xf32>,
        %parallel_loop3A_486 = vector.shape_cast %parallel_loop3A_485 : vector<1x16xf32> to vector<16xf32>
        %parallel_loop3A_487 = arith.index_cast %parallel_loop3A_304 : i32 to index
        %parallel_loop3A_488 = arith.constant 192 : index
        %parallel_loop3A_489 = tpu.vector_load %arg9[%parallel_loop3A_487, %parallel_loop3A_488] {strides = array<i32>} : memref<8x1024xf32, #tpu.memory_space<vmem>>, vector<1x16xf32>,
        %parallel_loop3A_490 = vector.shape_cast %parallel_loop3A_489 : vector<1x16xf32> to vector<16xf32>
        %parallel_loop3A_491 = arith.index_cast %parallel_loop3A_304 : i32 to index
        %parallel_loop3A_492 = arith.constant 208 : index
        %parallel_loop3A_493 = tpu.vector_load %arg9[%parallel_loop3A_491, %parallel_loop3A_492] {strides = array<i32>} : memref<8x1024xf32, #tpu.memory_space<vmem>>, vector<1x16xf32>,
        %parallel_loop3A_494 = vector.shape_cast %parallel_loop3A_493 : vector<1x16xf32> to vector<16xf32>
        %parallel_loop3A_495 = arith.index_cast %parallel_loop3A_304 : i32 to index
        %parallel_loop3A_496 = arith.constant 224 : index
        %parallel_loop3A_497 = tpu.vector_load %arg9[%parallel_loop3A_495, %parallel_loop3A_496] {strides = array<i32>} : memref<8x1024xf32, #tpu.memory_space<vmem>>, vector<1x16xf32>,
        %parallel_loop3A_498 = vector.shape_cast %parallel_loop3A_497 : vector<1x16xf32> to vector<16xf32>
        %parallel_loop3A_499 = arith.index_cast %parallel_loop3A_304 : i32 to index
        %parallel_loop3A_500 = arith.constant 240 : index
        %parallel_loop3A_501 = tpu.vector_load %arg9[%parallel_loop3A_499, %parallel_loop3A_500] {strides = array<i32>} : memref<8x1024xf32, #tpu.memory_space<vmem>>, vector<1x16xf32>,
        %parallel_loop3A_502 = vector.shape_cast %parallel_loop3A_501 : vector<1x16xf32> to vector<16xf32>
        %parallel_loop3A_503 = arith.addi %mul3A_244, %parallel_loop3A_304 : i32
        %parallel_loop3A_504 = arith.index_cast %parallel_loop3A_503 : i32 to index
        %parallel_loop3A_505 = arith.constant 128 : index
        %parallel_loop3A_506 = tpu.vector_load %arg7[%parallel_loop3A_504, %parallel_loop3A_505] {strides = array<i32>} : memref<64x1024xf32, #tpu.memory_space<vmem>>, vector<1x16xf32>,
        %parallel_loop3A_507 = vector.shape_cast %parallel_loop3A_506 : vector<1x16xf32> to vector<16xf32>
        %parallel_loop3A_508 = arith.addi %mul3A_244, %parallel_loop3A_304 : i32
        %parallel_loop3A_509 = arith.index_cast %parallel_loop3A_508 : i32 to index
        %parallel_loop3A_510 = arith.constant 144 : index
        %parallel_loop3A_511 = tpu.vector_load %arg7[%parallel_loop3A_509, %parallel_loop3A_510] {strides = array<i32>} : memref<64x1024xf32, #tpu.memory_space<vmem>>, vector<1x16xf32>,
        %parallel_loop3A_512 = vector.shape_cast %parallel_loop3A_511 : vector<1x16xf32> to vector<16xf32>
        %parallel_loop3A_513 = arith.addi %mul3A_244, %parallel_loop3A_304 : i32
        %parallel_loop3A_514 = arith.index_cast %parallel_loop3A_513 : i32 to index
        %parallel_loop3A_515 = arith.constant 160 : index
        %parallel_loop3A_516 = tpu.vector_load %arg7[%parallel_loop3A_514, %parallel_loop3A_515] {strides = array<i32>} : memref<64x1024xf32, #tpu.memory_space<vmem>>, vector<1x16xf32>,
        %parallel_loop3A_517 = vector.shape_cast %parallel_loop3A_516 : vector<1x16xf32> to vector<16xf32>
        %parallel_loop3A_518 = arith.addi %mul3A_244, %parallel_loop3A_304 : i32
        %parallel_loop3A_519 = arith.index_cast %parallel_loop3A_518 : i32 to index
        %parallel_loop3A_520 = arith.constant 176 : index
        %parallel_loop3A_521 = tpu.vector_load %arg7[%parallel_loop3A_519, %parallel_loop3A_520] {strides = array<i32>} : memref<64x1024xf32, #tpu.memory_space<vmem>>, vector<1x16xf32>,
        %parallel_loop3A_522 = vector.shape_cast %parallel_loop3A_521 : vector<1x16xf32> to vector<16xf32>
        %parallel_loop3A_523 = arith.addi %mul3A_244, %parallel_loop3A_304 : i32
        %parallel_loop3A_524 = arith.index_cast %parallel_loop3A_523 : i32 to index
        %parallel_loop3A_525 = arith.constant 192 : index
        %parallel_loop3A_526 = tpu.vector_load %arg7[%parallel_loop3A_524, %parallel_loop3A_525] {strides = array<i32>} : memref<64x1024xf32, #tpu.memory_space<vmem>>, vector<1x16xf32>,
        %parallel_loop3A_527 = vector.shape_cast %parallel_loop3A_526 : vector<1x16xf32> to vector<16xf32>
        %parallel_loop3A_528 = arith.addi %mul3A_244, %parallel_loop3A_304 : i32
        %parallel_loop3A_529 = arith.index_cast %parallel_loop3A_528 : i32 to index
        %parallel_loop3A_530 = arith.constant 208 : index
        %parallel_loop3A_531 = tpu.vector_load %arg7[%parallel_loop3A_529, %parallel_loop3A_530] {strides = array<i32>} : memref<64x1024xf32, #tpu.memory_space<vmem>>, vector<1x16xf32>,
        %parallel_loop3A_532 = vector.shape_cast %parallel_loop3A_531 : vector<1x16xf32> to vector<16xf32>
        %parallel_loop3A_533 = arith.addi %mul3A_244, %parallel_loop3A_304 : i32
        %parallel_loop3A_534 = arith.index_cast %parallel_loop3A_533 : i32 to index
        %parallel_loop3A_535 = arith.constant 224 : index
        %parallel_loop3A_536 = tpu.vector_load %arg7[%parallel_loop3A_534, %parallel_loop3A_535] {strides = array<i32>} : memref<64x1024xf32, #tpu.memory_space<vmem>>, vector<1x16xf32>,
        %parallel_loop3A_537 = vector.shape_cast %parallel_loop3A_536 : vector<1x16xf32> to vector<16xf32>
        %parallel_loop3A_538 = arith.addi %mul3A_244, %parallel_loop3A_304 : i32
        %parallel_loop3A_539 = arith.index_cast %parallel_loop3A_538 : i32 to index
        %parallel_loop3A_540 = arith.constant 240 : index
        %parallel_loop3A_541 = tpu.vector_load %arg7[%parallel_loop3A_539, %parallel_loop3A_540] {strides = array<i32>} : memref<64x1024xf32, #tpu.memory_space<vmem>>, vector<1x16xf32>,
        %parallel_loop3A_542 = vector.shape_cast %parallel_loop3A_541 : vector<1x16xf32> to vector<16xf32>
        %parallel_loop3A_543 = arith.index_cast %parallel_loop3A_310 : i32 to index
        %parallel_loop3A_544 = arith.constant 128 : index
        %parallel_loop3A_545 = tpu.vector_load %arg12[%parallel_loop3A_543, %parallel_loop3A_544] {strides = array<i32>} : memref<5x1024xf32, #tpu.memory_space<vmem>>, vector<1x16xf32>,
        %parallel_loop3A_546 = vector.shape_cast %parallel_loop3A_545 : vector<1x16xf32> to vector<16xf32>
        %parallel_loop3A_547 = arith.index_cast %parallel_loop3A_310 : i32 to index
        %parallel_loop3A_548 = arith.constant 144 : index
        %parallel_loop3A_549 = tpu.vector_load %arg12[%parallel_loop3A_547, %parallel_loop3A_548] {strides = array<i32>} : memref<5x1024xf32, #tpu.memory_space<vmem>>, vector<1x16xf32>,
        %parallel_loop3A_550 = vector.shape_cast %parallel_loop3A_549 : vector<1x16xf32> to vector<16xf32>
        %parallel_loop3A_551 = arith.index_cast %parallel_loop3A_310 : i32 to index
        %parallel_loop3A_552 = arith.constant 160 : index
        %parallel_loop3A_553 = tpu.vector_load %arg12[%parallel_loop3A_551, %parallel_loop3A_552] {strides = array<i32>} : memref<5x1024xf32, #tpu.memory_space<vmem>>, vector<1x16xf32>,
        %parallel_loop3A_554 = vector.shape_cast %parallel_loop3A_553 : vector<1x16xf32> to vector<16xf32>
        %parallel_loop3A_555 = arith.index_cast %parallel_loop3A_310 : i32 to index
        %parallel_loop3A_556 = arith.constant 176 : index
        %parallel_loop3A_557 = tpu.vector_load %arg12[%parallel_loop3A_555, %parallel_loop3A_556] {strides = array<i32>} : memref<5x1024xf32, #tpu.memory_space<vmem>>, vector<1x16xf32>,
        %parallel_loop3A_558 = vector.shape_cast %parallel_loop3A_557 : vector<1x16xf32> to vector<16xf32>
        %parallel_loop3A_559 = arith.index_cast %parallel_loop3A_310 : i32 to index
        %parallel_loop3A_560 = arith.constant 192 : index
        %parallel_loop3A_561 = tpu.vector_load %arg12[%parallel_loop3A_559, %parallel_loop3A_560] {strides = array<i32>} : memref<5x1024xf32, #tpu.memory_space<vmem>>, vector<1x16xf32>,
        %parallel_loop3A_562 = vector.shape_cast %parallel_loop3A_561 : vector<1x16xf32> to vector<16xf32>
        %parallel_loop3A_563 = arith.index_cast %parallel_loop3A_310 : i32 to index
        %parallel_loop3A_564 = arith.constant 208 : index
        %parallel_loop3A_565 = tpu.vector_load %arg12[%parallel_loop3A_563, %parallel_loop3A_564] {strides = array<i32>} : memref<5x1024xf32, #tpu.memory_space<vmem>>, vector<1x16xf32>,
        %parallel_loop3A_566 = vector.shape_cast %parallel_loop3A_565 : vector<1x16xf32> to vector<16xf32>
        %parallel_loop3A_567 = arith.index_cast %parallel_loop3A_310 : i32 to index
        %parallel_loop3A_568 = arith.constant 224 : index
        %parallel_loop3A_569 = tpu.vector_load %arg12[%parallel_loop3A_567, %parallel_loop3A_568] {strides = array<i32>} : memref<5x1024xf32, #tpu.memory_space<vmem>>, vector<1x16xf32>,
        %parallel_loop3A_570 = vector.shape_cast %parallel_loop3A_569 : vector<1x16xf32> to vector<16xf32>
        %parallel_loop3A_571 = arith.index_cast %parallel_loop3A_310 : i32 to index
        %parallel_loop3A_572 = arith.constant 240 : index
        %parallel_loop3A_573 = tpu.vector_load %arg12[%parallel_loop3A_571, %parallel_loop3A_572] {strides = array<i32>} : memref<5x1024xf32, #tpu.memory_space<vmem>>, vector<1x16xf32>,
        %parallel_loop3A_574 = vector.shape_cast %parallel_loop3A_573 : vector<1x16xf32> to vector<16xf32>
        %parallel_loop3A_575 = arith.addf %parallel_loop3A_474, %parallel_loop3A_507 : vector<16xf32>
        %parallel_loop3A_576 = arith.addf %parallel_loop3A_478, %parallel_loop3A_512 : vector<16xf32>
        %parallel_loop3A_577 = arith.addf %parallel_loop3A_482, %parallel_loop3A_517 : vector<16xf32>
        %parallel_loop3A_578 = arith.addf %parallel_loop3A_486, %parallel_loop3A_522 : vector<16xf32>
        %parallel_loop3A_579 = arith.addf %parallel_loop3A_490, %parallel_loop3A_527 : vector<16xf32>
        %parallel_loop3A_580 = arith.addf %parallel_loop3A_494, %parallel_loop3A_532 : vector<16xf32>
        %parallel_loop3A_581 = arith.addf %parallel_loop3A_498, %parallel_loop3A_537 : vector<16xf32>
        %parallel_loop3A_582 = arith.addf %parallel_loop3A_502, %parallel_loop3A_542 : vector<16xf32>
        %parallel_loop3A_583 = arith.addf %parallel_loop3A_575, %parallel_loop3A_546 : vector<16xf32>
        %parallel_loop3A_584 = arith.index_cast %parallel_loop3A_304 : i32 to index
        %parallel_loop3A_585 = arith.constant 128 : index
        %parallel_loop3A_586 = tpu.vector_load %arg11[%parallel_loop3A_584, %parallel_loop3A_585] {strides = array<i32>} : memref<8x1024xf32, #tpu.memory_space<vmem>>, vector<1x16xf32>,
        %parallel_loop3A_587 = vector.shape_cast %parallel_loop3A_586 : vector<1x16xf32> to vector<16xf32>
        %parallel_loop3A_588 = vector.shape_cast %parallel_loop3A_583 : vector<16xf32> to vector<1x16xf32>
        tpu.vector_store %arg11[%parallel_loop3A_584, %parallel_loop3A_585], %parallel_loop3A_588 {strides = array<i32>} : memref<8x1024xf32, #tpu.memory_space<vmem>>, vector<1x16xf32>,
        %parallel_loop3A_589 = arith.addf %parallel_loop3A_576, %parallel_loop3A_550 : vector<16xf32>
        %parallel_loop3A_590 = arith.index_cast %parallel_loop3A_304 : i32 to index
        %parallel_loop3A_591 = arith.constant 144 : index
        %parallel_loop3A_592 = tpu.vector_load %arg11[%parallel_loop3A_590, %parallel_loop3A_591] {strides = array<i32>} : memref<8x1024xf32, #tpu.memory_space<vmem>>, vector<1x16xf32>,
        %parallel_loop3A_593 = vector.shape_cast %parallel_loop3A_592 : vector<1x16xf32> to vector<16xf32>
        %parallel_loop3A_594 = vector.shape_cast %parallel_loop3A_589 : vector<16xf32> to vector<1x16xf32>
        tpu.vector_store %arg11[%parallel_loop3A_590, %parallel_loop3A_591], %parallel_loop3A_594 {strides = array<i32>} : memref<8x1024xf32, #tpu.memory_space<vmem>>, vector<1x16xf32>,
        %parallel_loop3A_595 = arith.addf %parallel_loop3A_577, %parallel_loop3A_554 : vector<16xf32>
        %parallel_loop3A_596 = arith.index_cast %parallel_loop3A_304 : i32 to index
        %parallel_loop3A_597 = arith.constant 160 : index
        %parallel_loop3A_598 = tpu.vector_load %arg11[%parallel_loop3A_596, %parallel_loop3A_597] {strides = array<i32>} : memref<8x1024xf32, #tpu.memory_space<vmem>>, vector<1x16xf32>,
        %parallel_loop3A_599 = vector.shape_cast %parallel_loop3A_598 : vector<1x16xf32> to vector<16xf32>
        %parallel_loop3A_600 = vector.shape_cast %parallel_loop3A_595 : vector<16xf32> to vector<1x16xf32>
        tpu.vector_store %arg11[%parallel_loop3A_596, %parallel_loop3A_597], %parallel_loop3A_600 {strides = array<i32>} : memref<8x1024xf32, #tpu.memory_space<vmem>>, vector<1x16xf32>,
        %parallel_loop3A_601 = arith.addf %parallel_loop3A_578, %parallel_loop3A_558 : vector<16xf32>
        %parallel_loop3A_602 = arith.index_cast %parallel_loop3A_304 : i32 to index
        %parallel_loop3A_603 = arith.constant 176 : index
        %parallel_loop3A_604 = tpu.vector_load %arg11[%parallel_loop3A_602, %parallel_loop3A_603] {strides = array<i32>} : memref<8x1024xf32, #tpu.memory_space<vmem>>, vector<1x16xf32>,
        %parallel_loop3A_605 = vector.shape_cast %parallel_loop3A_604 : vector<1x16xf32> to vector<16xf32>
        %parallel_loop3A_606 = vector.shape_cast %parallel_loop3A_601 : vector<16xf32> to vector<1x16xf32>
        tpu.vector_store %arg11[%parallel_loop3A_602, %parallel_loop3A_603], %parallel_loop3A_606 {strides = array<i32>} : memref<8x1024xf32, #tpu.memory_space<vmem>>, vector<1x16xf32>,
        %parallel_loop3A_607 = arith.addf %parallel_loop3A_579, %parallel_loop3A_562 : vector<16xf32>
        %parallel_loop3A_608 = arith.index_cast %parallel_loop3A_304 : i32 to index
        %parallel_loop3A_609 = arith.constant 192 : index
        %parallel_loop3A_610 = tpu.vector_load %arg11[%parallel_loop3A_608, %parallel_loop3A_609] {strides = array<i32>} : memref<8x1024xf32, #tpu.memory_space<vmem>>, vector<1x16xf32>,
        %parallel_loop3A_611 = vector.shape_cast %parallel_loop3A_610 : vector<1x16xf32> to vector<16xf32>
        %parallel_loop3A_612 = vector.shape_cast %parallel_loop3A_607 : vector<16xf32> to vector<1x16xf32>
        tpu.vector_store %arg11[%parallel_loop3A_608, %parallel_loop3A_609], %parallel_loop3A_612 {strides = array<i32>} : memref<8x1024xf32, #tpu.memory_space<vmem>>, vector<1x16xf32>,
        %parallel_loop3A_613 = arith.addf %parallel_loop3A_580, %parallel_loop3A_566 : vector<16xf32>
        %parallel_loop3A_614 = arith.index_cast %parallel_loop3A_304 : i32 to index
        %parallel_loop3A_615 = arith.constant 208 : index
        %parallel_loop3A_616 = tpu.vector_load %arg11[%parallel_loop3A_614, %parallel_loop3A_615] {strides = array<i32>} : memref<8x1024xf32, #tpu.memory_space<vmem>>, vector<1x16xf32>,
        %parallel_loop3A_617 = vector.shape_cast %parallel_loop3A_616 : vector<1x16xf32> to vector<16xf32>
        %parallel_loop3A_618 = vector.shape_cast %parallel_loop3A_613 : vector<16xf32> to vector<1x16xf32>
        tpu.vector_store %arg11[%parallel_loop3A_614, %parallel_loop3A_615], %parallel_loop3A_618 {strides = array<i32>} : memref<8x1024xf32, #tpu.memory_space<vmem>>, vector<1x16xf32>,
        %parallel_loop3A_619 = arith.addf %parallel_loop3A_581, %parallel_loop3A_570 : vector<16xf32>
        %parallel_loop3A_620 = arith.index_cast %parallel_loop3A_304 : i32 to index
        %parallel_loop3A_621 = arith.constant 224 : index
        %parallel_loop3A_622 = tpu.vector_load %arg11[%parallel_loop3A_620, %parallel_loop3A_621] {strides = array<i32>} : memref<8x1024xf32, #tpu.memory_space<vmem>>, vector<1x16xf32>,
        %parallel_loop3A_623 = vector.shape_cast %parallel_loop3A_622 : vector<1x16xf32> to vector<16xf32>
        %parallel_loop3A_624 = vector.shape_cast %parallel_loop3A_619 : vector<16xf32> to vector<1x16xf32>
        tpu.vector_store %arg11[%parallel_loop3A_620, %parallel_loop3A_621], %parallel_loop3A_624 {strides = array<i32>} : memref<8x1024xf32, #tpu.memory_space<vmem>>, vector<1x16xf32>,
        %parallel_loop3A_625 = arith.addf %parallel_loop3A_582, %parallel_loop3A_574 : vector<16xf32>
        %parallel_loop3A_626 = arith.index_cast %parallel_loop3A_304 : i32 to index
        %parallel_loop3A_627 = arith.constant 240 : index
        %parallel_loop3A_628 = tpu.vector_load %arg11[%parallel_loop3A_626, %parallel_loop3A_627] {strides = array<i32>} : memref<8x1024xf32, #tpu.memory_space<vmem>>, vector<1x16xf32>,
        %parallel_loop3A_629 = vector.shape_cast %parallel_loop3A_628 : vector<1x16xf32> to vector<16xf32>
        %parallel_loop3A_630 = vector.shape_cast %parallel_loop3A_625 : vector<16xf32> to vector<1x16xf32>
        tpu.vector_store %arg11[%parallel_loop3A_626, %parallel_loop3A_627], %parallel_loop3A_630 {strides = array<i32>} : memref<8x1024xf32, #tpu.memory_space<vmem>>, vector<1x16xf32>,
        %parallel_loop3A_631 = arith.index_cast %parallel_loop3A_304 : i32 to index
        %parallel_loop3A_632 = arith.constant 256 : index
        %parallel_loop3A_633 = tpu.vector_load %arg9[%parallel_loop3A_631, %parallel_loop3A_632] {strides = array<i32>} : memref<8x1024xf32, #tpu.memory_space<vmem>>, vector<1x16xf32>,
        %parallel_loop3A_634 = vector.shape_cast %parallel_loop3A_633 : vector<1x16xf32> to vector<16xf32>
        %parallel_loop3A_635 = arith.index_cast %parallel_loop3A_304 : i32 to index
        %parallel_loop3A_636 = arith.constant 272 : index
        %parallel_loop3A_637 = tpu.vector_load %arg9[%parallel_loop3A_635, %parallel_loop3A_636] {strides = array<i32>} : memref<8x1024xf32, #tpu.memory_space<vmem>>, vector<1x16xf32>,
        %parallel_loop3A_638 = vector.shape_cast %parallel_loop3A_637 : vector<1x16xf32> to vector<16xf32>
        %parallel_loop3A_639 = arith.index_cast %parallel_loop3A_304 : i32 to index
        %parallel_loop3A_640 = arith.constant 288 : index
        %parallel_loop3A_641 = tpu.vector_load %arg9[%parallel_loop3A_639, %parallel_loop3A_640] {strides = array<i32>} : memref<8x1024xf32, #tpu.memory_space<vmem>>, vector<1x16xf32>,
        %parallel_loop3A_642 = vector.shape_cast %parallel_loop3A_641 : vector<1x16xf32> to vector<16xf32>
        %parallel_loop3A_643 = arith.index_cast %parallel_loop3A_304 : i32 to index
        %parallel_loop3A_644 = arith.constant 304 : index
        %parallel_loop3A_645 = tpu.vector_load %arg9[%parallel_loop3A_643, %parallel_loop3A_644] {strides = array<i32>} : memref<8x1024xf32, #tpu.memory_space<vmem>>, vector<1x16xf32>,
        %parallel_loop3A_646 = vector.shape_cast %parallel_loop3A_645 : vector<1x16xf32> to vector<16xf32>
        %parallel_loop3A_647 = arith.index_cast %parallel_loop3A_304 : i32 to index
        %parallel_loop3A_648 = arith.constant 320 : index
        %parallel_loop3A_649 = tpu.vector_load %arg9[%parallel_loop3A_647, %parallel_loop3A_648] {strides = array<i32>} : memref<8x1024xf32, #tpu.memory_space<vmem>>, vector<1x16xf32>,
        %parallel_loop3A_650 = vector.shape_cast %parallel_loop3A_649 : vector<1x16xf32> to vector<16xf32>
        %parallel_loop3A_651 = arith.index_cast %parallel_loop3A_304 : i32 to index
        %parallel_loop3A_652 = arith.constant 336 : index
        %parallel_loop3A_653 = tpu.vector_load %arg9[%parallel_loop3A_651, %parallel_loop3A_652] {strides = array<i32>} : memref<8x1024xf32, #tpu.memory_space<vmem>>, vector<1x16xf32>,
        %parallel_loop3A_654 = vector.shape_cast %parallel_loop3A_653 : vector<1x16xf32> to vector<16xf32>
        %parallel_loop3A_655 = arith.index_cast %parallel_loop3A_304 : i32 to index
        %parallel_loop3A_656 = arith.constant 352 : index
        %parallel_loop3A_657 = tpu.vector_load %arg9[%parallel_loop3A_655, %parallel_loop3A_656] {strides = array<i32>} : memref<8x1024xf32, #tpu.memory_space<vmem>>, vector<1x16xf32>,
        %parallel_loop3A_658 = vector.shape_cast %parallel_loop3A_657 : vector<1x16xf32> to vector<16xf32>
        %parallel_loop3A_659 = arith.index_cast %parallel_loop3A_304 : i32 to index
        %parallel_loop3A_660 = arith.constant 368 : index
        %parallel_loop3A_661 = tpu.vector_load %arg9[%parallel_loop3A_659, %parallel_loop3A_660] {strides = array<i32>} : memref<8x1024xf32, #tpu.memory_space<vmem>>, vector<1x16xf32>,
        %parallel_loop3A_662 = vector.shape_cast %parallel_loop3A_661 : vector<1x16xf32> to vector<16xf32>
        %parallel_loop3A_663 = arith.addi %mul3A_244, %parallel_loop3A_304 : i32
        %parallel_loop3A_664 = arith.index_cast %parallel_loop3A_663 : i32 to index
        %parallel_loop3A_665 = arith.constant 256 : index
        %parallel_loop3A_666 = tpu.vector_load %arg7[%parallel_loop3A_664, %parallel_loop3A_665] {strides = array<i32>} : memref<64x1024xf32, #tpu.memory_space<vmem>>, vector<1x16xf32>,
        %parallel_loop3A_667 = vector.shape_cast %parallel_loop3A_666 : vector<1x16xf32> to vector<16xf32>
        %parallel_loop3A_668 = arith.addi %mul3A_244, %parallel_loop3A_304 : i32
        %parallel_loop3A_669 = arith.index_cast %parallel_loop3A_668 : i32 to index
        %parallel_loop3A_670 = arith.constant 272 : index
        %parallel_loop3A_671 = tpu.vector_load %arg7[%parallel_loop3A_669, %parallel_loop3A_670] {strides = array<i32>} : memref<64x1024xf32, #tpu.memory_space<vmem>>, vector<1x16xf32>,
        %parallel_loop3A_672 = vector.shape_cast %parallel_loop3A_671 : vector<1x16xf32> to vector<16xf32>
        %parallel_loop3A_673 = arith.addi %mul3A_244, %parallel_loop3A_304 : i32
        %parallel_loop3A_674 = arith.index_cast %parallel_loop3A_673 : i32 to index
        %parallel_loop3A_675 = arith.constant 288 : index
        %parallel_loop3A_676 = tpu.vector_load %arg7[%parallel_loop3A_674, %parallel_loop3A_675] {strides = array<i32>} : memref<64x1024xf32, #tpu.memory_space<vmem>>, vector<1x16xf32>,
        %parallel_loop3A_677 = vector.shape_cast %parallel_loop3A_676 : vector<1x16xf32> to vector<16xf32>
        %parallel_loop3A_678 = arith.addi %mul3A_244, %parallel_loop3A_304 : i32
        %parallel_loop3A_679 = arith.index_cast %parallel_loop3A_678 : i32 to index
        %parallel_loop3A_680 = arith.constant 304 : index
        %parallel_loop3A_681 = tpu.vector_load %arg7[%parallel_loop3A_679, %parallel_loop3A_680] {strides = array<i32>} : memref<64x1024xf32, #tpu.memory_space<vmem>>, vector<1x16xf32>,
        %parallel_loop3A_682 = vector.shape_cast %parallel_loop3A_681 : vector<1x16xf32> to vector<16xf32>
        %parallel_loop3A_683 = arith.addi %mul3A_244, %parallel_loop3A_304 : i32
        %parallel_loop3A_684 = arith.index_cast %parallel_loop3A_683 : i32 to index
        %parallel_loop3A_685 = arith.constant 320 : index
        %parallel_loop3A_686 = tpu.vector_load %arg7[%parallel_loop3A_684, %parallel_loop3A_685] {strides = array<i32>} : memref<64x1024xf32, #tpu.memory_space<vmem>>, vector<1x16xf32>,
        %parallel_loop3A_687 = vector.shape_cast %parallel_loop3A_686 : vector<1x16xf32> to vector<16xf32>
        %parallel_loop3A_688 = arith.addi %mul3A_244, %parallel_loop3A_304 : i32
        %parallel_loop3A_689 = arith.index_cast %parallel_loop3A_688 : i32 to index
        %parallel_loop3A_690 = arith.constant 336 : index
        %parallel_loop3A_691 = tpu.vector_load %arg7[%parallel_loop3A_689, %parallel_loop3A_690] {strides = array<i32>} : memref<64x1024xf32, #tpu.memory_space<vmem>>, vector<1x16xf32>,
        %parallel_loop3A_692 = vector.shape_cast %parallel_loop3A_691 : vector<1x16xf32> to vector<16xf32>
        %parallel_loop3A_693 = arith.addi %mul3A_244, %parallel_loop3A_304 : i32
        %parallel_loop3A_694 = arith.index_cast %parallel_loop3A_693 : i32 to index
        %parallel_loop3A_695 = arith.constant 352 : index
        %parallel_loop3A_696 = tpu.vector_load %arg7[%parallel_loop3A_694, %parallel_loop3A_695] {strides = array<i32>} : memref<64x1024xf32, #tpu.memory_space<vmem>>, vector<1x16xf32>,
        %parallel_loop3A_697 = vector.shape_cast %parallel_loop3A_696 : vector<1x16xf32> to vector<16xf32>
        %parallel_loop3A_698 = arith.addi %mul3A_244, %parallel_loop3A_304 : i32
        %parallel_loop3A_699 = arith.index_cast %parallel_loop3A_698 : i32 to index
        %parallel_loop3A_700 = arith.constant 368 : index
        %parallel_loop3A_701 = tpu.vector_load %arg7[%parallel_loop3A_699, %parallel_loop3A_700] {strides = array<i32>} : memref<64x1024xf32, #tpu.memory_space<vmem>>, vector<1x16xf32>,
        %parallel_loop3A_702 = vector.shape_cast %parallel_loop3A_701 : vector<1x16xf32> to vector<16xf32>
        %parallel_loop3A_703 = arith.index_cast %parallel_loop3A_310 : i32 to index
        %parallel_loop3A_704 = arith.constant 256 : index
        %parallel_loop3A_705 = tpu.vector_load %arg12[%parallel_loop3A_703, %parallel_loop3A_704] {strides = array<i32>} : memref<5x1024xf32, #tpu.memory_space<vmem>>, vector<1x16xf32>,
        %parallel_loop3A_706 = vector.shape_cast %parallel_loop3A_705 : vector<1x16xf32> to vector<16xf32>
        %parallel_loop3A_707 = arith.index_cast %parallel_loop3A_310 : i32 to index
        %parallel_loop3A_708 = arith.constant 272 : index
        %parallel_loop3A_709 = tpu.vector_load %arg12[%parallel_loop3A_707, %parallel_loop3A_708] {strides = array<i32>} : memref<5x1024xf32, #tpu.memory_space<vmem>>, vector<1x16xf32>,
        %parallel_loop3A_710 = vector.shape_cast %parallel_loop3A_709 : vector<1x16xf32> to vector<16xf32>
        %parallel_loop3A_711 = arith.index_cast %parallel_loop3A_310 : i32 to index
        %parallel_loop3A_712 = arith.constant 288 : index
        %parallel_loop3A_713 = tpu.vector_load %arg12[%parallel_loop3A_711, %parallel_loop3A_712] {strides = array<i32>} : memref<5x1024xf32, #tpu.memory_space<vmem>>, vector<1x16xf32>,
        %parallel_loop3A_714 = vector.shape_cast %parallel_loop3A_713 : vector<1x16xf32> to vector<16xf32>
        %parallel_loop3A_715 = arith.index_cast %parallel_loop3A_310 : i32 to index
        %parallel_loop3A_716 = arith.constant 304 : index
        %parallel_loop3A_717 = tpu.vector_load %arg12[%parallel_loop3A_715, %parallel_loop3A_716] {strides = array<i32>} : memref<5x1024xf32, #tpu.memory_space<vmem>>, vector<1x16xf32>,
        %parallel_loop3A_718 = vector.shape_cast %parallel_loop3A_717 : vector<1x16xf32> to vector<16xf32>
        %parallel_loop3A_719 = arith.index_cast %parallel_loop3A_310 : i32 to index
        %parallel_loop3A_720 = arith.constant 320 : index
        %parallel_loop3A_721 = tpu.vector_load %arg12[%parallel_loop3A_719, %parallel_loop3A_720] {strides = array<i32>} : memref<5x1024xf32, #tpu.memory_space<vmem>>, vector<1x16xf32>,
        %parallel_loop3A_722 = vector.shape_cast %parallel_loop3A_721 : vector<1x16xf32> to vector<16xf32>
        %parallel_loop3A_723 = arith.index_cast %parallel_loop3A_310 : i32 to index
        %parallel_loop3A_724 = arith.constant 336 : index
        %parallel_loop3A_725 = tpu.vector_load %arg12[%parallel_loop3A_723, %parallel_loop3A_724] {strides = array<i32>} : memref<5x1024xf32, #tpu.memory_space<vmem>>, vector<1x16xf32>,
        %parallel_loop3A_726 = vector.shape_cast %parallel_loop3A_725 : vector<1x16xf32> to vector<16xf32>
        %parallel_loop3A_727 = arith.index_cast %parallel_loop3A_310 : i32 to index
        %parallel_loop3A_728 = arith.constant 352 : index
        %parallel_loop3A_729 = tpu.vector_load %arg12[%parallel_loop3A_727, %parallel_loop3A_728] {strides = array<i32>} : memref<5x1024xf32, #tpu.memory_space<vmem>>, vector<1x16xf32>,
        %parallel_loop3A_730 = vector.shape_cast %parallel_loop3A_729 : vector<1x16xf32> to vector<16xf32>
        %parallel_loop3A_731 = arith.index_cast %parallel_loop3A_310 : i32 to index
        %parallel_loop3A_732 = arith.constant 368 : index
        %parallel_loop3A_733 = tpu.vector_load %arg12[%parallel_loop3A_731, %parallel_loop3A_732] {strides = array<i32>} : memref<5x1024xf32, #tpu.memory_space<vmem>>, vector<1x16xf32>,
        %parallel_loop3A_734 = vector.shape_cast %parallel_loop3A_733 : vector<1x16xf32> to vector<16xf32>
        %parallel_loop3A_735 = arith.addf %parallel_loop3A_634, %parallel_loop3A_667 : vector<16xf32>
        %parallel_loop3A_736 = arith.addf %parallel_loop3A_638, %parallel_loop3A_672 : vector<16xf32>
        %parallel_loop3A_737 = arith.addf %parallel_loop3A_642, %parallel_loop3A_677 : vector<16xf32>
        %parallel_loop3A_738 = arith.addf %parallel_loop3A_646, %parallel_loop3A_682 : vector<16xf32>
        %parallel_loop3A_739 = arith.addf %parallel_loop3A_650, %parallel_loop3A_687 : vector<16xf32>
        %parallel_loop3A_740 = arith.addf %parallel_loop3A_654, %parallel_loop3A_692 : vector<16xf32>
        %parallel_loop3A_741 = arith.addf %parallel_loop3A_658, %parallel_loop3A_697 : vector<16xf32>
        %parallel_loop3A_742 = arith.addf %parallel_loop3A_662, %parallel_loop3A_702 : vector<16xf32>
        %parallel_loop3A_743 = arith.addf %parallel_loop3A_735, %parallel_loop3A_706 : vector<16xf32>
        %parallel_loop3A_744 = arith.index_cast %parallel_loop3A_304 : i32 to index
        %parallel_loop3A_745 = arith.constant 256 : index
        %parallel_loop3A_746 = tpu.vector_load %arg11[%parallel_loop3A_744, %parallel_loop3A_745] {strides = array<i32>} : memref<8x1024xf32, #tpu.memory_space<vmem>>, vector<1x16xf32>,
        %parallel_loop3A_747 = vector.shape_cast %parallel_loop3A_746 : vector<1x16xf32> to vector<16xf32>
        %parallel_loop3A_748 = vector.shape_cast %parallel_loop3A_743 : vector<16xf32> to vector<1x16xf32>
        tpu.vector_store %arg11[%parallel_loop3A_744, %parallel_loop3A_745], %parallel_loop3A_748 {strides = array<i32>} : memref<8x1024xf32, #tpu.memory_space<vmem>>, vector<1x16xf32>,
        %parallel_loop3A_749 = arith.addf %parallel_loop3A_736, %parallel_loop3A_710 : vector<16xf32>
        %parallel_loop3A_750 = arith.index_cast %parallel_loop3A_304 : i32 to index
        %parallel_loop3A_751 = arith.constant 272 : index
        %parallel_loop3A_752 = tpu.vector_load %arg11[%parallel_loop3A_750, %parallel_loop3A_751] {strides = array<i32>} : memref<8x1024xf32, #tpu.memory_space<vmem>>, vector<1x16xf32>,
        %parallel_loop3A_753 = vector.shape_cast %parallel_loop3A_752 : vector<1x16xf32> to vector<16xf32>
        %parallel_loop3A_754 = vector.shape_cast %parallel_loop3A_749 : vector<16xf32> to vector<1x16xf32>
        tpu.vector_store %arg11[%parallel_loop3A_750, %parallel_loop3A_751], %parallel_loop3A_754 {strides = array<i32>} : memref<8x1024xf32, #tpu.memory_space<vmem>>, vector<1x16xf32>,
        %parallel_loop3A_755 = arith.addf %parallel_loop3A_737, %parallel_loop3A_714 : vector<16xf32>
        %parallel_loop3A_756 = arith.index_cast %parallel_loop3A_304 : i32 to index
        %parallel_loop3A_757 = arith.constant 288 : index
        %parallel_loop3A_758 = tpu.vector_load %arg11[%parallel_loop3A_756, %parallel_loop3A_757] {strides = array<i32>} : memref<8x1024xf32, #tpu.memory_space<vmem>>, vector<1x16xf32>,
        %parallel_loop3A_759 = vector.shape_cast %parallel_loop3A_758 : vector<1x16xf32> to vector<16xf32>
        %parallel_loop3A_760 = vector.shape_cast %parallel_loop3A_755 : vector<16xf32> to vector<1x16xf32>
        tpu.vector_store %arg11[%parallel_loop3A_756, %parallel_loop3A_757], %parallel_loop3A_760 {strides = array<i32>} : memref<8x1024xf32, #tpu.memory_space<vmem>>, vector<1x16xf32>,
        %parallel_loop3A_761 = arith.addf %parallel_loop3A_738, %parallel_loop3A_718 : vector<16xf32>
        %parallel_loop3A_762 = arith.index_cast %parallel_loop3A_304 : i32 to index
        %parallel_loop3A_763 = arith.constant 304 : index
        %parallel_loop3A_764 = tpu.vector_load %arg11[%parallel_loop3A_762, %parallel_loop3A_763] {strides = array<i32>} : memref<8x1024xf32, #tpu.memory_space<vmem>>, vector<1x16xf32>,
        %parallel_loop3A_765 = vector.shape_cast %parallel_loop3A_764 : vector<1x16xf32> to vector<16xf32>
        %parallel_loop3A_766 = vector.shape_cast %parallel_loop3A_761 : vector<16xf32> to vector<1x16xf32>
        tpu.vector_store %arg11[%parallel_loop3A_762, %parallel_loop3A_763], %parallel_loop3A_766 {strides = array<i32>} : memref<8x1024xf32, #tpu.memory_space<vmem>>, vector<1x16xf32>,
        %parallel_loop3A_767 = arith.addf %parallel_loop3A_739, %parallel_loop3A_722 : vector<16xf32>
        %parallel_loop3A_768 = arith.index_cast %parallel_loop3A_304 : i32 to index
        %parallel_loop3A_769 = arith.constant 320 : index
        %parallel_loop3A_770 = tpu.vector_load %arg11[%parallel_loop3A_768, %parallel_loop3A_769] {strides = array<i32>} : memref<8x1024xf32, #tpu.memory_space<vmem>>, vector<1x16xf32>,
        %parallel_loop3A_771 = vector.shape_cast %parallel_loop3A_770 : vector<1x16xf32> to vector<16xf32>
        %parallel_loop3A_772 = vector.shape_cast %parallel_loop3A_767 : vector<16xf32> to vector<1x16xf32>
        tpu.vector_store %arg11[%parallel_loop3A_768, %parallel_loop3A_769], %parallel_loop3A_772 {strides = array<i32>} : memref<8x1024xf32, #tpu.memory_space<vmem>>, vector<1x16xf32>,
        %parallel_loop3A_773 = arith.addf %parallel_loop3A_740, %parallel_loop3A_726 : vector<16xf32>
        %parallel_loop3A_774 = arith.index_cast %parallel_loop3A_304 : i32 to index
        %parallel_loop3A_775 = arith.constant 336 : index
        %parallel_loop3A_776 = tpu.vector_load %arg11[%parallel_loop3A_774, %parallel_loop3A_775] {strides = array<i32>} : memref<8x1024xf32, #tpu.memory_space<vmem>>, vector<1x16xf32>,
        %parallel_loop3A_777 = vector.shape_cast %parallel_loop3A_776 : vector<1x16xf32> to vector<16xf32>
        %parallel_loop3A_778 = vector.shape_cast %parallel_loop3A_773 : vector<16xf32> to vector<1x16xf32>
        tpu.vector_store %arg11[%parallel_loop3A_774, %parallel_loop3A_775], %parallel_loop3A_778 {strides = array<i32>} : memref<8x1024xf32, #tpu.memory_space<vmem>>, vector<1x16xf32>,
        %parallel_loop3A_779 = arith.addf %parallel_loop3A_741, %parallel_loop3A_730 : vector<16xf32>
        %parallel_loop3A_780 = arith.index_cast %parallel_loop3A_304 : i32 to index
        %parallel_loop3A_781 = arith.constant 352 : index
        %parallel_loop3A_782 = tpu.vector_load %arg11[%parallel_loop3A_780, %parallel_loop3A_781] {strides = array<i32>} : memref<8x1024xf32, #tpu.memory_space<vmem>>, vector<1x16xf32>,
        %parallel_loop3A_783 = vector.shape_cast %parallel_loop3A_782 : vector<1x16xf32> to vector<16xf32>
        %parallel_loop3A_784 = vector.shape_cast %parallel_loop3A_779 : vector<16xf32> to vector<1x16xf32>
        tpu.vector_store %arg11[%parallel_loop3A_780, %parallel_loop3A_781], %parallel_loop3A_784 {strides = array<i32>} : memref<8x1024xf32, #tpu.memory_space<vmem>>, vector<1x16xf32>,
        %parallel_loop3A_785 = arith.addf %parallel_loop3A_742, %parallel_loop3A_734 : vector<16xf32>
        %parallel_loop3A_786 = arith.index_cast %parallel_loop3A_304 : i32 to index
        %parallel_loop3A_787 = arith.constant 368 : index
        %parallel_loop3A_788 = tpu.vector_load %arg11[%parallel_loop3A_786, %parallel_loop3A_787] {strides = array<i32>} : memref<8x1024xf32, #tpu.memory_space<vmem>>, vector<1x16xf32>,
        %parallel_loop3A_789 = vector.shape_cast %parallel_loop3A_788 : vector<1x16xf32> to vector<16xf32>
        %parallel_loop3A_790 = vector.shape_cast %parallel_loop3A_785 : vector<16xf32> to vector<1x16xf32>
        tpu.vector_store %arg11[%parallel_loop3A_786, %parallel_loop3A_787], %parallel_loop3A_790 {strides = array<i32>} : memref<8x1024xf32, #tpu.memory_space<vmem>>, vector<1x16xf32>,
        %parallel_loop3A_791 = arith.index_cast %parallel_loop3A_304 : i32 to index
        %parallel_loop3A_792 = arith.constant 384 : index
        %parallel_loop3A_793 = tpu.vector_load %arg9[%parallel_loop3A_791, %parallel_loop3A_792] {strides = array<i32>} : memref<8x1024xf32, #tpu.memory_space<vmem>>, vector<1x16xf32>,
        %parallel_loop3A_794 = vector.shape_cast %parallel_loop3A_793 : vector<1x16xf32> to vector<16xf32>
        %parallel_loop3A_795 = arith.index_cast %parallel_loop3A_304 : i32 to index
        %parallel_loop3A_796 = arith.constant 400 : index
        %parallel_loop3A_797 = tpu.vector_load %arg9[%parallel_loop3A_795, %parallel_loop3A_796] {strides = array<i32>} : memref<8x1024xf32, #tpu.memory_space<vmem>>, vector<1x16xf32>,
        %parallel_loop3A_798 = vector.shape_cast %parallel_loop3A_797 : vector<1x16xf32> to vector<16xf32>
        %parallel_loop3A_799 = arith.index_cast %parallel_loop3A_304 : i32 to index
        %parallel_loop3A_800 = arith.constant 416 : index
        %parallel_loop3A_801 = tpu.vector_load %arg9[%parallel_loop3A_799, %parallel_loop3A_800] {strides = array<i32>} : memref<8x1024xf32, #tpu.memory_space<vmem>>, vector<1x16xf32>,
        %parallel_loop3A_802 = vector.shape_cast %parallel_loop3A_801 : vector<1x16xf32> to vector<16xf32>
        %parallel_loop3A_803 = arith.index_cast %parallel_loop3A_304 : i32 to index
        %parallel_loop3A_804 = arith.constant 432 : index
        %parallel_loop3A_805 = tpu.vector_load %arg9[%parallel_loop3A_803, %parallel_loop3A_804] {strides = array<i32>} : memref<8x1024xf32, #tpu.memory_space<vmem>>, vector<1x16xf32>,
        %parallel_loop3A_806 = vector.shape_cast %parallel_loop3A_805 : vector<1x16xf32> to vector<16xf32>
        %parallel_loop3A_807 = arith.index_cast %parallel_loop3A_304 : i32 to index
        %parallel_loop3A_808 = arith.constant 448 : index
        %parallel_loop3A_809 = tpu.vector_load %arg9[%parallel_loop3A_807, %parallel_loop3A_808] {strides = array<i32>} : memref<8x1024xf32, #tpu.memory_space<vmem>>, vector<1x16xf32>,
        %parallel_loop3A_810 = vector.shape_cast %parallel_loop3A_809 : vector<1x16xf32> to vector<16xf32>
        %parallel_loop3A_811 = arith.index_cast %parallel_loop3A_304 : i32 to index
        %parallel_loop3A_812 = arith.constant 464 : index
        %parallel_loop3A_813 = tpu.vector_load %arg9[%parallel_loop3A_811, %parallel_loop3A_812] {strides = array<i32>} : memref<8x1024xf32, #tpu.memory_space<vmem>>, vector<1x16xf32>,
        %parallel_loop3A_814 = vector.shape_cast %parallel_loop3A_813 : vector<1x16xf32> to vector<16xf32>
        %parallel_loop3A_815 = arith.index_cast %parallel_loop3A_304 : i32 to index
        %parallel_loop3A_816 = arith.constant 480 : index
        %parallel_loop3A_817 = tpu.vector_load %arg9[%parallel_loop3A_815, %parallel_loop3A_816] {strides = array<i32>} : memref<8x1024xf32, #tpu.memory_space<vmem>>, vector<1x16xf32>,
        %parallel_loop3A_818 = vector.shape_cast %parallel_loop3A_817 : vector<1x16xf32> to vector<16xf32>
        %parallel_loop3A_819 = arith.index_cast %parallel_loop3A_304 : i32 to index
        %parallel_loop3A_820 = arith.constant 496 : index
        %parallel_loop3A_821 = tpu.vector_load %arg9[%parallel_loop3A_819, %parallel_loop3A_820] {strides = array<i32>} : memref<8x1024xf32, #tpu.memory_space<vmem>>, vector<1x16xf32>,
        %parallel_loop3A_822 = vector.shape_cast %parallel_loop3A_821 : vector<1x16xf32> to vector<16xf32>
        %parallel_loop3A_823 = arith.addi %mul3A_244, %parallel_loop3A_304 : i32
        %parallel_loop3A_824 = arith.index_cast %parallel_loop3A_823 : i32 to index
        %parallel_loop3A_825 = arith.constant 384 : index
        %parallel_loop3A_826 = tpu.vector_load %arg7[%parallel_loop3A_824, %parallel_loop3A_825] {strides = array<i32>} : memref<64x1024xf32, #tpu.memory_space<vmem>>, vector<1x16xf32>,
        %parallel_loop3A_827 = vector.shape_cast %parallel_loop3A_826 : vector<1x16xf32> to vector<16xf32>
        %parallel_loop3A_828 = arith.addi %mul3A_244, %parallel_loop3A_304 : i32
        %parallel_loop3A_829 = arith.index_cast %parallel_loop3A_828 : i32 to index
        %parallel_loop3A_830 = arith.constant 400 : index
        %parallel_loop3A_831 = tpu.vector_load %arg7[%parallel_loop3A_829, %parallel_loop3A_830] {strides = array<i32>} : memref<64x1024xf32, #tpu.memory_space<vmem>>, vector<1x16xf32>,
        %parallel_loop3A_832 = vector.shape_cast %parallel_loop3A_831 : vector<1x16xf32> to vector<16xf32>
        %parallel_loop3A_833 = arith.addi %mul3A_244, %parallel_loop3A_304 : i32
        %parallel_loop3A_834 = arith.index_cast %parallel_loop3A_833 : i32 to index
        %parallel_loop3A_835 = arith.constant 416 : index
        %parallel_loop3A_836 = tpu.vector_load %arg7[%parallel_loop3A_834, %parallel_loop3A_835] {strides = array<i32>} : memref<64x1024xf32, #tpu.memory_space<vmem>>, vector<1x16xf32>,
        %parallel_loop3A_837 = vector.shape_cast %parallel_loop3A_836 : vector<1x16xf32> to vector<16xf32>
        %parallel_loop3A_838 = arith.addi %mul3A_244, %parallel_loop3A_304 : i32
        %parallel_loop3A_839 = arith.index_cast %parallel_loop3A_838 : i32 to index
        %parallel_loop3A_840 = arith.constant 432 : index
        %parallel_loop3A_841 = tpu.vector_load %arg7[%parallel_loop3A_839, %parallel_loop3A_840] {strides = array<i32>} : memref<64x1024xf32, #tpu.memory_space<vmem>>, vector<1x16xf32>,
        %parallel_loop3A_842 = vector.shape_cast %parallel_loop3A_841 : vector<1x16xf32> to vector<16xf32>
        %parallel_loop3A_843 = arith.addi %mul3A_244, %parallel_loop3A_304 : i32
        %parallel_loop3A_844 = arith.index_cast %parallel_loop3A_843 : i32 to index
        %parallel_loop3A_845 = arith.constant 448 : index
        %parallel_loop3A_846 = tpu.vector_load %arg7[%parallel_loop3A_844, %parallel_loop3A_845] {strides = array<i32>} : memref<64x1024xf32, #tpu.memory_space<vmem>>, vector<1x16xf32>,
        %parallel_loop3A_847 = vector.shape_cast %parallel_loop3A_846 : vector<1x16xf32> to vector<16xf32>
        %parallel_loop3A_848 = arith.addi %mul3A_244, %parallel_loop3A_304 : i32
        %parallel_loop3A_849 = arith.index_cast %parallel_loop3A_848 : i32 to index
        %parallel_loop3A_850 = arith.constant 464 : index
        %parallel_loop3A_851 = tpu.vector_load %arg7[%parallel_loop3A_849, %parallel_loop3A_850] {strides = array<i32>} : memref<64x1024xf32, #tpu.memory_space<vmem>>, vector<1x16xf32>,
        %parallel_loop3A_852 = vector.shape_cast %parallel_loop3A_851 : vector<1x16xf32> to vector<16xf32>
        %parallel_loop3A_853 = arith.addi %mul3A_244, %parallel_loop3A_304 : i32
        %parallel_loop3A_854 = arith.index_cast %parallel_loop3A_853 : i32 to index
        %parallel_loop3A_855 = arith.constant 480 : index
        %parallel_loop3A_856 = tpu.vector_load %arg7[%parallel_loop3A_854, %parallel_loop3A_855] {strides = array<i32>} : memref<64x1024xf32, #tpu.memory_space<vmem>>, vector<1x16xf32>,
        %parallel_loop3A_857 = vector.shape_cast %parallel_loop3A_856 : vector<1x16xf32> to vector<16xf32>
        %parallel_loop3A_858 = arith.addi %mul3A_244, %parallel_loop3A_304 : i32
        %parallel_loop3A_859 = arith.index_cast %parallel_loop3A_858 : i32 to index
        %parallel_loop3A_860 = arith.constant 496 : index
        %parallel_loop3A_861 = tpu.vector_load %arg7[%parallel_loop3A_859, %parallel_loop3A_860] {strides = array<i32>} : memref<64x1024xf32, #tpu.memory_space<vmem>>, vector<1x16xf32>,
        %parallel_loop3A_862 = vector.shape_cast %parallel_loop3A_861 : vector<1x16xf32> to vector<16xf32>
        %parallel_loop3A_863 = arith.index_cast %parallel_loop3A_310 : i32 to index
        %parallel_loop3A_864 = arith.constant 384 : index
        %parallel_loop3A_865 = tpu.vector_load %arg12[%parallel_loop3A_863, %parallel_loop3A_864] {strides = array<i32>} : memref<5x1024xf32, #tpu.memory_space<vmem>>, vector<1x16xf32>,
        %parallel_loop3A_866 = vector.shape_cast %parallel_loop3A_865 : vector<1x16xf32> to vector<16xf32>
        %parallel_loop3A_867 = arith.index_cast %parallel_loop3A_310 : i32 to index
        %parallel_loop3A_868 = arith.constant 400 : index
        %parallel_loop3A_869 = tpu.vector_load %arg12[%parallel_loop3A_867, %parallel_loop3A_868] {strides = array<i32>} : memref<5x1024xf32, #tpu.memory_space<vmem>>, vector<1x16xf32>,
        %parallel_loop3A_870 = vector.shape_cast %parallel_loop3A_869 : vector<1x16xf32> to vector<16xf32>
        %parallel_loop3A_871 = arith.index_cast %parallel_loop3A_310 : i32 to index
        %parallel_loop3A_872 = arith.constant 416 : index
        %parallel_loop3A_873 = tpu.vector_load %arg12[%parallel_loop3A_871, %parallel_loop3A_872] {strides = array<i32>} : memref<5x1024xf32, #tpu.memory_space<vmem>>, vector<1x16xf32>,
        %parallel_loop3A_874 = vector.shape_cast %parallel_loop3A_873 : vector<1x16xf32> to vector<16xf32>
        %parallel_loop3A_875 = arith.index_cast %parallel_loop3A_310 : i32 to index
        %parallel_loop3A_876 = arith.constant 432 : index
        %parallel_loop3A_877 = tpu.vector_load %arg12[%parallel_loop3A_875, %parallel_loop3A_876] {strides = array<i32>} : memref<5x1024xf32, #tpu.memory_space<vmem>>, vector<1x16xf32>,
        %parallel_loop3A_878 = vector.shape_cast %parallel_loop3A_877 : vector<1x16xf32> to vector<16xf32>
        %parallel_loop3A_879 = arith.index_cast %parallel_loop3A_310 : i32 to index
        %parallel_loop3A_880 = arith.constant 448 : index
        %parallel_loop3A_881 = tpu.vector_load %arg12[%parallel_loop3A_879, %parallel_loop3A_880] {strides = array<i32>} : memref<5x1024xf32, #tpu.memory_space<vmem>>, vector<1x16xf32>,
        %parallel_loop3A_882 = vector.shape_cast %parallel_loop3A_881 : vector<1x16xf32> to vector<16xf32>
        %parallel_loop3A_883 = arith.index_cast %parallel_loop3A_310 : i32 to index
        %parallel_loop3A_884 = arith.constant 464 : index
        %parallel_loop3A_885 = tpu.vector_load %arg12[%parallel_loop3A_883, %parallel_loop3A_884] {strides = array<i32>} : memref<5x1024xf32, #tpu.memory_space<vmem>>, vector<1x16xf32>,
        %parallel_loop3A_886 = vector.shape_cast %parallel_loop3A_885 : vector<1x16xf32> to vector<16xf32>
        %parallel_loop3A_887 = arith.index_cast %parallel_loop3A_310 : i32 to index
        %parallel_loop3A_888 = arith.constant 480 : index
        %parallel_loop3A_889 = tpu.vector_load %arg12[%parallel_loop3A_887, %parallel_loop3A_888] {strides = array<i32>} : memref<5x1024xf32, #tpu.memory_space<vmem>>, vector<1x16xf32>,
        %parallel_loop3A_890 = vector.shape_cast %parallel_loop3A_889 : vector<1x16xf32> to vector<16xf32>
        %parallel_loop3A_891 = arith.index_cast %parallel_loop3A_310 : i32 to index
        %parallel_loop3A_892 = arith.constant 496 : index
        %parallel_loop3A_893 = tpu.vector_load %arg12[%parallel_loop3A_891, %parallel_loop3A_892] {strides = array<i32>} : memref<5x1024xf32, #tpu.memory_space<vmem>>, vector<1x16xf32>,
        %parallel_loop3A_894 = vector.shape_cast %parallel_loop3A_893 : vector<1x16xf32> to vector<16xf32>
        %parallel_loop3A_895 = arith.addf %parallel_loop3A_794, %parallel_loop3A_827 : vector<16xf32>
        %parallel_loop3A_896 = arith.addf %parallel_loop3A_798, %parallel_loop3A_832 : vector<16xf32>
        %parallel_loop3A_897 = arith.addf %parallel_loop3A_802, %parallel_loop3A_837 : vector<16xf32>
        %parallel_loop3A_898 = arith.addf %parallel_loop3A_806, %parallel_loop3A_842 : vector<16xf32>
        %parallel_loop3A_899 = arith.addf %parallel_loop3A_810, %parallel_loop3A_847 : vector<16xf32>
        %parallel_loop3A_900 = arith.addf %parallel_loop3A_814, %parallel_loop3A_852 : vector<16xf32>
        %parallel_loop3A_901 = arith.addf %parallel_loop3A_818, %parallel_loop3A_857 : vector<16xf32>
        %parallel_loop3A_902 = arith.addf %parallel_loop3A_822, %parallel_loop3A_862 : vector<16xf32>
        %parallel_loop3A_903 = arith.addf %parallel_loop3A_895, %parallel_loop3A_866 : vector<16xf32>
        %parallel_loop3A_904 = arith.index_cast %parallel_loop3A_304 : i32 to index
        %parallel_loop3A_905 = arith.constant 384 : index
        %parallel_loop3A_906 = tpu.vector_load %arg11[%parallel_loop3A_904, %parallel_loop3A_905] {strides = array<i32>} : memref<8x1024xf32, #tpu.memory_space<vmem>>, vector<1x16xf32>,
        %parallel_loop3A_907 = vector.shape_cast %parallel_loop3A_906 : vector<1x16xf32> to vector<16xf32>
        %parallel_loop3A_908 = vector.shape_cast %parallel_loop3A_903 : vector<16xf32> to vector<1x16xf32>
        tpu.vector_store %arg11[%parallel_loop3A_904, %parallel_loop3A_905], %parallel_loop3A_908 {strides = array<i32>} : memref<8x1024xf32, #tpu.memory_space<vmem>>, vector<1x16xf32>,
        %parallel_loop3A_909 = arith.addf %parallel_loop3A_896, %parallel_loop3A_870 : vector<16xf32>
        %parallel_loop3A_910 = arith.index_cast %parallel_loop3A_304 : i32 to index
        %parallel_loop3A_911 = arith.constant 400 : index
        %parallel_loop3A_912 = tpu.vector_load %arg11[%parallel_loop3A_910, %parallel_loop3A_911] {strides = array<i32>} : memref<8x1024xf32, #tpu.memory_space<vmem>>, vector<1x16xf32>,
        %parallel_loop3A_913 = vector.shape_cast %parallel_loop3A_912 : vector<1x16xf32> to vector<16xf32>
        %parallel_loop3A_914 = vector.shape_cast %parallel_loop3A_909 : vector<16xf32> to vector<1x16xf32>
        tpu.vector_store %arg11[%parallel_loop3A_910, %parallel_loop3A_911], %parallel_loop3A_914 {strides = array<i32>} : memref<8x1024xf32, #tpu.memory_space<vmem>>, vector<1x16xf32>,
        %parallel_loop3A_915 = arith.addf %parallel_loop3A_897, %parallel_loop3A_874 : vector<16xf32>
        %parallel_loop3A_916 = arith.index_cast %parallel_loop3A_304 : i32 to index
        %parallel_loop3A_917 = arith.constant 416 : index
        %parallel_loop3A_918 = tpu.vector_load %arg11[%parallel_loop3A_916, %parallel_loop3A_917] {strides = array<i32>} : memref<8x1024xf32, #tpu.memory_space<vmem>>, vector<1x16xf32>,
        %parallel_loop3A_919 = vector.shape_cast %parallel_loop3A_918 : vector<1x16xf32> to vector<16xf32>
        %parallel_loop3A_920 = vector.shape_cast %parallel_loop3A_915 : vector<16xf32> to vector<1x16xf32>
        tpu.vector_store %arg11[%parallel_loop3A_916, %parallel_loop3A_917], %parallel_loop3A_920 {strides = array<i32>} : memref<8x1024xf32, #tpu.memory_space<vmem>>, vector<1x16xf32>,
        %parallel_loop3A_921 = arith.addf %parallel_loop3A_898, %parallel_loop3A_878 : vector<16xf32>
        %parallel_loop3A_922 = arith.index_cast %parallel_loop3A_304 : i32 to index
        %parallel_loop3A_923 = arith.constant 432 : index
        %parallel_loop3A_924 = tpu.vector_load %arg11[%parallel_loop3A_922, %parallel_loop3A_923] {strides = array<i32>} : memref<8x1024xf32, #tpu.memory_space<vmem>>, vector<1x16xf32>,
        %parallel_loop3A_925 = vector.shape_cast %parallel_loop3A_924 : vector<1x16xf32> to vector<16xf32>
        %parallel_loop3A_926 = vector.shape_cast %parallel_loop3A_921 : vector<16xf32> to vector<1x16xf32>
        tpu.vector_store %arg11[%parallel_loop3A_922, %parallel_loop3A_923], %parallel_loop3A_926 {strides = array<i32>} : memref<8x1024xf32, #tpu.memory_space<vmem>>, vector<1x16xf32>,
        %parallel_loop3A_927 = arith.addf %parallel_loop3A_899, %parallel_loop3A_882 : vector<16xf32>
        %parallel_loop3A_928 = arith.index_cast %parallel_loop3A_304 : i32 to index
        %parallel_loop3A_929 = arith.constant 448 : index
        %parallel_loop3A_930 = tpu.vector_load %arg11[%parallel_loop3A_928, %parallel_loop3A_929] {strides = array<i32>} : memref<8x1024xf32, #tpu.memory_space<vmem>>, vector<1x16xf32>,
        %parallel_loop3A_931 = vector.shape_cast %parallel_loop3A_930 : vector<1x16xf32> to vector<16xf32>
        %parallel_loop3A_932 = vector.shape_cast %parallel_loop3A_927 : vector<16xf32> to vector<1x16xf32>
        tpu.vector_store %arg11[%parallel_loop3A_928, %parallel_loop3A_929], %parallel_loop3A_932 {strides = array<i32>} : memref<8x1024xf32, #tpu.memory_space<vmem>>, vector<1x16xf32>,
        %parallel_loop3A_933 = arith.addf %parallel_loop3A_900, %parallel_loop3A_886 : vector<16xf32>
        %parallel_loop3A_934 = arith.index_cast %parallel_loop3A_304 : i32 to index
        %parallel_loop3A_935 = arith.constant 464 : index
        %parallel_loop3A_936 = tpu.vector_load %arg11[%parallel_loop3A_934, %parallel_loop3A_935] {strides = array<i32>} : memref<8x1024xf32, #tpu.memory_space<vmem>>, vector<1x16xf32>,
        %parallel_loop3A_937 = vector.shape_cast %parallel_loop3A_936 : vector<1x16xf32> to vector<16xf32>
        %parallel_loop3A_938 = vector.shape_cast %parallel_loop3A_933 : vector<16xf32> to vector<1x16xf32>
        tpu.vector_store %arg11[%parallel_loop3A_934, %parallel_loop3A_935], %parallel_loop3A_938 {strides = array<i32>} : memref<8x1024xf32, #tpu.memory_space<vmem>>, vector<1x16xf32>,
        %parallel_loop3A_939 = arith.addf %parallel_loop3A_901, %parallel_loop3A_890 : vector<16xf32>
        %parallel_loop3A_940 = arith.index_cast %parallel_loop3A_304 : i32 to index
        %parallel_loop3A_941 = arith.constant 480 : index
        %parallel_loop3A_942 = tpu.vector_load %arg11[%parallel_loop3A_940, %parallel_loop3A_941] {strides = array<i32>} : memref<8x1024xf32, #tpu.memory_space<vmem>>, vector<1x16xf32>,
        %parallel_loop3A_943 = vector.shape_cast %parallel_loop3A_942 : vector<1x16xf32> to vector<16xf32>
        %parallel_loop3A_944 = vector.shape_cast %parallel_loop3A_939 : vector<16xf32> to vector<1x16xf32>
        tpu.vector_store %arg11[%parallel_loop3A_940, %parallel_loop3A_941], %parallel_loop3A_944 {strides = array<i32>} : memref<8x1024xf32, #tpu.memory_space<vmem>>, vector<1x16xf32>,
        %parallel_loop3A_945 = arith.addf %parallel_loop3A_902, %parallel_loop3A_894 : vector<16xf32>
        %parallel_loop3A_946 = arith.index_cast %parallel_loop3A_304 : i32 to index
        %parallel_loop3A_947 = arith.constant 496 : index
        %parallel_loop3A_948 = tpu.vector_load %arg11[%parallel_loop3A_946, %parallel_loop3A_947] {strides = array<i32>} : memref<8x1024xf32, #tpu.memory_space<vmem>>, vector<1x16xf32>,
        %parallel_loop3A_949 = vector.shape_cast %parallel_loop3A_948 : vector<1x16xf32> to vector<16xf32>
        %parallel_loop3A_950 = vector.shape_cast %parallel_loop3A_945 : vector<16xf32> to vector<1x16xf32>
        tpu.vector_store %arg11[%parallel_loop3A_946, %parallel_loop3A_947], %parallel_loop3A_950 {strides = array<i32>} : memref<8x1024xf32, #tpu.memory_space<vmem>>, vector<1x16xf32>,
        %parallel_loop3A_951 = arith.index_cast %parallel_loop3A_304 : i32 to index
        %parallel_loop3A_952 = arith.constant 512 : index
        %parallel_loop3A_953 = tpu.vector_load %arg9[%parallel_loop3A_951, %parallel_loop3A_952] {strides = array<i32>} : memref<8x1024xf32, #tpu.memory_space<vmem>>, vector<1x16xf32>,
        %parallel_loop3A_954 = vector.shape_cast %parallel_loop3A_953 : vector<1x16xf32> to vector<16xf32>
        %parallel_loop3A_955 = arith.index_cast %parallel_loop3A_304 : i32 to index
        %parallel_loop3A_956 = arith.constant 528 : index
        %parallel_loop3A_957 = tpu.vector_load %arg9[%parallel_loop3A_955, %parallel_loop3A_956] {strides = array<i32>} : memref<8x1024xf32, #tpu.memory_space<vmem>>, vector<1x16xf32>,
        %parallel_loop3A_958 = vector.shape_cast %parallel_loop3A_957 : vector<1x16xf32> to vector<16xf32>
        %parallel_loop3A_959 = arith.index_cast %parallel_loop3A_304 : i32 to index
        %parallel_loop3A_960 = arith.constant 544 : index
        %parallel_loop3A_961 = tpu.vector_load %arg9[%parallel_loop3A_959, %parallel_loop3A_960] {strides = array<i32>} : memref<8x1024xf32, #tpu.memory_space<vmem>>, vector<1x16xf32>,
        %parallel_loop3A_962 = vector.shape_cast %parallel_loop3A_961 : vector<1x16xf32> to vector<16xf32>
        %parallel_loop3A_963 = arith.index_cast %parallel_loop3A_304 : i32 to index
        %parallel_loop3A_964 = arith.constant 560 : index
        %parallel_loop3A_965 = tpu.vector_load %arg9[%parallel_loop3A_963, %parallel_loop3A_964] {strides = array<i32>} : memref<8x1024xf32, #tpu.memory_space<vmem>>, vector<1x16xf32>,
        %parallel_loop3A_966 = vector.shape_cast %parallel_loop3A_965 : vector<1x16xf32> to vector<16xf32>
        %parallel_loop3A_967 = arith.index_cast %parallel_loop3A_304 : i32 to index
        %parallel_loop3A_968 = arith.constant 576 : index
        %parallel_loop3A_969 = tpu.vector_load %arg9[%parallel_loop3A_967, %parallel_loop3A_968] {strides = array<i32>} : memref<8x1024xf32, #tpu.memory_space<vmem>>, vector<1x16xf32>,
        %parallel_loop3A_970 = vector.shape_cast %parallel_loop3A_969 : vector<1x16xf32> to vector<16xf32>
        %parallel_loop3A_971 = arith.index_cast %parallel_loop3A_304 : i32 to index
        %parallel_loop3A_972 = arith.constant 592 : index
        %parallel_loop3A_973 = tpu.vector_load %arg9[%parallel_loop3A_971, %parallel_loop3A_972] {strides = array<i32>} : memref<8x1024xf32, #tpu.memory_space<vmem>>, vector<1x16xf32>,
        %parallel_loop3A_974 = vector.shape_cast %parallel_loop3A_973 : vector<1x16xf32> to vector<16xf32>
        %parallel_loop3A_975 = arith.index_cast %parallel_loop3A_304 : i32 to index
        %parallel_loop3A_976 = arith.constant 608 : index
        %parallel_loop3A_977 = tpu.vector_load %arg9[%parallel_loop3A_975, %parallel_loop3A_976] {strides = array<i32>} : memref<8x1024xf32, #tpu.memory_space<vmem>>, vector<1x16xf32>,
        %parallel_loop3A_978 = vector.shape_cast %parallel_loop3A_977 : vector<1x16xf32> to vector<16xf32>
        %parallel_loop3A_979 = arith.index_cast %parallel_loop3A_304 : i32 to index
        %parallel_loop3A_980 = arith.constant 624 : index
        %parallel_loop3A_981 = tpu.vector_load %arg9[%parallel_loop3A_979, %parallel_loop3A_980] {strides = array<i32>} : memref<8x1024xf32, #tpu.memory_space<vmem>>, vector<1x16xf32>,
        %parallel_loop3A_982 = vector.shape_cast %parallel_loop3A_981 : vector<1x16xf32> to vector<16xf32>
        %parallel_loop3A_983 = arith.addi %mul3A_244, %parallel_loop3A_304 : i32
        %parallel_loop3A_984 = arith.index_cast %parallel_loop3A_983 : i32 to index
        %parallel_loop3A_985 = arith.constant 512 : index
        %parallel_loop3A_986 = tpu.vector_load %arg7[%parallel_loop3A_984, %parallel_loop3A_985] {strides = array<i32>} : memref<64x1024xf32, #tpu.memory_space<vmem>>, vector<1x16xf32>,
        %parallel_loop3A_987 = vector.shape_cast %parallel_loop3A_986 : vector<1x16xf32> to vector<16xf32>
        %parallel_loop3A_988 = arith.addi %mul3A_244, %parallel_loop3A_304 : i32
        %parallel_loop3A_989 = arith.index_cast %parallel_loop3A_988 : i32 to index
        %parallel_loop3A_990 = arith.constant 528 : index
        %parallel_loop3A_991 = tpu.vector_load %arg7[%parallel_loop3A_989, %parallel_loop3A_990] {strides = array<i32>} : memref<64x1024xf32, #tpu.memory_space<vmem>>, vector<1x16xf32>,
        %parallel_loop3A_992 = vector.shape_cast %parallel_loop3A_991 : vector<1x16xf32> to vector<16xf32>
        %parallel_loop3A_993 = arith.addi %mul3A_244, %parallel_loop3A_304 : i32
        %parallel_loop3A_994 = arith.index_cast %parallel_loop3A_993 : i32 to index
        %parallel_loop3A_995 = arith.constant 544 : index
        %parallel_loop3A_996 = tpu.vector_load %arg7[%parallel_loop3A_994, %parallel_loop3A_995] {strides = array<i32>} : memref<64x1024xf32, #tpu.memory_space<vmem>>, vector<1x16xf32>,
        %parallel_loop3A_997 = vector.shape_cast %parallel_loop3A_996 : vector<1x16xf32> to vector<16xf32>
        %parallel_loop3A_998 = arith.addi %mul3A_244, %parallel_loop3A_304 : i32
        %parallel_loop3A_999 = arith.index_cast %parallel_loop3A_998 : i32 to index
        %parallel_loop3A_1000 = arith.constant 560 : index
        %parallel_loop3A_1001 = tpu.vector_load %arg7[%parallel_loop3A_999, %parallel_loop3A_1000] {strides = array<i32>} : memref<64x1024xf32, #tpu.memory_space<vmem>>, vector<1x16xf32>,
        %parallel_loop3A_1002 = vector.shape_cast %parallel_loop3A_1001 : vector<1x16xf32> to vector<16xf32>
        %parallel_loop3A_1003 = arith.addi %mul3A_244, %parallel_loop3A_304 : i32
        %parallel_loop3A_1004 = arith.index_cast %parallel_loop3A_1003 : i32 to index
        %parallel_loop3A_1005 = arith.constant 576 : index
        %parallel_loop3A_1006 = tpu.vector_load %arg7[%parallel_loop3A_1004, %parallel_loop3A_1005] {strides = array<i32>} : memref<64x1024xf32, #tpu.memory_space<vmem>>, vector<1x16xf32>,
        %parallel_loop3A_1007 = vector.shape_cast %parallel_loop3A_1006 : vector<1x16xf32> to vector<16xf32>
        %parallel_loop3A_1008 = arith.addi %mul3A_244, %parallel_loop3A_304 : i32
        %parallel_loop3A_1009 = arith.index_cast %parallel_loop3A_1008 : i32 to index
        %parallel_loop3A_1010 = arith.constant 592 : index
        %parallel_loop3A_1011 = tpu.vector_load %arg7[%parallel_loop3A_1009, %parallel_loop3A_1010] {strides = array<i32>} : memref<64x1024xf32, #tpu.memory_space<vmem>>, vector<1x16xf32>,
        %parallel_loop3A_1012 = vector.shape_cast %parallel_loop3A_1011 : vector<1x16xf32> to vector<16xf32>
        %parallel_loop3A_1013 = arith.addi %mul3A_244, %parallel_loop3A_304 : i32
        %parallel_loop3A_1014 = arith.index_cast %parallel_loop3A_1013 : i32 to index
        %parallel_loop3A_1015 = arith.constant 608 : index
        %parallel_loop3A_1016 = tpu.vector_load %arg7[%parallel_loop3A_1014, %parallel_loop3A_1015] {strides = array<i32>} : memref<64x1024xf32, #tpu.memory_space<vmem>>, vector<1x16xf32>,
        %parallel_loop3A_1017 = vector.shape_cast %parallel_loop3A_1016 : vector<1x16xf32> to vector<16xf32>
        %parallel_loop3A_1018 = arith.addi %mul3A_244, %parallel_loop3A_304 : i32
        %parallel_loop3A_1019 = arith.index_cast %parallel_loop3A_1018 : i32 to index
        %parallel_loop3A_1020 = arith.constant 624 : index
        %parallel_loop3A_1021 = tpu.vector_load %arg7[%parallel_loop3A_1019, %parallel_loop3A_1020] {strides = array<i32>} : memref<64x1024xf32, #tpu.memory_space<vmem>>, vector<1x16xf32>,
        %parallel_loop3A_1022 = vector.shape_cast %parallel_loop3A_1021 : vector<1x16xf32> to vector<16xf32>
        %parallel_loop3A_1023 = arith.index_cast %parallel_loop3A_310 : i32 to index
        %parallel_loop3A_1024 = arith.constant 512 : index
        %parallel_loop3A_1025 = tpu.vector_load %arg12[%parallel_loop3A_1023, %parallel_loop3A_1024] {strides = array<i32>} : memref<5x1024xf32, #tpu.memory_space<vmem>>, vector<1x16xf32>,
        %parallel_loop3A_1026 = vector.shape_cast %parallel_loop3A_1025 : vector<1x16xf32> to vector<16xf32>
        %parallel_loop3A_1027 = arith.index_cast %parallel_loop3A_310 : i32 to index
        %parallel_loop3A_1028 = arith.constant 528 : index
        %parallel_loop3A_1029 = tpu.vector_load %arg12[%parallel_loop3A_1027, %parallel_loop3A_1028] {strides = array<i32>} : memref<5x1024xf32, #tpu.memory_space<vmem>>, vector<1x16xf32>,
        %parallel_loop3A_1030 = vector.shape_cast %parallel_loop3A_1029 : vector<1x16xf32> to vector<16xf32>
        %parallel_loop3A_1031 = arith.index_cast %parallel_loop3A_310 : i32 to index
        %parallel_loop3A_1032 = arith.constant 544 : index
        %parallel_loop3A_1033 = tpu.vector_load %arg12[%parallel_loop3A_1031, %parallel_loop3A_1032] {strides = array<i32>} : memref<5x1024xf32, #tpu.memory_space<vmem>>, vector<1x16xf32>,
        %parallel_loop3A_1034 = vector.shape_cast %parallel_loop3A_1033 : vector<1x16xf32> to vector<16xf32>
        %parallel_loop3A_1035 = arith.index_cast %parallel_loop3A_310 : i32 to index
        %parallel_loop3A_1036 = arith.constant 560 : index
        %parallel_loop3A_1037 = tpu.vector_load %arg12[%parallel_loop3A_1035, %parallel_loop3A_1036] {strides = array<i32>} : memref<5x1024xf32, #tpu.memory_space<vmem>>, vector<1x16xf32>,
        %parallel_loop3A_1038 = vector.shape_cast %parallel_loop3A_1037 : vector<1x16xf32> to vector<16xf32>
        %parallel_loop3A_1039 = arith.index_cast %parallel_loop3A_310 : i32 to index
        %parallel_loop3A_1040 = arith.constant 576 : index
        %parallel_loop3A_1041 = tpu.vector_load %arg12[%parallel_loop3A_1039, %parallel_loop3A_1040] {strides = array<i32>} : memref<5x1024xf32, #tpu.memory_space<vmem>>, vector<1x16xf32>,
        %parallel_loop3A_1042 = vector.shape_cast %parallel_loop3A_1041 : vector<1x16xf32> to vector<16xf32>
        %parallel_loop3A_1043 = arith.index_cast %parallel_loop3A_310 : i32 to index
        %parallel_loop3A_1044 = arith.constant 592 : index
        %parallel_loop3A_1045 = tpu.vector_load %arg12[%parallel_loop3A_1043, %parallel_loop3A_1044] {strides = array<i32>} : memref<5x1024xf32, #tpu.memory_space<vmem>>, vector<1x16xf32>,
        %parallel_loop3A_1046 = vector.shape_cast %parallel_loop3A_1045 : vector<1x16xf32> to vector<16xf32>
        %parallel_loop3A_1047 = arith.index_cast %parallel_loop3A_310 : i32 to index
        %parallel_loop3A_1048 = arith.constant 608 : index
        %parallel_loop3A_1049 = tpu.vector_load %arg12[%parallel_loop3A_1047, %parallel_loop3A_1048] {strides = array<i32>} : memref<5x1024xf32, #tpu.memory_space<vmem>>, vector<1x16xf32>,
        %parallel_loop3A_1050 = vector.shape_cast %parallel_loop3A_1049 : vector<1x16xf32> to vector<16xf32>
        %parallel_loop3A_1051 = arith.index_cast %parallel_loop3A_310 : i32 to index
        %parallel_loop3A_1052 = arith.constant 624 : index
        %parallel_loop3A_1053 = tpu.vector_load %arg12[%parallel_loop3A_1051, %parallel_loop3A_1052] {strides = array<i32>} : memref<5x1024xf32, #tpu.memory_space<vmem>>, vector<1x16xf32>,
        %parallel_loop3A_1054 = vector.shape_cast %parallel_loop3A_1053 : vector<1x16xf32> to vector<16xf32>
        %parallel_loop3A_1055 = arith.addf %parallel_loop3A_954, %parallel_loop3A_987 : vector<16xf32>
        %parallel_loop3A_1056 = arith.addf %parallel_loop3A_958, %parallel_loop3A_992 : vector<16xf32>
        %parallel_loop3A_1057 = arith.addf %parallel_loop3A_962, %parallel_loop3A_997 : vector<16xf32>
        %parallel_loop3A_1058 = arith.addf %parallel_loop3A_966, %parallel_loop3A_1002 : vector<16xf32>
        %parallel_loop3A_1059 = arith.addf %parallel_loop3A_970, %parallel_loop3A_1007 : vector<16xf32>
        %parallel_loop3A_1060 = arith.addf %parallel_loop3A_974, %parallel_loop3A_1012 : vector<16xf32>
        %parallel_loop3A_1061 = arith.addf %parallel_loop3A_978, %parallel_loop3A_1017 : vector<16xf32>
        %parallel_loop3A_1062 = arith.addf %parallel_loop3A_982, %parallel_loop3A_1022 : vector<16xf32>
        %parallel_loop3A_1063 = arith.addf %parallel_loop3A_1055, %parallel_loop3A_1026 : vector<16xf32>
        %parallel_loop3A_1064 = arith.index_cast %parallel_loop3A_304 : i32 to index
        %parallel_loop3A_1065 = arith.constant 512 : index
        %parallel_loop3A_1066 = tpu.vector_load %arg11[%parallel_loop3A_1064, %parallel_loop3A_1065] {strides = array<i32>} : memref<8x1024xf32, #tpu.memory_space<vmem>>, vector<1x16xf32>,
        %parallel_loop3A_1067 = vector.shape_cast %parallel_loop3A_1066 : vector<1x16xf32> to vector<16xf32>
        %parallel_loop3A_1068 = vector.shape_cast %parallel_loop3A_1063 : vector<16xf32> to vector<1x16xf32>
        tpu.vector_store %arg11[%parallel_loop3A_1064, %parallel_loop3A_1065], %parallel_loop3A_1068 {strides = array<i32>} : memref<8x1024xf32, #tpu.memory_space<vmem>>, vector<1x16xf32>,
        %parallel_loop3A_1069 = arith.addf %parallel_loop3A_1056, %parallel_loop3A_1030 : vector<16xf32>
        %parallel_loop3A_1070 = arith.index_cast %parallel_loop3A_304 : i32 to index
        %parallel_loop3A_1071 = arith.constant 528 : index
        %parallel_loop3A_1072 = tpu.vector_load %arg11[%parallel_loop3A_1070, %parallel_loop3A_1071] {strides = array<i32>} : memref<8x1024xf32, #tpu.memory_space<vmem>>, vector<1x16xf32>,
        %parallel_loop3A_1073 = vector.shape_cast %parallel_loop3A_1072 : vector<1x16xf32> to vector<16xf32>
        %parallel_loop3A_1074 = vector.shape_cast %parallel_loop3A_1069 : vector<16xf32> to vector<1x16xf32>
        tpu.vector_store %arg11[%parallel_loop3A_1070, %parallel_loop3A_1071], %parallel_loop3A_1074 {strides = array<i32>} : memref<8x1024xf32, #tpu.memory_space<vmem>>, vector<1x16xf32>,
        %parallel_loop3A_1075 = arith.addf %parallel_loop3A_1057, %parallel_loop3A_1034 : vector<16xf32>
        %parallel_loop3A_1076 = arith.index_cast %parallel_loop3A_304 : i32 to index
        %parallel_loop3A_1077 = arith.constant 544 : index
        %parallel_loop3A_1078 = tpu.vector_load %arg11[%parallel_loop3A_1076, %parallel_loop3A_1077] {strides = array<i32>} : memref<8x1024xf32, #tpu.memory_space<vmem>>, vector<1x16xf32>,
        %parallel_loop3A_1079 = vector.shape_cast %parallel_loop3A_1078 : vector<1x16xf32> to vector<16xf32>
        %parallel_loop3A_1080 = vector.shape_cast %parallel_loop3A_1075 : vector<16xf32> to vector<1x16xf32>
        tpu.vector_store %arg11[%parallel_loop3A_1076, %parallel_loop3A_1077], %parallel_loop3A_1080 {strides = array<i32>} : memref<8x1024xf32, #tpu.memory_space<vmem>>, vector<1x16xf32>,
        %parallel_loop3A_1081 = arith.addf %parallel_loop3A_1058, %parallel_loop3A_1038 : vector<16xf32>
        %parallel_loop3A_1082 = arith.index_cast %parallel_loop3A_304 : i32 to index
        %parallel_loop3A_1083 = arith.constant 560 : index
        %parallel_loop3A_1084 = tpu.vector_load %arg11[%parallel_loop3A_1082, %parallel_loop3A_1083] {strides = array<i32>} : memref<8x1024xf32, #tpu.memory_space<vmem>>, vector<1x16xf32>,
        %parallel_loop3A_1085 = vector.shape_cast %parallel_loop3A_1084 : vector<1x16xf32> to vector<16xf32>
        %parallel_loop3A_1086 = vector.shape_cast %parallel_loop3A_1081 : vector<16xf32> to vector<1x16xf32>
        tpu.vector_store %arg11[%parallel_loop3A_1082, %parallel_loop3A_1083], %parallel_loop3A_1086 {strides = array<i32>} : memref<8x1024xf32, #tpu.memory_space<vmem>>, vector<1x16xf32>,
        %parallel_loop3A_1087 = arith.addf %parallel_loop3A_1059, %parallel_loop3A_1042 : vector<16xf32>
        %parallel_loop3A_1088 = arith.index_cast %parallel_loop3A_304 : i32 to index
        %parallel_loop3A_1089 = arith.constant 576 : index
        %parallel_loop3A_1090 = tpu.vector_load %arg11[%parallel_loop3A_1088, %parallel_loop3A_1089] {strides = array<i32>} : memref<8x1024xf32, #tpu.memory_space<vmem>>, vector<1x16xf32>,
        %parallel_loop3A_1091 = vector.shape_cast %parallel_loop3A_1090 : vector<1x16xf32> to vector<16xf32>
        %parallel_loop3A_1092 = vector.shape_cast %parallel_loop3A_1087 : vector<16xf32> to vector<1x16xf32>
        tpu.vector_store %arg11[%parallel_loop3A_1088, %parallel_loop3A_1089], %parallel_loop3A_1092 {strides = array<i32>} : memref<8x1024xf32, #tpu.memory_space<vmem>>, vector<1x16xf32>,
        %parallel_loop3A_1093 = arith.addf %parallel_loop3A_1060, %parallel_loop3A_1046 : vector<16xf32>
        %parallel_loop3A_1094 = arith.index_cast %parallel_loop3A_304 : i32 to index
        %parallel_loop3A_1095 = arith.constant 592 : index
        %parallel_loop3A_1096 = tpu.vector_load %arg11[%parallel_loop3A_1094, %parallel_loop3A_1095] {strides = array<i32>} : memref<8x1024xf32, #tpu.memory_space<vmem>>, vector<1x16xf32>,
        %parallel_loop3A_1097 = vector.shape_cast %parallel_loop3A_1096 : vector<1x16xf32> to vector<16xf32>
        %parallel_loop3A_1098 = vector.shape_cast %parallel_loop3A_1093 : vector<16xf32> to vector<1x16xf32>
        tpu.vector_store %arg11[%parallel_loop3A_1094, %parallel_loop3A_1095], %parallel_loop3A_1098 {strides = array<i32>} : memref<8x1024xf32, #tpu.memory_space<vmem>>, vector<1x16xf32>,
        %parallel_loop3A_1099 = arith.addf %parallel_loop3A_1061, %parallel_loop3A_1050 : vector<16xf32>
        %parallel_loop3A_1100 = arith.index_cast %parallel_loop3A_304 : i32 to index
        %parallel_loop3A_1101 = arith.constant 608 : index
        %parallel_loop3A_1102 = tpu.vector_load %arg11[%parallel_loop3A_1100, %parallel_loop3A_1101] {strides = array<i32>} : memref<8x1024xf32, #tpu.memory_space<vmem>>, vector<1x16xf32>,
        %parallel_loop3A_1103 = vector.shape_cast %parallel_loop3A_1102 : vector<1x16xf32> to vector<16xf32>
        %parallel_loop3A_1104 = vector.shape_cast %parallel_loop3A_1099 : vector<16xf32> to vector<1x16xf32>
        tpu.vector_store %arg11[%parallel_loop3A_1100, %parallel_loop3A_1101], %parallel_loop3A_1104 {strides = array<i32>} : memref<8x1024xf32, #tpu.memory_space<vmem>>, vector<1x16xf32>,
        %parallel_loop3A_1105 = arith.addf %parallel_loop3A_1062, %parallel_loop3A_1054 : vector<16xf32>
        %parallel_loop3A_1106 = arith.index_cast %parallel_loop3A_304 : i32 to index
        %parallel_loop3A_1107 = arith.constant 624 : index
        %parallel_loop3A_1108 = tpu.vector_load %arg11[%parallel_loop3A_1106, %parallel_loop3A_1107] {strides = array<i32>} : memref<8x1024xf32, #tpu.memory_space<vmem>>, vector<1x16xf32>,
        %parallel_loop3A_1109 = vector.shape_cast %parallel_loop3A_1108 : vector<1x16xf32> to vector<16xf32>
        %parallel_loop3A_1110 = vector.shape_cast %parallel_loop3A_1105 : vector<16xf32> to vector<1x16xf32>
        tpu.vector_store %arg11[%parallel_loop3A_1106, %parallel_loop3A_1107], %parallel_loop3A_1110 {strides = array<i32>} : memref<8x1024xf32, #tpu.memory_space<vmem>>, vector<1x16xf32>,
        %parallel_loop3A_1111 = arith.index_cast %parallel_loop3A_304 : i32 to index
        %parallel_loop3A_1112 = arith.constant 640 : index
        %parallel_loop3A_1113 = tpu.vector_load %arg9[%parallel_loop3A_1111, %parallel_loop3A_1112] {strides = array<i32>} : memref<8x1024xf32, #tpu.memory_space<vmem>>, vector<1x16xf32>,
        %parallel_loop3A_1114 = vector.shape_cast %parallel_loop3A_1113 : vector<1x16xf32> to vector<16xf32>
        %parallel_loop3A_1115 = arith.index_cast %parallel_loop3A_304 : i32 to index
        %parallel_loop3A_1116 = arith.constant 656 : index
        %parallel_loop3A_1117 = tpu.vector_load %arg9[%parallel_loop3A_1115, %parallel_loop3A_1116] {strides = array<i32>} : memref<8x1024xf32, #tpu.memory_space<vmem>>, vector<1x16xf32>,
        %parallel_loop3A_1118 = vector.shape_cast %parallel_loop3A_1117 : vector<1x16xf32> to vector<16xf32>
        %parallel_loop3A_1119 = arith.index_cast %parallel_loop3A_304 : i32 to index
        %parallel_loop3A_1120 = arith.constant 672 : index
        %parallel_loop3A_1121 = tpu.vector_load %arg9[%parallel_loop3A_1119, %parallel_loop3A_1120] {strides = array<i32>} : memref<8x1024xf32, #tpu.memory_space<vmem>>, vector<1x16xf32>,
        %parallel_loop3A_1122 = vector.shape_cast %parallel_loop3A_1121 : vector<1x16xf32> to vector<16xf32>
        %parallel_loop3A_1123 = arith.index_cast %parallel_loop3A_304 : i32 to index
        %parallel_loop3A_1124 = arith.constant 688 : index
        %parallel_loop3A_1125 = tpu.vector_load %arg9[%parallel_loop3A_1123, %parallel_loop3A_1124] {strides = array<i32>} : memref<8x1024xf32, #tpu.memory_space<vmem>>, vector<1x16xf32>,
        %parallel_loop3A_1126 = vector.shape_cast %parallel_loop3A_1125 : vector<1x16xf32> to vector<16xf32>
        %parallel_loop3A_1127 = arith.index_cast %parallel_loop3A_304 : i32 to index
        %parallel_loop3A_1128 = arith.constant 704 : index
        %parallel_loop3A_1129 = tpu.vector_load %arg9[%parallel_loop3A_1127, %parallel_loop3A_1128] {strides = array<i32>} : memref<8x1024xf32, #tpu.memory_space<vmem>>, vector<1x16xf32>,
        %parallel_loop3A_1130 = vector.shape_cast %parallel_loop3A_1129 : vector<1x16xf32> to vector<16xf32>
        %parallel_loop3A_1131 = arith.index_cast %parallel_loop3A_304 : i32 to index
        %parallel_loop3A_1132 = arith.constant 720 : index
        %parallel_loop3A_1133 = tpu.vector_load %arg9[%parallel_loop3A_1131, %parallel_loop3A_1132] {strides = array<i32>} : memref<8x1024xf32, #tpu.memory_space<vmem>>, vector<1x16xf32>,
        %parallel_loop3A_1134 = vector.shape_cast %parallel_loop3A_1133 : vector<1x16xf32> to vector<16xf32>
        %parallel_loop3A_1135 = arith.index_cast %parallel_loop3A_304 : i32 to index
        %parallel_loop3A_1136 = arith.constant 736 : index
        %parallel_loop3A_1137 = tpu.vector_load %arg9[%parallel_loop3A_1135, %parallel_loop3A_1136] {strides = array<i32>} : memref<8x1024xf32, #tpu.memory_space<vmem>>, vector<1x16xf32>,
        %parallel_loop3A_1138 = vector.shape_cast %parallel_loop3A_1137 : vector<1x16xf32> to vector<16xf32>
        %parallel_loop3A_1139 = arith.index_cast %parallel_loop3A_304 : i32 to index
        %parallel_loop3A_1140 = arith.constant 752 : index
        %parallel_loop3A_1141 = tpu.vector_load %arg9[%parallel_loop3A_1139, %parallel_loop3A_1140] {strides = array<i32>} : memref<8x1024xf32, #tpu.memory_space<vmem>>, vector<1x16xf32>,
        %parallel_loop3A_1142 = vector.shape_cast %parallel_loop3A_1141 : vector<1x16xf32> to vector<16xf32>
        %parallel_loop3A_1143 = arith.addi %mul3A_244, %parallel_loop3A_304 : i32
        %parallel_loop3A_1144 = arith.index_cast %parallel_loop3A_1143 : i32 to index
        %parallel_loop3A_1145 = arith.constant 640 : index
        %parallel_loop3A_1146 = tpu.vector_load %arg7[%parallel_loop3A_1144, %parallel_loop3A_1145] {strides = array<i32>} : memref<64x1024xf32, #tpu.memory_space<vmem>>, vector<1x16xf32>,
        %parallel_loop3A_1147 = vector.shape_cast %parallel_loop3A_1146 : vector<1x16xf32> to vector<16xf32>
        %parallel_loop3A_1148 = arith.addi %mul3A_244, %parallel_loop3A_304 : i32
        %parallel_loop3A_1149 = arith.index_cast %parallel_loop3A_1148 : i32 to index
        %parallel_loop3A_1150 = arith.constant 656 : index
        %parallel_loop3A_1151 = tpu.vector_load %arg7[%parallel_loop3A_1149, %parallel_loop3A_1150] {strides = array<i32>} : memref<64x1024xf32, #tpu.memory_space<vmem>>, vector<1x16xf32>,
        %parallel_loop3A_1152 = vector.shape_cast %parallel_loop3A_1151 : vector<1x16xf32> to vector<16xf32>
        %parallel_loop3A_1153 = arith.addi %mul3A_244, %parallel_loop3A_304 : i32
        %parallel_loop3A_1154 = arith.index_cast %parallel_loop3A_1153 : i32 to index
        %parallel_loop3A_1155 = arith.constant 672 : index
        %parallel_loop3A_1156 = tpu.vector_load %arg7[%parallel_loop3A_1154, %parallel_loop3A_1155] {strides = array<i32>} : memref<64x1024xf32, #tpu.memory_space<vmem>>, vector<1x16xf32>,
        %parallel_loop3A_1157 = vector.shape_cast %parallel_loop3A_1156 : vector<1x16xf32> to vector<16xf32>
        %parallel_loop3A_1158 = arith.addi %mul3A_244, %parallel_loop3A_304 : i32
        %parallel_loop3A_1159 = arith.index_cast %parallel_loop3A_1158 : i32 to index
        %parallel_loop3A_1160 = arith.constant 688 : index
        %parallel_loop3A_1161 = tpu.vector_load %arg7[%parallel_loop3A_1159, %parallel_loop3A_1160] {strides = array<i32>} : memref<64x1024xf32, #tpu.memory_space<vmem>>, vector<1x16xf32>,
        %parallel_loop3A_1162 = vector.shape_cast %parallel_loop3A_1161 : vector<1x16xf32> to vector<16xf32>
        %parallel_loop3A_1163 = arith.addi %mul3A_244, %parallel_loop3A_304 : i32
        %parallel_loop3A_1164 = arith.index_cast %parallel_loop3A_1163 : i32 to index
        %parallel_loop3A_1165 = arith.constant 704 : index
        %parallel_loop3A_1166 = tpu.vector_load %arg7[%parallel_loop3A_1164, %parallel_loop3A_1165] {strides = array<i32>} : memref<64x1024xf32, #tpu.memory_space<vmem>>, vector<1x16xf32>,
        %parallel_loop3A_1167 = vector.shape_cast %parallel_loop3A_1166 : vector<1x16xf32> to vector<16xf32>
        %parallel_loop3A_1168 = arith.addi %mul3A_244, %parallel_loop3A_304 : i32
        %parallel_loop3A_1169 = arith.index_cast %parallel_loop3A_1168 : i32 to index
        %parallel_loop3A_1170 = arith.constant 720 : index
        %parallel_loop3A_1171 = tpu.vector_load %arg7[%parallel_loop3A_1169, %parallel_loop3A_1170] {strides = array<i32>} : memref<64x1024xf32, #tpu.memory_space<vmem>>, vector<1x16xf32>,
        %parallel_loop3A_1172 = vector.shape_cast %parallel_loop3A_1171 : vector<1x16xf32> to vector<16xf32>
        %parallel_loop3A_1173 = arith.addi %mul3A_244, %parallel_loop3A_304 : i32
        %parallel_loop3A_1174 = arith.index_cast %parallel_loop3A_1173 : i32 to index
        %parallel_loop3A_1175 = arith.constant 736 : index
        %parallel_loop3A_1176 = tpu.vector_load %arg7[%parallel_loop3A_1174, %parallel_loop3A_1175] {strides = array<i32>} : memref<64x1024xf32, #tpu.memory_space<vmem>>, vector<1x16xf32>,
        %parallel_loop3A_1177 = vector.shape_cast %parallel_loop3A_1176 : vector<1x16xf32> to vector<16xf32>
        %parallel_loop3A_1178 = arith.addi %mul3A_244, %parallel_loop3A_304 : i32
        %parallel_loop3A_1179 = arith.index_cast %parallel_loop3A_1178 : i32 to index
        %parallel_loop3A_1180 = arith.constant 752 : index
        %parallel_loop3A_1181 = tpu.vector_load %arg7[%parallel_loop3A_1179, %parallel_loop3A_1180] {strides = array<i32>} : memref<64x1024xf32, #tpu.memory_space<vmem>>, vector<1x16xf32>,
        %parallel_loop3A_1182 = vector.shape_cast %parallel_loop3A_1181 : vector<1x16xf32> to vector<16xf32>
        %parallel_loop3A_1183 = arith.index_cast %parallel_loop3A_310 : i32 to index
        %parallel_loop3A_1184 = arith.constant 640 : index
        %parallel_loop3A_1185 = tpu.vector_load %arg12[%parallel_loop3A_1183, %parallel_loop3A_1184] {strides = array<i32>} : memref<5x1024xf32, #tpu.memory_space<vmem>>, vector<1x16xf32>,
        %parallel_loop3A_1186 = vector.shape_cast %parallel_loop3A_1185 : vector<1x16xf32> to vector<16xf32>
        %parallel_loop3A_1187 = arith.index_cast %parallel_loop3A_310 : i32 to index
        %parallel_loop3A_1188 = arith.constant 656 : index
        %parallel_loop3A_1189 = tpu.vector_load %arg12[%parallel_loop3A_1187, %parallel_loop3A_1188] {strides = array<i32>} : memref<5x1024xf32, #tpu.memory_space<vmem>>, vector<1x16xf32>,
        %parallel_loop3A_1190 = vector.shape_cast %parallel_loop3A_1189 : vector<1x16xf32> to vector<16xf32>
        %parallel_loop3A_1191 = arith.index_cast %parallel_loop3A_310 : i32 to index
        %parallel_loop3A_1192 = arith.constant 672 : index
        %parallel_loop3A_1193 = tpu.vector_load %arg12[%parallel_loop3A_1191, %parallel_loop3A_1192] {strides = array<i32>} : memref<5x1024xf32, #tpu.memory_space<vmem>>, vector<1x16xf32>,
        %parallel_loop3A_1194 = vector.shape_cast %parallel_loop3A_1193 : vector<1x16xf32> to vector<16xf32>
        %parallel_loop3A_1195 = arith.index_cast %parallel_loop3A_310 : i32 to index
        %parallel_loop3A_1196 = arith.constant 688 : index
        %parallel_loop3A_1197 = tpu.vector_load %arg12[%parallel_loop3A_1195, %parallel_loop3A_1196] {strides = array<i32>} : memref<5x1024xf32, #tpu.memory_space<vmem>>, vector<1x16xf32>,
        %parallel_loop3A_1198 = vector.shape_cast %parallel_loop3A_1197 : vector<1x16xf32> to vector<16xf32>
        %parallel_loop3A_1199 = arith.index_cast %parallel_loop3A_310 : i32 to index
        %parallel_loop3A_1200 = arith.constant 704 : index
        %parallel_loop3A_1201 = tpu.vector_load %arg12[%parallel_loop3A_1199, %parallel_loop3A_1200] {strides = array<i32>} : memref<5x1024xf32, #tpu.memory_space<vmem>>, vector<1x16xf32>,
        %parallel_loop3A_1202 = vector.shape_cast %parallel_loop3A_1201 : vector<1x16xf32> to vector<16xf32>
        %parallel_loop3A_1203 = arith.index_cast %parallel_loop3A_310 : i32 to index
        %parallel_loop3A_1204 = arith.constant 720 : index
        %parallel_loop3A_1205 = tpu.vector_load %arg12[%parallel_loop3A_1203, %parallel_loop3A_1204] {strides = array<i32>} : memref<5x1024xf32, #tpu.memory_space<vmem>>, vector<1x16xf32>,
        %parallel_loop3A_1206 = vector.shape_cast %parallel_loop3A_1205 : vector<1x16xf32> to vector<16xf32>
        %parallel_loop3A_1207 = arith.index_cast %parallel_loop3A_310 : i32 to index
        %parallel_loop3A_1208 = arith.constant 736 : index
        %parallel_loop3A_1209 = tpu.vector_load %arg12[%parallel_loop3A_1207, %parallel_loop3A_1208] {strides = array<i32>} : memref<5x1024xf32, #tpu.memory_space<vmem>>, vector<1x16xf32>,
        %parallel_loop3A_1210 = vector.shape_cast %parallel_loop3A_1209 : vector<1x16xf32> to vector<16xf32>
        %parallel_loop3A_1211 = arith.index_cast %parallel_loop3A_310 : i32 to index
        %parallel_loop3A_1212 = arith.constant 752 : index
        %parallel_loop3A_1213 = tpu.vector_load %arg12[%parallel_loop3A_1211, %parallel_loop3A_1212] {strides = array<i32>} : memref<5x1024xf32, #tpu.memory_space<vmem>>, vector<1x16xf32>,
        %parallel_loop3A_1214 = vector.shape_cast %parallel_loop3A_1213 : vector<1x16xf32> to vector<16xf32>
        %parallel_loop3A_1215 = arith.addf %parallel_loop3A_1114, %parallel_loop3A_1147 : vector<16xf32>
        %parallel_loop3A_1216 = arith.addf %parallel_loop3A_1118, %parallel_loop3A_1152 : vector<16xf32>
        %parallel_loop3A_1217 = arith.addf %parallel_loop3A_1122, %parallel_loop3A_1157 : vector<16xf32>
        %parallel_loop3A_1218 = arith.addf %parallel_loop3A_1126, %parallel_loop3A_1162 : vector<16xf32>
        %parallel_loop3A_1219 = arith.addf %parallel_loop3A_1130, %parallel_loop3A_1167 : vector<16xf32>
        %parallel_loop3A_1220 = arith.addf %parallel_loop3A_1134, %parallel_loop3A_1172 : vector<16xf32>
        %parallel_loop3A_1221 = arith.addf %parallel_loop3A_1138, %parallel_loop3A_1177 : vector<16xf32>
        %parallel_loop3A_1222 = arith.addf %parallel_loop3A_1142, %parallel_loop3A_1182 : vector<16xf32>
        %parallel_loop3A_1223 = arith.addf %parallel_loop3A_1215, %parallel_loop3A_1186 : vector<16xf32>
        %parallel_loop3A_1224 = arith.index_cast %parallel_loop3A_304 : i32 to index
        %parallel_loop3A_1225 = arith.constant 640 : index
        %parallel_loop3A_1226 = tpu.vector_load %arg11[%parallel_loop3A_1224, %parallel_loop3A_1225] {strides = array<i32>} : memref<8x1024xf32, #tpu.memory_space<vmem>>, vector<1x16xf32>,
        %parallel_loop3A_1227 = vector.shape_cast %parallel_loop3A_1226 : vector<1x16xf32> to vector<16xf32>
        %parallel_loop3A_1228 = vector.shape_cast %parallel_loop3A_1223 : vector<16xf32> to vector<1x16xf32>
        tpu.vector_store %arg11[%parallel_loop3A_1224, %parallel_loop3A_1225], %parallel_loop3A_1228 {strides = array<i32>} : memref<8x1024xf32, #tpu.memory_space<vmem>>, vector<1x16xf32>,
        %parallel_loop3A_1229 = arith.addf %parallel_loop3A_1216, %parallel_loop3A_1190 : vector<16xf32>
        %parallel_loop3A_1230 = arith.index_cast %parallel_loop3A_304 : i32 to index
        %parallel_loop3A_1231 = arith.constant 656 : index
        %parallel_loop3A_1232 = tpu.vector_load %arg11[%parallel_loop3A_1230, %parallel_loop3A_1231] {strides = array<i32>} : memref<8x1024xf32, #tpu.memory_space<vmem>>, vector<1x16xf32>,
        %parallel_loop3A_1233 = vector.shape_cast %parallel_loop3A_1232 : vector<1x16xf32> to vector<16xf32>
        %parallel_loop3A_1234 = vector.shape_cast %parallel_loop3A_1229 : vector<16xf32> to vector<1x16xf32>
        tpu.vector_store %arg11[%parallel_loop3A_1230, %parallel_loop3A_1231], %parallel_loop3A_1234 {strides = array<i32>} : memref<8x1024xf32, #tpu.memory_space<vmem>>, vector<1x16xf32>,
        %parallel_loop3A_1235 = arith.addf %parallel_loop3A_1217, %parallel_loop3A_1194 : vector<16xf32>
        %parallel_loop3A_1236 = arith.index_cast %parallel_loop3A_304 : i32 to index
        %parallel_loop3A_1237 = arith.constant 672 : index
        %parallel_loop3A_1238 = tpu.vector_load %arg11[%parallel_loop3A_1236, %parallel_loop3A_1237] {strides = array<i32>} : memref<8x1024xf32, #tpu.memory_space<vmem>>, vector<1x16xf32>,
        %parallel_loop3A_1239 = vector.shape_cast %parallel_loop3A_1238 : vector<1x16xf32> to vector<16xf32>
        %parallel_loop3A_1240 = vector.shape_cast %parallel_loop3A_1235 : vector<16xf32> to vector<1x16xf32>
        tpu.vector_store %arg11[%parallel_loop3A_1236, %parallel_loop3A_1237], %parallel_loop3A_1240 {strides = array<i32>} : memref<8x1024xf32, #tpu.memory_space<vmem>>, vector<1x16xf32>,
        %parallel_loop3A_1241 = arith.addf %parallel_loop3A_1218, %parallel_loop3A_1198 : vector<16xf32>
        %parallel_loop3A_1242 = arith.index_cast %parallel_loop3A_304 : i32 to index
        %parallel_loop3A_1243 = arith.constant 688 : index
        %parallel_loop3A_1244 = tpu.vector_load %arg11[%parallel_loop3A_1242, %parallel_loop3A_1243] {strides = array<i32>} : memref<8x1024xf32, #tpu.memory_space<vmem>>, vector<1x16xf32>,
        %parallel_loop3A_1245 = vector.shape_cast %parallel_loop3A_1244 : vector<1x16xf32> to vector<16xf32>
        %parallel_loop3A_1246 = vector.shape_cast %parallel_loop3A_1241 : vector<16xf32> to vector<1x16xf32>
        tpu.vector_store %arg11[%parallel_loop3A_1242, %parallel_loop3A_1243], %parallel_loop3A_1246 {strides = array<i32>} : memref<8x1024xf32, #tpu.memory_space<vmem>>, vector<1x16xf32>,
        %parallel_loop3A_1247 = arith.addf %parallel_loop3A_1219, %parallel_loop3A_1202 : vector<16xf32>
        %parallel_loop3A_1248 = arith.index_cast %parallel_loop3A_304 : i32 to index
        %parallel_loop3A_1249 = arith.constant 704 : index
        %parallel_loop3A_1250 = tpu.vector_load %arg11[%parallel_loop3A_1248, %parallel_loop3A_1249] {strides = array<i32>} : memref<8x1024xf32, #tpu.memory_space<vmem>>, vector<1x16xf32>,
        %parallel_loop3A_1251 = vector.shape_cast %parallel_loop3A_1250 : vector<1x16xf32> to vector<16xf32>
        %parallel_loop3A_1252 = vector.shape_cast %parallel_loop3A_1247 : vector<16xf32> to vector<1x16xf32>
        tpu.vector_store %arg11[%parallel_loop3A_1248, %parallel_loop3A_1249], %parallel_loop3A_1252 {strides = array<i32>} : memref<8x1024xf32, #tpu.memory_space<vmem>>, vector<1x16xf32>,
        %parallel_loop3A_1253 = arith.addf %parallel_loop3A_1220, %parallel_loop3A_1206 : vector<16xf32>
        %parallel_loop3A_1254 = arith.index_cast %parallel_loop3A_304 : i32 to index
        %parallel_loop3A_1255 = arith.constant 720 : index
        %parallel_loop3A_1256 = tpu.vector_load %arg11[%parallel_loop3A_1254, %parallel_loop3A_1255] {strides = array<i32>} : memref<8x1024xf32, #tpu.memory_space<vmem>>, vector<1x16xf32>,
        %parallel_loop3A_1257 = vector.shape_cast %parallel_loop3A_1256 : vector<1x16xf32> to vector<16xf32>
        %parallel_loop3A_1258 = vector.shape_cast %parallel_loop3A_1253 : vector<16xf32> to vector<1x16xf32>
        tpu.vector_store %arg11[%parallel_loop3A_1254, %parallel_loop3A_1255], %parallel_loop3A_1258 {strides = array<i32>} : memref<8x1024xf32, #tpu.memory_space<vmem>>, vector<1x16xf32>,
        %parallel_loop3A_1259 = arith.addf %parallel_loop3A_1221, %parallel_loop3A_1210 : vector<16xf32>
        %parallel_loop3A_1260 = arith.index_cast %parallel_loop3A_304 : i32 to index
        %parallel_loop3A_1261 = arith.constant 736 : index
        %parallel_loop3A_1262 = tpu.vector_load %arg11[%parallel_loop3A_1260, %parallel_loop3A_1261] {strides = array<i32>} : memref<8x1024xf32, #tpu.memory_space<vmem>>, vector<1x16xf32>,
        %parallel_loop3A_1263 = vector.shape_cast %parallel_loop3A_1262 : vector<1x16xf32> to vector<16xf32>
        %parallel_loop3A_1264 = vector.shape_cast %parallel_loop3A_1259 : vector<16xf32> to vector<1x16xf32>
        tpu.vector_store %arg11[%parallel_loop3A_1260, %parallel_loop3A_1261], %parallel_loop3A_1264 {strides = array<i32>} : memref<8x1024xf32, #tpu.memory_space<vmem>>, vector<1x16xf32>,
        %parallel_loop3A_1265 = arith.addf %parallel_loop3A_1222, %parallel_loop3A_1214 : vector<16xf32>
        %parallel_loop3A_1266 = arith.index_cast %parallel_loop3A_304 : i32 to index
        %parallel_loop3A_1267 = arith.constant 752 : index
        %parallel_loop3A_1268 = tpu.vector_load %arg11[%parallel_loop3A_1266, %parallel_loop3A_1267] {strides = array<i32>} : memref<8x1024xf32, #tpu.memory_space<vmem>>, vector<1x16xf32>,
        %parallel_loop3A_1269 = vector.shape_cast %parallel_loop3A_1268 : vector<1x16xf32> to vector<16xf32>
        %parallel_loop3A_1270 = vector.shape_cast %parallel_loop3A_1265 : vector<16xf32> to vector<1x16xf32>
        tpu.vector_store %arg11[%parallel_loop3A_1266, %parallel_loop3A_1267], %parallel_loop3A_1270 {strides = array<i32>} : memref<8x1024xf32, #tpu.memory_space<vmem>>, vector<1x16xf32>,
        %parallel_loop3A_1271 = arith.index_cast %parallel_loop3A_304 : i32 to index
        %parallel_loop3A_1272 = arith.constant 768 : index
        %parallel_loop3A_1273 = tpu.vector_load %arg9[%parallel_loop3A_1271, %parallel_loop3A_1272] {strides = array<i32>} : memref<8x1024xf32, #tpu.memory_space<vmem>>, vector<1x16xf32>,
        %parallel_loop3A_1274 = vector.shape_cast %parallel_loop3A_1273 : vector<1x16xf32> to vector<16xf32>
        %parallel_loop3A_1275 = arith.index_cast %parallel_loop3A_304 : i32 to index
        %parallel_loop3A_1276 = arith.constant 784 : index
        %parallel_loop3A_1277 = tpu.vector_load %arg9[%parallel_loop3A_1275, %parallel_loop3A_1276] {strides = array<i32>} : memref<8x1024xf32, #tpu.memory_space<vmem>>, vector<1x16xf32>,
        %parallel_loop3A_1278 = vector.shape_cast %parallel_loop3A_1277 : vector<1x16xf32> to vector<16xf32>
        %parallel_loop3A_1279 = arith.index_cast %parallel_loop3A_304 : i32 to index
        %parallel_loop3A_1280 = arith.constant 800 : index
        %parallel_loop3A_1281 = tpu.vector_load %arg9[%parallel_loop3A_1279, %parallel_loop3A_1280] {strides = array<i32>} : memref<8x1024xf32, #tpu.memory_space<vmem>>, vector<1x16xf32>,
        %parallel_loop3A_1282 = vector.shape_cast %parallel_loop3A_1281 : vector<1x16xf32> to vector<16xf32>
        %parallel_loop3A_1283 = arith.index_cast %parallel_loop3A_304 : i32 to index
        %parallel_loop3A_1284 = arith.constant 816 : index
        %parallel_loop3A_1285 = tpu.vector_load %arg9[%parallel_loop3A_1283, %parallel_loop3A_1284] {strides = array<i32>} : memref<8x1024xf32, #tpu.memory_space<vmem>>, vector<1x16xf32>,
        %parallel_loop3A_1286 = vector.shape_cast %parallel_loop3A_1285 : vector<1x16xf32> to vector<16xf32>
        %parallel_loop3A_1287 = arith.index_cast %parallel_loop3A_304 : i32 to index
        %parallel_loop3A_1288 = arith.constant 832 : index
        %parallel_loop3A_1289 = tpu.vector_load %arg9[%parallel_loop3A_1287, %parallel_loop3A_1288] {strides = array<i32>} : memref<8x1024xf32, #tpu.memory_space<vmem>>, vector<1x16xf32>,
        %parallel_loop3A_1290 = vector.shape_cast %parallel_loop3A_1289 : vector<1x16xf32> to vector<16xf32>
        %parallel_loop3A_1291 = arith.index_cast %parallel_loop3A_304 : i32 to index
        %parallel_loop3A_1292 = arith.constant 848 : index
        %parallel_loop3A_1293 = tpu.vector_load %arg9[%parallel_loop3A_1291, %parallel_loop3A_1292] {strides = array<i32>} : memref<8x1024xf32, #tpu.memory_space<vmem>>, vector<1x16xf32>,
        %parallel_loop3A_1294 = vector.shape_cast %parallel_loop3A_1293 : vector<1x16xf32> to vector<16xf32>
        %parallel_loop3A_1295 = arith.index_cast %parallel_loop3A_304 : i32 to index
        %parallel_loop3A_1296 = arith.constant 864 : index
        %parallel_loop3A_1297 = tpu.vector_load %arg9[%parallel_loop3A_1295, %parallel_loop3A_1296] {strides = array<i32>} : memref<8x1024xf32, #tpu.memory_space<vmem>>, vector<1x16xf32>,
        %parallel_loop3A_1298 = vector.shape_cast %parallel_loop3A_1297 : vector<1x16xf32> to vector<16xf32>
        %parallel_loop3A_1299 = arith.index_cast %parallel_loop3A_304 : i32 to index
        %parallel_loop3A_1300 = arith.constant 880 : index
        %parallel_loop3A_1301 = tpu.vector_load %arg9[%parallel_loop3A_1299, %parallel_loop3A_1300] {strides = array<i32>} : memref<8x1024xf32, #tpu.memory_space<vmem>>, vector<1x16xf32>,
        %parallel_loop3A_1302 = vector.shape_cast %parallel_loop3A_1301 : vector<1x16xf32> to vector<16xf32>
        %parallel_loop3A_1303 = arith.addi %mul3A_244, %parallel_loop3A_304 : i32
        %parallel_loop3A_1304 = arith.index_cast %parallel_loop3A_1303 : i32 to index
        %parallel_loop3A_1305 = arith.constant 768 : index
        %parallel_loop3A_1306 = tpu.vector_load %arg7[%parallel_loop3A_1304, %parallel_loop3A_1305] {strides = array<i32>} : memref<64x1024xf32, #tpu.memory_space<vmem>>, vector<1x16xf32>,
        %parallel_loop3A_1307 = vector.shape_cast %parallel_loop3A_1306 : vector<1x16xf32> to vector<16xf32>
        %parallel_loop3A_1308 = arith.addi %mul3A_244, %parallel_loop3A_304 : i32
        %parallel_loop3A_1309 = arith.index_cast %parallel_loop3A_1308 : i32 to index
        %parallel_loop3A_1310 = arith.constant 784 : index
        %parallel_loop3A_1311 = tpu.vector_load %arg7[%parallel_loop3A_1309, %parallel_loop3A_1310] {strides = array<i32>} : memref<64x1024xf32, #tpu.memory_space<vmem>>, vector<1x16xf32>,
        %parallel_loop3A_1312 = vector.shape_cast %parallel_loop3A_1311 : vector<1x16xf32> to vector<16xf32>
        %parallel_loop3A_1313 = arith.addi %mul3A_244, %parallel_loop3A_304 : i32
        %parallel_loop3A_1314 = arith.index_cast %parallel_loop3A_1313 : i32 to index
        %parallel_loop3A_1315 = arith.constant 800 : index
        %parallel_loop3A_1316 = tpu.vector_load %arg7[%parallel_loop3A_1314, %parallel_loop3A_1315] {strides = array<i32>} : memref<64x1024xf32, #tpu.memory_space<vmem>>, vector<1x16xf32>,
        %parallel_loop3A_1317 = vector.shape_cast %parallel_loop3A_1316 : vector<1x16xf32> to vector<16xf32>
        %parallel_loop3A_1318 = arith.addi %mul3A_244, %parallel_loop3A_304 : i32
        %parallel_loop3A_1319 = arith.index_cast %parallel_loop3A_1318 : i32 to index
        %parallel_loop3A_1320 = arith.constant 816 : index
        %parallel_loop3A_1321 = tpu.vector_load %arg7[%parallel_loop3A_1319, %parallel_loop3A_1320] {strides = array<i32>} : memref<64x1024xf32, #tpu.memory_space<vmem>>, vector<1x16xf32>,
        %parallel_loop3A_1322 = vector.shape_cast %parallel_loop3A_1321 : vector<1x16xf32> to vector<16xf32>
        %parallel_loop3A_1323 = arith.addi %mul3A_244, %parallel_loop3A_304 : i32
        %parallel_loop3A_1324 = arith.index_cast %parallel_loop3A_1323 : i32 to index
        %parallel_loop3A_1325 = arith.constant 832 : index
        %parallel_loop3A_1326 = tpu.vector_load %arg7[%parallel_loop3A_1324, %parallel_loop3A_1325] {strides = array<i32>} : memref<64x1024xf32, #tpu.memory_space<vmem>>, vector<1x16xf32>,
        %parallel_loop3A_1327 = vector.shape_cast %parallel_loop3A_1326 : vector<1x16xf32> to vector<16xf32>
        %parallel_loop3A_1328 = arith.addi %mul3A_244, %parallel_loop3A_304 : i32
        %parallel_loop3A_1329 = arith.index_cast %parallel_loop3A_1328 : i32 to index
        %parallel_loop3A_1330 = arith.constant 848 : index
        %parallel_loop3A_1331 = tpu.vector_load %arg7[%parallel_loop3A_1329, %parallel_loop3A_1330] {strides = array<i32>} : memref<64x1024xf32, #tpu.memory_space<vmem>>, vector<1x16xf32>,
        %parallel_loop3A_1332 = vector.shape_cast %parallel_loop3A_1331 : vector<1x16xf32> to vector<16xf32>
        %parallel_loop3A_1333 = arith.addi %mul3A_244, %parallel_loop3A_304 : i32
        %parallel_loop3A_1334 = arith.index_cast %parallel_loop3A_1333 : i32 to index
        %parallel_loop3A_1335 = arith.constant 864 : index
        %parallel_loop3A_1336 = tpu.vector_load %arg7[%parallel_loop3A_1334, %parallel_loop3A_1335] {strides = array<i32>} : memref<64x1024xf32, #tpu.memory_space<vmem>>, vector<1x16xf32>,
        %parallel_loop3A_1337 = vector.shape_cast %parallel_loop3A_1336 : vector<1x16xf32> to vector<16xf32>
        %parallel_loop3A_1338 = arith.addi %mul3A_244, %parallel_loop3A_304 : i32
        %parallel_loop3A_1339 = arith.index_cast %parallel_loop3A_1338 : i32 to index
        %parallel_loop3A_1340 = arith.constant 880 : index
        %parallel_loop3A_1341 = tpu.vector_load %arg7[%parallel_loop3A_1339, %parallel_loop3A_1340] {strides = array<i32>} : memref<64x1024xf32, #tpu.memory_space<vmem>>, vector<1x16xf32>,
        %parallel_loop3A_1342 = vector.shape_cast %parallel_loop3A_1341 : vector<1x16xf32> to vector<16xf32>
        %parallel_loop3A_1343 = arith.index_cast %parallel_loop3A_310 : i32 to index
        %parallel_loop3A_1344 = arith.constant 768 : index
        %parallel_loop3A_1345 = tpu.vector_load %arg12[%parallel_loop3A_1343, %parallel_loop3A_1344] {strides = array<i32>} : memref<5x1024xf32, #tpu.memory_space<vmem>>, vector<1x16xf32>,
        %parallel_loop3A_1346 = vector.shape_cast %parallel_loop3A_1345 : vector<1x16xf32> to vector<16xf32>
        %parallel_loop3A_1347 = arith.index_cast %parallel_loop3A_310 : i32 to index
        %parallel_loop3A_1348 = arith.constant 784 : index
        %parallel_loop3A_1349 = tpu.vector_load %arg12[%parallel_loop3A_1347, %parallel_loop3A_1348] {strides = array<i32>} : memref<5x1024xf32, #tpu.memory_space<vmem>>, vector<1x16xf32>,
        %parallel_loop3A_1350 = vector.shape_cast %parallel_loop3A_1349 : vector<1x16xf32> to vector<16xf32>
        %parallel_loop3A_1351 = arith.index_cast %parallel_loop3A_310 : i32 to index
        %parallel_loop3A_1352 = arith.constant 800 : index
        %parallel_loop3A_1353 = tpu.vector_load %arg12[%parallel_loop3A_1351, %parallel_loop3A_1352] {strides = array<i32>} : memref<5x1024xf32, #tpu.memory_space<vmem>>, vector<1x16xf32>,
        %parallel_loop3A_1354 = vector.shape_cast %parallel_loop3A_1353 : vector<1x16xf32> to vector<16xf32>
        %parallel_loop3A_1355 = arith.index_cast %parallel_loop3A_310 : i32 to index
        %parallel_loop3A_1356 = arith.constant 816 : index
        %parallel_loop3A_1357 = tpu.vector_load %arg12[%parallel_loop3A_1355, %parallel_loop3A_1356] {strides = array<i32>} : memref<5x1024xf32, #tpu.memory_space<vmem>>, vector<1x16xf32>,
        %parallel_loop3A_1358 = vector.shape_cast %parallel_loop3A_1357 : vector<1x16xf32> to vector<16xf32>
        %parallel_loop3A_1359 = arith.index_cast %parallel_loop3A_310 : i32 to index
        %parallel_loop3A_1360 = arith.constant 832 : index
        %parallel_loop3A_1361 = tpu.vector_load %arg12[%parallel_loop3A_1359, %parallel_loop3A_1360] {strides = array<i32>} : memref<5x1024xf32, #tpu.memory_space<vmem>>, vector<1x16xf32>,
        %parallel_loop3A_1362 = vector.shape_cast %parallel_loop3A_1361 : vector<1x16xf32> to vector<16xf32>
        %parallel_loop3A_1363 = arith.index_cast %parallel_loop3A_310 : i32 to index
        %parallel_loop3A_1364 = arith.constant 848 : index
        %parallel_loop3A_1365 = tpu.vector_load %arg12[%parallel_loop3A_1363, %parallel_loop3A_1364] {strides = array<i32>} : memref<5x1024xf32, #tpu.memory_space<vmem>>, vector<1x16xf32>,
        %parallel_loop3A_1366 = vector.shape_cast %parallel_loop3A_1365 : vector<1x16xf32> to vector<16xf32>
        %parallel_loop3A_1367 = arith.index_cast %parallel_loop3A_310 : i32 to index
        %parallel_loop3A_1368 = arith.constant 864 : index
        %parallel_loop3A_1369 = tpu.vector_load %arg12[%parallel_loop3A_1367, %parallel_loop3A_1368] {strides = array<i32>} : memref<5x1024xf32, #tpu.memory_space<vmem>>, vector<1x16xf32>,
        %parallel_loop3A_1370 = vector.shape_cast %parallel_loop3A_1369 : vector<1x16xf32> to vector<16xf32>
        %parallel_loop3A_1371 = arith.index_cast %parallel_loop3A_310 : i32 to index
        %parallel_loop3A_1372 = arith.constant 880 : index
        %parallel_loop3A_1373 = tpu.vector_load %arg12[%parallel_loop3A_1371, %parallel_loop3A_1372] {strides = array<i32>} : memref<5x1024xf32, #tpu.memory_space<vmem>>, vector<1x16xf32>,
        %parallel_loop3A_1374 = vector.shape_cast %parallel_loop3A_1373 : vector<1x16xf32> to vector<16xf32>
        %parallel_loop3A_1375 = arith.addf %parallel_loop3A_1274, %parallel_loop3A_1307 : vector<16xf32>
        %parallel_loop3A_1376 = arith.addf %parallel_loop3A_1278, %parallel_loop3A_1312 : vector<16xf32>
        %parallel_loop3A_1377 = arith.addf %parallel_loop3A_1282, %parallel_loop3A_1317 : vector<16xf32>
        %parallel_loop3A_1378 = arith.addf %parallel_loop3A_1286, %parallel_loop3A_1322 : vector<16xf32>
        %parallel_loop3A_1379 = arith.addf %parallel_loop3A_1290, %parallel_loop3A_1327 : vector<16xf32>
        %parallel_loop3A_1380 = arith.addf %parallel_loop3A_1294, %parallel_loop3A_1332 : vector<16xf32>
        %parallel_loop3A_1381 = arith.addf %parallel_loop3A_1298, %parallel_loop3A_1337 : vector<16xf32>
        %parallel_loop3A_1382 = arith.addf %parallel_loop3A_1302, %parallel_loop3A_1342 : vector<16xf32>
        %parallel_loop3A_1383 = arith.addf %parallel_loop3A_1375, %parallel_loop3A_1346 : vector<16xf32>
        %parallel_loop3A_1384 = arith.index_cast %parallel_loop3A_304 : i32 to index
        %parallel_loop3A_1385 = arith.constant 768 : index
        %parallel_loop3A_1386 = tpu.vector_load %arg11[%parallel_loop3A_1384, %parallel_loop3A_1385] {strides = array<i32>} : memref<8x1024xf32, #tpu.memory_space<vmem>>, vector<1x16xf32>,
        %parallel_loop3A_1387 = vector.shape_cast %parallel_loop3A_1386 : vector<1x16xf32> to vector<16xf32>
        %parallel_loop3A_1388 = vector.shape_cast %parallel_loop3A_1383 : vector<16xf32> to vector<1x16xf32>
        tpu.vector_store %arg11[%parallel_loop3A_1384, %parallel_loop3A_1385], %parallel_loop3A_1388 {strides = array<i32>} : memref<8x1024xf32, #tpu.memory_space<vmem>>, vector<1x16xf32>,
        %parallel_loop3A_1389 = arith.addf %parallel_loop3A_1376, %parallel_loop3A_1350 : vector<16xf32>
        %parallel_loop3A_1390 = arith.index_cast %parallel_loop3A_304 : i32 to index
        %parallel_loop3A_1391 = arith.constant 784 : index
        %parallel_loop3A_1392 = tpu.vector_load %arg11[%parallel_loop3A_1390, %parallel_loop3A_1391] {strides = array<i32>} : memref<8x1024xf32, #tpu.memory_space<vmem>>, vector<1x16xf32>,
        %parallel_loop3A_1393 = vector.shape_cast %parallel_loop3A_1392 : vector<1x16xf32> to vector<16xf32>
        %parallel_loop3A_1394 = vector.shape_cast %parallel_loop3A_1389 : vector<16xf32> to vector<1x16xf32>
        tpu.vector_store %arg11[%parallel_loop3A_1390, %parallel_loop3A_1391], %parallel_loop3A_1394 {strides = array<i32>} : memref<8x1024xf32, #tpu.memory_space<vmem>>, vector<1x16xf32>,
        %parallel_loop3A_1395 = arith.addf %parallel_loop3A_1377, %parallel_loop3A_1354 : vector<16xf32>
        %parallel_loop3A_1396 = arith.index_cast %parallel_loop3A_304 : i32 to index
        %parallel_loop3A_1397 = arith.constant 800 : index
        %parallel_loop3A_1398 = tpu.vector_load %arg11[%parallel_loop3A_1396, %parallel_loop3A_1397] {strides = array<i32>} : memref<8x1024xf32, #tpu.memory_space<vmem>>, vector<1x16xf32>,
        %parallel_loop3A_1399 = vector.shape_cast %parallel_loop3A_1398 : vector<1x16xf32> to vector<16xf32>
        %parallel_loop3A_1400 = vector.shape_cast %parallel_loop3A_1395 : vector<16xf32> to vector<1x16xf32>
        tpu.vector_store %arg11[%parallel_loop3A_1396, %parallel_loop3A_1397], %parallel_loop3A_1400 {strides = array<i32>} : memref<8x1024xf32, #tpu.memory_space<vmem>>, vector<1x16xf32>,
        %parallel_loop3A_1401 = arith.addf %parallel_loop3A_1378, %parallel_loop3A_1358 : vector<16xf32>
        %parallel_loop3A_1402 = arith.index_cast %parallel_loop3A_304 : i32 to index
        %parallel_loop3A_1403 = arith.constant 816 : index
        %parallel_loop3A_1404 = tpu.vector_load %arg11[%parallel_loop3A_1402, %parallel_loop3A_1403] {strides = array<i32>} : memref<8x1024xf32, #tpu.memory_space<vmem>>, vector<1x16xf32>,
        %parallel_loop3A_1405 = vector.shape_cast %parallel_loop3A_1404 : vector<1x16xf32> to vector<16xf32>
        %parallel_loop3A_1406 = vector.shape_cast %parallel_loop3A_1401 : vector<16xf32> to vector<1x16xf32>
        tpu.vector_store %arg11[%parallel_loop3A_1402, %parallel_loop3A_1403], %parallel_loop3A_1406 {strides = array<i32>} : memref<8x1024xf32, #tpu.memory_space<vmem>>, vector<1x16xf32>,
        %parallel_loop3A_1407 = arith.addf %parallel_loop3A_1379, %parallel_loop3A_1362 : vector<16xf32>
        %parallel_loop3A_1408 = arith.index_cast %parallel_loop3A_304 : i32 to index
        %parallel_loop3A_1409 = arith.constant 832 : index
        %parallel_loop3A_1410 = tpu.vector_load %arg11[%parallel_loop3A_1408, %parallel_loop3A_1409] {strides = array<i32>} : memref<8x1024xf32, #tpu.memory_space<vmem>>, vector<1x16xf32>,
        %parallel_loop3A_1411 = vector.shape_cast %parallel_loop3A_1410 : vector<1x16xf32> to vector<16xf32>
        %parallel_loop3A_1412 = vector.shape_cast %parallel_loop3A_1407 : vector<16xf32> to vector<1x16xf32>
        tpu.vector_store %arg11[%parallel_loop3A_1408, %parallel_loop3A_1409], %parallel_loop3A_1412 {strides = array<i32>} : memref<8x1024xf32, #tpu.memory_space<vmem>>, vector<1x16xf32>,
        %parallel_loop3A_1413 = arith.addf %parallel_loop3A_1380, %parallel_loop3A_1366 : vector<16xf32>
        %parallel_loop3A_1414 = arith.index_cast %parallel_loop3A_304 : i32 to index
        %parallel_loop3A_1415 = arith.constant 848 : index
        %parallel_loop3A_1416 = tpu.vector_load %arg11[%parallel_loop3A_1414, %parallel_loop3A_1415] {strides = array<i32>} : memref<8x1024xf32, #tpu.memory_space<vmem>>, vector<1x16xf32>,
        %parallel_loop3A_1417 = vector.shape_cast %parallel_loop3A_1416 : vector<1x16xf32> to vector<16xf32>
        %parallel_loop3A_1418 = vector.shape_cast %parallel_loop3A_1413 : vector<16xf32> to vector<1x16xf32>
        tpu.vector_store %arg11[%parallel_loop3A_1414, %parallel_loop3A_1415], %parallel_loop3A_1418 {strides = array<i32>} : memref<8x1024xf32, #tpu.memory_space<vmem>>, vector<1x16xf32>,
        %parallel_loop3A_1419 = arith.addf %parallel_loop3A_1381, %parallel_loop3A_1370 : vector<16xf32>
        %parallel_loop3A_1420 = arith.index_cast %parallel_loop3A_304 : i32 to index
        %parallel_loop3A_1421 = arith.constant 864 : index
        %parallel_loop3A_1422 = tpu.vector_load %arg11[%parallel_loop3A_1420, %parallel_loop3A_1421] {strides = array<i32>} : memref<8x1024xf32, #tpu.memory_space<vmem>>, vector<1x16xf32>,
        %parallel_loop3A_1423 = vector.shape_cast %parallel_loop3A_1422 : vector<1x16xf32> to vector<16xf32>
        %parallel_loop3A_1424 = vector.shape_cast %parallel_loop3A_1419 : vector<16xf32> to vector<1x16xf32>
        tpu.vector_store %arg11[%parallel_loop3A_1420, %parallel_loop3A_1421], %parallel_loop3A_1424 {strides = array<i32>} : memref<8x1024xf32, #tpu.memory_space<vmem>>, vector<1x16xf32>,
        %parallel_loop3A_1425 = arith.addf %parallel_loop3A_1382, %parallel_loop3A_1374 : vector<16xf32>
        %parallel_loop3A_1426 = arith.index_cast %parallel_loop3A_304 : i32 to index
        %parallel_loop3A_1427 = arith.constant 880 : index
        %parallel_loop3A_1428 = tpu.vector_load %arg11[%parallel_loop3A_1426, %parallel_loop3A_1427] {strides = array<i32>} : memref<8x1024xf32, #tpu.memory_space<vmem>>, vector<1x16xf32>,
        %parallel_loop3A_1429 = vector.shape_cast %parallel_loop3A_1428 : vector<1x16xf32> to vector<16xf32>
        %parallel_loop3A_1430 = vector.shape_cast %parallel_loop3A_1425 : vector<16xf32> to vector<1x16xf32>
        tpu.vector_store %arg11[%parallel_loop3A_1426, %parallel_loop3A_1427], %parallel_loop3A_1430 {strides = array<i32>} : memref<8x1024xf32, #tpu.memory_space<vmem>>, vector<1x16xf32>,
        %parallel_loop3A_1431 = arith.index_cast %parallel_loop3A_304 : i32 to index
        %parallel_loop3A_1432 = arith.constant 896 : index
        %parallel_loop3A_1433 = tpu.vector_load %arg9[%parallel_loop3A_1431, %parallel_loop3A_1432] {strides = array<i32>} : memref<8x1024xf32, #tpu.memory_space<vmem>>, vector<1x16xf32>,
        %parallel_loop3A_1434 = vector.shape_cast %parallel_loop3A_1433 : vector<1x16xf32> to vector<16xf32>
        %parallel_loop3A_1435 = arith.index_cast %parallel_loop3A_304 : i32 to index
        %parallel_loop3A_1436 = arith.constant 912 : index
        %parallel_loop3A_1437 = tpu.vector_load %arg9[%parallel_loop3A_1435, %parallel_loop3A_1436] {strides = array<i32>} : memref<8x1024xf32, #tpu.memory_space<vmem>>, vector<1x16xf32>,
        %parallel_loop3A_1438 = vector.shape_cast %parallel_loop3A_1437 : vector<1x16xf32> to vector<16xf32>
        %parallel_loop3A_1439 = arith.index_cast %parallel_loop3A_304 : i32 to index
        %parallel_loop3A_1440 = arith.constant 928 : index
        %parallel_loop3A_1441 = tpu.vector_load %arg9[%parallel_loop3A_1439, %parallel_loop3A_1440] {strides = array<i32>} : memref<8x1024xf32, #tpu.memory_space<vmem>>, vector<1x16xf32>,
        %parallel_loop3A_1442 = vector.shape_cast %parallel_loop3A_1441 : vector<1x16xf32> to vector<16xf32>
        %parallel_loop3A_1443 = arith.index_cast %parallel_loop3A_304 : i32 to index
        %parallel_loop3A_1444 = arith.constant 944 : index
        %parallel_loop3A_1445 = tpu.vector_load %arg9[%parallel_loop3A_1443, %parallel_loop3A_1444] {strides = array<i32>} : memref<8x1024xf32, #tpu.memory_space<vmem>>, vector<1x16xf32>,
        %parallel_loop3A_1446 = vector.shape_cast %parallel_loop3A_1445 : vector<1x16xf32> to vector<16xf32>
        %parallel_loop3A_1447 = arith.index_cast %parallel_loop3A_304 : i32 to index
        %parallel_loop3A_1448 = arith.constant 960 : index
        %parallel_loop3A_1449 = tpu.vector_load %arg9[%parallel_loop3A_1447, %parallel_loop3A_1448] {strides = array<i32>} : memref<8x1024xf32, #tpu.memory_space<vmem>>, vector<1x16xf32>,
        %parallel_loop3A_1450 = vector.shape_cast %parallel_loop3A_1449 : vector<1x16xf32> to vector<16xf32>
        %parallel_loop3A_1451 = arith.index_cast %parallel_loop3A_304 : i32 to index
        %parallel_loop3A_1452 = arith.constant 976 : index
        %parallel_loop3A_1453 = tpu.vector_load %arg9[%parallel_loop3A_1451, %parallel_loop3A_1452] {strides = array<i32>} : memref<8x1024xf32, #tpu.memory_space<vmem>>, vector<1x16xf32>,
        %parallel_loop3A_1454 = vector.shape_cast %parallel_loop3A_1453 : vector<1x16xf32> to vector<16xf32>
        %parallel_loop3A_1455 = arith.index_cast %parallel_loop3A_304 : i32 to index
        %parallel_loop3A_1456 = arith.constant 992 : index
        %parallel_loop3A_1457 = tpu.vector_load %arg9[%parallel_loop3A_1455, %parallel_loop3A_1456] {strides = array<i32>} : memref<8x1024xf32, #tpu.memory_space<vmem>>, vector<1x16xf32>,
        %parallel_loop3A_1458 = vector.shape_cast %parallel_loop3A_1457 : vector<1x16xf32> to vector<16xf32>
        %parallel_loop3A_1459 = arith.index_cast %parallel_loop3A_304 : i32 to index
        %parallel_loop3A_1460 = arith.constant 1008 : index
        %parallel_loop3A_1461 = tpu.vector_load %arg9[%parallel_loop3A_1459, %parallel_loop3A_1460] {strides = array<i32>} : memref<8x1024xf32, #tpu.memory_space<vmem>>, vector<1x16xf32>,
        %parallel_loop3A_1462 = vector.shape_cast %parallel_loop3A_1461 : vector<1x16xf32> to vector<16xf32>
        %parallel_loop3A_1463 = arith.addi %mul3A_244, %parallel_loop3A_304 : i32
        %parallel_loop3A_1464 = arith.index_cast %parallel_loop3A_1463 : i32 to index
        %parallel_loop3A_1465 = arith.constant 896 : index
        %parallel_loop3A_1466 = tpu.vector_load %arg7[%parallel_loop3A_1464, %parallel_loop3A_1465] {strides = array<i32>} : memref<64x1024xf32, #tpu.memory_space<vmem>>, vector<1x16xf32>,
        %parallel_loop3A_1467 = vector.shape_cast %parallel_loop3A_1466 : vector<1x16xf32> to vector<16xf32>
        %parallel_loop3A_1468 = arith.addi %mul3A_244, %parallel_loop3A_304 : i32
        %parallel_loop3A_1469 = arith.index_cast %parallel_loop3A_1468 : i32 to index
        %parallel_loop3A_1470 = arith.constant 912 : index
        %parallel_loop3A_1471 = tpu.vector_load %arg7[%parallel_loop3A_1469, %parallel_loop3A_1470] {strides = array<i32>} : memref<64x1024xf32, #tpu.memory_space<vmem>>, vector<1x16xf32>,
        %parallel_loop3A_1472 = vector.shape_cast %parallel_loop3A_1471 : vector<1x16xf32> to vector<16xf32>
        %parallel_loop3A_1473 = arith.addi %mul3A_244, %parallel_loop3A_304 : i32
        %parallel_loop3A_1474 = arith.index_cast %parallel_loop3A_1473 : i32 to index
        %parallel_loop3A_1475 = arith.constant 928 : index
        %parallel_loop3A_1476 = tpu.vector_load %arg7[%parallel_loop3A_1474, %parallel_loop3A_1475] {strides = array<i32>} : memref<64x1024xf32, #tpu.memory_space<vmem>>, vector<1x16xf32>,
        %parallel_loop3A_1477 = vector.shape_cast %parallel_loop3A_1476 : vector<1x16xf32> to vector<16xf32>
        %parallel_loop3A_1478 = arith.addi %mul3A_244, %parallel_loop3A_304 : i32
        %parallel_loop3A_1479 = arith.index_cast %parallel_loop3A_1478 : i32 to index
        %parallel_loop3A_1480 = arith.constant 944 : index
        %parallel_loop3A_1481 = tpu.vector_load %arg7[%parallel_loop3A_1479, %parallel_loop3A_1480] {strides = array<i32>} : memref<64x1024xf32, #tpu.memory_space<vmem>>, vector<1x16xf32>,
        %parallel_loop3A_1482 = vector.shape_cast %parallel_loop3A_1481 : vector<1x16xf32> to vector<16xf32>
        %parallel_loop3A_1483 = arith.addi %mul3A_244, %parallel_loop3A_304 : i32
        %parallel_loop3A_1484 = arith.index_cast %parallel_loop3A_1483 : i32 to index
        %parallel_loop3A_1485 = arith.constant 960 : index
        %parallel_loop3A_1486 = tpu.vector_load %arg7[%parallel_loop3A_1484, %parallel_loop3A_1485] {strides = array<i32>} : memref<64x1024xf32, #tpu.memory_space<vmem>>, vector<1x16xf32>,
        %parallel_loop3A_1487 = vector.shape_cast %parallel_loop3A_1486 : vector<1x16xf32> to vector<16xf32>
        %parallel_loop3A_1488 = arith.addi %mul3A_244, %parallel_loop3A_304 : i32
        %parallel_loop3A_1489 = arith.index_cast %parallel_loop3A_1488 : i32 to index
        %parallel_loop3A_1490 = arith.constant 976 : index
        %parallel_loop3A_1491 = tpu.vector_load %arg7[%parallel_loop3A_1489, %parallel_loop3A_1490] {strides = array<i32>} : memref<64x1024xf32, #tpu.memory_space<vmem>>, vector<1x16xf32>,
        %parallel_loop3A_1492 = vector.shape_cast %parallel_loop3A_1491 : vector<1x16xf32> to vector<16xf32>
        %parallel_loop3A_1493 = arith.addi %mul3A_244, %parallel_loop3A_304 : i32
        %parallel_loop3A_1494 = arith.index_cast %parallel_loop3A_1493 : i32 to index
        %parallel_loop3A_1495 = arith.constant 992 : index
        %parallel_loop3A_1496 = tpu.vector_load %arg7[%parallel_loop3A_1494, %parallel_loop3A_1495] {strides = array<i32>} : memref<64x1024xf32, #tpu.memory_space<vmem>>, vector<1x16xf32>,
        %parallel_loop3A_1497 = vector.shape_cast %parallel_loop3A_1496 : vector<1x16xf32> to vector<16xf32>
        %parallel_loop3A_1498 = arith.addi %mul3A_244, %parallel_loop3A_304 : i32
        %parallel_loop3A_1499 = arith.index_cast %parallel_loop3A_1498 : i32 to index
        %parallel_loop3A_1500 = arith.constant 1008 : index
        %parallel_loop3A_1501 = tpu.vector_load %arg7[%parallel_loop3A_1499, %parallel_loop3A_1500] {strides = array<i32>} : memref<64x1024xf32, #tpu.memory_space<vmem>>, vector<1x16xf32>,
        %parallel_loop3A_1502 = vector.shape_cast %parallel_loop3A_1501 : vector<1x16xf32> to vector<16xf32>
        %parallel_loop3A_1503 = arith.index_cast %parallel_loop3A_310 : i32 to index
        %parallel_loop3A_1504 = arith.constant 896 : index
        %parallel_loop3A_1505 = tpu.vector_load %arg12[%parallel_loop3A_1503, %parallel_loop3A_1504] {strides = array<i32>} : memref<5x1024xf32, #tpu.memory_space<vmem>>, vector<1x16xf32>,
        %parallel_loop3A_1506 = vector.shape_cast %parallel_loop3A_1505 : vector<1x16xf32> to vector<16xf32>
        %parallel_loop3A_1507 = arith.index_cast %parallel_loop3A_310 : i32 to index
        %parallel_loop3A_1508 = arith.constant 912 : index
        %parallel_loop3A_1509 = tpu.vector_load %arg12[%parallel_loop3A_1507, %parallel_loop3A_1508] {strides = array<i32>} : memref<5x1024xf32, #tpu.memory_space<vmem>>, vector<1x16xf32>,
        %parallel_loop3A_1510 = vector.shape_cast %parallel_loop3A_1509 : vector<1x16xf32> to vector<16xf32>
        %parallel_loop3A_1511 = arith.index_cast %parallel_loop3A_310 : i32 to index
        %parallel_loop3A_1512 = arith.constant 928 : index
        %parallel_loop3A_1513 = tpu.vector_load %arg12[%parallel_loop3A_1511, %parallel_loop3A_1512] {strides = array<i32>} : memref<5x1024xf32, #tpu.memory_space<vmem>>, vector<1x16xf32>,
        %parallel_loop3A_1514 = vector.shape_cast %parallel_loop3A_1513 : vector<1x16xf32> to vector<16xf32>
        %parallel_loop3A_1515 = arith.index_cast %parallel_loop3A_310 : i32 to index
        %parallel_loop3A_1516 = arith.constant 944 : index
        %parallel_loop3A_1517 = tpu.vector_load %arg12[%parallel_loop3A_1515, %parallel_loop3A_1516] {strides = array<i32>} : memref<5x1024xf32, #tpu.memory_space<vmem>>, vector<1x16xf32>,
        %parallel_loop3A_1518 = vector.shape_cast %parallel_loop3A_1517 : vector<1x16xf32> to vector<16xf32>
        %parallel_loop3A_1519 = arith.index_cast %parallel_loop3A_310 : i32 to index
        %parallel_loop3A_1520 = arith.constant 960 : index
        %parallel_loop3A_1521 = tpu.vector_load %arg12[%parallel_loop3A_1519, %parallel_loop3A_1520] {strides = array<i32>} : memref<5x1024xf32, #tpu.memory_space<vmem>>, vector<1x16xf32>,
        %parallel_loop3A_1522 = vector.shape_cast %parallel_loop3A_1521 : vector<1x16xf32> to vector<16xf32>
        %parallel_loop3A_1523 = arith.index_cast %parallel_loop3A_310 : i32 to index
        %parallel_loop3A_1524 = arith.constant 976 : index
        %parallel_loop3A_1525 = tpu.vector_load %arg12[%parallel_loop3A_1523, %parallel_loop3A_1524] {strides = array<i32>} : memref<5x1024xf32, #tpu.memory_space<vmem>>, vector<1x16xf32>,
        %parallel_loop3A_1526 = vector.shape_cast %parallel_loop3A_1525 : vector<1x16xf32> to vector<16xf32>
        %parallel_loop3A_1527 = arith.index_cast %parallel_loop3A_310 : i32 to index
        %parallel_loop3A_1528 = arith.constant 992 : index
        %parallel_loop3A_1529 = tpu.vector_load %arg12[%parallel_loop3A_1527, %parallel_loop3A_1528] {strides = array<i32>} : memref<5x1024xf32, #tpu.memory_space<vmem>>, vector<1x16xf32>,
        %parallel_loop3A_1530 = vector.shape_cast %parallel_loop3A_1529 : vector<1x16xf32> to vector<16xf32>
        %parallel_loop3A_1531 = arith.index_cast %parallel_loop3A_310 : i32 to index
        %parallel_loop3A_1532 = arith.constant 1008 : index
        %parallel_loop3A_1533 = tpu.vector_load %arg12[%parallel_loop3A_1531, %parallel_loop3A_1532] {strides = array<i32>} : memref<5x1024xf32, #tpu.memory_space<vmem>>, vector<1x16xf32>,
        %parallel_loop3A_1534 = vector.shape_cast %parallel_loop3A_1533 : vector<1x16xf32> to vector<16xf32>
        %parallel_loop3A_1535 = arith.addf %parallel_loop3A_1434, %parallel_loop3A_1467 : vector<16xf32>
        %parallel_loop3A_1536 = arith.addf %parallel_loop3A_1438, %parallel_loop3A_1472 : vector<16xf32>
        %parallel_loop3A_1537 = arith.addf %parallel_loop3A_1442, %parallel_loop3A_1477 : vector<16xf32>
        %parallel_loop3A_1538 = arith.addf %parallel_loop3A_1446, %parallel_loop3A_1482 : vector<16xf32>
        %parallel_loop3A_1539 = arith.addf %parallel_loop3A_1450, %parallel_loop3A_1487 : vector<16xf32>
        %parallel_loop3A_1540 = arith.addf %parallel_loop3A_1454, %parallel_loop3A_1492 : vector<16xf32>
        %parallel_loop3A_1541 = arith.addf %parallel_loop3A_1458, %parallel_loop3A_1497 : vector<16xf32>
        %parallel_loop3A_1542 = arith.addf %parallel_loop3A_1462, %parallel_loop3A_1502 : vector<16xf32>
        %parallel_loop3A_1543 = arith.addf %parallel_loop3A_1535, %parallel_loop3A_1506 : vector<16xf32>
        %parallel_loop3A_1544 = arith.index_cast %parallel_loop3A_304 : i32 to index
        %parallel_loop3A_1545 = arith.constant 896 : index
        %parallel_loop3A_1546 = tpu.vector_load %arg11[%parallel_loop3A_1544, %parallel_loop3A_1545] {strides = array<i32>} : memref<8x1024xf32, #tpu.memory_space<vmem>>, vector<1x16xf32>,
        %parallel_loop3A_1547 = vector.shape_cast %parallel_loop3A_1546 : vector<1x16xf32> to vector<16xf32>
        %parallel_loop3A_1548 = vector.shape_cast %parallel_loop3A_1543 : vector<16xf32> to vector<1x16xf32>
        tpu.vector_store %arg11[%parallel_loop3A_1544, %parallel_loop3A_1545], %parallel_loop3A_1548 {strides = array<i32>} : memref<8x1024xf32, #tpu.memory_space<vmem>>, vector<1x16xf32>,
        %parallel_loop3A_1549 = arith.addf %parallel_loop3A_1536, %parallel_loop3A_1510 : vector<16xf32>
        %parallel_loop3A_1550 = arith.index_cast %parallel_loop3A_304 : i32 to index
        %parallel_loop3A_1551 = arith.constant 912 : index
        %parallel_loop3A_1552 = tpu.vector_load %arg11[%parallel_loop3A_1550, %parallel_loop3A_1551] {strides = array<i32>} : memref<8x1024xf32, #tpu.memory_space<vmem>>, vector<1x16xf32>,
        %parallel_loop3A_1553 = vector.shape_cast %parallel_loop3A_1552 : vector<1x16xf32> to vector<16xf32>
        %parallel_loop3A_1554 = vector.shape_cast %parallel_loop3A_1549 : vector<16xf32> to vector<1x16xf32>
        tpu.vector_store %arg11[%parallel_loop3A_1550, %parallel_loop3A_1551], %parallel_loop3A_1554 {strides = array<i32>} : memref<8x1024xf32, #tpu.memory_space<vmem>>, vector<1x16xf32>,
        %parallel_loop3A_1555 = arith.addf %parallel_loop3A_1537, %parallel_loop3A_1514 : vector<16xf32>
        %parallel_loop3A_1556 = arith.index_cast %parallel_loop3A_304 : i32 to index
        %parallel_loop3A_1557 = arith.constant 928 : index
        %parallel_loop3A_1558 = tpu.vector_load %arg11[%parallel_loop3A_1556, %parallel_loop3A_1557] {strides = array<i32>} : memref<8x1024xf32, #tpu.memory_space<vmem>>, vector<1x16xf32>,
        %parallel_loop3A_1559 = vector.shape_cast %parallel_loop3A_1558 : vector<1x16xf32> to vector<16xf32>
        %parallel_loop3A_1560 = vector.shape_cast %parallel_loop3A_1555 : vector<16xf32> to vector<1x16xf32>
        tpu.vector_store %arg11[%parallel_loop3A_1556, %parallel_loop3A_1557], %parallel_loop3A_1560 {strides = array<i32>} : memref<8x1024xf32, #tpu.memory_space<vmem>>, vector<1x16xf32>,
        %parallel_loop3A_1561 = arith.addf %parallel_loop3A_1538, %parallel_loop3A_1518 : vector<16xf32>
        %parallel_loop3A_1562 = arith.index_cast %parallel_loop3A_304 : i32 to index
        %parallel_loop3A_1563 = arith.constant 944 : index
        %parallel_loop3A_1564 = tpu.vector_load %arg11[%parallel_loop3A_1562, %parallel_loop3A_1563] {strides = array<i32>} : memref<8x1024xf32, #tpu.memory_space<vmem>>, vector<1x16xf32>,
        %parallel_loop3A_1565 = vector.shape_cast %parallel_loop3A_1564 : vector<1x16xf32> to vector<16xf32>
        %parallel_loop3A_1566 = vector.shape_cast %parallel_loop3A_1561 : vector<16xf32> to vector<1x16xf32>
        tpu.vector_store %arg11[%parallel_loop3A_1562, %parallel_loop3A_1563], %parallel_loop3A_1566 {strides = array<i32>} : memref<8x1024xf32, #tpu.memory_space<vmem>>, vector<1x16xf32>,
        %parallel_loop3A_1567 = arith.addf %parallel_loop3A_1539, %parallel_loop3A_1522 : vector<16xf32>
        %parallel_loop3A_1568 = arith.index_cast %parallel_loop3A_304 : i32 to index
        %parallel_loop3A_1569 = arith.constant 960 : index
        %parallel_loop3A_1570 = tpu.vector_load %arg11[%parallel_loop3A_1568, %parallel_loop3A_1569] {strides = array<i32>} : memref<8x1024xf32, #tpu.memory_space<vmem>>, vector<1x16xf32>,
        %parallel_loop3A_1571 = vector.shape_cast %parallel_loop3A_1570 : vector<1x16xf32> to vector<16xf32>
        %parallel_loop3A_1572 = vector.shape_cast %parallel_loop3A_1567 : vector<16xf32> to vector<1x16xf32>
        tpu.vector_store %arg11[%parallel_loop3A_1568, %parallel_loop3A_1569], %parallel_loop3A_1572 {strides = array<i32>} : memref<8x1024xf32, #tpu.memory_space<vmem>>, vector<1x16xf32>,
        %parallel_loop3A_1573 = arith.addf %parallel_loop3A_1540, %parallel_loop3A_1526 : vector<16xf32>
        %parallel_loop3A_1574 = arith.index_cast %parallel_loop3A_304 : i32 to index
        %parallel_loop3A_1575 = arith.constant 976 : index
        %parallel_loop3A_1576 = tpu.vector_load %arg11[%parallel_loop3A_1574, %parallel_loop3A_1575] {strides = array<i32>} : memref<8x1024xf32, #tpu.memory_space<vmem>>, vector<1x16xf32>,
        %parallel_loop3A_1577 = vector.shape_cast %parallel_loop3A_1576 : vector<1x16xf32> to vector<16xf32>
        %parallel_loop3A_1578 = vector.shape_cast %parallel_loop3A_1573 : vector<16xf32> to vector<1x16xf32>
        tpu.vector_store %arg11[%parallel_loop3A_1574, %parallel_loop3A_1575], %parallel_loop3A_1578 {strides = array<i32>} : memref<8x1024xf32, #tpu.memory_space<vmem>>, vector<1x16xf32>,
        %parallel_loop3A_1579 = arith.addf %parallel_loop3A_1541, %parallel_loop3A_1530 : vector<16xf32>
        %parallel_loop3A_1580 = arith.index_cast %parallel_loop3A_304 : i32 to index
        %parallel_loop3A_1581 = arith.constant 992 : index
        %parallel_loop3A_1582 = tpu.vector_load %arg11[%parallel_loop3A_1580, %parallel_loop3A_1581] {strides = array<i32>} : memref<8x1024xf32, #tpu.memory_space<vmem>>, vector<1x16xf32>,
        %parallel_loop3A_1583 = vector.shape_cast %parallel_loop3A_1582 : vector<1x16xf32> to vector<16xf32>
        %parallel_loop3A_1584 = vector.shape_cast %parallel_loop3A_1579 : vector<16xf32> to vector<1x16xf32>
        tpu.vector_store %arg11[%parallel_loop3A_1580, %parallel_loop3A_1581], %parallel_loop3A_1584 {strides = array<i32>} : memref<8x1024xf32, #tpu.memory_space<vmem>>, vector<1x16xf32>,
        %parallel_loop3A_1585 = arith.addf %parallel_loop3A_1542, %parallel_loop3A_1534 : vector<16xf32>
        %parallel_loop3A_1586 = arith.index_cast %parallel_loop3A_304 : i32 to index
        %parallel_loop3A_1587 = arith.constant 1008 : index
        %parallel_loop3A_1588 = tpu.vector_load %arg11[%parallel_loop3A_1586, %parallel_loop3A_1587] {strides = array<i32>} : memref<8x1024xf32, #tpu.memory_space<vmem>>, vector<1x16xf32>,
        %parallel_loop3A_1589 = vector.shape_cast %parallel_loop3A_1588 : vector<1x16xf32> to vector<16xf32>
        %parallel_loop3A_1590 = vector.shape_cast %parallel_loop3A_1585 : vector<16xf32> to vector<1x16xf32>
        tpu.vector_store %arg11[%parallel_loop3A_1586, %parallel_loop3A_1587], %parallel_loop3A_1590 {strides = array<i32>} : memref<8x1024xf32, #tpu.memory_space<vmem>>, vector<1x16xf32>,
      } {sc.loop_unroll_factor = 2 : i64, sc.parallel_access}
      %jit3A_248 = arith.constant 8 : i32
      %div3A_249 = arith.divsi %add3A_170, %jit3A_248 : i32
      %sign3A_250 = arith.constant 0 : i32
      %sign3A_251 = arith.cmpi sgt, %add3A_170, %sign3A_250 : i32
      %sign3A_252 = arith.extui %sign3A_251 : i1 to i32
      %sign3A_253 = arith.constant 0 : i32
      %sign3A_254 = arith.cmpi slt, %add3A_170, %sign3A_253 : i32
      %sign3A_255 = arith.extui %sign3A_254 : i1 to i32
      %sign3A_256 = arith.subi %sign3A_252, %sign3A_255 : i32
      %sign3A_257 = arith.constant 0 : i32
      %sign3A_258 = arith.cmpi sgt, %jit3A_248, %sign3A_257 : i32
      %sign3A_259 = arith.extui %sign3A_258 : i1 to i32
      %sign3A_260 = arith.constant 0 : i32
      %sign3A_261 = arith.cmpi slt, %jit3A_248, %sign3A_260 : i32
      %sign3A_262 = arith.extui %sign3A_261 : i1 to i32
      %sign3A_263 = arith.subi %sign3A_259, %sign3A_262 : i32
      %ne3A_264 = arith.cmpi ne, %sign3A_256, %sign3A_263 : i32
      %rem3A_265 = arith.remsi %add3A_170, %jit3A_248 : i32
      %ne3A_266 = arith.constant 0 : i32
      %ne3A_267 = arith.cmpi ne, %rem3A_265, %ne3A_266 : i32
      %and3A_268 = arith.andi %ne3A_264, %ne3A_267 : i1
      %sub3A_269 = arith.constant 1 : i32
      %sub3A_270 = arith.subi %div3A_249, %sub3A_269 : i32
      %select_n3A_271 = arith.select %and3A_268, %sub3A_270, %div3A_249 : i32
      %mul3A_272 = arith.constant 2048 : i32
      %mul3A_273 = arith.muli %select_n3A_271, %mul3A_272 : i32
      %add3A_274 = arith.addi %mul3A_273, %mul3A_2 : i32
      %jit3A_275 = arith.constant 8 : i32
      %eq3A_276 = arith.constant 0 : i32
      %eq3A_277 = arith.cmpi eq, %jit3A_275, %eq3A_276 : i32
      %jit3A_278 = arith.constant 1 : i32
      %select_n3A_279 = arith.select %eq3A_277, %jit3A_278, %jit3A_275 : i32
      %rem3A_280 = arith.remsi %add3A_170, %select_n3A_279 : i32
      %ne3A_281 = arith.constant 0 : i32
      %ne3A_282 = arith.cmpi ne, %rem3A_280, %ne3A_281 : i32
      %lt3A_283 = arith.constant 0 : i32
      %lt3A_284 = arith.cmpi slt, %rem3A_280, %lt3A_283 : i32
      %lt3A_285 = arith.constant 0 : i32
      %lt3A_286 = arith.cmpi slt, %select_n3A_279, %lt3A_285 : i32
      %ne3A_287 = arith.xori %lt3A_284, %lt3A_286 : i1
      %and3A_288 = arith.andi %ne3A_287, %ne3A_282 : i1
      %add3A_289 = arith.addi %rem3A_280, %select_n3A_279 : i32
      %select_n3A_290 = arith.select %and3A_288, %add3A_289, %rem3A_280 : i32
      %mul3A_291 = arith.constant 8 : i32
      %mul3A_292 = arith.muli %select_n3A_290, %mul3A_291 : i32
      %add3A_293 = arith.addi %add3A_274, %mul3A_292 : i32
      %dma_start3A_294 = arith.constant 0 : i32
      %dma_start3A_295 = tpu.memref_slice %arg6[%add3A_293, %dma_start3A_294] : memref<8192x1024xf32, #tpu.memory_space<hbm>> -> memref<8x1024xf32, #tpu.memory_space<hbm>>
      %dma_start3A_296 = arith.constant 0 : i32
      %dma_start3A_297 = tpu.memref_slice %arg6[%add3A_293, %dma_start3A_296] : memref<8192x1024xf32, #tpu.memory_space<hbm>> -> memref<8x1024xf32, #tpu.memory_space<hbm>>
      tpu.enqueue_dma source(%arg11 : memref<8x1024xf32, #tpu.memory_space<vmem>>) target(%dma_start3A_297 : memref<8x1024xf32, #tpu.memory_space<hbm>>) target_semaphore(%arg17 : memref<!tpu.dma_semaphore, #tpu.memory_space<semaphore_mem>>)
      %lt3A_298 = arith.constant 15 : i32
      %lt3A_299 = arith.cmpi slt, %scan3A_43, %lt3A_298 : i32
      %convert_element_type3A_300 = arith.extui %lt3A_299 : i1 to i32
      %cond3A_301 = arith.constant 0 : i32
      %cond3A_302 = arith.cmpi ne, %convert_element_type3A_300, %cond3A_301 : i32
      scf.if %cond3A_302 {
        %add3A_304 = arith.constant 2 : i32
        %add3A_305 = arith.addi %add3A_170, %add3A_304 : i32
        %jit3A_306 = arith.constant 8 : i32
        %div3A_307 = arith.divsi %add3A_305, %jit3A_306 : i32
        %sign3A_308 = arith.constant 0 : i32
        %sign3A_309 = arith.cmpi sgt, %add3A_305, %sign3A_308 : i32
        %sign3A_310 = arith.extui %sign3A_309 : i1 to i32
        %sign3A_311 = arith.constant 0 : i32
        %sign3A_312 = arith.cmpi slt, %add3A_305, %sign3A_311 : i32
        %sign3A_313 = arith.extui %sign3A_312 : i1 to i32
        %sign3A_314 = arith.subi %sign3A_310, %sign3A_313 : i32
        %sign3A_315 = arith.constant 0 : i32
        %sign3A_316 = arith.cmpi sgt, %jit3A_306, %sign3A_315 : i32
        %sign3A_317 = arith.extui %sign3A_316 : i1 to i32
        %sign3A_318 = arith.constant 0 : i32
        %sign3A_319 = arith.cmpi slt, %jit3A_306, %sign3A_318 : i32
        %sign3A_320 = arith.extui %sign3A_319 : i1 to i32
        %sign3A_321 = arith.subi %sign3A_317, %sign3A_320 : i32
        %ne3A_322 = arith.cmpi ne, %sign3A_314, %sign3A_321 : i32
        %rem3A_323 = arith.remsi %add3A_305, %jit3A_306 : i32
        %ne3A_324 = arith.constant 0 : i32
        %ne3A_325 = arith.cmpi ne, %rem3A_323, %ne3A_324 : i32
        %and3A_326 = arith.andi %ne3A_322, %ne3A_325 : i1
        %sub3A_327 = arith.constant 1 : i32
        %sub3A_328 = arith.subi %div3A_307, %sub3A_327 : i32
        %select_n3A_329 = arith.select %and3A_326, %sub3A_328, %div3A_307 : i32
        %mul3A_330 = arith.constant 2048 : i32
        %mul3A_331 = arith.muli %select_n3A_329, %mul3A_330 : i32
        %add3A_332 = arith.addi %mul3A_331, %mul3A_2 : i32
        %jit3A_333 = arith.constant 8 : i32
        %eq3A_334 = arith.constant 0 : i32
        %eq3A_335 = arith.cmpi eq, %jit3A_333, %eq3A_334 : i32
        %jit3A_336 = arith.constant 1 : i32
        %select_n3A_337 = arith.select %eq3A_335, %jit3A_336, %jit3A_333 : i32
        %rem3A_338 = arith.remsi %add3A_305, %select_n3A_337 : i32
        %ne3A_339 = arith.constant 0 : i32
        %ne3A_340 = arith.cmpi ne, %rem3A_338, %ne3A_339 : i32
        %lt3A_341 = arith.constant 0 : i32
        %lt3A_342 = arith.cmpi slt, %rem3A_338, %lt3A_341 : i32
        %lt3A_343 = arith.constant 0 : i32
        %lt3A_344 = arith.cmpi slt, %select_n3A_337, %lt3A_343 : i32
        %ne3A_345 = arith.xori %lt3A_342, %lt3A_344 : i1
        %and3A_346 = arith.andi %ne3A_345, %ne3A_340 : i1
        %add3A_347 = arith.addi %rem3A_338, %select_n3A_337 : i32
        %select_n3A_348 = arith.select %and3A_346, %add3A_347, %rem3A_338 : i32
        %mul3A_349 = arith.constant 8 : i32
        %mul3A_350 = arith.muli %select_n3A_348, %mul3A_349 : i32
        %add3A_351 = arith.addi %add3A_332, %mul3A_350 : i32
        %dma_start3A_352 = arith.constant 0 : i32
        %dma_start3A_353 = tpu.memref_slice %arg2[%add3A_351, %dma_start3A_352] : memref<8192x1024xf32, #tpu.memory_space<hbm>> -> memref<8x1024xf32, #tpu.memory_space<hbm>>
        %dma_start3A_354 = arith.constant 0 : i32
        %dma_start3A_355 = tpu.memref_slice %arg2[%add3A_351, %dma_start3A_354] : memref<8192x1024xf32, #tpu.memory_space<hbm>> -> memref<8x1024xf32, #tpu.memory_space<hbm>>
        tpu.enqueue_dma source(%dma_start3A_355 : memref<8x1024xf32, #tpu.memory_space<hbm>>) target(%arg9 : memref<8x1024xf32, #tpu.memory_space<vmem>>) target_semaphore(%arg15 : memref<!tpu.dma_semaphore, #tpu.memory_space<semaphore_mem>>)
      } else {
      }
      %scan3A_303 = arith.constant 0 : i32
      scf.yield %scan3A_303 : i32
    }
    %scan3A_31 = arith.constant 16 : i32
    %dma_wait3A = arith.constant 0 : i32
    %dma_wait3A_32 = arith.constant 0 : i32
    %dma_wait3A_33 = tpu.memref_slice %arg6[%dma_wait3A, %dma_wait3A_32] : memref<8192x1024xf32, #tpu.memory_space<hbm>> -> memref<8x1024xf32, #tpu.memory_space<hbm>>
    %dma_wait3A_34 = arith.constant 0 : i32
    %dma_wait3A_35 = arith.constant 0 : i32
    %dma_wait3A_36 = tpu.memref_slice %arg6[%dma_wait3A_34, %dma_wait3A_35] : memref<8192x1024xf32, #tpu.memory_space<hbm>> -> memref<8x1024xf32, #tpu.memory_space<hbm>>
    tpu.wait_dma2 semaphore(%arg16 : memref<!tpu.dma_semaphore, #tpu.memory_space<semaphore_mem>>) src(%arg10 : memref<8x1024xf32, #tpu.memory_space<vmem>>) dst(%dma_wait3A_36 : memref<8x1024xf32, #tpu.memory_space<hbm>>)
    %dma_wait3A_37 = arith.constant 0 : i32
    %dma_wait3A_38 = arith.constant 0 : i32
    %dma_wait3A_39 = tpu.memref_slice %arg6[%dma_wait3A_37, %dma_wait3A_38] : memref<8192x1024xf32, #tpu.memory_space<hbm>> -> memref<8x1024xf32, #tpu.memory_space<hbm>>
    %dma_wait3A_40 = arith.constant 0 : i32
    %dma_wait3A_41 = arith.constant 0 : i32
    %dma_wait3A_42 = tpu.memref_slice %arg6[%dma_wait3A_40, %dma_wait3A_41] : memref<8192x1024xf32, #tpu.memory_space<hbm>> -> memref<8x1024xf32, #tpu.memory_space<hbm>>
    tpu.wait_dma2 semaphore(%arg17 : memref<!tpu.dma_semaphore, #tpu.memory_space<semaphore_mem>>) src(%arg11 : memref<8x1024xf32, #tpu.memory_space<vmem>>) dst(%dma_wait3A_42 : memref<8x1024xf32, #tpu.memory_space<hbm>>)
    return
  }
}

</mosaic_0001>

<sc_bundles>
// kernel: kernel.3.cloned.1.call-start
scs
__scs_entry_jumppad:
0x0: {  	(pc) =	sbr.rel $0x88, $3  }
0x1: {  	(tag) =	ssettag $0x0;
	lr =	simm.s32 $0x1  }
0x2: {  	[smem:$0x3F9D] =	sst lr;
	_ =	strace $0xD0000000  }
0x3: {  	_ = 	snop  }
0x4: {  	_ = 	snop  }
0x5: {  	_ = 	snop  }
0x6: {  	_ = 	snop  }
0x7: {  	_ = 	snop  }
__scs_overlays_trampoline_lowered:
0x8: {  	[smem:$0x3FAC] =	sst s0  }
0x9: {  	[smem:$0x3FAD] =	sst s1  }
0xa: {  	[smem:$0x3FAE] =	sst s2  }
0xb: {  	[smem:$0x3FAF] =	sst s3  }
0xc: {  	[smem:$0x3FB0] =	sst s4  }
0xd: {  	[smem:$0x3FB1] =	sst s5  }
0xe: {  	[smem:$0x3FB2] =	sst s6  }
0xf: {  	[smem:$0x3FB3] =	sst s7  }
0x10: {  	[smem:$0x3FB4] =	sst s8  }
0x11: {  	[smem:$0x3FB5] =	sst s9;
	s0 =	simm.s32 @!p0 $0x0  }
0x12: {  	s1 =	sld [smem:$0x3F9B];
	s0 =	simm.s32 @p0 $0x1  }
0x13: {  	[smem:$0x3FB6] =	sst s0;
	s0 =	simm.s32 @!p1 $0x0  }
0x14: {  	s2 =	sld [smem:$0x3F9A];
	s0 =	simm.s32 @p1 $0x1  }
0x15: {  	[smem:$0x3FB7] =	sst s0;
	s0 =	simm.s32 @!p2 $0x0  }
0x16: {  	s3 =	sld [smem:$0x3FDB];
	s0 =	simm.s32 @p2 $0x1  }
0x17: {  	s4 =	simm.s32 $0x1BF5;
	[smem:$0x3FB9] =	sst s0  }
0x18: {  	s0 =	sld [smem:$0x3F9C];
	_ =	swait.ge [sflag:s4], $0x0  }
0x19: {  	s7 =	sld [smem:$0x3F9D]  }
0x1a: {  	s8 =	sadd.s32 $0xFFFFE003, lr  }
0x1b: {  	s9 =	sadd.s32 $0xFFFFFEF7, lr;
	s5 =	simm.s32 $0xFFFFFFFF;
	p2 =	slt.u32 s8, $0xFFFFF086  }
0x1c: {  	p1 =	slt.u32 s9, $0xF7A;
	s5 =	simm.s32 @!p2 $0x0  }
0x1d: {  	s5 =	simm.s32 @p1 $0x1;
	p0 =	seq.s32 s7, s2  }
0x1e: {  	s7 =	smul.u32 @!p0 $0xF7A, s2;
	p2 =	seq.s32 @!p0 s5, $0x0  }
0x1f: {  	s9 =	smul.u32 $0xF7A, s1;
	s8 =	simm.s32 @!p0 $0x1BF5;
	p2 =	por !p2, p0  }
0x20: {  	[sflag:s8] =	ssyncset.s32 @!p0 $0xFFFFF086;
	s6 =	sadd.s32 @!p0 s3, s7;
	s7 =	simm.s32 @!p0 $0x108  }
0x21: {  	s3 =	sadd.s32 s3, s9;
	s6 =	sadd.s32 @!p0 $0x88, s6;
	s7 =	simm.s32 @p2 $0x1082  }
0x22: {  	[simem:s7], [sflag:s8] =	dma.local @!p0 [hbm:s6], $0xF7A  }
0x23: {  	s9 =	sor.u32 $0xD0000000, s2;
	s6 =	simm.s32 $0x108;
	_ =	swait.ge @!p0 [sflag:s8], $0x0  }
0x24: {  	s3 =	sadd.s32 $0x88, s3;
	s6 =	simm.s32 @!p1 $0x1082;
	[sflag:s4] =	ssyncset.s32 $0xFFFFF086  }
0x25: {  	[simem:s6], [sflag:s4] =	dma.local [hbm:s3], $0xF7A  }
0x26: {  	[smem:$0x3F9D] =	sst s1;
	(tag) =	ssettag s2;
	_ =	strace s9  }
0x27: {  	s1 =	sld [smem:$0x3FAD]  }
0x28: {  	s2 =	sld [smem:$0x3FAE]  }
0x29: {  	s4 =	sld [smem:$0x3FB0]  }
0x2a: {  	p0 =	seq.s32 s5, $0x0;
	s5 =	sld [smem:$0x3FB1]  }
0x2b: {  	s6 =	sld [smem:$0x3FB2]  }
0x2c: {  	s7 =	sld [smem:$0x3FB3]  }
0x2d: {  	s3 =	simm.s32 $0x108;
	s8 =	sld [smem:$0x3FB4]  }
0x2e: {  	s3 =	simm.s32 @!p0 $0x1082;
	s9 =	sld [smem:$0x3FB5]  }
0x2f: {  	lr =	sadd.s32 s0, s3;
	s0 =	sld [smem:$0x3FAC]  }
0x30: {  	s3 =	sld [smem:$0x3FAF]  }
0x31: {  	[smem:$0x3FB8] =	sst s10  }
0x32: {  	s10 =	sld [smem:$0x3FB6];
	_ =	sdelay $0x3  }
0x33: {  	p0 =	seq.s32 s10, $0x1;
	s10 =	sld [smem:$0x3FB8];
	_ =	sdelay $0x3  }
0x34: {  	[smem:$0x3FB8] =	sst s10  }
0x35: {  	s10 =	sld [smem:$0x3FB7];
	_ =	sdelay $0x3  }
0x36: {  	p1 =	seq.s32 s10, $0x1;
	s10 =	sld [smem:$0x3FB8];
	_ =	sdelay $0x3  }
0x37: {  	[smem:$0x3FB8] =	sst s10  }
0x38: {  	s10 =	sld [smem:$0x3FB9]  }
0x39: {  	_ = 	snop;
	(pc) =	sbr.ind lr, $3  }
0x3a: {  	_ = 	snop  }
0x3b: {  	_ = 	snop  }
0x3c: {  	p2 =	seq.s32 s10, $0x1;
	s10 =	sld [smem:$0x3FB8]  }
0x3d: {  	_ =	shalt  }
0x3e: {  	_ =	shalt  }
0x3f: {  	_ =	shalt  }
0x40: {  	_ =	shalt  }
0x41: {  	_ =	shalt  }
0x42: {  	_ =	shalt  }
0x43: {  	_ =	shalt  }
0x44: {  	_ =	shalt  }
0x45: {  	_ =	shalt  }
0x46: {  	_ =	shalt  }
0x47: {  	_ =	shalt  }
0x48: {  	_ =	shalt  }
0x49: {  	_ =	shalt  }
0x4a: {  	_ =	shalt  }
0x4b: {  	_ =	shalt  }
0x4c: {  	_ =	shalt  }
0x4d: {  	_ =	shalt  }
0x4e: {  	_ =	shalt  }
0x4f: {  	_ =	shalt  }
0x50: {  	_ =	shalt  }
0x51: {  	_ =	shalt  }
0x52: {  	_ =	shalt  }
0x53: {  	_ =	shalt  }
0x54: {  	_ =	shalt  }
0x55: {  	_ =	shalt  }
0x56: {  	_ =	shalt  }
0x57: {  	_ =	shalt  }
0x58: {  	_ =	shalt  }
0x59: {  	_ =	shalt  }
0x5a: {  	_ =	shalt  }
0x5b: {  	_ =	shalt  }
0x5c: {  	_ =	shalt  }
0x5d: {  	_ =	shalt  }
0x5e: {  	_ =	shalt  }
0x5f: {  	_ =	shalt  }
0x60: {  	_ =	shalt  }
0x61: {  	_ =	shalt  }
0x62: {  	_ =	shalt  }
0x63: {  	_ =	shalt  }
0x64: {  	_ =	shalt  }
0x65: {  	_ =	shalt  }
0x66: {  	_ =	shalt  }
0x67: {  	_ =	shalt  }
0x68: {  	_ =	shalt  }
0x69: {  	_ =	shalt  }
0x6a: {  	_ =	shalt  }
0x6b: {  	_ =	shalt  }
0x6c: {  	_ =	shalt  }
0x6d: {  	_ =	shalt  }
0x6e: {  	_ =	shalt  }
0x6f: {  	_ =	shalt  }
0x70: {  	_ =	shalt  }
0x71: {  	_ =	shalt  }
0x72: {  	_ =	shalt  }
0x73: {  	_ =	shalt  }
0x74: {  	_ =	shalt  }
0x75: {  	_ =	shalt  }
0x76: {  	_ =	shalt  }
0x77: {  	_ =	shalt  }
0x78: {  	_ =	shalt  }
0x79: {  	_ =	shalt  }
0x7a: {  	_ =	shalt  }
0x7b: {  	_ =	shalt  }
0x7c: {  	_ =	shalt  }
0x7d: {  	_ =	shalt  }
0x7e: {  	_ =	shalt  }
0x7f: {  	_ =	shalt  }
0x80: {  	_ =	shalt  }
0x81: {  	_ =	shalt  }
0x82: {  	_ =	shalt  }
0x83: {  	_ =	shalt  }
0x84: {  	_ =	shalt  }
0x85: {  	_ =	shalt  }
0x86: {  	_ =	shalt  }
0x87: {  	_ =	shalt  }
.Lfunc_end0:
.L_simem_size_0:
called_computation_lowered:
.L_overlay_start_0:
0x88: {  	s2 =	sld [smem:$0x3FD9]  }
0x89: {  	s3 =	sld [smem:$0x3FFE];
	_ =	sdelay $0x1  }
0x8a: {  	s1 =	srdreg.scid  }
0x8b: {  	s0 =	sand.u32 $0x1, s1  }
0x8c: {  	s17 =	sshll.u32 s0, $0xA;
	s2 =	sadd.s32 s3, s2  }
0x8d: {  	s2 =	sadd.s32 s2, s17  }
0x8e: {  	[smem:$0x3FC4] =	sst s2  }
0x8f: {  	_ = 	snop  }
0x90: {  	s2 =	sld [smem:$0x3FC9]  }
0x91: {  	s18 =	sld [smem:$0x3FC7]  }
0x92: {  	s4 =	sld [smem:$0x3FC6]  }
0x93: {  	s5 =	sld [smem:$0x3FD0];
	(tm) =	ssettm $0x1  }
0x94: {  	s6 =	sld [smem:$0x3FFB];
	_ =	sdelay $0x3  }
0x95: {  	_ =	strace s6  }
0x96: {  	s6 =	sld [smem:$0x3FFC];
	_ =	sdelay $0x3  }
0x97: {  	_ =	strace s6  }
0x98: {  	s6 =	sld [smem:$0x3FFD];
	_ =	sdelay $0x3  }
0x99: {  	_ =	strace s6  }
0x9a: {  	_ =	strace $0x8FFFFFFF  }
0x9b: {  	s19 =	sld [smem:$0x3FDB];
	_ =	sdelay $0x1  }
0x9c: {  	s7 =	simm.s32 $_scs_section_size  }
0x9d: {  	s8 =	simm.s32 $_size__tile_overlayer_lowered;
	s9 =	simm.s32 $_tile_overlayer_lowered  }
0x9e: {  	s22 =	simm.s32 $0x1BFF;
	s21 =	sshll.u32 s9, $0x1;
	s6 =	sadd.s32 s7, s19  }
0x9f: {  	s10 =	simm.s32 $0x0;
	s20 =	sshll.u32 s8, $0x1;
	s8 =	sadd.s32 s21, s6  }
0xa0: {  	[timem:s10], [sflag:s22] =	dma.local [hbm:s8], s20  }
0xa1: {  	_ =	swait.ge [sflag:s22], s20  }
0xa2: {  	s7 =	ssub.s32 $0x0, s20;
	[sflag:s22] =	ssyncset.done $0x0  }
0xa3: {  	[sflag:s22] =	ssyncadd.s32 s7;
	_ =	sdelay $0x1  }
0xa4: {  	s23 =	simm.s32 $0x1B8B  }
0xa5: {  	_ =	swait.ge [sflag:s23], $0x1  }
0xa6: {  	[sflag:s23] =	ssyncset.done $0x0  }
0xa7: {  	s25 =	simm.s32 $0x1B8E;
	s24 =	sld [smem:$0x3FFE];
	[sflag:s23] =	ssyncadd.s32 $0xFFFFFFFF  }
0xa8: {  	s26 =	simm.s32 $execute0_lowered;
	[smem:$0x3FD2] =	sst s25  }
0xa9: {  	s8 =	sshll.u32 s26, $0x1;
	_ =	strace $0x80000046;
	[dreg:$0x1] =	wrdreg $0xFFFFFFFF  }
0xaa: {  	s28 =	simm.s32 $_size_execute0_lowered;
	s6 =	sadd.s32 s6, s8;
	[dreg:$0x0] =	wrdreg $0x0  }
0xab: {  	s8 =	sshll.u32 s28, $0x1;
	[dreg:$0x2] =	wrdreg s6  }
0xac: {  	[dreg:$0x3] =	wrdreg s8  }
0xad: {  	[dreg:$0x4] =	wrdreg $0xC0  }
0xae: {  	_ =	task [dreg:s10], $0x5FFFF  }
0xaf: {  	[dreg:$0x1] =	wrdreg $0xFFFFFFFF  }
0xb0: {  	[dreg:$0x0] =	wrdreg $0x60  }
0xb1: {  	[dreg:$0x2] =	wrdreg s2  }
0xb2: {  	[dreg:$0x3] =	wrdreg s24  }
0xb3: {  	[dreg:$0x4] =	wrdreg s18  }
0xb4: {  	[dreg:$0x5] =	wrdreg s4  }
0xb5: {  	[dreg:$0x6] =	wrdreg s5  }
0xb6: {  	[dreg:$0x7] =	wrdreg $0x9  }
0xb7: {  	_ =	task.clear_ibuf [dreg:s10], $0x8FFFF;
	_ =	strace $0x90000046  }
0xb8: {  	s29 =	simm.s32 $0x9;
	_ =	strace $0x80000048  }
0xb9: {  	_ =	swait.ge [sflag:s29], $0x1  }
0xba: {  	[sflag:s29] =	ssyncadd.s32 $0xFFFFFFFF  }
0xbb: {  	_ =	strace $0x90000048  }
0xbc: {  	_ =	sfence  }
0xbd: {  	s30 =	sld [smem:$0x0];
	_ =	sdelay $0x2  }
0xbe: {  	s31 =	sshll.u32 s1, $0xD;
	s1 =	sshrl.u32 s1, $0x2  }
0xbf: {  	s3 =	sand.u32 $0x4000, s31;
	s1 =	sadd.s32 s1, s30  }
0xc0: {  	s0 =	sor.u32 s3, s0;
	s1 =	sshll.u32 s1, $0x11  }
0xc1: {  	s0 =	sor.u32 s1, s0  }
0xc2: {  	s0 =	sadd.s32 $0x8F2B, s0  }
0xc3: {  	[sflag:s0] =	ssyncadd.remote.s32 $0x1  }
0xc4: {  	_ =	sfence.sel $0xFFFF  }
0xc5: {  	[dreg:$0x0] =	wrdreg $0xFFFFFFFF;
	(pc) =	sbr.abs _section_cstart, $3  }
0xc6: {  	[dreg:$0x1] =	wrdreg $0xFFFFFFFF  }
0xc7: {  	_ =	task.clear_ibuf [dreg:s10], $0x2FFFF;
	_ =	strace $0x9FFFFFFF  }
0xc8: {  	(tm) =	ssettm $0x7FFFFFFF  }
0xc9: {  	_ =	shalt  }
tec
execute0_lowered:
.L_overlay_start_1:
0x0: {  	(tag) =	ssettag $0x1  }
0x1: {  	s1 =	rddreg [dreg:$0x0]  }
0x2: {  	s0 =	rddreg [dreg:$0x1]  }
0x3: {  	s2 =	rddreg [dreg:$0x3]  }
0x4: {  	s4 =	rddreg [dreg:$0x4]  }
0x5: {  	s3 =	srdreg.scid;
	s6 =	stileid.u32  }
0x6: {  	s5 =	simm.s32 $0x0;
	s16 =	simm.s32 $0x5;
	s21 =	simm.s32 $0x10000  }
0x7: {  	s22 =	simm.s32 $0x12000;
	s23 =	simm.s32 $0x1;
	s28 =	simm.s32 $0x16000  }
0x8: {  	s29 =	simm.s32 $0x3;
	s30 =	simm.s32 $0x0;
	s3 =	sand.u32 $0x1, s3  }
0x9: {  	s6 =	sshll.u32 s6, $0x7;
	[smem:$0x7FF] =	sst s5;
	s7 =	sshll.u32 s3, $0x6  }
0xa: {  	_ =	strace $0x80000047;
	s3 =	ssub.s32 $0x2, s3;
	s6 =	sor.u32 s7, s6  }
0xb: {  	s24 =	sshrl.u32 s3, $0x1;
	s7 =	sshrl.u32 s6, $0x3;
	s8 =	sshll.u32 s6, $0x7  }
0xc: {  	s3 =	ssub.s32 s3, s24;
	s24 =	simm.s32 $0x14000;
	s0 =	sadd.s32 s7, s0  }
.Ltmp0:
0xd: {  	s2 =	sadd.s32 s2, s8;
	s11 =	sadd.s32 s1, s8;
	(pc) =	sbr.rel .LBB2_1-.Ltmp0, $4  }
0xe: {  	s14 =	smax.u32 s3, $0x1;
	[dreg:$0x6] =	wrdreg s2;
	s25 =	sadd.s32 $0x400, s0  }
0xf: {  	s26 =	sadd.s32 $0x500, s0;
	s31 =	sadd.s32 $0x600, s0;
	[dreg:$0x7] =	wrdreg s25  }
0x10: {  	s12 =	sadd.s32 $0x700, s0;
	s13 =	sadd.s32 $0x400, s11;
	[dreg:$0x8] =	wrdreg s26  }
0x11: {  	[dreg:$0x9] =	wrdreg s31;
	s25 =	simm.s32 $0x2;
	s26 =	simm.s32 $0x4  }
.LBB2_12:
0x12: {  	s30 =	sadd.s32 $0x1, s30  }
0x13: {  	_ =	swait.ge [sflag:s29], $0x2000;
	p0 =	sne.s32 s30, s14  }
.Ltmp1:
0x14: {  	[sflag:s29] =	ssyncset.done $0x0;
	(pc) =	sbr.rel @!p0 .LBB2_13-.Ltmp1, $4  }
0x15: {  	[sflag:s29] =	ssyncadd.s32 $0xFFFFE000  }
0x16: {  	_ =	swait.ge [sflag:s26], $0x2000  }
0x17: {  	[sflag:s26] =	ssyncset.done $0x0  }
0x18: {  	[sflag:s26] =	ssyncadd.s32 $0xFFFFE000  }
.LBB2_1:
0x19: {  	s0 =	rddreg [dreg:$0x2];
	s2 =	simm.s32 $0x18000  }
0x1a: {  	[tilespmem:s2], [sflag:$0x5] =	stream.linear.gather [hbm4b:s0+s5], $0x2000, $0x38;
	[tilespmem:$0x1A180] =	vst v63  }
0x1b: {  	_ =	swait.ge [sflag:s16], $0x2000  }
0x1c: {  	[sflag:s16] =	ssyncset.done $0x0  }
0x1d: {  	s8 =	rddreg [dreg:$0x6];
	[sflag:s16] =	ssyncadd.s32 $0xFFFFE000  }
0x1e: {  	[tilespmem:s5], [sflag:$0x5] =	stream.linear.gather [hbm4b:s8+s5], $0x10000, $0x38;
	[tilespmem:$0x1A180] =	vst v63  }
0x1f: {  	_ =	swait.ge [sflag:s16], $0x10000  }
0x20: {  	[sflag:s16] =	ssyncset.done $0x0  }
0x21: {  	s10 =	simm.s32 $0x1A000;
	s9 =	rddreg [dreg:$0x7];
	[sflag:s16] =	ssyncadd.s32 $0xFFFF0000  }
0x22: {  	[tilespmem:s10], [sflag:$0x5] =	stream.linear.gather [hbm4b:s9+s5], $0x40, $0x38;
	[tilespmem:$0x1A180] =	vst v63  }
0x23: {  	_ =	swait.ge [sflag:s16], $0x40  }
0x24: {  	[sflag:s16] =	ssyncset.done $0x0  }
0x25: {  	s17 =	simm.s32 $0x1A040;
	s15 =	rddreg [dreg:$0x8];
	[sflag:s16] =	ssyncadd.s32 $0xFFFFFFC0  }
0x26: {  	[tilespmem:s17], [sflag:$0x5] =	stream.linear.gather [hbm4b:s15+s5], $0x40, $0x38;
	[tilespmem:$0x1A180] =	vst v63  }
0x27: {  	_ =	swait.ge [sflag:s16], $0x40  }
0x28: {  	[sflag:s16] =	ssyncset.done $0x0  }
0x29: {  	s19 =	simm.s32 $0x1A080;
	s18 =	rddreg [dreg:$0x9];
	[sflag:s16] =	ssyncadd.s32 $0xFFFFFFC0  }
0x2a: {  	[tilespmem:s19], [sflag:$0x5] =	stream.linear.gather [hbm4b:s18+s5], $0x40, $0x38;
	[tilespmem:$0x1A180] =	vst v63  }
0x2b: {  	_ =	swait.ge [sflag:s16], $0x40  }
0x2c: {  	[sflag:s16] =	ssyncset.done $0x0  }
0x2d: {  	s20 =	simm.s32 $0x1A0C0;
	[sflag:s16] =	ssyncadd.s32 $0xFFFFFFC0  }
0x2e: {  	[tilespmem:s20], [sflag:$0x5] =	stream.linear.gather [hbm4b:s12+s5], $0x40, $0x38;
	[tilespmem:$0x1A180] =	vst v63  }
0x2f: {  	_ =	swait.ge [sflag:s16], $0x40  }
0x30: {  	[sflag:s16] =	ssyncset.done $0x0  }
0x31: {  	[sflag:s16] =	ssyncadd.s32 $0xFFFFFFC0  }
0x32: {  	[tilespmem:s21], [sflag:$0x1] =	stream.linear.gather [hbm4b:s11+s5], $0x2000, $0x38;
	[tilespmem:$0x1A180] =	vst v63  }
0x33: {  	s31 =	simm.s32 $0x0  }
0x34: {  	[tilespmem:s22], [sflag:$0x2] =	stream.linear.gather [hbm4b:s13+s5], $0x2000, $0x38;
	[tilespmem:$0x1A180] =	vst v63  }
.LBB2_2:
0x35: {  	s15 =	sshrl.u32 s31, $0x2  }
0x36: {  	s0 =	sshll.u32 s15, $0x8  }
0x37: {  	s2 =	sshll.u32 s31, $0x4;
	s0 =	sshra.s32 s0, $0x2  }
0x38: {  	s3 =	sand.u32 $0x30, s2;
	s2 =	sadd.s32 $0x1A000, s0  }
0x39: {  	_ =	swait.ge [sflag:s23], $0x2000;
	s8 =	sor.u32 s3, s2  }
0x3a: {  	p0 =	seq.s32 s31, $0x0;
	[sflag:s23] =	ssyncset.done $0x0;
	v0 =	vmov s8  }
0x3b: {  	s7 =	simm.s32 @!p0 $0x3;
	[sflag:s23] =	ssyncadd.s32 $0xFFFFE000  }
0x3c: {  	_ =	swait.ge @!p0 [sflag:s7], $0x2000  }
0x3d: {  	[sflag:s7] =	ssyncset.done @!p0 $0x0  }
0x3e: {  	s17 =	simm.s32 $0x0;
	s0 =	sshll.u32 s31, $0x1;
	[sflag:s7] =	ssyncadd.s32 @!p0 $0xFFFFE000  }
.LBB2_3:
0x3f: {  	v1 =	vld.idx.msk [tilespmem:v0+s17+$0x0 ss:$0x1], $0xffff;
	_ =	sdelay $0x4  }
0x40: {  	s18 =	sshll.u32 s17, $0x7;
	(v2sf) =	vpush v1, $0x0  }
0x41: {  	v2 =	vld [tilespmem:s18+$0x10010]  }
0x42: {  	v3 =	vld [tilespmem:s18+$0x10020]  }
0x43: {  	v4 =	vld [tilespmem:s18+$0x10030]  }
0x44: {  	s7 =	sor.u32 s3, s17;
	v5 =	vld [tilespmem:s18+$0x10040]  }
0x45: {  	v6 =	vld [tilespmem:s18+$0x10050];
	s8 =	sshll.u32 s7, $0xA  }
0x46: {  	v7 =	vld [tilespmem:s18+$0x10060];
	s7 =	sand.u32 $0xC000, s8  }
0x47: {  	v8 =	vld [tilespmem:s18+$0x10070];
	s9 =	sadd.s32 s18, s7  }
0x48: {  	v9 =	vld [tilespmem:s9+$0x0]  }
0x49: {  	v10 =	vld [tilespmem:s9+$0x10]  }
0x4a: {  	v11 =	vld [tilespmem:s9+$0x20]  }
0x4b: {  	v12 =	vld [tilespmem:s9+$0x30]  }
0x4c: {  	v13 =	vld [tilespmem:s9+$0x40]  }
0x4d: {  	v14 =	vld [tilespmem:s9+$0x50]  }
0x4e: {  	v15 =	vld [tilespmem:s9+$0x60]  }
0x4f: {  	v1 =	vld [tilespmem:s18+$0x10000];
	s20 =	spop (v2sf)  }
0x50: {  	v16 =	vld [tilespmem:s9+$0x70]  }
0x51: {  	v51 =	vld [tilespmem:s18+$0x10410]  }
0x52: {  	v52 =	vld [tilespmem:s18+$0x10420]  }
0x53: {  	v53 =	vld [tilespmem:s18+$0x10430]  }
0x54: {  	s19 =	sshll.u32 s20, $0xA;
	s7 =	sshll.u32 s20, $0x7;
	v54 =	vld [tilespmem:s18+$0x10440]  }
0x55: {  	v55 =	vld [tilespmem:s18+$0x10450];
	s10 =	sand.u32 $0xFFFFE000, s19;
	s20 =	sand.u32 $0x380, s7  }
0x56: {  	v32 =	vld [tilespmem:s18+$0x10800];
	s10 =	sor.u32 s20, s10  }
0x57: {  	s7 =	sadd.s32 $0x18000, s10;
	v17 =	vld [tilespmem:s10+$0x18000]  }
0x58: {  	v18 =	vld [tilespmem:s7+$0x10]  }
0x59: {  	v19 =	vld [tilespmem:s7+$0x20]  }
0x5a: {  	v1 =	vadd.f32 v9, v1;
	v20 =	vld [tilespmem:s7+$0x30]  }
0x5b: {  	v2 =	vadd.f32 v10, v2;
	v21 =	vld [tilespmem:s7+$0x40]  }
0x5c: {  	v3 =	vadd.f32 v11, v3;
	v48 =	vld [tilespmem:s7+$0x50];
	v1 =	vadd.f32 v17, v1  }
0x5d: {  	v4 =	vadd.f32 v12, v4;
	v49 =	vld [tilespmem:s7+$0x60];
	v2 =	vadd.f32 v18, v2  }
0x5e: {  	v5 =	vadd.f32 v13, v5;
	v50 =	vld [tilespmem:s7+$0x70];
	[tilespmem:s18+$0x14000] =	vst v1;
	v1 =	vadd.f32 v19, v3  }
0x5f: {  	v6 =	vadd.f32 v14, v6;
	v34 =	vld [tilespmem:s18+$0x10810];
	[tilespmem:s18+$0x14010] =	vst v2;
	v2 =	vadd.f32 v20, v4  }
0x60: {  	v7 =	vadd.f32 v15, v7;
	v35 =	vld [tilespmem:s18+$0x10820];
	[tilespmem:s18+$0x14020] =	vst v1;
	v1 =	vadd.f32 v21, v5  }
0x61: {  	v37 =	vld [tilespmem:s18+$0x10830];
	v8 =	vadd.f32 v16, v8;
	[tilespmem:s18+$0x14030] =	vst v2;
	v2 =	vadd.f32 v48, v6  }
0x62: {  	v38 =	vld [tilespmem:s18+$0x10850];
	[tilespmem:s18+$0x14040] =	vst v1;
	v1 =	vadd.f32 v49, v7  }
0x63: {  	v3 =	vld [tilespmem:s18+$0x10400];
	[tilespmem:s18+$0x14050] =	vst v2;
	v2 =	vadd.f32 v50, v8  }
0x64: {  	[tilespmem:s18+$0x14060] =	vst v1;
	v1 =	vld [tilespmem:s18+$0x10460]  }
0x65: {  	[tilespmem:s18+$0x14070] =	vst v2;
	v2 =	vld [tilespmem:s18+$0x10470]  }
0x66: {  	v56 =	vld [tilespmem:s9+$0x400]  }
0x67: {  	v57 =	vld [tilespmem:s9+$0x410]  }
0x68: {  	v58 =	vld [tilespmem:s9+$0x420]  }
0x69: {  	v59 =	vld [tilespmem:s9+$0x430]  }
0x6a: {  	v60 =	vld [tilespmem:s9+$0x440]  }
0x6b: {  	v61 =	vld [tilespmem:s9+$0x450]  }
0x6c: {  	v62 =	vld [tilespmem:s9+$0x460]  }
0x6d: {  	v63 =	vld [tilespmem:s9+$0x470]  }
0x6e: {  	v24 =	vld [tilespmem:s7+$0x400]  }
0x6f: {  	v25 =	vld [tilespmem:s7+$0x410]  }
0x70: {  	v26 =	vld [tilespmem:s7+$0x420]  }
0x71: {  	v27 =	vld [tilespmem:s7+$0x430]  }
0x72: {  	v29 =	vld [tilespmem:s7+$0x450];
	v3 =	vadd.f32 v56, v3  }
0x73: {  	v30 =	vld [tilespmem:s7+$0x460];
	v4 =	vadd.f32 v57, v51  }
0x74: {  	v28 =	vld [tilespmem:s7+$0x440];
	v6 =	vadd.f32 v59, v53;
	v3 =	vadd.f32 v24, v3  }
0x75: {  	v31 =	vld [tilespmem:s7+$0x470];
	v8 =	vadd.f32 v61, v55;
	v4 =	vadd.f32 v25, v4  }
0x76: {  	v1 =	vadd.f32 v62, v1;
	v56 =	vld [tilespmem:s18+$0x10C00];
	v33 =	vadd.f32 v27, v6;
	[tilespmem:s18+$0x14400] =	vst v3  }
0x77: {  	v5 =	vadd.f32 v58, v52;
	v58 =	vld [tilespmem:s18+$0x10C10];
	v36 =	vadd.f32 v29, v8;
	[tilespmem:s18+$0x14410] =	vst v4  }
0x78: {  	v2 =	vadd.f32 v63, v2;
	v59 =	vld [tilespmem:s18+$0x10C20];
	v1 =	vadd.f32 v30, v1;
	[tilespmem:s18+$0x14430] =	vst v33  }
0x79: {  	v7 =	vadd.f32 v60, v54;
	v60 =	vld [tilespmem:s18+$0x10C30];
	v3 =	vadd.f32 v26, v5;
	[tilespmem:s18+$0x14450] =	vst v36  }
0x7a: {  	v61 =	vld [tilespmem:s18+$0x10C50];
	v2 =	vadd.f32 v31, v2;
	[tilespmem:s18+$0x14460] =	vst v1  }
0x7b: {  	v1 =	vld [tilespmem:s18+$0x10860];
	[tilespmem:s18+$0x14420] =	vst v3;
	v3 =	vadd.f32 v28, v7  }
0x7c: {  	[tilespmem:s18+$0x14470] =	vst v2;
	v2 =	vld [tilespmem:s18+$0x10870]  }
0x7d: {  	[tilespmem:s18+$0x14440] =	vst v3;
	v3 =	vld [tilespmem:s18+$0x10840]  }
0x7e: {  	v39 =	vld [tilespmem:s9+$0x800]  }
0x7f: {  	v40 =	vld [tilespmem:s9+$0x810]  }
0x80: {  	v41 =	vld [tilespmem:s9+$0x820]  }
0x81: {  	v42 =	vld [tilespmem:s9+$0x830]  }
0x82: {  	v43 =	vld [tilespmem:s9+$0x840]  }
0x83: {  	v44 =	vld [tilespmem:s9+$0x850]  }
0x84: {  	v45 =	vld [tilespmem:s9+$0x860]  }
0x85: {  	v46 =	vld [tilespmem:s9+$0x870]  }
0x86: {  	v47 =	vld [tilespmem:s7+$0x800]  }
0x87: {  	v48 =	vld [tilespmem:s7+$0x810]  }
0x88: {  	v49 =	vld [tilespmem:s7+$0x820]  }
0x89: {  	v50 =	vld [tilespmem:s7+$0x830];
	v5 =	vadd.f32 v39, v32  }
0x8a: {  	v51 =	vld [tilespmem:s7+$0x840];
	v6 =	vadd.f32 v40, v34  }
0x8b: {  	v52 =	vld [tilespmem:s7+$0x850];
	v7 =	vadd.f32 v41, v35;
	v5 =	vadd.f32 v47, v5  }
0x8c: {  	v53 =	vld [tilespmem:s7+$0x860];
	v8 =	vadd.f32 v42, v37;
	v6 =	vadd.f32 v48, v6  }
0x8d: {  	v54 =	vld [tilespmem:s7+$0x870];
	v3 =	vadd.f32 v43, v3;
	v55 =	vadd.f32 v49, v7;
	[tilespmem:s18+$0x14800] =	vst v5  }
0x8e: {  	v4 =	vadd.f32 v44, v38;
	v38 =	vld [tilespmem:s18+$0x11000];
	v57 =	vadd.f32 v50, v8;
	[tilespmem:s18+$0x14810] =	vst v6  }
0x8f: {  	v1 =	vadd.f32 v45, v1;
	v39 =	vld [tilespmem:s18+$0x11010];
	v3 =	vadd.f32 v51, v3;
	[tilespmem:s18+$0x14820] =	vst v55  }
0x90: {  	v2 =	vadd.f32 v46, v2;
	v40 =	vld [tilespmem:s18+$0x11020];
	v4 =	vadd.f32 v52, v4;
	[tilespmem:s18+$0x14830] =	vst v57  }
0x91: {  	v41 =	vld [tilespmem:s18+$0x11030];
	v1 =	vadd.f32 v53, v1;
	[tilespmem:s18+$0x14840] =	vst v3  }
0x92: {  	v2 =	vadd.f32 v54, v2;
	v3 =	vld [tilespmem:s18+$0x10C40];
	[tilespmem:s18+$0x14850] =	vst v4  }
0x93: {  	[tilespmem:s18+$0x14860] =	vst v1;
	v1 =	vld [tilespmem:s18+$0x10C60]  }
0x94: {  	[tilespmem:s18+$0x14870] =	vst v2;
	v2 =	vld [tilespmem:s18+$0x10C70]  }
0x95: {  	v62 =	vld [tilespmem:s9+$0xC00]  }
0x96: {  	v63 =	vld [tilespmem:s9+$0xC10]  }
0x97: {  	v24 =	vld [tilespmem:s9+$0xC20]  }
0x98: {  	v25 =	vld [tilespmem:s9+$0xC30]  }
0x99: {  	v26 =	vld [tilespmem:s9+$0xC40]  }
0x9a: {  	v27 =	vld [tilespmem:s9+$0xC50]  }
0x9b: {  	v28 =	vld [tilespmem:s9+$0xC60]  }
0x9c: {  	v29 =	vld [tilespmem:s9+$0xC70]  }
0x9d: {  	v30 =	vld [tilespmem:s7+$0xC00]  }
0x9e: {  	v31 =	vld [tilespmem:s7+$0xC10]  }
0x9f: {  	v32 =	vld [tilespmem:s7+$0xC20]  }
0xa0: {  	v33 =	vld [tilespmem:s7+$0xC30];
	v7 =	vadd.f32 v62, v56  }
0xa1: {  	v34 =	vld [tilespmem:s7+$0xC40];
	v8 =	vadd.f32 v63, v58  }
0xa2: {  	v35 =	vld [tilespmem:s7+$0xC50];
	v5 =	vadd.f32 v24, v59;
	v7 =	vadd.f32 v30, v7  }
0xa3: {  	v36 =	vld [tilespmem:s7+$0xC60];
	v6 =	vadd.f32 v25, v60;
	v8 =	vadd.f32 v31, v8  }
0xa4: {  	v37 =	vld [tilespmem:s7+$0xC70];
	v3 =	vadd.f32 v26, v3;
	v5 =	vadd.f32 v32, v5;
	[tilespmem:s18+$0x14C00] =	vst v7  }
0xa5: {  	v42 =	vld [tilespmem:s18+$0x11050];
	v4 =	vadd.f32 v27, v61;
	v6 =	vadd.f32 v33, v6;
	[tilespmem:s18+$0x14C10] =	vst v8  }
0xa6: {  	v1 =	vadd.f32 v28, v1;
	v59 =	vld [tilespmem:s18+$0x11400];
	v3 =	vadd.f32 v34, v3;
	[tilespmem:s18+$0x14C20] =	vst v5  }
0xa7: {  	v2 =	vadd.f32 v29, v2;
	v60 =	vld [tilespmem:s18+$0x11410];
	v4 =	vadd.f32 v35, v4;
	[tilespmem:s18+$0x14C30] =	vst v6  }
0xa8: {  	v61 =	vld [tilespmem:s18+$0x11420];
	v1 =	vadd.f32 v36, v1;
	[tilespmem:s18+$0x14C40] =	vst v3  }
0xa9: {  	v2 =	vadd.f32 v37, v2;
	v3 =	vld [tilespmem:s18+$0x11040];
	[tilespmem:s18+$0x14C50] =	vst v4  }
0xaa: {  	[tilespmem:s18+$0x14C60] =	vst v1;
	v1 =	vld [tilespmem:s18+$0x11060]  }
0xab: {  	[tilespmem:s18+$0x14C70] =	vst v2;
	v2 =	vld [tilespmem:s18+$0x11070]  }
0xac: {  	v43 =	vld [tilespmem:s9+$0x1000]  }
0xad: {  	v44 =	vld [tilespmem:s9+$0x1010]  }
0xae: {  	v45 =	vld [tilespmem:s9+$0x1020]  }
0xaf: {  	v46 =	vld [tilespmem:s9+$0x1030]  }
0xb0: {  	v47 =	vld [tilespmem:s9+$0x1040]  }
0xb1: {  	v48 =	vld [tilespmem:s9+$0x1050]  }
0xb2: {  	v49 =	vld [tilespmem:s9+$0x1060]  }
0xb3: {  	v50 =	vld [tilespmem:s9+$0x1070]  }
0xb4: {  	v51 =	vld [tilespmem:s7+$0x1000]  }
0xb5: {  	v52 =	vld [tilespmem:s7+$0x1010]  }
0xb6: {  	v53 =	vld [tilespmem:s7+$0x1020]  }
0xb7: {  	v54 =	vld [tilespmem:s7+$0x1030];
	v7 =	vadd.f32 v43, v38  }
0xb8: {  	v55 =	vld [tilespmem:s7+$0x1040];
	v8 =	vadd.f32 v44, v39  }
0xb9: {  	v56 =	vld [tilespmem:s7+$0x1050];
	v5 =	vadd.f32 v45, v40;
	v7 =	vadd.f32 v51, v7  }
0xba: {  	v57 =	vld [tilespmem:s7+$0x1060];
	v6 =	vadd.f32 v46, v41;
	v8 =	vadd.f32 v52, v8  }
0xbb: {  	v58 =	vld [tilespmem:s7+$0x1070];
	v3 =	vadd.f32 v47, v3;
	v5 =	vadd.f32 v53, v5;
	[tilespmem:s18+$0x15000] =	vst v7  }
0xbc: {  	v62 =	vld [tilespmem:s18+$0x11430];
	v4 =	vadd.f32 v48, v42;
	v6 =	vadd.f32 v54, v6;
	[tilespmem:s18+$0x15010] =	vst v8  }
0xbd: {  	v63 =	vld [tilespmem:s18+$0x11450];
	v1 =	vadd.f32 v49, v1;
	v3 =	vadd.f32 v55, v3;
	[tilespmem:s18+$0x15020] =	vst v5  }
0xbe: {  	v2 =	vadd.f32 v50, v2;
	v40 =	vld [tilespmem:s18+$0x11800];
	v4 =	vadd.f32 v56, v4;
	[tilespmem:s18+$0x15030] =	vst v6  }
0xbf: {  	v41 =	vld [tilespmem:s18+$0x11810];
	v1 =	vadd.f32 v57, v1;
	[tilespmem:s18+$0x15040] =	vst v3  }
0xc0: {  	v2 =	vadd.f32 v58, v2;
	v3 =	vld [tilespmem:s18+$0x11440];
	[tilespmem:s18+$0x15050] =	vst v4  }
0xc1: {  	[tilespmem:s18+$0x15060] =	vst v1;
	v1 =	vld [tilespmem:s18+$0x11460]  }
0xc2: {  	[tilespmem:s18+$0x15070] =	vst v2;
	v2 =	vld [tilespmem:s18+$0x11470]  }
0xc3: {  	v24 =	vld [tilespmem:s9+$0x1400]  }
0xc4: {  	v25 =	vld [tilespmem:s9+$0x1410]  }
0xc5: {  	v26 =	vld [tilespmem:s9+$0x1420]  }
0xc6: {  	v27 =	vld [tilespmem:s9+$0x1430]  }
0xc7: {  	v28 =	vld [tilespmem:s9+$0x1440]  }
0xc8: {  	v29 =	vld [tilespmem:s9+$0x1450]  }
0xc9: {  	v30 =	vld [tilespmem:s9+$0x1460]  }
0xca: {  	v31 =	vld [tilespmem:s9+$0x1470]  }
0xcb: {  	v32 =	vld [tilespmem:s7+$0x1400]  }
0xcc: {  	v33 =	vld [tilespmem:s7+$0x1410]  }
0xcd: {  	v34 =	vld [tilespmem:s7+$0x1420]  }
0xce: {  	v35 =	vld [tilespmem:s7+$0x1430];
	v7 =	vadd.f32 v24, v59  }
0xcf: {  	v36 =	vld [tilespmem:s7+$0x1440];
	v8 =	vadd.f32 v25, v60  }
0xd0: {  	v38 =	vld [tilespmem:s7+$0x1460];
	v5 =	vadd.f32 v26, v61;
	v7 =	vadd.f32 v32, v7  }
0xd1: {  	v39 =	vld [tilespmem:s7+$0x1470];
	v6 =	vadd.f32 v27, v62;
	v8 =	vadd.f32 v33, v8  }
0xd2: {  	v37 =	vld [tilespmem:s7+$0x1450];
	v3 =	vadd.f32 v28, v3;
	v5 =	vadd.f32 v34, v5;
	[tilespmem:s18+$0x15400] =	vst v7  }
0xd3: {  	v42 =	vld [tilespmem:s18+$0x11820];
	v1 =	vadd.f32 v30, v1;
	v6 =	vadd.f32 v35, v6;
	[tilespmem:s18+$0x15410] =	vst v8  }
0xd4: {  	v43 =	vld [tilespmem:s18+$0x11830];
	v2 =	vadd.f32 v31, v2;
	v3 =	vadd.f32 v36, v3;
	[tilespmem:s18+$0x15420] =	vst v5  }
0xd5: {  	v44 =	vld [tilespmem:s18+$0x11850];
	v4 =	vadd.f32 v29, v63;
	v1 =	vadd.f32 v38, v1;
	[tilespmem:s18+$0x15430] =	vst v6  }
0xd6: {  	v2 =	vadd.f32 v39, v2;
	[tilespmem:s18+$0x15440] =	vst v3;
	v3 =	vld [tilespmem:s18+$0x11840]  }
0xd7: {  	v4 =	vadd.f32 v37, v4;
	[tilespmem:s18+$0x15460] =	vst v1;
	v1 =	vld [tilespmem:s18+$0x11860]  }
0xd8: {  	s8 =	sor.u32 s18, s8;
	[tilespmem:s18+$0x15470] =	vst v2;
	v2 =	vld [tilespmem:s18+$0x11870]  }
0xd9: {  	s10 =	sor.u32 $0x1800, s8;
	[tilespmem:s18+$0x15450] =	vst v4;
	v7 =	vld [tilespmem:s18+$0x11C30]  }
0xda: {  	v4 =	vld [tilespmem:s10+$0x0]  }
0xdb: {  	v52 =	vld [tilespmem:s7+$0x1800]  }
0xdc: {  	v53 =	vld [tilespmem:s7+$0x1810]  }
0xdd: {  	v54 =	vld [tilespmem:s7+$0x1820]  }
0xde: {  	v55 =	vld [tilespmem:s7+$0x1830]  }
0xdf: {  	v56 =	vld [tilespmem:s7+$0x1840]  }
0xe0: {  	v57 =	vld [tilespmem:s7+$0x1850]  }
0xe1: {  	s10 =	sor.u32 $0x1810, s8;
	v58 =	vld [tilespmem:s7+$0x1860]  }
0xe2: {  	v45 =	vld [tilespmem:s10+$0x0];
	s10 =	sor.u32 $0x1820, s8  }
0xe3: {  	v46 =	vld [tilespmem:s10+$0x0];
	s10 =	sor.u32 $0x1830, s8  }
0xe4: {  	v47 =	vld [tilespmem:s10+$0x0];
	s10 =	sor.u32 $0x1840, s8  }
0xe5: {  	v48 =	vld [tilespmem:s10+$0x0];
	s10 =	sor.u32 $0x1850, s8  }
0xe6: {  	v49 =	vld [tilespmem:s10+$0x0];
	s10 =	sor.u32 $0x1860, s8;
	v4 =	vadd.f32 v4, v40  }
0xe7: {  	v50 =	vld [tilespmem:s10+$0x0];
	s10 =	sor.u32 $0x1870, s8;
	v8 =	vadd.f32 v45, v41  }
0xe8: {  	v51 =	vld [tilespmem:s10+$0x0];
	v5 =	vadd.f32 v46, v42;
	v4 =	vadd.f32 v52, v4  }
0xe9: {  	v59 =	vld [tilespmem:s7+$0x1870];
	s7 =	sor.u32 $0x1, s17;
	v6 =	vadd.f32 v47, v43;
	v8 =	vadd.f32 v53, v8  }
0xea: {  	v61 =	vld.idx.msk [tilespmem:v0+s7+$0x0 ss:$0x1], $0xffff;
	v3 =	vadd.f32 v48, v3;
	[tilespmem:s18+$0x15800] =	vst v4;
	v5 =	vadd.f32 v54, v5  }
0xeb: {  	v4 =	vld [tilespmem:s18+$0x11C00];
	v9 =	vadd.f32 v49, v44;
	[tilespmem:s18+$0x15810] =	vst v8;
	v12 =	vadd.f32 v55, v6  }
0xec: {  	v6 =	vld [tilespmem:s18+$0x11C10];
	v1 =	vadd.f32 v50, v1;
	[tilespmem:s18+$0x15820] =	vst v5;
	v3 =	vadd.f32 v56, v3  }
0xed: {  	v8 =	vld [tilespmem:s18+$0x11C20];
	v2 =	vadd.f32 v51, v2;
	[tilespmem:s18+$0x15830] =	vst v12;
	v9 =	vadd.f32 v57, v9  }
0xee: {  	v5 =	vld [tilespmem:s18+$0x11C40];
	[tilespmem:s18+$0x15840] =	vst v3;
	v1 =	vadd.f32 v58, v1  }
0xef: {  	v3 =	vld [tilespmem:s18+$0x11C50];
	[tilespmem:s18+$0x15850] =	vst v9;
	v60 =	vadd.f32 v59, v2  }
0xf0: {  	v2 =	vld [tilespmem:s18+$0x11C60];
	[tilespmem:s18+$0x15860] =	vst v1  }
0xf1: {  	s9 =	sor.u32 $0x1C00, s8;
	v1 =	vld [tilespmem:s18+$0x11C70];
	[tilespmem:s18+$0x15870] =	vst v60  }
0xf2: {  	s10 =	sor.u32 $0x1C10, s8;
	v19 =	vld [tilespmem:s9+$0x0]  }
0xf3: {  	v18 =	vld [tilespmem:s10+$0x0];
	s9 =	sor.u32 $0x1C20, s8  }
0xf4: {  	s10 =	sor.u32 $0x1C30, s8;
	v17 =	vld [tilespmem:s9+$0x0]  }
0xf5: {  	v14 =	vld [tilespmem:s10+$0x0];
	s9 =	sor.u32 $0x1C40, s8  }
0xf6: {  	s10 =	sor.u32 $0x1C50, s8;
	v12 =	vld [tilespmem:s9+$0x0]  }
0xf7: {  	v11 =	vld [tilespmem:s10+$0x0];
	s9 =	sor.u32 $0x1C60, s8  }
0xf8: {  	s10 =	sor.u32 $0x1C70, s8;
	s8 =	sor.u32 s19, s20;
	v10 =	vld [tilespmem:s9+$0x0]  }
0xf9: {  	v9 =	vld [tilespmem:s10+$0x0];
	s9 =	sor.u32 $0x1C00, s8  }
0xfa: {  	s10 =	sor.u32 $0x1C10, s8;
	v24 =	vld [tilespmem:s9+$0x18000]  }
0xfb: {  	s19 =	sor.u32 $0x1C20, s8;
	v23 =	vld [tilespmem:s10+$0x18000]  }
0xfc: {  	s20 =	sor.u32 $0x1C30, s8;
	v22 =	vld [tilespmem:s19+$0x18000]  }
0xfd: {  	v21 =	vld [tilespmem:s20+$0x18000];
	s10 =	sor.u32 $0x1C40, s8  }
0xfe: {  	s19 =	sor.u32 $0x1C50, s8;
	v20 =	vld [tilespmem:s10+$0x18000]  }
0xff: {  	(v2sf) =	vpush v61, $0x0;
	s20 =	sor.u32 $0x1C60, s8;
	v16 =	vld [tilespmem:s19+$0x18000]  }
0x100: {  	s8 =	sor.u32 $0x1C70, s8;
	v15 =	vld [tilespmem:s20+$0x18000]  }
0x101: {  	v13 =	vld [tilespmem:s8+$0x18000];
	s19 =	sshll.u32 s7, $0x7  }
0x102: {  	v25 =	vld [tilespmem:s19+$0x10000]  }
0x103: {  	v26 =	vld [tilespmem:s19+$0x10010]  }
0x104: {  	v27 =	vld [tilespmem:s19+$0x10020]  }
0x105: {  	v28 =	vld [tilespmem:s19+$0x10030]  }
0x106: {  	s7 =	sor.u32 s3, s7;
	v29 =	vld [tilespmem:s19+$0x10040]  }
0x107: {  	v30 =	vld [tilespmem:s19+$0x10050];
	s8 =	sshll.u32 s7, $0xA  }
0x108: {  	v31 =	vld [tilespmem:s19+$0x10060];
	s7 =	sand.u32 $0xC000, s8  }
0x109: {  	v32 =	vld [tilespmem:s19+$0x10070];
	s9 =	sadd.s32 s19, s7  }
0x10a: {  	v33 =	vld [tilespmem:s9+$0x0]  }
0x10b: {  	v34 =	vld [tilespmem:s9+$0x10]  }
0x10c: {  	v35 =	vld [tilespmem:s9+$0x20]  }
0x10d: {  	v36 =	vld [tilespmem:s9+$0x30]  }
0x10e: {  	s10 =	spop (v2sf);
	v37 =	vld [tilespmem:s9+$0x40]  }
0x10f: {  	s20 =	sshll.u32 s10, $0xA;
	s7 =	sshll.u32 s10, $0x7;
	v38 =	vld [tilespmem:s9+$0x50]  }
0x110: {  	s10 =	sand.u32 $0xFFFFE000, s20;
	v39 =	vld [tilespmem:s9+$0x60];
	s7 =	sand.u32 $0x380, s7  }
0x111: {  	v40 =	vld [tilespmem:s9+$0x70];
	s10 =	sor.u32 s7, s10  }
0x112: {  	v41 =	vld [tilespmem:s10+$0x18000];
	s10 =	sadd.s32 $0x18000, s10  }
0x113: {  	v42 =	vld [tilespmem:s10+$0x10]  }
0x114: {  	v43 =	vld [tilespmem:s10+$0x20]  }
0x115: {  	v44 =	vld [tilespmem:s10+$0x30]  }
0x116: {  	v62 =	vld [tilespmem:s10+$0x40];
	v25 =	vadd.f32 v33, v25  }
0x117: {  	v63 =	vld [tilespmem:s10+$0x50];
	v26 =	vadd.f32 v34, v26  }
0x118: {  	v45 =	vld [tilespmem:s10+$0x60];
	v27 =	vadd.f32 v35, v27;
	v25 =	vadd.f32 v41, v25  }
0x119: {  	v46 =	vld [tilespmem:s10+$0x70];
	v28 =	vadd.f32 v36, v28;
	v26 =	vadd.f32 v42, v26  }
0x11a: {  	v29 =	vadd.f32 v37, v29;
	v47 =	vadd.f32 v43, v27;
	v27 =	vld [tilespmem:s19+$0x10400];
	[tilespmem:s19+$0x14000] =	vst v25  }
0x11b: {  	v30 =	vadd.f32 v38, v30;
	v48 =	vadd.f32 v44, v28;
	v28 =	vld [tilespmem:s19+$0x10410];
	[tilespmem:s19+$0x14010] =	vst v26  }
0x11c: {  	v31 =	vadd.f32 v39, v31;
	v49 =	vadd.f32 v62, v29;
	v29 =	vld [tilespmem:s19+$0x10420];
	[tilespmem:s19+$0x14020] =	vst v47  }
0x11d: {  	v32 =	vadd.f32 v40, v32;
	v50 =	vadd.f32 v63, v30;
	v30 =	vld [tilespmem:s19+$0x10430];
	[tilespmem:s19+$0x14030] =	vst v48  }
0x11e: {  	v51 =	vadd.f32 v45, v31;
	v31 =	vld [tilespmem:s19+$0x10440];
	[tilespmem:s19+$0x14040] =	vst v49  }
0x11f: {  	v52 =	vadd.f32 v46, v32;
	v32 =	vld [tilespmem:s19+$0x10450];
	[tilespmem:s19+$0x14050] =	vst v50  }
0x120: {  	v25 =	vld [tilespmem:s19+$0x10460];
	[tilespmem:s19+$0x14060] =	vst v51  }
0x121: {  	[tilespmem:s19+$0x14070] =	vst v52;
	v26 =	vld [tilespmem:s19+$0x10470]  }
0x122: {  	v53 =	vld [tilespmem:s9+$0x400]  }
0x123: {  	v54 =	vld [tilespmem:s9+$0x410]  }
0x124: {  	v55 =	vld [tilespmem:s9+$0x420]  }
0x125: {  	v56 =	vld [tilespmem:s9+$0x430]  }
0x126: {  	v57 =	vld [tilespmem:s9+$0x440]  }
0x127: {  	v58 =	vld [tilespmem:s9+$0x450]  }
0x128: {  	v59 =	vld [tilespmem:s9+$0x460]  }
0x129: {  	v60 =	vld [tilespmem:s9+$0x470]  }
0x12a: {  	v61 =	vld [tilespmem:s10+$0x400]  }
0x12b: {  	v62 =	vld [tilespmem:s10+$0x410]  }
0x12c: {  	v63 =	vld [tilespmem:s10+$0x420]  }
0x12d: {  	v48 =	vld [tilespmem:s10+$0x430]  }
0x12e: {  	v49 =	vld [tilespmem:s10+$0x440];
	v27 =	vadd.f32 v53, v27  }
0x12f: {  	v50 =	vld [tilespmem:s10+$0x450];
	v28 =	vadd.f32 v54, v28  }
0x130: {  	v51 =	vld [tilespmem:s10+$0x460];
	v29 =	vadd.f32 v55, v29;
	v27 =	vadd.f32 v61, v27  }
0x131: {  	v52 =	vld [tilespmem:s10+$0x470];
	v30 =	vadd.f32 v56, v30;
	v28 =	vadd.f32 v62, v28  }
0x132: {  	v31 =	vadd.f32 v57, v31;
	v56 =	vld [tilespmem:s19+$0x10820];
	v53 =	vadd.f32 v63, v29;
	[tilespmem:s19+$0x14400] =	vst v27  }
0x133: {  	v32 =	vadd.f32 v58, v32;
	v29 =	vld [tilespmem:s19+$0x10800];
	v54 =	vadd.f32 v48, v30;
	[tilespmem:s19+$0x14410] =	vst v28  }
0x134: {  	v25 =	vadd.f32 v59, v25;
	v30 =	vld [tilespmem:s19+$0x10810];
	v55 =	vadd.f32 v49, v31;
	[tilespmem:s19+$0x14420] =	vst v53  }
0x135: {  	v26 =	vadd.f32 v60, v26;
	v57 =	vadd.f32 v50, v32;
	v32 =	vld [tilespmem:s19+$0x10830];
	[tilespmem:s19+$0x14430] =	vst v54  }
0x136: {  	v25 =	vadd.f32 v51, v25;
	[tilespmem:s19+$0x14440] =	vst v55;
	v27 =	vld [tilespmem:s19+$0x10840]  }
0x137: {  	v26 =	vadd.f32 v52, v26;
	[tilespmem:s19+$0x14450] =	vst v57;
	v28 =	vld [tilespmem:s19+$0x10850]  }
0x138: {  	[tilespmem:s19+$0x14460] =	vst v25;
	v25 =	vld [tilespmem:s19+$0x10860]  }
0x139: {  	[tilespmem:s19+$0x14470] =	vst v26;
	v26 =	vld [tilespmem:s19+$0x10870]  }
0x13a: {  	v58 =	vld [tilespmem:s9+$0x800]  }
0x13b: {  	v59 =	vld [tilespmem:s9+$0x810]  }
0x13c: {  	v60 =	vld [tilespmem:s9+$0x820]  }
0x13d: {  	v61 =	vld [tilespmem:s9+$0x830]  }
0x13e: {  	v62 =	vld [tilespmem:s9+$0x840]  }
0x13f: {  	v63 =	vld [tilespmem:s9+$0x850]  }
0x140: {  	v48 =	vld [tilespmem:s9+$0x860]  }
0x141: {  	v49 =	vld [tilespmem:s9+$0x870]  }
0x142: {  	v50 =	vld [tilespmem:s10+$0x800]  }
0x143: {  	v51 =	vld [tilespmem:s10+$0x810]  }
0x144: {  	v52 =	vld [tilespmem:s10+$0x820]  }
0x145: {  	v53 =	vld [tilespmem:s10+$0x830]  }
0x146: {  	v54 =	vld [tilespmem:s10+$0x840];
	v29 =	vadd.f32 v58, v29  }
0x147: {  	v55 =	vld [tilespmem:s10+$0x850];
	v30 =	vadd.f32 v59, v30  }
0x148: {  	v57 =	vld [tilespmem:s10+$0x870];
	v31 =	vadd.f32 v60, v56;
	v29 =	vadd.f32 v50, v29  }
0x149: {  	v56 =	vld [tilespmem:s10+$0x860];
	v32 =	vadd.f32 v61, v32;
	v30 =	vadd.f32 v51, v30  }
0x14a: {  	v27 =	vadd.f32 v62, v27;
	v59 =	vld [tilespmem:s19+$0x10C00];
	v58 =	vadd.f32 v52, v31;
	[tilespmem:s19+$0x14800] =	vst v29  }
0x14b: {  	v28 =	vadd.f32 v63, v28;
	v61 =	vld [tilespmem:s19+$0x10C10];
	v60 =	vadd.f32 v53, v32;
	[tilespmem:s19+$0x14810] =	vst v30  }
0x14c: {  	v62 =	vld [tilespmem:s19+$0x10C20];
	v26 =	vadd.f32 v49, v26;
	v27 =	vadd.f32 v54, v27;
	[tilespmem:s19+$0x14820] =	vst v58  }
0x14d: {  	v25 =	vadd.f32 v48, v25;
	v28 =	vadd.f32 v55, v28;
	[tilespmem:s19+$0x14830] =	vst v60;
	v30 =	vld [tilespmem:s19+$0x10C30]  }
0x14e: {  	v26 =	vadd.f32 v57, v26;
	[tilespmem:s19+$0x14840] =	vst v27;
	v27 =	vld [tilespmem:s19+$0x10C40]  }
0x14f: {  	[tilespmem:s19+$0x14850] =	vst v28;
	v28 =	vld [tilespmem:s19+$0x10C50];
	v25 =	vadd.f32 v56, v25  }
0x150: {  	[tilespmem:s19+$0x14870] =	vst v26;
	v26 =	vld [tilespmem:s19+$0x10C70]  }
0x151: {  	[tilespmem:s19+$0x14860] =	vst v25;
	v25 =	vld [tilespmem:s19+$0x10C60]  }
0x152: {  	v63 =	vld [tilespmem:s9+$0xC00]  }
0x153: {  	v48 =	vld [tilespmem:s9+$0xC10]  }
0x154: {  	v49 =	vld [tilespmem:s9+$0xC20]  }
0x155: {  	v50 =	vld [tilespmem:s9+$0xC30]  }
0x156: {  	v51 =	vld [tilespmem:s9+$0xC40]  }
0x157: {  	v52 =	vld [tilespmem:s9+$0xC50]  }
0x158: {  	v53 =	vld [tilespmem:s9+$0xC60]  }
0x159: {  	v54 =	vld [tilespmem:s9+$0xC70]  }
0x15a: {  	v55 =	vld [tilespmem:s10+$0xC00]  }
0x15b: {  	v56 =	vld [tilespmem:s10+$0xC10]  }
0x15c: {  	v57 =	vld [tilespmem:s10+$0xC20]  }
0x15d: {  	v58 =	vld [tilespmem:s10+$0xC30]  }
0x15e: {  	v60 =	vld [tilespmem:s10+$0xC50];
	v31 =	vadd.f32 v63, v59  }
0x15f: {  	v59 =	vld [tilespmem:s10+$0xC40];
	v32 =	vadd.f32 v48, v61  }
0x160: {  	v29 =	vadd.f32 v49, v62;
	v61 =	vld [tilespmem:s10+$0xC60];
	v31 =	vadd.f32 v55, v31  }
0x161: {  	v62 =	vld [tilespmem:s10+$0xC70];
	v30 =	vadd.f32 v50, v30;
	v32 =	vadd.f32 v56, v32  }
0x162: {  	v63 =	vld [tilespmem:s19+$0x11000];
	v28 =	vadd.f32 v52, v28;
	v29 =	vadd.f32 v57, v29;
	[tilespmem:s19+$0x14C00] =	vst v31  }
0x163: {  	v27 =	vadd.f32 v51, v27;
	v48 =	vld [tilespmem:s19+$0x11040];
	v30 =	vadd.f32 v58, v30;
	[tilespmem:s19+$0x14C10] =	vst v32  }
0x164: {  	v25 =	vadd.f32 v53, v25;
	v49 =	vld [tilespmem:s19+$0x11050];
	v28 =	vadd.f32 v60, v28;
	[tilespmem:s19+$0x14C20] =	vst v29  }
0x165: {  	v26 =	vadd.f32 v54, v26;
	v50 =	vld [tilespmem:s19+$0x11060];
	[tilespmem:s19+$0x14C30] =	vst v30;
	v27 =	vadd.f32 v59, v27  }
0x166: {  	v32 =	vld [tilespmem:s19+$0x11010];
	[tilespmem:s19+$0x14C50] =	vst v28;
	v25 =	vadd.f32 v61, v25  }
0x167: {  	v29 =	vld [tilespmem:s19+$0x11020];
	v26 =	vadd.f32 v62, v26;
	[tilespmem:s19+$0x14C40] =	vst v27  }
0x168: {  	v30 =	vld [tilespmem:s19+$0x11030];
	[tilespmem:s19+$0x14C60] =	vst v25  }
0x169: {  	[tilespmem:s19+$0x14C70] =	vst v26;
	v26 =	vld [tilespmem:s19+$0x11070]  }
0x16a: {  	v51 =	vld [tilespmem:s9+$0x1000]  }
0x16b: {  	v52 =	vld [tilespmem:s9+$0x1010]  }
0x16c: {  	v53 =	vld [tilespmem:s9+$0x1020]  }
0x16d: {  	v54 =	vld [tilespmem:s9+$0x1030]  }
0x16e: {  	v55 =	vld [tilespmem:s9+$0x1040]  }
0x16f: {  	v56 =	vld [tilespmem:s9+$0x1050]  }
0x170: {  	v57 =	vld [tilespmem:s9+$0x1060]  }
0x171: {  	v58 =	vld [tilespmem:s9+$0x1070]  }
0x172: {  	v59 =	vld [tilespmem:s10+$0x1000]  }
0x173: {  	v60 =	vld [tilespmem:s10+$0x1010]  }
0x174: {  	v61 =	vld [tilespmem:s10+$0x1020]  }
0x175: {  	v62 =	vld [tilespmem:s10+$0x1030]  }
0x176: {  	v45 =	vld [tilespmem:s10+$0x1050];
	v31 =	vadd.f32 v51, v63  }
0x177: {  	v46 =	vld [tilespmem:s10+$0x1060];
	v32 =	vadd.f32 v52, v32;
	v29 =	vadd.f32 v53, v29  }
0x178: {  	v47 =	vld [tilespmem:s10+$0x1070];
	v30 =	vadd.f32 v54, v30;
	v31 =	vadd.f32 v59, v31  }
0x179: {  	v63 =	vld [tilespmem:s10+$0x1040];
	v27 =	vadd.f32 v55, v48;
	v32 =	vadd.f32 v60, v32  }
0x17a: {  	v48 =	vld [tilespmem:s19+$0x11400];
	v28 =	vadd.f32 v56, v49;
	v29 =	vadd.f32 v61, v29;
	[tilespmem:s19+$0x15000] =	vst v31  }
0x17b: {  	v49 =	vld [tilespmem:s19+$0x11410];
	v25 =	vadd.f32 v57, v50;
	v30 =	vadd.f32 v62, v30;
	[tilespmem:s19+$0x15010] =	vst v32  }
0x17c: {  	v50 =	vld [tilespmem:s19+$0x11420];
	v26 =	vadd.f32 v58, v26;
	v28 =	vadd.f32 v45, v28;
	[tilespmem:s19+$0x15020] =	vst v29  }
0x17d: {  	v51 =	vld [tilespmem:s19+$0x11440];
	v25 =	vadd.f32 v46, v25;
	[tilespmem:s19+$0x15030] =	vst v30  }
0x17e: {  	v26 =	vadd.f32 v47, v26;
	v30 =	vld [tilespmem:s19+$0x11430];
	[tilespmem:s19+$0x15050] =	vst v28  }
0x17f: {  	v28 =	vld [tilespmem:s19+$0x11450];
	[tilespmem:s19+$0x15060] =	vst v25;
	v27 =	vadd.f32 v63, v27  }
0x180: {  	v25 =	vld [tilespmem:s19+$0x11460];
	[tilespmem:s19+$0x15070] =	vst v26  }
0x181: {  	v26 =	vld [tilespmem:s19+$0x11470];
	[tilespmem:s19+$0x15040] =	vst v27  }
0x182: {  	v52 =	vld [tilespmem:s9+$0x1400]  }
0x183: {  	v53 =	vld [tilespmem:s9+$0x1410]  }
0x184: {  	v54 =	vld [tilespmem:s9+$0x1420]  }
0x185: {  	v55 =	vld [tilespmem:s9+$0x1430]  }
0x186: {  	v56 =	vld [tilespmem:s9+$0x1440]  }
0x187: {  	v57 =	vld [tilespmem:s9+$0x1450]  }
0x188: {  	v58 =	vld [tilespmem:s9+$0x1460]  }
0x189: {  	v59 =	vld [tilespmem:s9+$0x1470]  }
0x18a: {  	v60 =	vld [tilespmem:s10+$0x1400]  }
0x18b: {  	v61 =	vld [tilespmem:s10+$0x1410]  }
0x18c: {  	v62 =	vld [tilespmem:s10+$0x1420]  }
0x18d: {  	v63 =	vld [tilespmem:s10+$0x1430]  }
0x18e: {  	v47 =	vld [tilespmem:s10+$0x1440];
	v31 =	vadd.f32 v52, v48  }
0x18f: {  	v32 =	vadd.f32 v53, v49;
	v48 =	vld [tilespmem:s10+$0x1450]  }
0x190: {  	v29 =	vadd.f32 v54, v50;
	v49 =	vld [tilespmem:s10+$0x1460];
	v31 =	vadd.f32 v60, v31  }
0x191: {  	v50 =	vld [tilespmem:s10+$0x1470];
	v30 =	vadd.f32 v55, v30;
	v32 =	vadd.f32 v61, v32  }
0x192: {  	v27 =	vadd.f32 v56, v51;
	v51 =	vld [tilespmem:s19+$0x11800];
	v29 =	vadd.f32 v62, v29;
	[tilespmem:s19+$0x15400] =	vst v31  }
0x193: {  	v28 =	vadd.f32 v57, v28;
	v52 =	vld [tilespmem:s19+$0x11810];
	v30 =	vadd.f32 v63, v30;
	[tilespmem:s19+$0x15410] =	vst v32  }
0x194: {  	v25 =	vadd.f32 v58, v25;
	v53 =	vld [tilespmem:s19+$0x11820];
	v27 =	vadd.f32 v47, v27;
	[tilespmem:s19+$0x15420] =	vst v29  }
0x195: {  	v26 =	vadd.f32 v59, v26;
	v54 =	vld [tilespmem:s19+$0x11830];
	[tilespmem:s19+$0x15430] =	vst v30;
	v28 =	vadd.f32 v48, v28  }
0x196: {  	[tilespmem:s19+$0x15440] =	vst v27;
	v27 =	vld [tilespmem:s19+$0x11840];
	v25 =	vadd.f32 v49, v25  }
0x197: {  	v26 =	vadd.f32 v50, v26;
	[tilespmem:s19+$0x15450] =	vst v28;
	v28 =	vld [tilespmem:s19+$0x11850]  }
0x198: {  	[tilespmem:s19+$0x15460] =	vst v25;
	v25 =	vld [tilespmem:s19+$0x11860]  }
0x199: {  	[tilespmem:s19+$0x15470] =	vst v26;
	v26 =	vld [tilespmem:s19+$0x11870]  }
0x19a: {  	v55 =	vld [tilespmem:s9+$0x1800]  }
0x19b: {  	v56 =	vld [tilespmem:s9+$0x1810]  }
0x19c: {  	v57 =	vld [tilespmem:s9+$0x1820]  }
0x19d: {  	v58 =	vld [tilespmem:s9+$0x1830]  }
0x19e: {  	v59 =	vld [tilespmem:s9+$0x1840]  }
0x19f: {  	v60 =	vld [tilespmem:s9+$0x1850]  }
0x1a0: {  	v61 =	vld [tilespmem:s9+$0x1860]  }
0x1a1: {  	v62 =	vld [tilespmem:s9+$0x1870]  }
0x1a2: {  	v63 =	vld [tilespmem:s10+$0x1800]  }
0x1a3: {  	v48 =	vld [tilespmem:s10+$0x1810]  }
0x1a4: {  	v49 =	vld [tilespmem:s10+$0x1820]  }
0x1a5: {  	v50 =	vld [tilespmem:s10+$0x1830]  }
0x1a6: {  	v31 =	vadd.f32 v55, v51;
	v51 =	vld [tilespmem:s10+$0x1840]  }
0x1a7: {  	v32 =	vadd.f32 v56, v52;
	v52 =	vld [tilespmem:s10+$0x1850]  }
0x1a8: {  	v29 =	vadd.f32 v57, v53;
	v53 =	vld [tilespmem:s10+$0x1860];
	v31 =	vadd.f32 v63, v31  }
0x1a9: {  	v30 =	vadd.f32 v58, v54;
	v54 =	vld [tilespmem:s10+$0x1870];
	v32 =	vadd.f32 v48, v32  }
0x1aa: {  	v27 =	vadd.f32 v59, v27;
	v55 =	vld [tilespmem:s19+$0x11C00];
	v29 =	vadd.f32 v49, v29;
	[tilespmem:s19+$0x15800] =	vst v31  }
0x1ab: {  	v28 =	vadd.f32 v60, v28;
	v56 =	vld [tilespmem:s19+$0x11C10];
	v30 =	vadd.f32 v50, v30;
	[tilespmem:s19+$0x15810] =	vst v32  }
0x1ac: {  	v25 =	vadd.f32 v61, v25;
	v57 =	vld [tilespmem:s19+$0x11C20];
	[tilespmem:s19+$0x15820] =	vst v29;
	v27 =	vadd.f32 v51, v27  }
0x1ad: {  	v26 =	vadd.f32 v62, v26;
	v58 =	vld [tilespmem:s19+$0x11C30];
	[tilespmem:s19+$0x15830] =	vst v30;
	v28 =	vadd.f32 v52, v28  }
0x1ae: {  	v59 =	vld [tilespmem:s19+$0x11C40];
	v25 =	vadd.f32 v53, v25;
	[tilespmem:s19+$0x15840] =	vst v27  }
0x1af: {  	v60 =	vld [tilespmem:s19+$0x11C50];
	v26 =	vadd.f32 v54, v26;
	[tilespmem:s19+$0x15850] =	vst v28  }
0x1b0: {  	s8 =	sor.u32 s19, s8;
	v61 =	vld [tilespmem:s19+$0x11C60];
	[tilespmem:s19+$0x15860] =	vst v25  }
0x1b1: {  	s7 =	sor.u32 s20, s7;
	s10 =	sor.u32 $0x1C00, s8;
	[tilespmem:s19+$0x15870] =	vst v26;
	v26 =	vld [tilespmem:s19+$0x11C70]  }
0x1b2: {  	s20 =	sor.u32 $0x1C10, s7;
	v62 =	vld [tilespmem:s10+$0x0]  }
0x1b3: {  	v3 =	vadd.f32 v11, v3;
	s9 =	sor.u32 $0x1C20, s7;
	v49 =	vld [tilespmem:s20+$0x18000]  }
0x1b4: {  	s10 =	sor.u32 $0x1C10, s8;
	v51 =	vld [tilespmem:s9+$0x18000]  }
0x1b5: {  	v3 =	vadd.f32 v16, v3;
	s20 =	sor.u32 $0x1C40, s7;
	v63 =	vld [tilespmem:s10+$0x0]  }
0x1b6: {  	v4 =	vadd.f32 v19, v4;
	v6 =	vadd.f32 v18, v6;
	s9 =	sor.u32 $0x1C50, s7;
	v54 =	vld [tilespmem:s20+$0x18000]  }
0x1b7: {  	v8 =	vadd.f32 v17, v8;
	v7 =	vadd.f32 v14, v7;
	[tilespmem:s18+$0x15C50] =	vst v3;
	s10 =	sor.u32 $0x1C20, s8;
	v3 =	vld [tilespmem:s9+$0x18000]  }
0x1b8: {  	v2 =	vadd.f32 v10, v2;
	v4 =	vadd.f32 v24, v4;
	v40 =	vld [tilespmem:s10+$0x0];
	s10 =	sor.u32 $0x1C30, s8  }
0x1b9: {  	v1 =	vadd.f32 v9, v1;
	v6 =	vadd.f32 v23, v6;
	v41 =	vld [tilespmem:s10+$0x0];
	s10 =	sor.u32 $0x1C40, s8  }
0x1ba: {  	v5 =	vadd.f32 v12, v5;
	v2 =	vadd.f32 v15, v2;
	[tilespmem:s18+$0x15C00] =	vst v4;
	v42 =	vld [tilespmem:s10+$0x0];
	s10 =	sor.u32 $0x1C50, s8  }
0x1bb: {  	v1 =	vadd.f32 v13, v1;
	[tilespmem:s18+$0x15C10] =	vst v6;
	v46 =	vadd.f32 v22, v8;
	v43 =	vld [tilespmem:s10+$0x0];
	s10 =	sor.u32 $0x1C60, s8  }
0x1bc: {  	[tilespmem:s18+$0x15C60] =	vst v2;
	v48 =	vadd.f32 v21, v7;
	v50 =	vadd.f32 v20, v5;
	v44 =	vld [tilespmem:s10+$0x0];
	s10 =	sor.u32 $0x1C00, s7  }
0x1bd: {  	[tilespmem:s18+$0x15C70] =	vst v1;
	s8 =	sor.u32 $0x1C70, s8;
	v53 =	vadd.f32 v62, v55;
	v55 =	vadd.f32 v63, v56;
	v47 =	vld [tilespmem:s10+$0x18000]  }
0x1be: {  	[tilespmem:s18+$0x15C20] =	vst v46;
	v45 =	vld [tilespmem:s8+$0x0];
	s10 =	sor.u32 $0x1C30, s7;
	v56 =	vadd.f32 v40, v57;
	v57 =	vadd.f32 v41, v58  }
0x1bf: {  	[tilespmem:s18+$0x15C30] =	vst v48;
	v52 =	vld [tilespmem:s10+$0x18000];
	s10 =	sor.u32 $0x1C60, s7;
	v7 =	vadd.f32 v49, v55;
	v58 =	vadd.f32 v42, v59  }
0x1c0: {  	[tilespmem:s18+$0x15C40] =	vst v50;
	s7 =	sor.u32 $0x1C70, s7;
	v2 =	vld [tilespmem:s10+$0x18000];
	v59 =	vadd.f32 v51, v56  }
0x1c1: {  	v1 =	vld [tilespmem:s7+$0x18000];
	v60 =	vadd.f32 v43, v60;
	[tilespmem:s19+$0x15C10] =	vst v7;
	v62 =	vadd.f32 v54, v58  }
0x1c2: {  	[tilespmem:s19+$0x15C20] =	vst v59;
	v4 =	vadd.f32 v47, v53  }
0x1c3: {  	p1 =	slt.u32 s17, $0x6;
	v61 =	vadd.f32 v44, v61;
	v3 =	vadd.f32 v3, v60;
	[tilespmem:s19+$0x15C40] =	vst v62  }
.Ltmp2:
0x1c4: {  	v63 =	vadd.f32 v45, v26;
	v6 =	vadd.f32 v52, v57;
	[tilespmem:s19+$0x15C00] =	vst v4;
	(pc) =	sbr.rel @p1 .LBB2_3-.Ltmp2, $4  }
0x1c5: {  	v2 =	vadd.f32 v2, v61;
	[tilespmem:s19+$0x15C50] =	vst v3  }
0x1c6: {  	v1 =	vadd.f32 v1, v63;
	[tilespmem:s19+$0x15C30] =	vst v6  }
0x1c7: {  	s20 =	sadd.s32 $0x2, s17;
	[tilespmem:s19+$0x15C60] =	vst v2  }
0x1c8: {  	s17 =	smov.u32 s20;
	[tilespmem:s19+$0x15C70] =	vst v1  }
0x1c9: {  	s7 =	sshll.u32 s15, $0xB;
	p1 =	sne.s32 s31, $0xF  }
.Ltmp3:
0x1ca: {  	s15 =	sor.u32 s6, s7;
	(pc) =	sbr.rel @p1 .LBB2_6-.Ltmp3, $4  }
0x1cb: {  	s7 =	sor.u32 s3, s15  }
0x1cc: {  	s7 =	sshll.u32 s7, $0x7  }
0x1cd: {  	s7 =	sadd.s32 s4, s7  }
0x1ce: {  	[hbm4b:s7+s5] =	stream.linear.scatter [tilespmem:s24], [sflag:$0x3], $0x2000, $0x38;
	[tilespmem:$0x1A180] =	vst v63  }
.Ltmp4:
0x1cf: {  	(pc) =	sbr.rel .LBB2_7-.Ltmp4, $4  }
0x1d0: {  	_ = 	snop  }
0x1d1: {  	_ =	swait.ge [sflag:s25], $0x2000  }
0x1d2: {  	[sflag:s25] =	ssyncset.done $0x0  }
0x1d3: {  	[sflag:s25] =	ssyncadd.s32 $0xFFFFE000  }
.LBB2_6:
0x1d4: {  	s7 =	sadd.s32 $0x2, s0  }
0x1d5: {  	s8 =	sshll.u32 s7, $0x3;
	s7 =	sshll.u32 s7, $0x8  }
0x1d6: {  	s8 =	sand.u32 $0x30, s8;
	s7 =	sand.u32 $0x3800, s7  }
0x1d7: {  	s7 =	sor.u32 s8, s7  }
0x1d8: {  	s7 =	sor.u32 s6, s7  }
0x1d9: {  	s7 =	sshll.u32 s7, $0x7  }
.Ltmp5:
0x1da: {  	s7 =	sadd.s32 s1, s7;
	(pc) =	sbr.rel @p0 .LBB2_8-.Ltmp5, $4  }
0x1db: {  	[tilespmem:s21], [sflag:$0x1] =	stream.linear.gather [hbm4b:s7+s5], $0x2000, $0x38;
	[tilespmem:$0x1A180] =	vst v63  }
0x1dc: {  	_ =	swait.ge [sflag:s25], $0x2000  }
0x1dd: {  	[sflag:s25] =	ssyncset.done $0x0  }
0x1de: {  	[sflag:s25] =	ssyncadd.s32 $0xFFFFE000  }
.LBB2_7:
0x1df: {  	_ =	swait.ge [sflag:s26], $0x2000  }
0x1e0: {  	[sflag:s26] =	ssyncset.done $0x0  }
0x1e1: {  	[sflag:s26] =	ssyncadd.s32 $0xFFFFE000  }
.LBB2_8:
0x1e2: {  	s3 =	sor.u32 $0x8, s3  }
0x1e3: {  	s7 =	sadd.s32 s3, s2  }
0x1e4: {  	v0 =	vmov s7;
	_ =	sdelay $0x3  }
0x1e5: {  	s2 =	simm.s32 $0x0  }
.LBB2_9:
0x1e6: {  	v1 =	vld.idx.msk [tilespmem:v0+s2+$0x0 ss:$0x1], $0xffff;
	_ =	sdelay $0x4  }
0x1e7: {  	s17 =	sshll.u32 s2, $0x7;
	(v2sf) =	vpush v1, $0x0  }
0x1e8: {  	v2 =	vld [tilespmem:s17+$0x12010]  }
0x1e9: {  	v3 =	vld [tilespmem:s17+$0x12020]  }
0x1ea: {  	v4 =	vld [tilespmem:s17+$0x12030]  }
0x1eb: {  	s7 =	sor.u32 s3, s2;
	v5 =	vld [tilespmem:s17+$0x12040]  }
0x1ec: {  	v6 =	vld [tilespmem:s17+$0x12050];
	s8 =	sshll.u32 s7, $0xA  }
0x1ed: {  	v7 =	vld [tilespmem:s17+$0x12060];
	s7 =	sand.u32 $0xE000, s8  }
0x1ee: {  	v8 =	vld [tilespmem:s17+$0x12070];
	s9 =	sadd.s32 s17, s7  }
0x1ef: {  	v9 =	vld [tilespmem:s9+$0x0]  }
0x1f0: {  	v10 =	vld [tilespmem:s9+$0x10]  }
0x1f1: {  	v11 =	vld [tilespmem:s9+$0x20]  }
0x1f2: {  	v12 =	vld [tilespmem:s9+$0x30]  }
0x1f3: {  	v13 =	vld [tilespmem:s9+$0x40]  }
0x1f4: {  	v14 =	vld [tilespmem:s9+$0x50]  }
0x1f5: {  	v15 =	vld [tilespmem:s9+$0x60]  }
0x1f6: {  	v1 =	vld [tilespmem:s17+$0x12000];
	s20 =	spop (v2sf)  }
0x1f7: {  	v16 =	vld [tilespmem:s9+$0x70]  }
0x1f8: {  	v51 =	vld [tilespmem:s17+$0x12410]  }
0x1f9: {  	v52 =	vld [tilespmem:s17+$0x12420]  }
0x1fa: {  	v53 =	vld [tilespmem:s17+$0x12430]  }
0x1fb: {  	s18 =	sshll.u32 s20, $0xA;
	s7 =	sshll.u32 s20, $0x7;
	v54 =	vld [tilespmem:s17+$0x12440]  }
0x1fc: {  	v55 =	vld [tilespmem:s17+$0x12450];
	s10 =	sand.u32 $0xFFFFE000, s18;
	s19 =	sand.u32 $0x380, s7  }
0x1fd: {  	v32 =	vld [tilespmem:s17+$0x12800];
	s10 =	sor.u32 s19, s10  }
0x1fe: {  	s7 =	sadd.s32 $0x18000, s10;
	v17 =	vld [tilespmem:s10+$0x18000]  }
0x1ff: {  	v18 =	vld [tilespmem:s7+$0x10]  }
0x200: {  	v19 =	vld [tilespmem:s7+$0x20]  }
0x201: {  	v1 =	vadd.f32 v9, v1;
	v20 =	vld [tilespmem:s7+$0x30]  }
0x202: {  	v2 =	vadd.f32 v10, v2;
	v21 =	vld [tilespmem:s7+$0x40]  }
0x203: {  	v3 =	vadd.f32 v11, v3;
	v48 =	vld [tilespmem:s7+$0x50];
	v1 =	vadd.f32 v17, v1  }
0x204: {  	v4 =	vadd.f32 v12, v4;
	v49 =	vld [tilespmem:s7+$0x60];
	v2 =	vadd.f32 v18, v2  }
0x205: {  	v5 =	vadd.f32 v13, v5;
	v50 =	vld [tilespmem:s7+$0x70];
	[tilespmem:s17+$0x16000] =	vst v1;
	v1 =	vadd.f32 v19, v3  }
0x206: {  	v6 =	vadd.f32 v14, v6;
	v34 =	vld [tilespmem:s17+$0x12810];
	[tilespmem:s17+$0x16010] =	vst v2;
	v2 =	vadd.f32 v20, v4  }
0x207: {  	v7 =	vadd.f32 v15, v7;
	v35 =	vld [tilespmem:s17+$0x12820];
	[tilespmem:s17+$0x16020] =	vst v1;
	v1 =	vadd.f32 v21, v5  }
0x208: {  	v37 =	vld [tilespmem:s17+$0x12830];
	v8 =	vadd.f32 v16, v8;
	[tilespmem:s17+$0x16030] =	vst v2;
	v2 =	vadd.f32 v48, v6  }
0x209: {  	v38 =	vld [tilespmem:s17+$0x12850];
	[tilespmem:s17+$0x16040] =	vst v1;
	v1 =	vadd.f32 v49, v7  }
0x20a: {  	v3 =	vld [tilespmem:s17+$0x12400];
	[tilespmem:s17+$0x16050] =	vst v2;
	v2 =	vadd.f32 v50, v8  }
0x20b: {  	[tilespmem:s17+$0x16060] =	vst v1;
	v1 =	vld [tilespmem:s17+$0x12460]  }
0x20c: {  	[tilespmem:s17+$0x16070] =	vst v2;
	v2 =	vld [tilespmem:s17+$0x12470]  }
0x20d: {  	v56 =	vld [tilespmem:s9+$0x400]  }
0x20e: {  	v57 =	vld [tilespmem:s9+$0x410]  }
0x20f: {  	v58 =	vld [tilespmem:s9+$0x420]  }
0x210: {  	v59 =	vld [tilespmem:s9+$0x430]  }
0x211: {  	v60 =	vld [tilespmem:s9+$0x440]  }
0x212: {  	v61 =	vld [tilespmem:s9+$0x450]  }
0x213: {  	v62 =	vld [tilespmem:s9+$0x460]  }
0x214: {  	v63 =	vld [tilespmem:s9+$0x470]  }
0x215: {  	v24 =	vld [tilespmem:s7+$0x400]  }
0x216: {  	v25 =	vld [tilespmem:s7+$0x410]  }
0x217: {  	v26 =	vld [tilespmem:s7+$0x420]  }
0x218: {  	v27 =	vld [tilespmem:s7+$0x430]  }
0x219: {  	v29 =	vld [tilespmem:s7+$0x450];
	v3 =	vadd.f32 v56, v3  }
0x21a: {  	v30 =	vld [tilespmem:s7+$0x460];
	v4 =	vadd.f32 v57, v51  }
0x21b: {  	v28 =	vld [tilespmem:s7+$0x440];
	v6 =	vadd.f32 v59, v53;
	v3 =	vadd.f32 v24, v3  }
0x21c: {  	v31 =	vld [tilespmem:s7+$0x470];
	v8 =	vadd.f32 v61, v55;
	v4 =	vadd.f32 v25, v4  }
0x21d: {  	v1 =	vadd.f32 v62, v1;
	v56 =	vld [tilespmem:s17+$0x12C00];
	v33 =	vadd.f32 v27, v6;
	[tilespmem:s17+$0x16400] =	vst v3  }
0x21e: {  	v5 =	vadd.f32 v58, v52;
	v58 =	vld [tilespmem:s17+$0x12C10];
	v36 =	vadd.f32 v29, v8;
	[tilespmem:s17+$0x16410] =	vst v4  }
0x21f: {  	v2 =	vadd.f32 v63, v2;
	v59 =	vld [tilespmem:s17+$0x12C20];
	v1 =	vadd.f32 v30, v1;
	[tilespmem:s17+$0x16430] =	vst v33  }
0x220: {  	v7 =	vadd.f32 v60, v54;
	v60 =	vld [tilespmem:s17+$0x12C30];
	v3 =	vadd.f32 v26, v5;
	[tilespmem:s17+$0x16450] =	vst v36  }
0x221: {  	v61 =	vld [tilespmem:s17+$0x12C50];
	v2 =	vadd.f32 v31, v2;
	[tilespmem:s17+$0x16460] =	vst v1  }
0x222: {  	v1 =	vld [tilespmem:s17+$0x12860];
	[tilespmem:s17+$0x16420] =	vst v3;
	v3 =	vadd.f32 v28, v7  }
0x223: {  	[tilespmem:s17+$0x16470] =	vst v2;
	v2 =	vld [tilespmem:s17+$0x12870]  }
0x224: {  	[tilespmem:s17+$0x16440] =	vst v3;
	v3 =	vld [tilespmem:s17+$0x12840]  }
0x225: {  	v39 =	vld [tilespmem:s9+$0x800]  }
0x226: {  	v40 =	vld [tilespmem:s9+$0x810]  }
0x227: {  	v41 =	vld [tilespmem:s9+$0x820]  }
0x228: {  	v42 =	vld [tilespmem:s9+$0x830]  }
0x229: {  	v43 =	vld [tilespmem:s9+$0x840]  }
0x22a: {  	v44 =	vld [tilespmem:s9+$0x850]  }
0x22b: {  	v45 =	vld [tilespmem:s9+$0x860]  }
0x22c: {  	v46 =	vld [tilespmem:s9+$0x870]  }
0x22d: {  	v47 =	vld [tilespmem:s7+$0x800]  }
0x22e: {  	v48 =	vld [tilespmem:s7+$0x810]  }
0x22f: {  	v49 =	vld [tilespmem:s7+$0x820]  }
0x230: {  	v50 =	vld [tilespmem:s7+$0x830];
	v5 =	vadd.f32 v39, v32  }
0x231: {  	v51 =	vld [tilespmem:s7+$0x840];
	v6 =	vadd.f32 v40, v34  }
0x232: {  	v52 =	vld [tilespmem:s7+$0x850];
	v7 =	vadd.f32 v41, v35;
	v5 =	vadd.f32 v47, v5  }
0x233: {  	v53 =	vld [tilespmem:s7+$0x860];
	v8 =	vadd.f32 v42, v37;
	v6 =	vadd.f32 v48, v6  }
0x234: {  	v54 =	vld [tilespmem:s7+$0x870];
	v3 =	vadd.f32 v43, v3;
	v55 =	vadd.f32 v49, v7;
	[tilespmem:s17+$0x16800] =	vst v5  }
0x235: {  	v4 =	vadd.f32 v44, v38;
	v38 =	vld [tilespmem:s17+$0x13000];
	v57 =	vadd.f32 v50, v8;
	[tilespmem:s17+$0x16810] =	vst v6  }
0x236: {  	v1 =	vadd.f32 v45, v1;
	v39 =	vld [tilespmem:s17+$0x13010];
	v3 =	vadd.f32 v51, v3;
	[tilespmem:s17+$0x16820] =	vst v55  }
0x237: {  	v2 =	vadd.f32 v46, v2;
	v40 =	vld [tilespmem:s17+$0x13020];
	v4 =	vadd.f32 v52, v4;
	[tilespmem:s17+$0x16830] =	vst v57  }
0x238: {  	v41 =	vld [tilespmem:s17+$0x13030];
	v1 =	vadd.f32 v53, v1;
	[tilespmem:s17+$0x16840] =	vst v3  }
0x239: {  	v2 =	vadd.f32 v54, v2;
	v3 =	vld [tilespmem:s17+$0x12C40];
	[tilespmem:s17+$0x16850] =	vst v4  }
0x23a: {  	[tilespmem:s17+$0x16860] =	vst v1;
	v1 =	vld [tilespmem:s17+$0x12C60]  }
0x23b: {  	[tilespmem:s17+$0x16870] =	vst v2;
	v2 =	vld [tilespmem:s17+$0x12C70]  }
0x23c: {  	v62 =	vld [tilespmem:s9+$0xC00]  }
0x23d: {  	v63 =	vld [tilespmem:s9+$0xC10]  }
0x23e: {  	v24 =	vld [tilespmem:s9+$0xC20]  }
0x23f: {  	v25 =	vld [tilespmem:s9+$0xC30]  }
0x240: {  	v26 =	vld [tilespmem:s9+$0xC40]  }
0x241: {  	v27 =	vld [tilespmem:s9+$0xC50]  }
0x242: {  	v28 =	vld [tilespmem:s9+$0xC60]  }
0x243: {  	v29 =	vld [tilespmem:s9+$0xC70]  }
0x244: {  	v30 =	vld [tilespmem:s7+$0xC00]  }
0x245: {  	v31 =	vld [tilespmem:s7+$0xC10]  }
0x246: {  	v32 =	vld [tilespmem:s7+$0xC20]  }
0x247: {  	v33 =	vld [tilespmem:s7+$0xC30];
	v7 =	vadd.f32 v62, v56  }
0x248: {  	v34 =	vld [tilespmem:s7+$0xC40];
	v8 =	vadd.f32 v63, v58  }
0x249: {  	v35 =	vld [tilespmem:s7+$0xC50];
	v5 =	vadd.f32 v24, v59;
	v7 =	vadd.f32 v30, v7  }
0x24a: {  	v36 =	vld [tilespmem:s7+$0xC60];
	v6 =	vadd.f32 v25, v60;
	v8 =	vadd.f32 v31, v8  }
0x24b: {  	v37 =	vld [tilespmem:s7+$0xC70];
	v3 =	vadd.f32 v26, v3;
	v5 =	vadd.f32 v32, v5;
	[tilespmem:s17+$0x16C00] =	vst v7  }
0x24c: {  	v42 =	vld [tilespmem:s17+$0x13050];
	v4 =	vadd.f32 v27, v61;
	v6 =	vadd.f32 v33, v6;
	[tilespmem:s17+$0x16C10] =	vst v8  }
0x24d: {  	v1 =	vadd.f32 v28, v1;
	v59 =	vld [tilespmem:s17+$0x13400];
	v3 =	vadd.f32 v34, v3;
	[tilespmem:s17+$0x16C20] =	vst v5  }
0x24e: {  	v2 =	vadd.f32 v29, v2;
	v60 =	vld [tilespmem:s17+$0x13410];
	v4 =	vadd.f32 v35, v4;
	[tilespmem:s17+$0x16C30] =	vst v6  }
0x24f: {  	v61 =	vld [tilespmem:s17+$0x13420];
	v1 =	vadd.f32 v36, v1;
	[tilespmem:s17+$0x16C40] =	vst v3  }
0x250: {  	v2 =	vadd.f32 v37, v2;
	v3 =	vld [tilespmem:s17+$0x13040];
	[tilespmem:s17+$0x16C50] =	vst v4  }
0x251: {  	[tilespmem:s17+$0x16C60] =	vst v1;
	v1 =	vld [tilespmem:s17+$0x13060]  }
0x252: {  	[tilespmem:s17+$0x16C70] =	vst v2;
	v2 =	vld [tilespmem:s17+$0x13070]  }
0x253: {  	v43 =	vld [tilespmem:s9+$0x1000]  }
0x254: {  	v44 =	vld [tilespmem:s9+$0x1010]  }
0x255: {  	v45 =	vld [tilespmem:s9+$0x1020]  }
0x256: {  	v46 =	vld [tilespmem:s9+$0x1030]  }
0x257: {  	v47 =	vld [tilespmem:s9+$0x1040]  }
0x258: {  	v48 =	vld [tilespmem:s9+$0x1050]  }
0x259: {  	v49 =	vld [tilespmem:s9+$0x1060]  }
0x25a: {  	v50 =	vld [tilespmem:s9+$0x1070]  }
0x25b: {  	v51 =	vld [tilespmem:s7+$0x1000]  }
0x25c: {  	v52 =	vld [tilespmem:s7+$0x1010]  }
0x25d: {  	v53 =	vld [tilespmem:s7+$0x1020]  }
0x25e: {  	v54 =	vld [tilespmem:s7+$0x1030];
	v7 =	vadd.f32 v43, v38  }
0x25f: {  	v55 =	vld [tilespmem:s7+$0x1040];
	v8 =	vadd.f32 v44, v39  }
0x260: {  	v56 =	vld [tilespmem:s7+$0x1050];
	v5 =	vadd.f32 v45, v40;
	v7 =	vadd.f32 v51, v7  }
0x261: {  	v57 =	vld [tilespmem:s7+$0x1060];
	v6 =	vadd.f32 v46, v41;
	v8 =	vadd.f32 v52, v8  }
0x262: {  	v58 =	vld [tilespmem:s7+$0x1070];
	v3 =	vadd.f32 v47, v3;
	v5 =	vadd.f32 v53, v5;
	[tilespmem:s17+$0x17000] =	vst v7  }
0x263: {  	v62 =	vld [tilespmem:s17+$0x13430];
	v4 =	vadd.f32 v48, v42;
	v6 =	vadd.f32 v54, v6;
	[tilespmem:s17+$0x17010] =	vst v8  }
0x264: {  	v63 =	vld [tilespmem:s17+$0x13450];
	v1 =	vadd.f32 v49, v1;
	v3 =	vadd.f32 v55, v3;
	[tilespmem:s17+$0x17020] =	vst v5  }
0x265: {  	v2 =	vadd.f32 v50, v2;
	v40 =	vld [tilespmem:s17+$0x13800];
	v4 =	vadd.f32 v56, v4;
	[tilespmem:s17+$0x17030] =	vst v6  }
0x266: {  	v41 =	vld [tilespmem:s17+$0x13810];
	v1 =	vadd.f32 v57, v1;
	[tilespmem:s17+$0x17040] =	vst v3  }
0x267: {  	v2 =	vadd.f32 v58, v2;
	v3 =	vld [tilespmem:s17+$0x13440];
	[tilespmem:s17+$0x17050] =	vst v4  }
0x268: {  	[tilespmem:s17+$0x17060] =	vst v1;
	v1 =	vld [tilespmem:s17+$0x13460]  }
0x269: {  	[tilespmem:s17+$0x17070] =	vst v2;
	v2 =	vld [tilespmem:s17+$0x13470]  }
0x26a: {  	v24 =	vld [tilespmem:s9+$0x1400]  }
0x26b: {  	v25 =	vld [tilespmem:s9+$0x1410]  }
0x26c: {  	v26 =	vld [tilespmem:s9+$0x1420]  }
0x26d: {  	v27 =	vld [tilespmem:s9+$0x1430]  }
0x26e: {  	v28 =	vld [tilespmem:s9+$0x1440]  }
0x26f: {  	v29 =	vld [tilespmem:s9+$0x1450]  }
0x270: {  	v30 =	vld [tilespmem:s9+$0x1460]  }
0x271: {  	v31 =	vld [tilespmem:s9+$0x1470]  }
0x272: {  	v32 =	vld [tilespmem:s7+$0x1400]  }
0x273: {  	v33 =	vld [tilespmem:s7+$0x1410]  }
0x274: {  	v34 =	vld [tilespmem:s7+$0x1420]  }
0x275: {  	v35 =	vld [tilespmem:s7+$0x1430];
	v7 =	vadd.f32 v24, v59  }
0x276: {  	v36 =	vld [tilespmem:s7+$0x1440];
	v8 =	vadd.f32 v25, v60  }
0x277: {  	v38 =	vld [tilespmem:s7+$0x1460];
	v5 =	vadd.f32 v26, v61;
	v7 =	vadd.f32 v32, v7  }
0x278: {  	v39 =	vld [tilespmem:s7+$0x1470];
	v6 =	vadd.f32 v27, v62;
	v8 =	vadd.f32 v33, v8  }
0x279: {  	v37 =	vld [tilespmem:s7+$0x1450];
	v3 =	vadd.f32 v28, v3;
	v5 =	vadd.f32 v34, v5;
	[tilespmem:s17+$0x17400] =	vst v7  }
0x27a: {  	v42 =	vld [tilespmem:s17+$0x13820];
	v1 =	vadd.f32 v30, v1;
	v6 =	vadd.f32 v35, v6;
	[tilespmem:s17+$0x17410] =	vst v8  }
0x27b: {  	v43 =	vld [tilespmem:s17+$0x13830];
	v2 =	vadd.f32 v31, v2;
	v3 =	vadd.f32 v36, v3;
	[tilespmem:s17+$0x17420] =	vst v5  }
0x27c: {  	v44 =	vld [tilespmem:s17+$0x13850];
	v4 =	vadd.f32 v29, v63;
	v1 =	vadd.f32 v38, v1;
	[tilespmem:s17+$0x17430] =	vst v6  }
0x27d: {  	v2 =	vadd.f32 v39, v2;
	[tilespmem:s17+$0x17440] =	vst v3;
	v3 =	vld [tilespmem:s17+$0x13840]  }
0x27e: {  	v4 =	vadd.f32 v37, v4;
	[tilespmem:s17+$0x17460] =	vst v1;
	v1 =	vld [tilespmem:s17+$0x13860]  }
0x27f: {  	s8 =	sor.u32 s17, s8;
	[tilespmem:s17+$0x17470] =	vst v2;
	v2 =	vld [tilespmem:s17+$0x13870]  }
0x280: {  	s10 =	sor.u32 $0x1800, s8;
	[tilespmem:s17+$0x17450] =	vst v4;
	v7 =	vld [tilespmem:s17+$0x13C30]  }
0x281: {  	s20 =	sor.u32 $0x1810, s8;
	v4 =	vld [tilespmem:s10+$0x0]  }
0x282: {  	v45 =	vld [tilespmem:s20+$0x0]  }
0x283: {  	v52 =	vld [tilespmem:s7+$0x1800]  }
0x284: {  	v53 =	vld [tilespmem:s7+$0x1810]  }
0x285: {  	v54 =	vld [tilespmem:s7+$0x1820]  }
0x286: {  	v55 =	vld [tilespmem:s7+$0x1830]  }
0x287: {  	v56 =	vld [tilespmem:s7+$0x1840]  }
0x288: {  	v57 =	vld [tilespmem:s7+$0x1850]  }
0x289: {  	s10 =	sor.u32 $0x1820, s8;
	v58 =	vld [tilespmem:s7+$0x1860]  }
0x28a: {  	s20 =	sor.u32 $0x1830, s8;
	v46 =	vld [tilespmem:s10+$0x0]  }
0x28b: {  	v47 =	vld [tilespmem:s20+$0x0];
	s10 =	sor.u32 $0x1840, s8  }
0x28c: {  	s20 =	sor.u32 $0x1850, s8;
	v48 =	vld [tilespmem:s10+$0x0]  }
0x28d: {  	v49 =	vld [tilespmem:s20+$0x0];
	s10 =	sor.u32 $0x1860, s8;
	v4 =	vadd.f32 v4, v40  }
0x28e: {  	s20 =	sor.u32 $0x1870, s8;
	v50 =	vld [tilespmem:s10+$0x0];
	v8 =	vadd.f32 v45, v41  }
0x28f: {  	v51 =	vld [tilespmem:s20+$0x0];
	v5 =	vadd.f32 v46, v42;
	v4 =	vadd.f32 v52, v4  }
0x290: {  	v59 =	vld [tilespmem:s7+$0x1870];
	s7 =	sor.u32 $0x1, s2;
	v6 =	vadd.f32 v47, v43;
	v8 =	vadd.f32 v53, v8  }
0x291: {  	v61 =	vld.idx.msk [tilespmem:v0+s7+$0x0 ss:$0x1], $0xffff;
	v3 =	vadd.f32 v48, v3;
	v5 =	vadd.f32 v54, v5;
	[tilespmem:s17+$0x17800] =	vst v4  }
0x292: {  	v9 =	vadd.f32 v49, v44;
	v12 =	vadd.f32 v55, v6;
	v6 =	vld [tilespmem:s17+$0x13C10];
	[tilespmem:s17+$0x17810] =	vst v8  }
0x293: {  	v1 =	vadd.f32 v50, v1;
	v4 =	vld [tilespmem:s17+$0x13C00];
	v3 =	vadd.f32 v56, v3;
	[tilespmem:s17+$0x17820] =	vst v5  }
0x294: {  	v2 =	vadd.f32 v51, v2;
	v8 =	vld [tilespmem:s17+$0x13C20];
	v9 =	vadd.f32 v57, v9;
	[tilespmem:s17+$0x17830] =	vst v12  }
0x295: {  	v1 =	vadd.f32 v58, v1;
	v5 =	vld [tilespmem:s17+$0x13C40];
	[tilespmem:s17+$0x17840] =	vst v3  }
0x296: {  	v60 =	vadd.f32 v59, v2;
	v2 =	vld [tilespmem:s17+$0x13C60];
	[tilespmem:s17+$0x17850] =	vst v9  }
0x297: {  	v3 =	vld [tilespmem:s17+$0x13C50];
	[tilespmem:s17+$0x17860] =	vst v1  }
0x298: {  	s9 =	sor.u32 $0x1C00, s8;
	[tilespmem:s17+$0x17870] =	vst v60;
	v1 =	vld [tilespmem:s17+$0x13C70]  }
0x299: {  	s10 =	sor.u32 $0x1C10, s8;
	v19 =	vld [tilespmem:s9+$0x0]  }
0x29a: {  	s20 =	sor.u32 $0x1C20, s8;
	v18 =	vld [tilespmem:s10+$0x0]  }
0x29b: {  	v17 =	vld [tilespmem:s20+$0x0];
	s9 =	sor.u32 $0x1C30, s8  }
0x29c: {  	s10 =	sor.u32 $0x1C40, s8;
	v14 =	vld [tilespmem:s9+$0x0]  }
0x29d: {  	s20 =	sor.u32 $0x1C50, s8;
	v12 =	vld [tilespmem:s10+$0x0]  }
0x29e: {  	v11 =	vld [tilespmem:s20+$0x0];
	s9 =	sor.u32 $0x1C60, s8  }
0x29f: {  	s10 =	sor.u32 $0x1C70, s8;
	s8 =	sor.u32 s18, s19;
	v10 =	vld [tilespmem:s9+$0x0]  }
0x2a0: {  	v9 =	vld [tilespmem:s10+$0x0];
	s18 =	sor.u32 $0x1C00, s8  }
0x2a1: {  	s19 =	sor.u32 $0x1C10, s8;
	v24 =	vld [tilespmem:s18+$0x18000]  }
0x2a2: {  	s20 =	sor.u32 $0x1C20, s8;
	v23 =	vld [tilespmem:s19+$0x18000]  }
0x2a3: {  	s10 =	sor.u32 $0x1C30, s8;
	v22 =	vld [tilespmem:s20+$0x18000]  }
0x2a4: {  	v21 =	vld [tilespmem:s10+$0x18000];
	s18 =	sor.u32 $0x1C40, s8  }
0x2a5: {  	s19 =	sor.u32 $0x1C50, s8;
	v20 =	vld [tilespmem:s18+$0x18000]  }
0x2a6: {  	(v2sf) =	vpush v61, $0x0;
	s20 =	sor.u32 $0x1C60, s8;
	v16 =	vld [tilespmem:s19+$0x18000]  }
0x2a7: {  	s8 =	sor.u32 $0x1C70, s8;
	v15 =	vld [tilespmem:s20+$0x18000]  }
0x2a8: {  	v13 =	vld [tilespmem:s8+$0x18000];
	s18 =	sshll.u32 s7, $0x7  }
0x2a9: {  	v25 =	vld [tilespmem:s18+$0x12000]  }
0x2aa: {  	v26 =	vld [tilespmem:s18+$0x12010]  }
0x2ab: {  	v27 =	vld [tilespmem:s18+$0x12020]  }
0x2ac: {  	v28 =	vld [tilespmem:s18+$0x12030]  }
0x2ad: {  	s7 =	sor.u32 s3, s7;
	v29 =	vld [tilespmem:s18+$0x12040]  }
0x2ae: {  	v30 =	vld [tilespmem:s18+$0x12050];
	s8 =	sshll.u32 s7, $0xA  }
0x2af: {  	v31 =	vld [tilespmem:s18+$0x12060];
	s7 =	sand.u32 $0xE000, s8  }
0x2b0: {  	v32 =	vld [tilespmem:s18+$0x12070];
	s9 =	sadd.s32 s18, s7  }
0x2b1: {  	v33 =	vld [tilespmem:s9+$0x0]  }
0x2b2: {  	v34 =	vld [tilespmem:s9+$0x10]  }
0x2b3: {  	v35 =	vld [tilespmem:s9+$0x20]  }
0x2b4: {  	v36 =	vld [tilespmem:s9+$0x30]  }
0x2b5: {  	s10 =	spop (v2sf);
	v37 =	vld [tilespmem:s9+$0x40]  }
0x2b6: {  	v38 =	vld [tilespmem:s9+$0x50];
	s19 =	sshll.u32 s10, $0xA;
	s7 =	sshll.u32 s10, $0x7  }
0x2b7: {  	v39 =	vld [tilespmem:s9+$0x60];
	s20 =	sand.u32 $0xFFFFE000, s19;
	s7 =	sand.u32 $0x380, s7  }
0x2b8: {  	v40 =	vld [tilespmem:s9+$0x70];
	s10 =	sor.u32 s7, s20  }
0x2b9: {  	v41 =	vld [tilespmem:s10+$0x18000];
	s10 =	sadd.s32 $0x18000, s10  }
0x2ba: {  	v42 =	vld [tilespmem:s10+$0x10]  }
0x2bb: {  	v43 =	vld [tilespmem:s10+$0x20]  }
0x2bc: {  	v44 =	vld [tilespmem:s10+$0x30]  }
0x2bd: {  	v25 =	vadd.f32 v33, v25;
	v62 =	vld [tilespmem:s10+$0x40]  }
0x2be: {  	v26 =	vadd.f32 v34, v26;
	v63 =	vld [tilespmem:s10+$0x50]  }
0x2bf: {  	v27 =	vadd.f32 v35, v27;
	v45 =	vld [tilespmem:s10+$0x60];
	v25 =	vadd.f32 v41, v25  }
0x2c0: {  	v46 =	vld [tilespmem:s10+$0x70];
	v28 =	vadd.f32 v36, v28;
	v26 =	vadd.f32 v42, v26  }
0x2c1: {  	v29 =	vadd.f32 v37, v29;
	v47 =	vadd.f32 v43, v27;
	v27 =	vld [tilespmem:s18+$0x12400];
	[tilespmem:s18+$0x16000] =	vst v25  }
0x2c2: {  	v30 =	vadd.f32 v38, v30;
	v48 =	vadd.f32 v44, v28;
	v28 =	vld [tilespmem:s18+$0x12410];
	[tilespmem:s18+$0x16010] =	vst v26  }
0x2c3: {  	v31 =	vadd.f32 v39, v31;
	v49 =	vadd.f32 v62, v29;
	v29 =	vld [tilespmem:s18+$0x12420];
	[tilespmem:s18+$0x16020] =	vst v47  }
0x2c4: {  	v32 =	vadd.f32 v40, v32;
	v50 =	vadd.f32 v63, v30;
	v30 =	vld [tilespmem:s18+$0x12430];
	[tilespmem:s18+$0x16030] =	vst v48  }
0x2c5: {  	v51 =	vadd.f32 v45, v31;
	v31 =	vld [tilespmem:s18+$0x12440];
	[tilespmem:s18+$0x16040] =	vst v49  }
0x2c6: {  	v52 =	vadd.f32 v46, v32;
	v32 =	vld [tilespmem:s18+$0x12450];
	[tilespmem:s18+$0x16050] =	vst v50  }
0x2c7: {  	v25 =	vld [tilespmem:s18+$0x12460];
	[tilespmem:s18+$0x16060] =	vst v51  }
0x2c8: {  	[tilespmem:s18+$0x16070] =	vst v52;
	v26 =	vld [tilespmem:s18+$0x12470]  }
0x2c9: {  	v53 =	vld [tilespmem:s9+$0x400]  }
0x2ca: {  	v54 =	vld [tilespmem:s9+$0x410]  }
0x2cb: {  	v55 =	vld [tilespmem:s9+$0x420]  }
0x2cc: {  	v56 =	vld [tilespmem:s9+$0x430]  }
0x2cd: {  	v57 =	vld [tilespmem:s9+$0x440]  }
0x2ce: {  	v58 =	vld [tilespmem:s9+$0x450]  }
0x2cf: {  	v59 =	vld [tilespmem:s9+$0x460]  }
0x2d0: {  	v60 =	vld [tilespmem:s9+$0x470]  }
0x2d1: {  	v61 =	vld [tilespmem:s10+$0x400]  }
0x2d2: {  	v62 =	vld [tilespmem:s10+$0x410]  }
0x2d3: {  	v63 =	vld [tilespmem:s10+$0x420]  }
0x2d4: {  	v48 =	vld [tilespmem:s10+$0x430]  }
0x2d5: {  	v49 =	vld [tilespmem:s10+$0x440];
	v27 =	vadd.f32 v53, v27  }
0x2d6: {  	v50 =	vld [tilespmem:s10+$0x450];
	v28 =	vadd.f32 v54, v28  }
0x2d7: {  	v51 =	vld [tilespmem:s10+$0x460];
	v29 =	vadd.f32 v55, v29;
	v27 =	vadd.f32 v61, v27  }
0x2d8: {  	v52 =	vld [tilespmem:s10+$0x470];
	v30 =	vadd.f32 v56, v30;
	v28 =	vadd.f32 v62, v28  }
0x2d9: {  	v31 =	vadd.f32 v57, v31;
	v56 =	vld [tilespmem:s18+$0x12820];
	v53 =	vadd.f32 v63, v29;
	[tilespmem:s18+$0x16400] =	vst v27  }
0x2da: {  	v32 =	vadd.f32 v58, v32;
	v29 =	vld [tilespmem:s18+$0x12800];
	v54 =	vadd.f32 v48, v30;
	[tilespmem:s18+$0x16410] =	vst v28  }
0x2db: {  	v25 =	vadd.f32 v59, v25;
	v30 =	vld [tilespmem:s18+$0x12810];
	v55 =	vadd.f32 v49, v31;
	[tilespmem:s18+$0x16420] =	vst v53  }
0x2dc: {  	v26 =	vadd.f32 v60, v26;
	v57 =	vadd.f32 v50, v32;
	v32 =	vld [tilespmem:s18+$0x12830];
	[tilespmem:s18+$0x16430] =	vst v54  }
0x2dd: {  	v25 =	vadd.f32 v51, v25;
	[tilespmem:s18+$0x16440] =	vst v55;
	v27 =	vld [tilespmem:s18+$0x12840]  }
0x2de: {  	v26 =	vadd.f32 v52, v26;
	[tilespmem:s18+$0x16450] =	vst v57;
	v28 =	vld [tilespmem:s18+$0x12850]  }
0x2df: {  	[tilespmem:s18+$0x16460] =	vst v25;
	v25 =	vld [tilespmem:s18+$0x12860]  }
0x2e0: {  	[tilespmem:s18+$0x16470] =	vst v26;
	v26 =	vld [tilespmem:s18+$0x12870]  }
0x2e1: {  	v58 =	vld [tilespmem:s9+$0x800]  }
0x2e2: {  	v59 =	vld [tilespmem:s9+$0x810]  }
0x2e3: {  	v60 =	vld [tilespmem:s9+$0x820]  }
0x2e4: {  	v61 =	vld [tilespmem:s9+$0x830]  }
0x2e5: {  	v62 =	vld [tilespmem:s9+$0x840]  }
0x2e6: {  	v63 =	vld [tilespmem:s9+$0x850]  }
0x2e7: {  	v48 =	vld [tilespmem:s9+$0x860]  }
0x2e8: {  	v49 =	vld [tilespmem:s9+$0x870]  }
0x2e9: {  	v50 =	vld [tilespmem:s10+$0x800]  }
0x2ea: {  	v51 =	vld [tilespmem:s10+$0x810]  }
0x2eb: {  	v52 =	vld [tilespmem:s10+$0x820]  }
0x2ec: {  	v53 =	vld [tilespmem:s10+$0x830]  }
0x2ed: {  	v54 =	vld [tilespmem:s10+$0x840];
	v29 =	vadd.f32 v58, v29  }
0x2ee: {  	v55 =	vld [tilespmem:s10+$0x850];
	v30 =	vadd.f32 v59, v30  }
0x2ef: {  	v57 =	vld [tilespmem:s10+$0x870];
	v31 =	vadd.f32 v60, v56;
	v29 =	vadd.f32 v50, v29  }
0x2f0: {  	v56 =	vld [tilespmem:s10+$0x860];
	v32 =	vadd.f32 v61, v32;
	v30 =	vadd.f32 v51, v30  }
0x2f1: {  	v27 =	vadd.f32 v62, v27;
	v59 =	vld [tilespmem:s18+$0x12C00];
	v58 =	vadd.f32 v52, v31;
	[tilespmem:s18+$0x16800] =	vst v29  }
0x2f2: {  	v28 =	vadd.f32 v63, v28;
	v61 =	vld [tilespmem:s18+$0x12C10];
	v60 =	vadd.f32 v53, v32;
	[tilespmem:s18+$0x16810] =	vst v30  }
0x2f3: {  	v62 =	vld [tilespmem:s18+$0x12C20];
	v26 =	vadd.f32 v49, v26;
	v27 =	vadd.f32 v54, v27;
	[tilespmem:s18+$0x16820] =	vst v58  }
0x2f4: {  	v25 =	vadd.f32 v48, v25;
	v28 =	vadd.f32 v55, v28;
	[tilespmem:s18+$0x16830] =	vst v60;
	v30 =	vld [tilespmem:s18+$0x12C30]  }
0x2f5: {  	v26 =	vadd.f32 v57, v26;
	[tilespmem:s18+$0x16840] =	vst v27;
	v27 =	vld [tilespmem:s18+$0x12C40]  }
0x2f6: {  	[tilespmem:s18+$0x16850] =	vst v28;
	v28 =	vld [tilespmem:s18+$0x12C50];
	v25 =	vadd.f32 v56, v25  }
0x2f7: {  	[tilespmem:s18+$0x16870] =	vst v26;
	v26 =	vld [tilespmem:s18+$0x12C70]  }
0x2f8: {  	[tilespmem:s18+$0x16860] =	vst v25;
	v25 =	vld [tilespmem:s18+$0x12C60]  }
0x2f9: {  	v63 =	vld [tilespmem:s9+$0xC00]  }
0x2fa: {  	v48 =	vld [tilespmem:s9+$0xC10]  }
0x2fb: {  	v49 =	vld [tilespmem:s9+$0xC20]  }
0x2fc: {  	v50 =	vld [tilespmem:s9+$0xC30]  }
0x2fd: {  	v51 =	vld [tilespmem:s9+$0xC40]  }
0x2fe: {  	v52 =	vld [tilespmem:s9+$0xC50]  }
0x2ff: {  	v53 =	vld [tilespmem:s9+$0xC60]  }
0x300: {  	v54 =	vld [tilespmem:s9+$0xC70]  }
0x301: {  	v55 =	vld [tilespmem:s10+$0xC00]  }
0x302: {  	v56 =	vld [tilespmem:s10+$0xC10]  }
0x303: {  	v57 =	vld [tilespmem:s10+$0xC20]  }
0x304: {  	v58 =	vld [tilespmem:s10+$0xC30]  }
0x305: {  	v60 =	vld [tilespmem:s10+$0xC50];
	v31 =	vadd.f32 v63, v59  }
0x306: {  	v59 =	vld [tilespmem:s10+$0xC40];
	v32 =	vadd.f32 v48, v61  }
0x307: {  	v29 =	vadd.f32 v49, v62;
	v61 =	vld [tilespmem:s10+$0xC60];
	v31 =	vadd.f32 v55, v31  }
0x308: {  	v62 =	vld [tilespmem:s10+$0xC70];
	v30 =	vadd.f32 v50, v30;
	v32 =	vadd.f32 v56, v32  }
0x309: {  	v63 =	vld [tilespmem:s18+$0x13000];
	v28 =	vadd.f32 v52, v28;
	v29 =	vadd.f32 v57, v29;
	[tilespmem:s18+$0x16C00] =	vst v31  }
0x30a: {  	v27 =	vadd.f32 v51, v27;
	v48 =	vld [tilespmem:s18+$0x13040];
	v30 =	vadd.f32 v58, v30;
	[tilespmem:s18+$0x16C10] =	vst v32  }
0x30b: {  	v25 =	vadd.f32 v53, v25;
	v49 =	vld [tilespmem:s18+$0x13050];
	v28 =	vadd.f32 v60, v28;
	[tilespmem:s18+$0x16C20] =	vst v29  }
0x30c: {  	v26 =	vadd.f32 v54, v26;
	v50 =	vld [tilespmem:s18+$0x13060];
	[tilespmem:s18+$0x16C30] =	vst v30;
	v27 =	vadd.f32 v59, v27  }
0x30d: {  	v32 =	vld [tilespmem:s18+$0x13010];
	[tilespmem:s18+$0x16C50] =	vst v28;
	v25 =	vadd.f32 v61, v25  }
0x30e: {  	v29 =	vld [tilespmem:s18+$0x13020];
	v26 =	vadd.f32 v62, v26;
	[tilespmem:s18+$0x16C40] =	vst v27  }
0x30f: {  	v30 =	vld [tilespmem:s18+$0x13030];
	[tilespmem:s18+$0x16C60] =	vst v25  }
0x310: {  	[tilespmem:s18+$0x16C70] =	vst v26;
	v26 =	vld [tilespmem:s18+$0x13070]  }
0x311: {  	v51 =	vld [tilespmem:s9+$0x1000]  }
0x312: {  	v52 =	vld [tilespmem:s9+$0x1010]  }
0x313: {  	v53 =	vld [tilespmem:s9+$0x1020]  }
0x314: {  	v54 =	vld [tilespmem:s9+$0x1030]  }
0x315: {  	v55 =	vld [tilespmem:s9+$0x1040]  }
0x316: {  	v56 =	vld [tilespmem:s9+$0x1050]  }
0x317: {  	v57 =	vld [tilespmem:s9+$0x1060]  }
0x318: {  	v58 =	vld [tilespmem:s9+$0x1070]  }
0x319: {  	v59 =	vld [tilespmem:s10+$0x1000]  }
0x31a: {  	v60 =	vld [tilespmem:s10+$0x1010]  }
0x31b: {  	v61 =	vld [tilespmem:s10+$0x1020]  }
0x31c: {  	v62 =	vld [tilespmem:s10+$0x1030]  }
0x31d: {  	v45 =	vld [tilespmem:s10+$0x1050];
	v31 =	vadd.f32 v51, v63  }
0x31e: {  	v46 =	vld [tilespmem:s10+$0x1060];
	v32 =	vadd.f32 v52, v32;
	v29 =	vadd.f32 v53, v29  }
0x31f: {  	v47 =	vld [tilespmem:s10+$0x1070];
	v30 =	vadd.f32 v54, v30;
	v31 =	vadd.f32 v59, v31  }
0x320: {  	v63 =	vld [tilespmem:s10+$0x1040];
	v27 =	vadd.f32 v55, v48;
	v32 =	vadd.f32 v60, v32  }
0x321: {  	v48 =	vld [tilespmem:s18+$0x13400];
	v28 =	vadd.f32 v56, v49;
	v29 =	vadd.f32 v61, v29;
	[tilespmem:s18+$0x17000] =	vst v31  }
0x322: {  	v49 =	vld [tilespmem:s18+$0x13410];
	v25 =	vadd.f32 v57, v50;
	v30 =	vadd.f32 v62, v30;
	[tilespmem:s18+$0x17010] =	vst v32  }
0x323: {  	v50 =	vld [tilespmem:s18+$0x13420];
	v26 =	vadd.f32 v58, v26;
	v28 =	vadd.f32 v45, v28;
	[tilespmem:s18+$0x17020] =	vst v29  }
0x324: {  	v51 =	vld [tilespmem:s18+$0x13440];
	v25 =	vadd.f32 v46, v25;
	[tilespmem:s18+$0x17030] =	vst v30  }
0x325: {  	v26 =	vadd.f32 v47, v26;
	v30 =	vld [tilespmem:s18+$0x13430];
	[tilespmem:s18+$0x17050] =	vst v28  }
0x326: {  	v28 =	vld [tilespmem:s18+$0x13450];
	[tilespmem:s18+$0x17060] =	vst v25;
	v27 =	vadd.f32 v63, v27  }
0x327: {  	v25 =	vld [tilespmem:s18+$0x13460];
	[tilespmem:s18+$0x17070] =	vst v26  }
0x328: {  	v26 =	vld [tilespmem:s18+$0x13470];
	[tilespmem:s18+$0x17040] =	vst v27  }
0x329: {  	v52 =	vld [tilespmem:s9+$0x1400]  }
0x32a: {  	v53 =	vld [tilespmem:s9+$0x1410]  }
0x32b: {  	v54 =	vld [tilespmem:s9+$0x1420]  }
0x32c: {  	v55 =	vld [tilespmem:s9+$0x1430]  }
0x32d: {  	v56 =	vld [tilespmem:s9+$0x1440]  }
0x32e: {  	v57 =	vld [tilespmem:s9+$0x1450]  }
0x32f: {  	v58 =	vld [tilespmem:s9+$0x1460]  }
0x330: {  	v59 =	vld [tilespmem:s9+$0x1470]  }
0x331: {  	v60 =	vld [tilespmem:s10+$0x1400]  }
0x332: {  	v61 =	vld [tilespmem:s10+$0x1410]  }
0x333: {  	v62 =	vld [tilespmem:s10+$0x1420]  }
0x334: {  	v63 =	vld [tilespmem:s10+$0x1430]  }
0x335: {  	v47 =	vld [tilespmem:s10+$0x1440];
	v31 =	vadd.f32 v52, v48  }
0x336: {  	v32 =	vadd.f32 v53, v49;
	v48 =	vld [tilespmem:s10+$0x1450]  }
0x337: {  	v29 =	vadd.f32 v54, v50;
	v49 =	vld [tilespmem:s10+$0x1460];
	v31 =	vadd.f32 v60, v31  }
0x338: {  	v50 =	vld [tilespmem:s10+$0x1470];
	v30 =	vadd.f32 v55, v30;
	v32 =	vadd.f32 v61, v32  }
0x339: {  	v27 =	vadd.f32 v56, v51;
	v51 =	vld [tilespmem:s18+$0x13800];
	v29 =	vadd.f32 v62, v29;
	[tilespmem:s18+$0x17400] =	vst v31  }
0x33a: {  	v28 =	vadd.f32 v57, v28;
	v52 =	vld [tilespmem:s18+$0x13810];
	v30 =	vadd.f32 v63, v30;
	[tilespmem:s18+$0x17410] =	vst v32  }
0x33b: {  	v25 =	vadd.f32 v58, v25;
	v53 =	vld [tilespmem:s18+$0x13820];
	v27 =	vadd.f32 v47, v27;
	[tilespmem:s18+$0x17420] =	vst v29  }
0x33c: {  	v26 =	vadd.f32 v59, v26;
	v54 =	vld [tilespmem:s18+$0x13830];
	[tilespmem:s18+$0x17430] =	vst v30;
	v28 =	vadd.f32 v48, v28  }
0x33d: {  	[tilespmem:s18+$0x17440] =	vst v27;
	v27 =	vld [tilespmem:s18+$0x13840];
	v25 =	vadd.f32 v49, v25  }
0x33e: {  	v26 =	vadd.f32 v50, v26;
	[tilespmem:s18+$0x17450] =	vst v28;
	v28 =	vld [tilespmem:s18+$0x13850]  }
0x33f: {  	[tilespmem:s18+$0x17460] =	vst v25;
	v25 =	vld [tilespmem:s18+$0x13860]  }
0x340: {  	[tilespmem:s18+$0x17470] =	vst v26;
	v26 =	vld [tilespmem:s18+$0x13870]  }
0x341: {  	v55 =	vld [tilespmem:s9+$0x1800]  }
0x342: {  	v56 =	vld [tilespmem:s9+$0x1810]  }
0x343: {  	v57 =	vld [tilespmem:s9+$0x1820]  }
0x344: {  	v58 =	vld [tilespmem:s9+$0x1830]  }
0x345: {  	v59 =	vld [tilespmem:s9+$0x1840]  }
0x346: {  	v60 =	vld [tilespmem:s9+$0x1850]  }
0x347: {  	v61 =	vld [tilespmem:s9+$0x1860]  }
0x348: {  	v62 =	vld [tilespmem:s9+$0x1870]  }
0x349: {  	v63 =	vld [tilespmem:s10+$0x1800]  }
0x34a: {  	v48 =	vld [tilespmem:s10+$0x1810]  }
0x34b: {  	v49 =	vld [tilespmem:s10+$0x1820]  }
0x34c: {  	v50 =	vld [tilespmem:s10+$0x1830]  }
0x34d: {  	v31 =	vadd.f32 v55, v51;
	v51 =	vld [tilespmem:s10+$0x1840]  }
0x34e: {  	v32 =	vadd.f32 v56, v52;
	v52 =	vld [tilespmem:s10+$0x1850]  }
0x34f: {  	v29 =	vadd.f32 v57, v53;
	v53 =	vld [tilespmem:s10+$0x1860];
	v31 =	vadd.f32 v63, v31  }
0x350: {  	v30 =	vadd.f32 v58, v54;
	v54 =	vld [tilespmem:s10+$0x1870];
	v32 =	vadd.f32 v48, v32  }
0x351: {  	v27 =	vadd.f32 v59, v27;
	v55 =	vld [tilespmem:s18+$0x13C00];
	v29 =	vadd.f32 v49, v29;
	[tilespmem:s18+$0x17800] =	vst v31  }
0x352: {  	v28 =	vadd.f32 v60, v28;
	v56 =	vld [tilespmem:s18+$0x13C10];
	v30 =	vadd.f32 v50, v30;
	[tilespmem:s18+$0x17810] =	vst v32  }
0x353: {  	v25 =	vadd.f32 v61, v25;
	v57 =	vld [tilespmem:s18+$0x13C20];
	[tilespmem:s18+$0x17820] =	vst v29;
	v27 =	vadd.f32 v51, v27  }
0x354: {  	v26 =	vadd.f32 v62, v26;
	v58 =	vld [tilespmem:s18+$0x13C30];
	[tilespmem:s18+$0x17830] =	vst v30;
	v28 =	vadd.f32 v52, v28  }
0x355: {  	v59 =	vld [tilespmem:s18+$0x13C40];
	v25 =	vadd.f32 v53, v25;
	[tilespmem:s18+$0x17840] =	vst v27  }
0x356: {  	v60 =	vld [tilespmem:s18+$0x13C50];
	v26 =	vadd.f32 v54, v26;
	[tilespmem:s18+$0x17850] =	vst v28  }
0x357: {  	s8 =	sor.u32 s18, s8;
	v61 =	vld [tilespmem:s18+$0x13C60];
	[tilespmem:s18+$0x17860] =	vst v25  }
0x358: {  	s20 =	sor.u32 $0x1C00, s8;
	[tilespmem:s18+$0x17870] =	vst v26;
	v26 =	vld [tilespmem:s18+$0x13C70]  }
0x359: {  	s7 =	sor.u32 s19, s7;
	s10 =	sor.u32 $0x1C10, s8;
	v62 =	vld [tilespmem:s20+$0x0]  }
0x35a: {  	s9 =	sor.u32 $0x1C00, s7;
	v63 =	vld [tilespmem:s10+$0x0]  }
0x35b: {  	s19 =	sor.u32 $0x1C20, s7;
	v47 =	vld [tilespmem:s9+$0x18000]  }
0x35c: {  	v4 =	vadd.f32 v19, v4;
	s20 =	sor.u32 $0x1C20, s8;
	v51 =	vld [tilespmem:s19+$0x18000]  }
0x35d: {  	v6 =	vadd.f32 v18, v6;
	s10 =	sor.u32 $0x1C30, s8;
	v40 =	vld [tilespmem:s20+$0x0]  }
0x35e: {  	v3 =	vadd.f32 v11, v3;
	v4 =	vadd.f32 v24, v4;
	s9 =	sor.u32 $0x1C40, s7;
	v41 =	vld [tilespmem:s10+$0x0]  }
0x35f: {  	v2 =	vadd.f32 v10, v2;
	v6 =	vadd.f32 v23, v6;
	s20 =	sor.u32 $0x1C40, s8;
	v54 =	vld [tilespmem:s9+$0x18000]  }
0x360: {  	v1 =	vadd.f32 v9, v1;
	v3 =	vadd.f32 v16, v3;
	[tilespmem:s17+$0x17C00] =	vst v4;
	s10 =	sor.u32 $0x1C50, s8;
	v42 =	vld [tilespmem:s20+$0x0]  }
0x361: {  	v8 =	vadd.f32 v17, v8;
	v2 =	vadd.f32 v15, v2;
	[tilespmem:s17+$0x17C10] =	vst v6;
	v43 =	vld [tilespmem:s10+$0x0];
	s10 =	sor.u32 $0x1C10, s7  }
0x362: {  	v7 =	vadd.f32 v14, v7;
	v1 =	vadd.f32 v13, v1;
	[tilespmem:s17+$0x17C50] =	vst v3;
	s20 =	sor.u32 $0x1C60, s8;
	v49 =	vld [tilespmem:s10+$0x18000]  }
0x363: {  	v5 =	vadd.f32 v12, v5;
	[tilespmem:s17+$0x17C60] =	vst v2;
	v46 =	vadd.f32 v22, v8;
	v44 =	vld [tilespmem:s20+$0x0];
	s20 =	sor.u32 $0x1C30, s7  }
0x364: {  	[tilespmem:s17+$0x17C70] =	vst v1;
	v48 =	vadd.f32 v21, v7;
	s8 =	sor.u32 $0x1C70, s8;
	v52 =	vld [tilespmem:s20+$0x18000];
	v53 =	vadd.f32 v62, v55  }
0x365: {  	[tilespmem:s17+$0x17C20] =	vst v46;
	v50 =	vadd.f32 v20, v5;
	v45 =	vld [tilespmem:s8+$0x0];
	s10 =	sor.u32 $0x1C50, s7;
	v55 =	vadd.f32 v63, v56  }
0x366: {  	[tilespmem:s17+$0x17C30] =	vst v48;
	s19 =	sor.u32 $0x1C60, s7;
	v3 =	vld [tilespmem:s10+$0x18000];
	v56 =	vadd.f32 v40, v57;
	v4 =	vadd.f32 v47, v53  }
0x367: {  	[tilespmem:s17+$0x17C40] =	vst v50;
	v2 =	vld [tilespmem:s19+$0x18000];
	s7 =	sor.u32 $0x1C70, s7;
	v57 =	vadd.f32 v41, v58;
	v7 =	vadd.f32 v49, v55  }
0x368: {  	v1 =	vld [tilespmem:s7+$0x18000];
	v58 =	vadd.f32 v42, v59;
	v59 =	vadd.f32 v51, v56;
	[tilespmem:s18+$0x17C00] =	vst v4  }
0x369: {  	v60 =	vadd.f32 v43, v60;
	v6 =	vadd.f32 v52, v57;
	[tilespmem:s18+$0x17C10] =	vst v7  }
0x36a: {  	p0 =	slt.u32 s2, $0x6;
	v61 =	vadd.f32 v44, v61;
	v62 =	vadd.f32 v54, v58;
	[tilespmem:s18+$0x17C20] =	vst v59  }
.Ltmp6:
0x36b: {  	v63 =	vadd.f32 v45, v26;
	v3 =	vadd.f32 v3, v60;
	[tilespmem:s18+$0x17C30] =	vst v6;
	(pc) =	sbr.rel @p0 .LBB2_9-.Ltmp6, $4  }
0x36c: {  	v2 =	vadd.f32 v2, v61;
	[tilespmem:s18+$0x17C40] =	vst v62  }
0x36d: {  	v1 =	vadd.f32 v1, v63;
	[tilespmem:s18+$0x17C50] =	vst v3  }
0x36e: {  	s20 =	sadd.s32 $0x2, s2;
	[tilespmem:s18+$0x17C60] =	vst v2  }
0x36f: {  	s2 =	smov.u32 s20;
	[tilespmem:s18+$0x17C70] =	vst v1  }
0x370: {  	p0 =	seq.s32 s31, $0xF  }
.Ltmp7:
0x371: {  	_ = 	snop;
	(pc) =	sbr.rel @p0 .LBB2_12-.Ltmp7, $4  }
0x372: {  	s2 =	sor.u32 s3, s15  }
0x373: {  	s2 =	sshll.u32 s2, $0x7  }
0x374: {  	s2 =	sadd.s32 s4, s2  }
0x375: {  	[hbm4b:s2+s5] =	stream.linear.scatter [tilespmem:s28], [sflag:$0x4], $0x2000, $0x38;
	[tilespmem:$0x1A180] =	vst v63  }
0x376: {  	s0 =	sadd.s32 $0x3, s0  }
0x377: {  	s2 =	sshll.u32 s0, $0x3;
	s0 =	sshll.u32 s0, $0x8  }
0x378: {  	s2 =	sand.u32 $0x38, s2;
	s0 =	sand.u32 $0x3800, s0  }
.Ltmp8:
0x379: {  	s0 =	sor.u32 s2, s0;
	(pc) =	sbr.rel .LBB2_2-.Ltmp8, $4  }
0x37a: {  	s0 =	sor.u32 s6, s0  }
0x37b: {  	s0 =	sshll.u32 s0, $0x7  }
0x37c: {  	s31 =	sadd.s32 $0x1, s31;
	s0 =	sadd.s32 s1, s0  }
0x37d: {  	[tilespmem:s22], [sflag:$0x2] =	stream.linear.gather [hbm4b:s0+s5], $0x2000, $0x38;
	[tilespmem:$0x1A180] =	vst v63  }
.LBB2_13:
0x37e: {  	_ =	sfence.sel $0x180000  }
0x37f: {  	[bflag:$0x0] =	sbarrier.arrive $0xFFFF  }
0x380: {  	_ =	strace $0x90000047  }
0x381: {  	s0 =	stileid.u32;
	[bflag:$0x2] =	sbarrier.arrive $0xFFFF  }
0x382: {  	p0 =	sne.s32 s0, $0x0;
	s0 =	rddreg [dreg:$0x5]  }
0x383: {  	s0 =	sadd.s32 @!p0 $0x100000, s0  }
0x384: {  	[sflag:s0] =	ssyncadd.tile.s32 @!p0 $0x1;
	_ =	shalt  }
.Lfunc_end2:
_tile_overlayer_lowered:
.L_overlay_start_2:
0x385: {  	(tag) =	ssettag $0x2  }
0x386: {  	s0 =	rddreg [dreg:$0x0];
	s2 =	stileid.u32  }
0x387: {  	s1 =	rddreg [dreg:$0x1];
	p0 =	sne.s32 s2, $0x0  }
0x388: {  	s3 =	rddreg [dreg:$0x2];
	[bflag:$0x3] =	sbarrier.arrive $0xFFFF;
	s2 =	simm.s32 @!p0 $0x1C05  }
0x389: {  	[timem:s3], [sflag:s2] =	dma.local @!p0 [hbm:s0], s1  }
0x38a: {  	s0 =	simm.s32 @!p0 $0x5  }
0x38b: {  	_ =	swait.ge @!p0 [sflag:s0], s1  }
0x38c: {  	s1 =	ssub.s32 @!p0 $0x0, s1;
	[sflag:s0] =	ssyncset.done @!p0 $0x0  }
0x38d: {  	[sflag:s0] =	ssyncadd.s32 @!p0 s1  }
0x38e: {  	[bflag:$0x3] =	sbarrier.arrive $0xFFFF  }
0x38f: {  	_ =	shalt  }

</sc_bundles>
